<compile_context>
chip_gen: v7x
topology: tpu7x:2x2x1
jax: 0.10.2.dev20260603
libtpu: 0.0.44.dev20260713+nightly
codegen_flags: <defaults>
</compile_context>

<pallas_src>
import functools

import jax
import jax.numpy as jnp
from jax import lax
from jax.experimental import pallas as pl
from jax.experimental.pallas import tpu as pltpu
from jax.experimental.pallas import tpu_sc as plsc

NNODES = 10000
DIN = 128
HID = 256
NCLS = 20
NEDGE = 320000

NTILE = 16
NPAD = 10240
RPT = NPAD // NTILE
GSZ = 128
GROUPS = 160
EPAD = NTILE * GROUPS * GSZ
GPC = GROUPS // 2
IB = 4
DEG_NB = 8
XGRP = 4

@functools.cache
def _mesh():
    return plsc.VectorSubcoreMesh(core_axis_name="c", subcore_axis_name="s",
                                  num_cores=2, num_subcores=NTILE)



def _deg_body(dst_w, zeros_h, ones_h, pdeg, acc, didx, ones_v, ssem):
    c = lax.axis_index("c")
    s = lax.axis_index("s")
    row0 = s * RPT
    pltpu.sync_copy(zeros_h.at[pl.ds(row0, RPT)], acc.at[pl.ds(row0, RPT)])
    pltpu.sync_copy(ones_h, ones_v)
    pltpu.sync_copy(dst_w.at[s, pl.ds(c * GPC, GPC)], didx)
    plsc.subcore_barrier()

    def outer(i, carry):
        descs = []
        for b in range(DEG_NB):
            g = i * DEG_NB + b
            descs.append(
                pltpu.async_copy(ones_v, acc.at[didx.at[g]], ssem, add=True))
        for d in descs:
            d.wait()
        return carry

    lax.fori_loop(0, GPC // DEG_NB, outer, 0)
    plsc.subcore_barrier()
    pltpu.sync_copy(acc.at[pl.ds(row0, RPT)], pdeg.at[c, pl.ds(row0, RPT)])


@functools.cache
def _deg_call():
    return pl.kernel(
        _deg_body,
        out_type=jax.ShapeDtypeStruct((2, NPAD, 128), jnp.float32),
        mesh=_mesh(),
        scratch_types=[
            pltpu.VMEM_SHARED((NPAD, 128), jnp.float32),
            pltpu.VMEM((GPC, GSZ), jnp.int32),
            pltpu.VMEM((GSZ, 128), jnp.float32),
            pltpu.SemaphoreType.DMA,
        ],
        name="sc_degree_count",
    )



def _agg_body(hs, src_w, dst_w, seg, acc, r0, r1, sa, da, sb, db, isem, g0sem,
              g1sem, s0sem, s1sem):
    c = lax.axis_index("c")
    s = lax.axis_index("s")
    rows = (r0, r1)
    gsems = (g0sem, g1sem)
    ssems = (s0sem, s1sem)
    row0 = s * RPT
    pltpu.sync_copy(hs.at[pl.ds(c * NPAD + row0, RPT)], acc.at[pl.ds(row0, RPT)])
    pltpu.sync_copy(src_w.at[c, s, pl.ds(0, 4)], sa)
    pltpu.sync_copy(dst_w.at[s, pl.ds(0, 4)], da)
    pltpu.async_copy(hs.at[sa.at[0]], rows[0], gsems[0])
    plsc.subcore_barrier()

    def wait_gather(slot):
        pltpu.make_async_copy(hs.at[pl.ds(0, GSZ)], rows[slot],
                              gsems[slot]).wait()

    def drain_scatter(slot):
        pltpu.make_async_copy(hs.at[pl.ds(0, GSZ)], rows[slot],
                              ssems[slot]).wait()

    def body(k, carry):
        base = 8 * k

        def phase(p, s_idx, s_row, d_idx, d_row, prefetches=()):
            sl = p % 2
            nsl = 1 - sl
            if p == 0:
                @pl.when(k > 0)
                def _():
                    drain_scatter(nsl)
            else:
                drain_scatter(nsl)
            for d in prefetches:
                d.wait()
            pltpu.async_copy(hs.at[s_idx.at[s_row]], rows[nsl], gsems[nsl])
            wait_gather(sl)
            return pltpu.async_copy(rows[sl], acc.at[d_idx.at[d_row]],
                                    ssems[sl], add=True)

        phase(0, sa, 1, da, 0)
        pb = (pltpu.async_copy(src_w.at[c, s, pl.ds(base + 4, 4)], sb, isem),
              pltpu.async_copy(dst_w.at[s, pl.ds(base + 4, 4)], db, isem))
        phase(1, sa, 2, da, 1)
        phase(2, sa, 3, da, 2)
        phase(3, sb, 0, da, 3, prefetches=pb)
        phase(4, sb, 1, db, 0)
        pa = (pltpu.async_copy(src_w.at[c, s, pl.ds(base + 8, 4)], sa, isem),
              pltpu.async_copy(dst_w.at[s, pl.ds(base + 8, 4)], da, isem))
        phase(5, sb, 2, db, 1)
        phase(6, sb, 3, db, 2)
        phase(7, sa, 0, db, 3, prefetches=pa)
        return carry

    lax.fori_loop(0, GROUPS // 8, body, 0)
    drain_scatter(1)
    wait_gather(0)
    plsc.subcore_barrier()
    pltpu.sync_copy(acc.at[pl.ds(row0, RPT)], seg.at[c, pl.ds(row0, RPT)])


@functools.cache
def _agg_call():
    return pl.kernel(
        _agg_body,
        out_type=jax.ShapeDtypeStruct((2, NPAD, 128), jnp.float32),
        mesh=_mesh(),
        scratch_types=[
            pltpu.VMEM_SHARED((NPAD, 128), jnp.float32),
            pltpu.VMEM((GSZ, 128), jnp.float32),
            pltpu.VMEM((GSZ, 128), jnp.float32),
            pltpu.VMEM((IB, GSZ), jnp.int32),
            pltpu.VMEM((IB, GSZ), jnp.int32),
            pltpu.VMEM((IB, GSZ), jnp.int32),
            pltpu.VMEM((IB, GSZ), jnp.int32),
            pltpu.SemaphoreType.DMA,
            pltpu.SemaphoreType.DMA,
            pltpu.SemaphoreType.DMA,
            pltpu.SemaphoreType.DMA,
            pltpu.SemaphoreType.DMA,
        ],
        name="sc_edge_aggregate",
    )


RBLK = 512
MGRID = NPAD // RBLK


def _k1_body(x_ref, pd_ref, w_ref, hs_ref, dinv_ref):
    pd = pd_ref[...]
    cnt = pd[0, :, 0:1] + pd[1, :, 0:1]
    dv = lax.rsqrt(1.0 + cnt)
    dinv_ref[...] = dv
    hs_ref[...] = dv * jnp.dot(x_ref[...], w_ref[...],
                               preferred_element_type=jnp.float32)


def _k1_call(xp, pdeg, w1):
    return pl.pallas_call(
        _k1_body,
        grid=(MGRID, 2),
        in_specs=[
            pl.BlockSpec((RBLK, DIN), lambda i, h: (i, 0)),
            pl.BlockSpec((2, RBLK, 128), lambda i, h: (0, i, 0)),
            pl.BlockSpec((DIN, 128), lambda i, h: (0, h)),
        ],
        out_specs=[
            pl.BlockSpec((RBLK, 128), lambda i, h: (h * MGRID + i, 0)),
            pl.BlockSpec((RBLK, 1), lambda i, h: (i, 0)),
        ],
        out_shape=[
            jax.ShapeDtypeStruct((2 * NPAD, 128), jnp.float32),
            jax.ShapeDtypeStruct((NPAD, 1), jnp.float32),
        ],
    )(xp, pdeg, w1)


def _mid_body(seg_ref, dinv_ref, al_ref, be_ref, w_ref, hs_ref):
    sg = seg_ref[...]
    dv = dinv_ref[...]
    z = jnp.concatenate([sg[0], sg[1]], axis=1)
    z = jnp.maximum(dv * z * al_ref[...] + be_ref[...], 0.0)
    hs_ref[...] = dv * jnp.dot(z, w_ref[...],
                               preferred_element_type=jnp.float32)


def _mid_call(seg, dinv, alpha, beta, w):
    return pl.pallas_call(
        _mid_body,
        grid=(MGRID, 2),
        in_specs=[
            pl.BlockSpec((2, RBLK, 128), lambda i, h: (0, i, 0)),
            pl.BlockSpec((RBLK, 1), lambda i, h: (i, 0)),
            pl.BlockSpec((1, HID), lambda i, h: (0, 0)),
            pl.BlockSpec((1, HID), lambda i, h: (0, 0)),
            pl.BlockSpec((HID, 128), lambda i, h: (0, h)),
        ],
        out_specs=pl.BlockSpec((RBLK, 128), lambda i, h: (h * MGRID + i, 0)),
        out_shape=jax.ShapeDtypeStruct((2 * NPAD, 128), jnp.float32),
    )(seg, dinv, alpha, beta, w)


def _head_body(seg_ref, dinv_ref, b3_ref, wc1_ref, bc1_ref, wc2_ref, bc2_ref,
               out_ref):
    sg = seg_ref[...]
    dv = dinv_ref[...]
    z3 = dv * jnp.concatenate([sg[0], sg[1]], axis=1) + b3_ref[...]
    t = jnp.maximum(
        jnp.dot(z3, wc1_ref[...], preferred_element_type=jnp.float32)
        + bc1_ref[...], 0.0)
    out_ref[...] = (jnp.dot(t, wc2_ref[...],
                            preferred_element_type=jnp.float32) + bc2_ref[...])


def _head_call(seg, dinv, b3, wc1, bc1, wc2p, bc2p):
    return pl.pallas_call(
        _head_body,
        grid=(MGRID,),
        in_specs=[
            pl.BlockSpec((2, RBLK, 128), lambda i: (0, i, 0)),
            pl.BlockSpec((RBLK, 1), lambda i: (i, 0)),
            pl.BlockSpec((1, HID), lambda i: (0, 0)),
            pl.BlockSpec((HID, 128), lambda i: (0, 0)),
            pl.BlockSpec((1, 128), lambda i: (0, 0)),
            pl.BlockSpec((128, 128), lambda i: (0, 0)),
            pl.BlockSpec((1, 128), lambda i: (0, 0)),
        ],
        out_specs=pl.BlockSpec((RBLK, 128), lambda i: (i, 0)),
        out_shape=jax.ShapeDtypeStruct((NPAD, 128), jnp.float32),
    )(seg, dinv, b3, wc1, bc1, wc2p, bc2p)




def kernel(x, edge_index, W1, b1, g1, be1, rm1, rv1, W2, b2, g2, be2, rm2,
           rv2, W3, b3, Wc1, bc1, Wc2, bc2):
    f32 = jnp.float32
    src = edge_index[0]
    dst = edge_index[1]

    xp = jnp.concatenate([x, jnp.zeros((NPAD - NNODES, DIN), f32)], axis=0)
    spad = jnp.full((EPAD - NEDGE,), NPAD - 1, jnp.int32)
    dpad = NNODES + (jnp.arange(EPAD - NEDGE, dtype=jnp.int32)
                     % (NPAD - NNODES))
    xpad = jnp.full((NTILE, XGRP, GSZ), NPAD - 1, jnp.int32)
    src_w = jnp.concatenate(
        [jnp.concatenate([src, spad]).reshape(NTILE, GROUPS, GSZ), xpad],
        axis=1)
    dst_w = jnp.concatenate(
        [jnp.concatenate([dst, dpad]).reshape(NTILE, GROUPS, GSZ), xpad],
        axis=1)
    src_w2 = jnp.stack([src_w, src_w + NPAD])

    zeros_h = jnp.zeros((NPAD, 128), f32)
    ones_h = jnp.ones((GSZ, 128), f32)
    pdeg = _deg_call()(dst_w, zeros_h, ones_h)

    hs1, dinv = _k1_call(xp, pdeg, W1)
    seg1 = _agg_call()(hs1, src_w2, dst_w)

    a1 = g1 * lax.rsqrt(rv1 + 1e-5)
    al1 = a1.reshape(1, HID)
    bt1 = (a1 * b1 + be1 - rm1 * a1).reshape(1, HID)
    hs2 = _mid_call(seg1, dinv, al1, bt1, W2)
    seg2 = _agg_call()(hs2, src_w2, dst_w)

    a2 = g2 * lax.rsqrt(rv2 + 1e-5)
    al2 = a2.reshape(1, HID)
    bt2 = (a2 * b2 + be2 - rm2 * a2).reshape(1, HID)
    hs3 = _mid_call(seg2, dinv, al2, bt2, W3)
    seg3 = _agg_call()(hs3, src_w2, dst_w)

    wc2p = jnp.zeros((128, 128), f32).at[:, :NCLS].set(Wc2)
    bc2p = jnp.zeros((1, 128), f32).at[0, :NCLS].set(bc2)
    out = _head_call(seg3, dinv, b3.reshape(1, HID), Wc1, bc1.reshape(1, 128),
                     wc2p, bc2p)
    return out[:NNODES, :NCLS]

# --- scband reference (transcript-rebuilt; emitter-appended) ---
"""Pipeline reference for scband-document-classification-gnn-47845935677470 (READ-ONLY COPY).

The authoritative reference and input builder live on the scoring server;
editing this copy changes nothing except your own understanding.
"""

import jax, jax.numpy as jnp
import numpy as np

N = 10000
E = 320000
D_IN = 128
H = 256
C = 20


def setup_inputs(seed: int = 0) -> dict:
    key = jax.random.key(seed)
    ks = jax.random.split(key, 12)
    s = 0.05
    inp = {
        "x": jax.random.normal(ks[0], (N, D_IN), dtype=jnp.float32),
        "edge_index": jax.random.randint(ks[1], (2, E), 0, N, dtype=jnp.int32),
        "W1": jax.random.normal(ks[2], (D_IN, H), dtype=jnp.float32) * s,
        "b1": jnp.zeros((H,), jnp.float32),
        "g1": jnp.ones((H,), jnp.float32),
        "be1": jnp.zeros((H,), jnp.float32),
        "rm1": jnp.zeros((H,), jnp.float32),
        "rv1": jnp.ones((H,), jnp.float32),
        "W2": jax.random.normal(ks[3], (H, H), dtype=jnp.float32) * s,
        "b2": jnp.zeros((H,), jnp.float32),
        "g2": jnp.ones((H,), jnp.float32),
        "be2": jnp.zeros((H,), jnp.float32),
        "rm2": jnp.zeros((H,), jnp.float32),
        "rv2": jnp.ones((H,), jnp.float32),
        "W3": jax.random.normal(ks[4], (H, H), dtype=jnp.float32) * s,
        "b3": jnp.zeros((H,), jnp.float32),
        "Wc1": jax.random.normal(ks[5], (H, H // 2), dtype=jnp.float32) * s,
        "bc1": jnp.zeros((H // 2,), jnp.float32),
        "Wc2": jax.random.normal(ks[6], (H // 2, C), dtype=jnp.float32) * s,
        "bc2": jnp.zeros((C,), jnp.float32),
    }
    return inp


def _gcn_conv(x, edge_index, W, b):
    n = x.shape[0]
    src, dst = edge_index[0], edge_index[1]
    loop = jnp.arange(n, dtype=src.dtype)
    src = jnp.concatenate([src, loop])
    dst = jnp.concatenate([dst, loop])
    h = x @ W
    deg = jnp.zeros((n,), h.dtype).at[dst].add(1.0)
    dinv = jnp.where(deg > 0, jax.lax.rsqrt(deg), 0.0)
    norm = dinv[src] * dinv[dst]
    out = jnp.zeros_like(h).at[dst].add(h[src] * norm[:, None])
    return out + b


def _bn_eval(x, g, b, rm, rv):
    return (x - rm) * jax.lax.rsqrt(rv + 1e-5) * g + b


def reference(x, edge_index, W1, b1, g1, be1, rm1, rv1, W2, b2, g2, be2, rm2, rv2, W3, b3, Wc1, bc1, Wc2, bc2):
    h = _gcn_conv(x, edge_index, W1, b1)
    h = jax.nn.relu(_bn_eval(h, g1, be1, rm1, rv1))
    h = _gcn_conv(h, edge_index, W2, b2)
    h = jax.nn.relu(_bn_eval(h, g2, be2, rm2, rv2))
    h = _gcn_conv(h, edge_index, W3, b3)
    h = jax.nn.relu(h @ Wc1 + bc1)
    return h @ Wc2 + bc2

if __name__ == "__main__":
    import jax
    _d = setup_inputs()
    print(jax.jit(kernel)(*tuple(_d.values())))

</pallas_src>

<mosaic_0001>
#map = affine_map<(d0, d1) -> (0, 0)>
#map1 = affine_map<(d0, d1) -> (0, 0, 0, 0)>
#map2 = affine_map<(d0, d1) -> (0, 0, 0)>
module attributes {stable_mosaic.version = 14 : i64} {
  func.func @sc_edge_aggregate(%arg0: i32, %arg1: i32, %arg2: memref<20480x128xf32, #tpu.memory_space<hbm>>, %arg3: memref<2x16x164x128xi32, #tpu.memory_space<hbm>>, %arg4: memref<16x164x128xi32, #tpu.memory_space<hbm>>, %arg5: memref<2x10240x128xf32, #tpu.memory_space<hbm>>, %arg6: memref<10240x128xf32, #tpu.memory_space<vmem_shared>>, %arg7: memref<128x128xf32, #tpu.memory_space<vmem>>, %arg8: memref<128x128xf32, #tpu.memory_space<vmem>>, %arg9: memref<4x128xi32, #tpu.memory_space<vmem>>, %arg10: memref<4x128xi32, #tpu.memory_space<vmem>>, %arg11: memref<4x128xi32, #tpu.memory_space<vmem>>, %arg12: memref<4x128xi32, #tpu.memory_space<vmem>>, %arg13: memref<!tpu.dma_semaphore, #tpu.memory_space<semaphore_mem>>, %arg14: memref<!tpu.dma_semaphore, #tpu.memory_space<semaphore_mem>>, %arg15: memref<!tpu.dma_semaphore, #tpu.memory_space<semaphore_mem>>, %arg16: memref<!tpu.dma_semaphore, #tpu.memory_space<semaphore_mem>>, %arg17: memref<!tpu.dma_semaphore, #tpu.memory_space<semaphore_mem>>) attributes {dimension_semantics = [#tpu.dimension_semantics<core_parallel>, #tpu.dimension_semantics<subcore_parallel>], iteration_bounds = array<i64: 2, 16>, scalar_prefetch = 0 : i64, scratch_operands = 12 : i64, tpu.core_type = #tpu.core_type<sc_vector_subcore>, window_params = [{transform_indices = #map}, {transform_indices = #map1}, {transform_indices = #map2}, {transform_indices = #map2}]} {
    %mul3A = arith.constant 640 : i32
    %mul3A_0 = arith.muli %arg1, %mul3A : i32
    %mul3A_1 = arith.constant 10240 : i32
    %mul3A_2 = arith.muli %arg0, %mul3A_1 : i32
    %add3A = arith.addi %mul3A_2, %mul3A_0 : i32
    "tpu.region"() ({
      %run_scoped3A = tpu.sem_alloc : memref<!tpu.dma_semaphore, #tpu.memory_space<semaphore_mem>>
      %dma_start3A_26 = arith.constant 0 : i32
      %dma_start3A_27 = tpu.memref_slice %arg6[%mul3A_0, %dma_start3A_26] : memref<10240x128xf32, #tpu.memory_space<vmem_shared>> -> memref<640x128xf32, #tpu.memory_space<vmem_shared>>
      %dma_start3A_28 = arith.constant 0 : i32
      %dma_start3A_29 = tpu.memref_slice %arg2[%add3A, %dma_start3A_28] : memref<20480x128xf32, #tpu.memory_space<hbm>> -> memref<640x128xf32, #tpu.memory_space<hbm>>
      tpu.enqueue_dma source(%dma_start3A_29 : memref<640x128xf32, #tpu.memory_space<hbm>>) target(%dma_start3A_27 : memref<640x128xf32, #tpu.memory_space<vmem_shared>>) target_semaphore(%run_scoped3A : memref<!tpu.dma_semaphore, #tpu.memory_space<semaphore_mem>>)
      %dma_wait3A_30 = arith.constant 0 : i32
      %dma_wait3A_31 = tpu.memref_slice %arg6[%mul3A_0, %dma_wait3A_30] : memref<10240x128xf32, #tpu.memory_space<vmem_shared>> -> memref<640x128xf32, #tpu.memory_space<vmem_shared>>
      %dma_wait3A_32 = arith.constant 0 : i32
      %dma_wait3A_33 = tpu.memref_slice %arg2[%add3A, %dma_wait3A_32] : memref<20480x128xf32, #tpu.memory_space<hbm>> -> memref<640x128xf32, #tpu.memory_space<hbm>>
      tpu.wait_dma2 semaphore(%run_scoped3A : memref<!tpu.dma_semaphore, #tpu.memory_space<semaphore_mem>>) src(%dma_wait3A_33 : memref<640x128xf32, #tpu.memory_space<hbm>>) dst(%dma_wait3A_31 : memref<640x128xf32, #tpu.memory_space<vmem_shared>>)
      tpu.yield
    }) : () -> ()
    "tpu.region"() ({
      %run_scoped3A = tpu.sem_alloc : memref<!tpu.dma_semaphore, #tpu.memory_space<semaphore_mem>>
      %dma_start3A_26 = arith.constant 0 : i32
      %dma_start3A_27 = arith.constant 0 : i32
      %dma_start3A_28 = tpu.memref_slice %arg3[%arg0, %arg1, %dma_start3A_26, %dma_start3A_27] : memref<2x16x164x128xi32, #tpu.memory_space<hbm>> -> memref<1x1x4x128xi32, #tpu.memory_space<hbm>>
      %dma_start3A_29 = tpu.memref_squeeze %dma_start3A_28 : memref<1x1x4x128xi32, #tpu.memory_space<hbm>> -> memref<4x128xi32, #tpu.memory_space<hbm>>
      %dma_start3A_30 = arith.constant 0 : i32
      %dma_start3A_31 = arith.constant 0 : i32
      %dma_start3A_32 = tpu.memref_slice %arg3[%arg0, %arg1, %dma_start3A_30, %dma_start3A_31] : memref<2x16x164x128xi32, #tpu.memory_space<hbm>> -> memref<1x1x4x128xi32, #tpu.memory_space<hbm>>
      %dma_start3A_33 = tpu.memref_squeeze %dma_start3A_32 : memref<1x1x4x128xi32, #tpu.memory_space<hbm>> -> memref<4x128xi32, #tpu.memory_space<hbm>>
      tpu.enqueue_dma source(%dma_start3A_33 : memref<4x128xi32, #tpu.memory_space<hbm>>) target(%arg9 : memref<4x128xi32, #tpu.memory_space<vmem>>) target_semaphore(%run_scoped3A : memref<!tpu.dma_semaphore, #tpu.memory_space<semaphore_mem>>)
      %dma_wait3A_34 = arith.constant 0 : i32
      %dma_wait3A_35 = arith.constant 0 : i32
      %dma_wait3A_36 = tpu.memref_slice %arg3[%arg0, %arg1, %dma_wait3A_34, %dma_wait3A_35] : memref<2x16x164x128xi32, #tpu.memory_space<hbm>> -> memref<1x1x4x128xi32, #tpu.memory_space<hbm>>
      %dma_wait3A_37 = tpu.memref_squeeze %dma_wait3A_36 : memref<1x1x4x128xi32, #tpu.memory_space<hbm>> -> memref<4x128xi32, #tpu.memory_space<hbm>>
      %dma_wait3A_38 = arith.constant 0 : i32
      %dma_wait3A_39 = arith.constant 0 : i32
      %dma_wait3A_40 = tpu.memref_slice %arg3[%arg0, %arg1, %dma_wait3A_38, %dma_wait3A_39] : memref<2x16x164x128xi32, #tpu.memory_space<hbm>> -> memref<1x1x4x128xi32, #tpu.memory_space<hbm>>
      %dma_wait3A_41 = tpu.memref_squeeze %dma_wait3A_40 : memref<1x1x4x128xi32, #tpu.memory_space<hbm>> -> memref<4x128xi32, #tpu.memory_space<hbm>>
      tpu.wait_dma2 semaphore(%run_scoped3A : memref<!tpu.dma_semaphore, #tpu.memory_space<semaphore_mem>>) src(%dma_wait3A_41 : memref<4x128xi32, #tpu.memory_space<hbm>>) dst(%arg9 : memref<4x128xi32, #tpu.memory_space<vmem>>)
      tpu.yield
    }) : () -> ()
    "tpu.region"() ({
      %run_scoped3A = tpu.sem_alloc : memref<!tpu.dma_semaphore, #tpu.memory_space<semaphore_mem>>
      %dma_start3A_26 = arith.constant 0 : i32
      %dma_start3A_27 = arith.constant 0 : i32
      %dma_start3A_28 = tpu.memref_slice %arg4[%arg1, %dma_start3A_26, %dma_start3A_27] : memref<16x164x128xi32, #tpu.memory_space<hbm>> -> memref<1x4x128xi32, #tpu.memory_space<hbm>>
      %dma_start3A_29 = tpu.memref_squeeze %dma_start3A_28 : memref<1x4x128xi32, #tpu.memory_space<hbm>> -> memref<4x128xi32, #tpu.memory_space<hbm>>
      %dma_start3A_30 = arith.constant 0 : i32
      %dma_start3A_31 = arith.constant 0 : i32
      %dma_start3A_32 = tpu.memref_slice %arg4[%arg1, %dma_start3A_30, %dma_start3A_31] : memref<16x164x128xi32, #tpu.memory_space<hbm>> -> memref<1x4x128xi32, #tpu.memory_space<hbm>>
      %dma_start3A_33 = tpu.memref_squeeze %dma_start3A_32 : memref<1x4x128xi32, #tpu.memory_space<hbm>> -> memref<4x128xi32, #tpu.memory_space<hbm>>
      tpu.enqueue_dma source(%dma_start3A_33 : memref<4x128xi32, #tpu.memory_space<hbm>>) target(%arg10 : memref<4x128xi32, #tpu.memory_space<vmem>>) target_semaphore(%run_scoped3A : memref<!tpu.dma_semaphore, #tpu.memory_space<semaphore_mem>>)
      %dma_wait3A_34 = arith.constant 0 : i32
      %dma_wait3A_35 = arith.constant 0 : i32
      %dma_wait3A_36 = tpu.memref_slice %arg4[%arg1, %dma_wait3A_34, %dma_wait3A_35] : memref<16x164x128xi32, #tpu.memory_space<hbm>> -> memref<1x4x128xi32, #tpu.memory_space<hbm>>
      %dma_wait3A_37 = tpu.memref_squeeze %dma_wait3A_36 : memref<1x4x128xi32, #tpu.memory_space<hbm>> -> memref<4x128xi32, #tpu.memory_space<hbm>>
      %dma_wait3A_38 = arith.constant 0 : i32
      %dma_wait3A_39 = arith.constant 0 : i32
      %dma_wait3A_40 = tpu.memref_slice %arg4[%arg1, %dma_wait3A_38, %dma_wait3A_39] : memref<16x164x128xi32, #tpu.memory_space<hbm>> -> memref<1x4x128xi32, #tpu.memory_space<hbm>>
      %dma_wait3A_41 = tpu.memref_squeeze %dma_wait3A_40 : memref<1x4x128xi32, #tpu.memory_space<hbm>> -> memref<4x128xi32, #tpu.memory_space<hbm>>
      tpu.wait_dma2 semaphore(%run_scoped3A : memref<!tpu.dma_semaphore, #tpu.memory_space<semaphore_mem>>) src(%dma_wait3A_41 : memref<4x128xi32, #tpu.memory_space<hbm>>) dst(%arg10 : memref<4x128xi32, #tpu.memory_space<vmem>>)
      tpu.yield
    }) : () -> ()
    %dma_start3A = arith.constant 0 : i32
    %dma_start3A_3 = arith.constant 0 : i32
    %dma_start3A_4 = tpu.memref_slice %arg9[%dma_start3A, %dma_start3A_3] : memref<4x128xi32, #tpu.memory_space<vmem>> -> memref<1x128xi32, #tpu.memory_space<vmem>>
    %dma_start3A_5 = tpu.memref_squeeze %dma_start3A_4 : memref<1x128xi32, #tpu.memory_space<vmem>> -> memref<128xi32, #tpu.memory_space<vmem>>
    %dma_start3A_6 = arith.constant 0 : i32
    %dma_start3A_7 = arith.constant 0 : i32
    %dma_start3A_8 = tpu.memref_slice %arg2[%dma_start3A_6, %dma_start3A_7] : memref<20480x128xf32, #tpu.memory_space<hbm>> -> memref<20480x128xf32, #tpu.memory_space<hbm>>
    tpu.enqueue_indirect_dma source(%dma_start3A_8 : memref<20480x128xf32, #tpu.memory_space<hbm>>) target(%arg7 : memref<128x128xf32, #tpu.memory_space<vmem>>) offsets(%dma_start3A_5 : memref<128xi32, #tpu.memory_space<vmem>>) semaphore(%arg14 : memref<!tpu.dma_semaphore, #tpu.memory_space<semaphore_mem>>)
    %barrier3A = arith.constant 0 : index
    tpu.barrier barrier_id(%barrier3A)
    %scan3A = arith.constant 0 : i32
    %scan3A_9 = arith.constant 0 : i32
    %scan3A_10 = arith.constant 20 : i32
    %scan3A_11 = arith.addi %scan3A_9, %scan3A_10 : i32
    %scan3A_12 = arith.constant 1 : i32
    scf.for %scan3A_26 = %scan3A_9 to %scan3A_11 step %scan3A_12  : i32 {
      %mul3A_27 = arith.constant 8 : i32
      %mul3A_28 = arith.muli %mul3A_27, %scan3A_26 : i32
      %gt3A = arith.constant 0 : i32
      %gt3A_29 = arith.cmpi sgt, %scan3A_26, %gt3A : i32
      %convert_element_type3A = arith.extui %gt3A_29 : i1 to i32
      %cond3A = arith.constant 0 : i32
      %cond3A_30 = arith.cmpi ne, %convert_element_type3A, %cond3A : i32
      scf.if %cond3A_30 {
        %dma_wait3A_289 = arith.constant 0 : i32
        %dma_wait3A_290 = arith.constant 0 : i32
        %dma_wait3A_291 = tpu.memref_slice %arg2[%dma_wait3A_289, %dma_wait3A_290] : memref<20480x128xf32, #tpu.memory_space<hbm>> -> memref<128x128xf32, #tpu.memory_space<hbm>>
        %dma_wait3A_292 = arith.constant 0 : i32
        %dma_wait3A_293 = arith.constant 0 : i32
        %dma_wait3A_294 = tpu.memref_slice %arg2[%dma_wait3A_292, %dma_wait3A_293] : memref<20480x128xf32, #tpu.memory_space<hbm>> -> memref<128x128xf32, #tpu.memory_space<hbm>>
        tpu.wait_dma2 semaphore(%arg17 : memref<!tpu.dma_semaphore, #tpu.memory_space<semaphore_mem>>) src(%dma_wait3A_294 : memref<128x128xf32, #tpu.memory_space<hbm>>) dst(%arg8 : memref<128x128xf32, #tpu.memory_space<vmem>>)
      } else {
      }
      %dma_start3A_31 = arith.constant 1 : i32
      %dma_start3A_32 = arith.constant 0 : i32
      %dma_start3A_33 = tpu.memref_slice %arg9[%dma_start3A_31, %dma_start3A_32] : memref<4x128xi32, #tpu.memory_space<vmem>> -> memref<1x128xi32, #tpu.memory_space<vmem>>
      %dma_start3A_34 = tpu.memref_squeeze %dma_start3A_33 : memref<1x128xi32, #tpu.memory_space<vmem>> -> memref<128xi32, #tpu.memory_space<vmem>>
      %dma_start3A_35 = arith.constant 0 : i32
      %dma_start3A_36 = arith.constant 0 : i32
      %dma_start3A_37 = tpu.memref_slice %arg2[%dma_start3A_35, %dma_start3A_36] : memref<20480x128xf32, #tpu.memory_space<hbm>> -> memref<20480x128xf32, #tpu.memory_space<hbm>>
      tpu.enqueue_indirect_dma source(%dma_start3A_37 : memref<20480x128xf32, #tpu.memory_space<hbm>>) target(%arg8 : memref<128x128xf32, #tpu.memory_space<vmem>>) offsets(%dma_start3A_34 : memref<128xi32, #tpu.memory_space<vmem>>) semaphore(%arg15 : memref<!tpu.dma_semaphore, #tpu.memory_space<semaphore_mem>>)
      %dma_wait3A_38 = arith.constant 0 : i32
      %dma_wait3A_39 = arith.constant 0 : i32
      %dma_wait3A_40 = tpu.memref_slice %arg2[%dma_wait3A_38, %dma_wait3A_39] : memref<20480x128xf32, #tpu.memory_space<hbm>> -> memref<128x128xf32, #tpu.memory_space<hbm>>
      %dma_wait3A_41 = arith.constant 0 : i32
      %dma_wait3A_42 = arith.constant 0 : i32
      %dma_wait3A_43 = tpu.memref_slice %arg2[%dma_wait3A_41, %dma_wait3A_42] : memref<20480x128xf32, #tpu.memory_space<hbm>> -> memref<128x128xf32, #tpu.memory_space<hbm>>
      tpu.wait_dma2 semaphore(%arg14 : memref<!tpu.dma_semaphore, #tpu.memory_space<semaphore_mem>>) src(%dma_wait3A_43 : memref<128x128xf32, #tpu.memory_space<hbm>>) dst(%arg7 : memref<128x128xf32, #tpu.memory_space<vmem>>)
      %dma_start3A_44 = arith.constant 0 : i32
      %dma_start3A_45 = arith.constant 0 : i32
      %dma_start3A_46 = tpu.memref_slice %arg10[%dma_start3A_44, %dma_start3A_45] : memref<4x128xi32, #tpu.memory_space<vmem>> -> memref<1x128xi32, #tpu.memory_space<vmem>>
      %dma_start3A_47 = tpu.memref_squeeze %dma_start3A_46 : memref<1x128xi32, #tpu.memory_space<vmem>> -> memref<128xi32, #tpu.memory_space<vmem>>
      %dma_start3A_48 = arith.constant 0 : i32
      %dma_start3A_49 = arith.constant 0 : i32
      %dma_start3A_50 = tpu.memref_slice %arg6[%dma_start3A_48, %dma_start3A_49] : memref<10240x128xf32, #tpu.memory_space<vmem_shared>> -> memref<10240x128xf32, #tpu.memory_space<vmem_shared>>
      tpu.enqueue_indirect_dma source(%arg7 : memref<128x128xf32, #tpu.memory_space<vmem>>) target(%dma_start3A_50 : memref<10240x128xf32, #tpu.memory_space<vmem_shared>>) offsets(%dma_start3A_47 : memref<128xi32, #tpu.memory_space<vmem>>) semaphore(%arg16 : memref<!tpu.dma_semaphore, #tpu.memory_space<semaphore_mem>>) {add = true}
      %add3A_51 = arith.constant 4 : i32
      %add3A_52 = arith.addi %mul3A_28, %add3A_51 : i32
      %dma_start3A_53 = arith.constant 0 : i32
      %dma_start3A_54 = tpu.memref_slice %arg3[%arg0, %arg1, %add3A_52, %dma_start3A_53] : memref<2x16x164x128xi32, #tpu.memory_space<hbm>> -> memref<1x1x4x128xi32, #tpu.memory_space<hbm>>
      %dma_start3A_55 = tpu.memref_squeeze %dma_start3A_54 : memref<1x1x4x128xi32, #tpu.memory_space<hbm>> -> memref<4x128xi32, #tpu.memory_space<hbm>>
      %dma_start3A_56 = arith.constant 0 : i32
      %dma_start3A_57 = tpu.memref_slice %arg3[%arg0, %arg1, %add3A_52, %dma_start3A_56] : memref<2x16x164x128xi32, #tpu.memory_space<hbm>> -> memref<1x1x4x128xi32, #tpu.memory_space<hbm>>
      %dma_start3A_58 = tpu.memref_squeeze %dma_start3A_57 : memref<1x1x4x128xi32, #tpu.memory_space<hbm>> -> memref<4x128xi32, #tpu.memory_space<hbm>>
      tpu.enqueue_dma source(%dma_start3A_58 : memref<4x128xi32, #tpu.memory_space<hbm>>) target(%arg11 : memref<4x128xi32, #tpu.memory_space<vmem>>) target_semaphore(%arg13 : memref<!tpu.dma_semaphore, #tpu.memory_space<semaphore_mem>>)
      %add3A_59 = arith.constant 4 : i32
      %add3A_60 = arith.addi %mul3A_28, %add3A_59 : i32
      %dma_start3A_61 = arith.constant 0 : i32
      %dma_start3A_62 = tpu.memref_slice %arg4[%arg1, %add3A_60, %dma_start3A_61] : memref<16x164x128xi32, #tpu.memory_space<hbm>> -> memref<1x4x128xi32, #tpu.memory_space<hbm>>
      %dma_start3A_63 = tpu.memref_squeeze %dma_start3A_62 : memref<1x4x128xi32, #tpu.memory_space<hbm>> -> memref<4x128xi32, #tpu.memory_space<hbm>>
      %dma_start3A_64 = arith.constant 0 : i32
      %dma_start3A_65 = tpu.memref_slice %arg4[%arg1, %add3A_60, %dma_start3A_64] : memref<16x164x128xi32, #tpu.memory_space<hbm>> -> memref<1x4x128xi32, #tpu.memory_space<hbm>>
      %dma_start3A_66 = tpu.memref_squeeze %dma_start3A_65 : memref<1x4x128xi32, #tpu.memory_space<hbm>> -> memref<4x128xi32, #tpu.memory_space<hbm>>
      tpu.enqueue_dma source(%dma_start3A_66 : memref<4x128xi32, #tpu.memory_space<hbm>>) target(%arg12 : memref<4x128xi32, #tpu.memory_space<vmem>>) target_semaphore(%arg13 : memref<!tpu.dma_semaphore, #tpu.memory_space<semaphore_mem>>)
      %dma_wait3A_67 = arith.constant 0 : i32
      %dma_wait3A_68 = arith.constant 0 : i32
      %dma_wait3A_69 = tpu.memref_slice %arg2[%dma_wait3A_67, %dma_wait3A_68] : memref<20480x128xf32, #tpu.memory_space<hbm>> -> memref<128x128xf32, #tpu.memory_space<hbm>>
      %dma_wait3A_70 = arith.constant 0 : i32
      %dma_wait3A_71 = arith.constant 0 : i32
      %dma_wait3A_72 = tpu.memref_slice %arg2[%dma_wait3A_70, %dma_wait3A_71] : memref<20480x128xf32, #tpu.memory_space<hbm>> -> memref<128x128xf32, #tpu.memory_space<hbm>>
      tpu.wait_dma2 semaphore(%arg16 : memref<!tpu.dma_semaphore, #tpu.memory_space<semaphore_mem>>) src(%dma_wait3A_72 : memref<128x128xf32, #tpu.memory_space<hbm>>) dst(%arg7 : memref<128x128xf32, #tpu.memory_space<vmem>>)
      %dma_start3A_73 = arith.constant 2 : i32
      %dma_start3A_74 = arith.constant 0 : i32
      %dma_start3A_75 = tpu.memref_slice %arg9[%dma_start3A_73, %dma_start3A_74] : memref<4x128xi32, #tpu.memory_space<vmem>> -> memref<1x128xi32, #tpu.memory_space<vmem>>
      %dma_start3A_76 = tpu.memref_squeeze %dma_start3A_75 : memref<1x128xi32, #tpu.memory_space<vmem>> -> memref<128xi32, #tpu.memory_space<vmem>>
      %dma_start3A_77 = arith.constant 0 : i32
      %dma_start3A_78 = arith.constant 0 : i32
      %dma_start3A_79 = tpu.memref_slice %arg2[%dma_start3A_77, %dma_start3A_78] : memref<20480x128xf32, #tpu.memory_space<hbm>> -> memref<20480x128xf32, #tpu.memory_space<hbm>>
      tpu.enqueue_indirect_dma source(%dma_start3A_79 : memref<20480x128xf32, #tpu.memory_space<hbm>>) target(%arg7 : memref<128x128xf32, #tpu.memory_space<vmem>>) offsets(%dma_start3A_76 : memref<128xi32, #tpu.memory_space<vmem>>) semaphore(%arg14 : memref<!tpu.dma_semaphore, #tpu.memory_space<semaphore_mem>>)
      %dma_wait3A_80 = arith.constant 0 : i32
      %dma_wait3A_81 = arith.constant 0 : i32
      %dma_wait3A_82 = tpu.memref_slice %arg2[%dma_wait3A_80, %dma_wait3A_81] : memref<20480x128xf32, #tpu.memory_space<hbm>> -> memref<128x128xf32, #tpu.memory_space<hbm>>
      %dma_wait3A_83 = arith.constant 0 : i32
      %dma_wait3A_84 = arith.constant 0 : i32
      %dma_wait3A_85 = tpu.memref_slice %arg2[%dma_wait3A_83, %dma_wait3A_84] : memref<20480x128xf32, #tpu.memory_space<hbm>> -> memref<128x128xf32, #tpu.memory_space<hbm>>
      tpu.wait_dma2 semaphore(%arg15 : memref<!tpu.dma_semaphore, #tpu.memory_space<semaphore_mem>>) src(%dma_wait3A_85 : memref<128x128xf32, #tpu.memory_space<hbm>>) dst(%arg8 : memref<128x128xf32, #tpu.memory_space<vmem>>)
      %dma_start3A_86 = arith.constant 1 : i32
      %dma_start3A_87 = arith.constant 0 : i32
      %dma_start3A_88 = tpu.memref_slice %arg10[%dma_start3A_86, %dma_start3A_87] : memref<4x128xi32, #tpu.memory_space<vmem>> -> memref<1x128xi32, #tpu.memory_space<vmem>>
      %dma_start3A_89 = tpu.memref_squeeze %dma_start3A_88 : memref<1x128xi32, #tpu.memory_space<vmem>> -> memref<128xi32, #tpu.memory_space<vmem>>
      %dma_start3A_90 = arith.constant 0 : i32
      %dma_start3A_91 = arith.constant 0 : i32
      %dma_start3A_92 = tpu.memref_slice %arg6[%dma_start3A_90, %dma_start3A_91] : memref<10240x128xf32, #tpu.memory_space<vmem_shared>> -> memref<10240x128xf32, #tpu.memory_space<vmem_shared>>
      tpu.enqueue_indirect_dma source(%arg8 : memref<128x128xf32, #tpu.memory_space<vmem>>) target(%dma_start3A_92 : memref<10240x128xf32, #tpu.memory_space<vmem_shared>>) offsets(%dma_start3A_89 : memref<128xi32, #tpu.memory_space<vmem>>) semaphore(%arg17 : memref<!tpu.dma_semaphore, #tpu.memory_space<semaphore_mem>>) {add = true}
      %dma_wait3A_93 = arith.constant 0 : i32
      %dma_wait3A_94 = arith.constant 0 : i32
      %dma_wait3A_95 = tpu.memref_slice %arg2[%dma_wait3A_93, %dma_wait3A_94] : memref<20480x128xf32, #tpu.memory_space<hbm>> -> memref<128x128xf32, #tpu.memory_space<hbm>>
      %dma_wait3A_96 = arith.constant 0 : i32
      %dma_wait3A_97 = arith.constant 0 : i32
      %dma_wait3A_98 = tpu.memref_slice %arg2[%dma_wait3A_96, %dma_wait3A_97] : memref<20480x128xf32, #tpu.memory_space<hbm>> -> memref<128x128xf32, #tpu.memory_space<hbm>>
      tpu.wait_dma2 semaphore(%arg17 : memref<!tpu.dma_semaphore, #tpu.memory_space<semaphore_mem>>) src(%dma_wait3A_98 : memref<128x128xf32, #tpu.memory_space<hbm>>) dst(%arg8 : memref<128x128xf32, #tpu.memory_space<vmem>>)
      %dma_start3A_99 = arith.constant 3 : i32
      %dma_start3A_100 = arith.constant 0 : i32
      %dma_start3A_101 = tpu.memref_slice %arg9[%dma_start3A_99, %dma_start3A_100] : memref<4x128xi32, #tpu.memory_space<vmem>> -> memref<1x128xi32, #tpu.memory_space<vmem>>
      %dma_start3A_102 = tpu.memref_squeeze %dma_start3A_101 : memref<1x128xi32, #tpu.memory_space<vmem>> -> memref<128xi32, #tpu.memory_space<vmem>>
      %dma_start3A_103 = arith.constant 0 : i32
      %dma_start3A_104 = arith.constant 0 : i32
      %dma_start3A_105 = tpu.memref_slice %arg2[%dma_start3A_103, %dma_start3A_104] : memref<20480x128xf32, #tpu.memory_space<hbm>> -> memref<20480x128xf32, #tpu.memory_space<hbm>>
      tpu.enqueue_indirect_dma source(%dma_start3A_105 : memref<20480x128xf32, #tpu.memory_space<hbm>>) target(%arg8 : memref<128x128xf32, #tpu.memory_space<vmem>>) offsets(%dma_start3A_102 : memref<128xi32, #tpu.memory_space<vmem>>) semaphore(%arg15 : memref<!tpu.dma_semaphore, #tpu.memory_space<semaphore_mem>>)
      %dma_wait3A_106 = arith.constant 0 : i32
      %dma_wait3A_107 = arith.constant 0 : i32
      %dma_wait3A_108 = tpu.memref_slice %arg2[%dma_wait3A_106, %dma_wait3A_107] : memref<20480x128xf32, #tpu.memory_space<hbm>> -> memref<128x128xf32, #tpu.memory_space<hbm>>
      %dma_wait3A_109 = arith.constant 0 : i32
      %dma_wait3A_110 = arith.constant 0 : i32
      %dma_wait3A_111 = tpu.memref_slice %arg2[%dma_wait3A_109, %dma_wait3A_110] : memref<20480x128xf32, #tpu.memory_space<hbm>> -> memref<128x128xf32, #tpu.memory_space<hbm>>
      tpu.wait_dma2 semaphore(%arg14 : memref<!tpu.dma_semaphore, #tpu.memory_space<semaphore_mem>>) src(%dma_wait3A_111 : memref<128x128xf32, #tpu.memory_space<hbm>>) dst(%arg7 : memref<128x128xf32, #tpu.memory_space<vmem>>)
      %dma_start3A_112 = arith.constant 2 : i32
      %dma_start3A_113 = arith.constant 0 : i32
      %dma_start3A_114 = tpu.memref_slice %arg10[%dma_start3A_112, %dma_start3A_113] : memref<4x128xi32, #tpu.memory_space<vmem>> -> memref<1x128xi32, #tpu.memory_space<vmem>>
      %dma_start3A_115 = tpu.memref_squeeze %dma_start3A_114 : memref<1x128xi32, #tpu.memory_space<vmem>> -> memref<128xi32, #tpu.memory_space<vmem>>
      %dma_start3A_116 = arith.constant 0 : i32
      %dma_start3A_117 = arith.constant 0 : i32
      %dma_start3A_118 = tpu.memref_slice %arg6[%dma_start3A_116, %dma_start3A_117] : memref<10240x128xf32, #tpu.memory_space<vmem_shared>> -> memref<10240x128xf32, #tpu.memory_space<vmem_shared>>
      tpu.enqueue_indirect_dma source(%arg7 : memref<128x128xf32, #tpu.memory_space<vmem>>) target(%dma_start3A_118 : memref<10240x128xf32, #tpu.memory_space<vmem_shared>>) offsets(%dma_start3A_115 : memref<128xi32, #tpu.memory_space<vmem>>) semaphore(%arg16 : memref<!tpu.dma_semaphore, #tpu.memory_space<semaphore_mem>>) {add = true}
      %dma_wait3A_119 = arith.constant 0 : i32
      %dma_wait3A_120 = arith.constant 0 : i32
      %dma_wait3A_121 = tpu.memref_slice %arg2[%dma_wait3A_119, %dma_wait3A_120] : memref<20480x128xf32, #tpu.memory_space<hbm>> -> memref<128x128xf32, #tpu.memory_space<hbm>>
      %dma_wait3A_122 = arith.constant 0 : i32
      %dma_wait3A_123 = arith.constant 0 : i32
      %dma_wait3A_124 = tpu.memref_slice %arg2[%dma_wait3A_122, %dma_wait3A_123] : memref<20480x128xf32, #tpu.memory_space<hbm>> -> memref<128x128xf32, #tpu.memory_space<hbm>>
      tpu.wait_dma2 semaphore(%arg16 : memref<!tpu.dma_semaphore, #tpu.memory_space<semaphore_mem>>) src(%dma_wait3A_124 : memref<128x128xf32, #tpu.memory_space<hbm>>) dst(%arg7 : memref<128x128xf32, #tpu.memory_space<vmem>>)
      %dma_wait3A_125 = arith.constant 0 : i32
      %dma_wait3A_126 = tpu.memref_slice %arg3[%arg0, %arg1, %add3A_52, %dma_wait3A_125] : memref<2x16x164x128xi32, #tpu.memory_space<hbm>> -> memref<1x1x4x128xi32, #tpu.memory_space<hbm>>
      %dma_wait3A_127 = tpu.memref_squeeze %dma_wait3A_126 : memref<1x1x4x128xi32, #tpu.memory_space<hbm>> -> memref<4x128xi32, #tpu.memory_space<hbm>>
      %dma_wait3A_128 = arith.constant 0 : i32
      %dma_wait3A_129 = tpu.memref_slice %arg3[%arg0, %arg1, %add3A_52, %dma_wait3A_128] : memref<2x16x164x128xi32, #tpu.memory_space<hbm>> -> memref<1x1x4x128xi32, #tpu.memory_space<hbm>>
      %dma_wait3A_130 = tpu.memref_squeeze %dma_wait3A_129 : memref<1x1x4x128xi32, #tpu.memory_space<hbm>> -> memref<4x128xi32, #tpu.memory_space<hbm>>
      tpu.wait_dma2 semaphore(%arg13 : memref<!tpu.dma_semaphore, #tpu.memory_space<semaphore_mem>>) src(%dma_wait3A_130 : memref<4x128xi32, #tpu.memory_space<hbm>>) dst(%arg11 : memref<4x128xi32, #tpu.memory_space<vmem>>)
      %dma_wait3A_131 = arith.constant 0 : i32
      %dma_wait3A_132 = tpu.memref_slice %arg4[%arg1, %add3A_60, %dma_wait3A_131] : memref<16x164x128xi32, #tpu.memory_space<hbm>> -> memref<1x4x128xi32, #tpu.memory_space<hbm>>
      %dma_wait3A_133 = tpu.memref_squeeze %dma_wait3A_132 : memref<1x4x128xi32, #tpu.memory_space<hbm>> -> memref<4x128xi32, #tpu.memory_space<hbm>>
      %dma_wait3A_134 = arith.constant 0 : i32
      %dma_wait3A_135 = tpu.memref_slice %arg4[%arg1, %add3A_60, %dma_wait3A_134] : memref<16x164x128xi32, #tpu.memory_space<hbm>> -> memref<1x4x128xi32, #tpu.memory_space<hbm>>
      %dma_wait3A_136 = tpu.memref_squeeze %dma_wait3A_135 : memref<1x4x128xi32, #tpu.memory_space<hbm>> -> memref<4x128xi32, #tpu.memory_space<hbm>>
      tpu.wait_dma2 semaphore(%arg13 : memref<!tpu.dma_semaphore, #tpu.memory_space<semaphore_mem>>) src(%dma_wait3A_136 : memref<4x128xi32, #tpu.memory_space<hbm>>) dst(%arg12 : memref<4x128xi32, #tpu.memory_space<vmem>>)
      %dma_start3A_137 = arith.constant 0 : i32
      %dma_start3A_138 = arith.constant 0 : i32
      %dma_start3A_139 = tpu.memref_slice %arg11[%dma_start3A_137, %dma_start3A_138] : memref<4x128xi32, #tpu.memory_space<vmem>> -> memref<1x128xi32, #tpu.memory_space<vmem>>
      %dma_start3A_140 = tpu.memref_squeeze %dma_start3A_139 : memref<1x128xi32, #tpu.memory_space<vmem>> -> memref<128xi32, #tpu.memory_space<vmem>>
      %dma_start3A_141 = arith.constant 0 : i32
      %dma_start3A_142 = arith.constant 0 : i32
      %dma_start3A_143 = tpu.memref_slice %arg2[%dma_start3A_141, %dma_start3A_142] : memref<20480x128xf32, #tpu.memory_space<hbm>> -> memref<20480x128xf32, #tpu.memory_space<hbm>>
      tpu.enqueue_indirect_dma source(%dma_start3A_143 : memref<20480x128xf32, #tpu.memory_space<hbm>>) target(%arg7 : memref<128x128xf32, #tpu.memory_space<vmem>>) offsets(%dma_start3A_140 : memref<128xi32, #tpu.memory_space<vmem>>) semaphore(%arg14 : memref<!tpu.dma_semaphore, #tpu.memory_space<semaphore_mem>>)
      %dma_wait3A_144 = arith.constant 0 : i32
      %dma_wait3A_145 = arith.constant 0 : i32
      %dma_wait3A_146 = tpu.memref_slice %arg2[%dma_wait3A_144, %dma_wait3A_145] : memref<20480x128xf32, #tpu.memory_space<hbm>> -> memref<128x128xf32, #tpu.memory_space<hbm>>
      %dma_wait3A_147 = arith.constant 0 : i32
      %dma_wait3A_148 = arith.constant 0 : i32
      %dma_wait3A_149 = tpu.memref_slice %arg2[%dma_wait3A_147, %dma_wait3A_148] : memref<20480x128xf32, #tpu.memory_space<hbm>> -> memref<128x128xf32, #tpu.memory_space<hbm>>
      tpu.wait_dma2 semaphore(%arg15 : memref<!tpu.dma_semaphore, #tpu.memory_space<semaphore_mem>>) src(%dma_wait3A_149 : memref<128x128xf32, #tpu.memory_space<hbm>>) dst(%arg8 : memref<128x128xf32, #tpu.memory_space<vmem>>)
      %dma_start3A_150 = arith.constant 3 : i32
      %dma_start3A_151 = arith.constant 0 : i32
      %dma_start3A_152 = tpu.memref_slice %arg10[%dma_start3A_150, %dma_start3A_151] : memref<4x128xi32, #tpu.memory_space<vmem>> -> memref<1x128xi32, #tpu.memory_space<vmem>>
      %dma_start3A_153 = tpu.memref_squeeze %dma_start3A_152 : memref<1x128xi32, #tpu.memory_space<vmem>> -> memref<128xi32, #tpu.memory_space<vmem>>
      %dma_start3A_154 = arith.constant 0 : i32
      %dma_start3A_155 = arith.constant 0 : i32
      %dma_start3A_156 = tpu.memref_slice %arg6[%dma_start3A_154, %dma_start3A_155] : memref<10240x128xf32, #tpu.memory_space<vmem_shared>> -> memref<10240x128xf32, #tpu.memory_space<vmem_shared>>
      tpu.enqueue_indirect_dma source(%arg8 : memref<128x128xf32, #tpu.memory_space<vmem>>) target(%dma_start3A_156 : memref<10240x128xf32, #tpu.memory_space<vmem_shared>>) offsets(%dma_start3A_153 : memref<128xi32, #tpu.memory_space<vmem>>) semaphore(%arg17 : memref<!tpu.dma_semaphore, #tpu.memory_space<semaphore_mem>>) {add = true}
      %dma_wait3A_157 = arith.constant 0 : i32
      %dma_wait3A_158 = arith.constant 0 : i32
      %dma_wait3A_159 = tpu.memref_slice %arg2[%dma_wait3A_157, %dma_wait3A_158] : memref<20480x128xf32, #tpu.memory_space<hbm>> -> memref<128x128xf32, #tpu.memory_space<hbm>>
      %dma_wait3A_160 = arith.constant 0 : i32
      %dma_wait3A_161 = arith.constant 0 : i32
      %dma_wait3A_162 = tpu.memref_slice %arg2[%dma_wait3A_160, %dma_wait3A_161] : memref<20480x128xf32, #tpu.memory_space<hbm>> -> memref<128x128xf32, #tpu.memory_space<hbm>>
      tpu.wait_dma2 semaphore(%arg17 : memref<!tpu.dma_semaphore, #tpu.memory_space<semaphore_mem>>) src(%dma_wait3A_162 : memref<128x128xf32, #tpu.memory_space<hbm>>) dst(%arg8 : memref<128x128xf32, #tpu.memory_space<vmem>>)
      %dma_start3A_163 = arith.constant 1 : i32
      %dma_start3A_164 = arith.constant 0 : i32
      %dma_start3A_165 = tpu.memref_slice %arg11[%dma_start3A_163, %dma_start3A_164] : memref<4x128xi32, #tpu.memory_space<vmem>> -> memref<1x128xi32, #tpu.memory_space<vmem>>
      %dma_start3A_166 = tpu.memref_squeeze %dma_start3A_165 : memref<1x128xi32, #tpu.memory_space<vmem>> -> memref<128xi32, #tpu.memory_space<vmem>>
      %dma_start3A_167 = arith.constant 0 : i32
      %dma_start3A_168 = arith.constant 0 : i32
      %dma_start3A_169 = tpu.memref_slice %arg2[%dma_start3A_167, %dma_start3A_168] : memref<20480x128xf32, #tpu.memory_space<hbm>> -> memref<20480x128xf32, #tpu.memory_space<hbm>>
      tpu.enqueue_indirect_dma source(%dma_start3A_169 : memref<20480x128xf32, #tpu.memory_space<hbm>>) target(%arg8 : memref<128x128xf32, #tpu.memory_space<vmem>>) offsets(%dma_start3A_166 : memref<128xi32, #tpu.memory_space<vmem>>) semaphore(%arg15 : memref<!tpu.dma_semaphore, #tpu.memory_space<semaphore_mem>>)
      %dma_wait3A_170 = arith.constant 0 : i32
      %dma_wait3A_171 = arith.constant 0 : i32
      %dma_wait3A_172 = tpu.memref_slice %arg2[%dma_wait3A_170, %dma_wait3A_171] : memref<20480x128xf32, #tpu.memory_space<hbm>> -> memref<128x128xf32, #tpu.memory_space<hbm>>
      %dma_wait3A_173 = arith.constant 0 : i32
      %dma_wait3A_174 = arith.constant 0 : i32
      %dma_wait3A_175 = tpu.memref_slice %arg2[%dma_wait3A_173, %dma_wait3A_174] : memref<20480x128xf32, #tpu.memory_space<hbm>> -> memref<128x128xf32, #tpu.memory_space<hbm>>
      tpu.wait_dma2 semaphore(%arg14 : memref<!tpu.dma_semaphore, #tpu.memory_space<semaphore_mem>>) src(%dma_wait3A_175 : memref<128x128xf32, #tpu.memory_space<hbm>>) dst(%arg7 : memref<128x128xf32, #tpu.memory_space<vmem>>)
      %dma_start3A_176 = arith.constant 0 : i32
      %dma_start3A_177 = arith.constant 0 : i32
      %dma_start3A_178 = tpu.memref_slice %arg12[%dma_start3A_176, %dma_start3A_177] : memref<4x128xi32, #tpu.memory_space<vmem>> -> memref<1x128xi32, #tpu.memory_space<vmem>>
      %dma_start3A_179 = tpu.memref_squeeze %dma_start3A_178 : memref<1x128xi32, #tpu.memory_space<vmem>> -> memref<128xi32, #tpu.memory_space<vmem>>
      %dma_start3A_180 = arith.constant 0 : i32
      %dma_start3A_181 = arith.constant 0 : i32
      %dma_start3A_182 = tpu.memref_slice %arg6[%dma_start3A_180, %dma_start3A_181] : memref<10240x128xf32, #tpu.memory_space<vmem_shared>> -> memref<10240x128xf32, #tpu.memory_space<vmem_shared>>
      tpu.enqueue_indirect_dma source(%arg7 : memref<128x128xf32, #tpu.memory_space<vmem>>) target(%dma_start3A_182 : memref<10240x128xf32, #tpu.memory_space<vmem_shared>>) offsets(%dma_start3A_179 : memref<128xi32, #tpu.memory_space<vmem>>) semaphore(%arg16 : memref<!tpu.dma_semaphore, #tpu.memory_space<semaphore_mem>>) {add = true}
      %add3A_183 = arith.constant 8 : i32
      %add3A_184 = arith.addi %mul3A_28, %add3A_183 : i32
      %dma_start3A_185 = arith.constant 0 : i32
      %dma_start3A_186 = tpu.memref_slice %arg3[%arg0, %arg1, %add3A_184, %dma_start3A_185] : memref<2x16x164x128xi32, #tpu.memory_space<hbm>> -> memref<1x1x4x128xi32, #tpu.memory_space<hbm>>
      %dma_start3A_187 = tpu.memref_squeeze %dma_start3A_186 : memref<1x1x4x128xi32, #tpu.memory_space<hbm>> -> memref<4x128xi32, #tpu.memory_space<hbm>>
      %dma_start3A_188 = arith.constant 0 : i32
      %dma_start3A_189 = tpu.memref_slice %arg3[%arg0, %arg1, %add3A_184, %dma_start3A_188] : memref<2x16x164x128xi32, #tpu.memory_space<hbm>> -> memref<1x1x4x128xi32, #tpu.memory_space<hbm>>
      %dma_start3A_190 = tpu.memref_squeeze %dma_start3A_189 : memref<1x1x4x128xi32, #tpu.memory_space<hbm>> -> memref<4x128xi32, #tpu.memory_space<hbm>>
      tpu.enqueue_dma source(%dma_start3A_190 : memref<4x128xi32, #tpu.memory_space<hbm>>) target(%arg9 : memref<4x128xi32, #tpu.memory_space<vmem>>) target_semaphore(%arg13 : memref<!tpu.dma_semaphore, #tpu.memory_space<semaphore_mem>>)
      %add3A_191 = arith.constant 8 : i32
      %add3A_192 = arith.addi %mul3A_28, %add3A_191 : i32
      %dma_start3A_193 = arith.constant 0 : i32
      %dma_start3A_194 = tpu.memref_slice %arg4[%arg1, %add3A_192, %dma_start3A_193] : memref<16x164x128xi32, #tpu.memory_space<hbm>> -> memref<1x4x128xi32, #tpu.memory_space<hbm>>
      %dma_start3A_195 = tpu.memref_squeeze %dma_start3A_194 : memref<1x4x128xi32, #tpu.memory_space<hbm>> -> memref<4x128xi32, #tpu.memory_space<hbm>>
      %dma_start3A_196 = arith.constant 0 : i32
      %dma_start3A_197 = tpu.memref_slice %arg4[%arg1, %add3A_192, %dma_start3A_196] : memref<16x164x128xi32, #tpu.memory_space<hbm>> -> memref<1x4x128xi32, #tpu.memory_space<hbm>>
      %dma_start3A_198 = tpu.memref_squeeze %dma_start3A_197 : memref<1x4x128xi32, #tpu.memory_space<hbm>> -> memref<4x128xi32, #tpu.memory_space<hbm>>
      tpu.enqueue_dma source(%dma_start3A_198 : memref<4x128xi32, #tpu.memory_space<hbm>>) target(%arg10 : memref<4x128xi32, #tpu.memory_space<vmem>>) target_semaphore(%arg13 : memref<!tpu.dma_semaphore, #tpu.memory_space<semaphore_mem>>)
      %dma_wait3A_199 = arith.constant 0 : i32
      %dma_wait3A_200 = arith.constant 0 : i32
      %dma_wait3A_201 = tpu.memref_slice %arg2[%dma_wait3A_199, %dma_wait3A_200] : memref<20480x128xf32, #tpu.memory_space<hbm>> -> memref<128x128xf32, #tpu.memory_space<hbm>>
      %dma_wait3A_202 = arith.constant 0 : i32
      %dma_wait3A_203 = arith.constant 0 : i32
      %dma_wait3A_204 = tpu.memref_slice %arg2[%dma_wait3A_202, %dma_wait3A_203] : memref<20480x128xf32, #tpu.memory_space<hbm>> -> memref<128x128xf32, #tpu.memory_space<hbm>>
      tpu.wait_dma2 semaphore(%arg16 : memref<!tpu.dma_semaphore, #tpu.memory_space<semaphore_mem>>) src(%dma_wait3A_204 : memref<128x128xf32, #tpu.memory_space<hbm>>) dst(%arg7 : memref<128x128xf32, #tpu.memory_space<vmem>>)
      %dma_start3A_205 = arith.constant 2 : i32
      %dma_start3A_206 = arith.constant 0 : i32
      %dma_start3A_207 = tpu.memref_slice %arg11[%dma_start3A_205, %dma_start3A_206] : memref<4x128xi32, #tpu.memory_space<vmem>> -> memref<1x128xi32, #tpu.memory_space<vmem>>
      %dma_start3A_208 = tpu.memref_squeeze %dma_start3A_207 : memref<1x128xi32, #tpu.memory_space<vmem>> -> memref<128xi32, #tpu.memory_space<vmem>>
      %dma_start3A_209 = arith.constant 0 : i32
      %dma_start3A_210 = arith.constant 0 : i32
      %dma_start3A_211 = tpu.memref_slice %arg2[%dma_start3A_209, %dma_start3A_210] : memref<20480x128xf32, #tpu.memory_space<hbm>> -> memref<20480x128xf32, #tpu.memory_space<hbm>>
      tpu.enqueue_indirect_dma source(%dma_start3A_211 : memref<20480x128xf32, #tpu.memory_space<hbm>>) target(%arg7 : memref<128x128xf32, #tpu.memory_space<vmem>>) offsets(%dma_start3A_208 : memref<128xi32, #tpu.memory_space<vmem>>) semaphore(%arg14 : memref<!tpu.dma_semaphore, #tpu.memory_space<semaphore_mem>>)
      %dma_wait3A_212 = arith.constant 0 : i32
      %dma_wait3A_213 = arith.constant 0 : i32
      %dma_wait3A_214 = tpu.memref_slice %arg2[%dma_wait3A_212, %dma_wait3A_213] : memref<20480x128xf32, #tpu.memory_space<hbm>> -> memref<128x128xf32, #tpu.memory_space<hbm>>
      %dma_wait3A_215 = arith.constant 0 : i32
      %dma_wait3A_216 = arith.constant 0 : i32
      %dma_wait3A_217 = tpu.memref_slice %arg2[%dma_wait3A_215, %dma_wait3A_216] : memref<20480x128xf32, #tpu.memory_space<hbm>> -> memref<128x128xf32, #tpu.memory_space<hbm>>
      tpu.wait_dma2 semaphore(%arg15 : memref<!tpu.dma_semaphore, #tpu.memory_space<semaphore_mem>>) src(%dma_wait3A_217 : memref<128x128xf32, #tpu.memory_space<hbm>>) dst(%arg8 : memref<128x128xf32, #tpu.memory_space<vmem>>)
      %dma_start3A_218 = arith.constant 1 : i32
      %dma_start3A_219 = arith.constant 0 : i32
      %dma_start3A_220 = tpu.memref_slice %arg12[%dma_start3A_218, %dma_start3A_219] : memref<4x128xi32, #tpu.memory_space<vmem>> -> memref<1x128xi32, #tpu.memory_space<vmem>>
      %dma_start3A_221 = tpu.memref_squeeze %dma_start3A_220 : memref<1x128xi32, #tpu.memory_space<vmem>> -> memref<128xi32, #tpu.memory_space<vmem>>
      %dma_start3A_222 = arith.constant 0 : i32
      %dma_start3A_223 = arith.constant 0 : i32
      %dma_start3A_224 = tpu.memref_slice %arg6[%dma_start3A_222, %dma_start3A_223] : memref<10240x128xf32, #tpu.memory_space<vmem_shared>> -> memref<10240x128xf32, #tpu.memory_space<vmem_shared>>
      tpu.enqueue_indirect_dma source(%arg8 : memref<128x128xf32, #tpu.memory_space<vmem>>) target(%dma_start3A_224 : memref<10240x128xf32, #tpu.memory_space<vmem_shared>>) offsets(%dma_start3A_221 : memref<128xi32, #tpu.memory_space<vmem>>) semaphore(%arg17 : memref<!tpu.dma_semaphore, #tpu.memory_space<semaphore_mem>>) {add = true}
      %dma_wait3A_225 = arith.constant 0 : i32
      %dma_wait3A_226 = arith.constant 0 : i32
      %dma_wait3A_227 = tpu.memref_slice %arg2[%dma_wait3A_225, %dma_wait3A_226] : memref<20480x128xf32, #tpu.memory_space<hbm>> -> memref<128x128xf32, #tpu.memory_space<hbm>>
      %dma_wait3A_228 = arith.constant 0 : i32
      %dma_wait3A_229 = arith.constant 0 : i32
      %dma_wait3A_230 = tpu.memref_slice %arg2[%dma_wait3A_228, %dma_wait3A_229] : memref<20480x128xf32, #tpu.memory_space<hbm>> -> memref<128x128xf32, #tpu.memory_space<hbm>>
      tpu.wait_dma2 semaphore(%arg17 : memref<!tpu.dma_semaphore, #tpu.memory_space<semaphore_mem>>) src(%dma_wait3A_230 : memref<128x128xf32, #tpu.memory_space<hbm>>) dst(%arg8 : memref<128x128xf32, #tpu.memory_space<vmem>>)
      %dma_start3A_231 = arith.constant 3 : i32
      %dma_start3A_232 = arith.constant 0 : i32
      %dma_start3A_233 = tpu.memref_slice %arg11[%dma_start3A_231, %dma_start3A_232] : memref<4x128xi32, #tpu.memory_space<vmem>> -> memref<1x128xi32, #tpu.memory_space<vmem>>
      %dma_start3A_234 = tpu.memref_squeeze %dma_start3A_233 : memref<1x128xi32, #tpu.memory_space<vmem>> -> memref<128xi32, #tpu.memory_space<vmem>>
      %dma_start3A_235 = arith.constant 0 : i32
      %dma_start3A_236 = arith.constant 0 : i32
      %dma_start3A_237 = tpu.memref_slice %arg2[%dma_start3A_235, %dma_start3A_236] : memref<20480x128xf32, #tpu.memory_space<hbm>> -> memref<20480x128xf32, #tpu.memory_space<hbm>>
      tpu.enqueue_indirect_dma source(%dma_start3A_237 : memref<20480x128xf32, #tpu.memory_space<hbm>>) target(%arg8 : memref<128x128xf32, #tpu.memory_space<vmem>>) offsets(%dma_start3A_234 : memref<128xi32, #tpu.memory_space<vmem>>) semaphore(%arg15 : memref<!tpu.dma_semaphore, #tpu.memory_space<semaphore_mem>>)
      %dma_wait3A_238 = arith.constant 0 : i32
      %dma_wait3A_239 = arith.constant 0 : i32
      %dma_wait3A_240 = tpu.memref_slice %arg2[%dma_wait3A_238, %dma_wait3A_239] : memref<20480x128xf32, #tpu.memory_space<hbm>> -> memref<128x128xf32, #tpu.memory_space<hbm>>
      %dma_wait3A_241 = arith.constant 0 : i32
      %dma_wait3A_242 = arith.constant 0 : i32
      %dma_wait3A_243 = tpu.memref_slice %arg2[%dma_wait3A_241, %dma_wait3A_242] : memref<20480x128xf32, #tpu.memory_space<hbm>> -> memref<128x128xf32, #tpu.memory_space<hbm>>
      tpu.wait_dma2 semaphore(%arg14 : memref<!tpu.dma_semaphore, #tpu.memory_space<semaphore_mem>>) src(%dma_wait3A_243 : memref<128x128xf32, #tpu.memory_space<hbm>>) dst(%arg7 : memref<128x128xf32, #tpu.memory_space<vmem>>)
      %dma_start3A_244 = arith.constant 2 : i32
      %dma_start3A_245 = arith.constant 0 : i32
      %dma_start3A_246 = tpu.memref_slice %arg12[%dma_start3A_244, %dma_start3A_245] : memref<4x128xi32, #tpu.memory_space<vmem>> -> memref<1x128xi32, #tpu.memory_space<vmem>>
      %dma_start3A_247 = tpu.memref_squeeze %dma_start3A_246 : memref<1x128xi32, #tpu.memory_space<vmem>> -> memref<128xi32, #tpu.memory_space<vmem>>
      %dma_start3A_248 = arith.constant 0 : i32
      %dma_start3A_249 = arith.constant 0 : i32
      %dma_start3A_250 = tpu.memref_slice %arg6[%dma_start3A_248, %dma_start3A_249] : memref<10240x128xf32, #tpu.memory_space<vmem_shared>> -> memref<10240x128xf32, #tpu.memory_space<vmem_shared>>
      tpu.enqueue_indirect_dma source(%arg7 : memref<128x128xf32, #tpu.memory_space<vmem>>) target(%dma_start3A_250 : memref<10240x128xf32, #tpu.memory_space<vmem_shared>>) offsets(%dma_start3A_247 : memref<128xi32, #tpu.memory_space<vmem>>) semaphore(%arg16 : memref<!tpu.dma_semaphore, #tpu.memory_space<semaphore_mem>>) {add = true}
      %dma_wait3A_251 = arith.constant 0 : i32
      %dma_wait3A_252 = arith.constant 0 : i32
      %dma_wait3A_253 = tpu.memref_slice %arg2[%dma_wait3A_251, %dma_wait3A_252] : memref<20480x128xf32, #tpu.memory_space<hbm>> -> memref<128x128xf32, #tpu.memory_space<hbm>>
      %dma_wait3A_254 = arith.constant 0 : i32
      %dma_wait3A_255 = arith.constant 0 : i32
      %dma_wait3A_256 = tpu.memref_slice %arg2[%dma_wait3A_254, %dma_wait3A_255] : memref<20480x128xf32, #tpu.memory_space<hbm>> -> memref<128x128xf32, #tpu.memory_space<hbm>>
      tpu.wait_dma2 semaphore(%arg16 : memref<!tpu.dma_semaphore, #tpu.memory_space<semaphore_mem>>) src(%dma_wait3A_256 : memref<128x128xf32, #tpu.memory_space<hbm>>) dst(%arg7 : memref<128x128xf32, #tpu.memory_space<vmem>>)
      %dma_wait3A_257 = arith.constant 0 : i32
      %dma_wait3A_258 = tpu.memref_slice %arg3[%arg0, %arg1, %add3A_184, %dma_wait3A_257] : memref<2x16x164x128xi32, #tpu.memory_space<hbm>> -> memref<1x1x4x128xi32, #tpu.memory_space<hbm>>
      %dma_wait3A_259 = tpu.memref_squeeze %dma_wait3A_258 : memref<1x1x4x128xi32, #tpu.memory_space<hbm>> -> memref<4x128xi32, #tpu.memory_space<hbm>>
      %dma_wait3A_260 = arith.constant 0 : i32
      %dma_wait3A_261 = tpu.memref_slice %arg3[%arg0, %arg1, %add3A_184, %dma_wait3A_260] : memref<2x16x164x128xi32, #tpu.memory_space<hbm>> -> memref<1x1x4x128xi32, #tpu.memory_space<hbm>>
      %dma_wait3A_262 = tpu.memref_squeeze %dma_wait3A_261 : memref<1x1x4x128xi32, #tpu.memory_space<hbm>> -> memref<4x128xi32, #tpu.memory_space<hbm>>
      tpu.wait_dma2 semaphore(%arg13 : memref<!tpu.dma_semaphore, #tpu.memory_space<semaphore_mem>>) src(%dma_wait3A_262 : memref<4x128xi32, #tpu.memory_space<hbm>>) dst(%arg9 : memref<4x128xi32, #tpu.memory_space<vmem>>)
      %dma_wait3A_263 = arith.constant 0 : i32
      %dma_wait3A_264 = tpu.memref_slice %arg4[%arg1, %add3A_192, %dma_wait3A_263] : memref<16x164x128xi32, #tpu.memory_space<hbm>> -> memref<1x4x128xi32, #tpu.memory_space<hbm>>
      %dma_wait3A_265 = tpu.memref_squeeze %dma_wait3A_264 : memref<1x4x128xi32, #tpu.memory_space<hbm>> -> memref<4x128xi32, #tpu.memory_space<hbm>>
      %dma_wait3A_266 = arith.constant 0 : i32
      %dma_wait3A_267 = tpu.memref_slice %arg4[%arg1, %add3A_192, %dma_wait3A_266] : memref<16x164x128xi32, #tpu.memory_space<hbm>> -> memref<1x4x128xi32, #tpu.memory_space<hbm>>
      %dma_wait3A_268 = tpu.memref_squeeze %dma_wait3A_267 : memref<1x4x128xi32, #tpu.memory_space<hbm>> -> memref<4x128xi32, #tpu.memory_space<hbm>>
      tpu.wait_dma2 semaphore(%arg13 : memref<!tpu.dma_semaphore, #tpu.memory_space<semaphore_mem>>) src(%dma_wait3A_268 : memref<4x128xi32, #tpu.memory_space<hbm>>) dst(%arg10 : memref<4x128xi32, #tpu.memory_space<vmem>>)
      %dma_start3A_269 = arith.constant 0 : i32
      %dma_start3A_270 = arith.constant 0 : i32
      %dma_start3A_271 = tpu.memref_slice %arg9[%dma_start3A_269, %dma_start3A_270] : memref<4x128xi32, #tpu.memory_space<vmem>> -> memref<1x128xi32, #tpu.memory_space<vmem>>
      %dma_start3A_272 = tpu.memref_squeeze %dma_start3A_271 : memref<1x128xi32, #tpu.memory_space<vmem>> -> memref<128xi32, #tpu.memory_space<vmem>>
      %dma_start3A_273 = arith.constant 0 : i32
      %dma_start3A_274 = arith.constant 0 : i32
      %dma_start3A_275 = tpu.memref_slice %arg2[%dma_start3A_273, %dma_start3A_274] : memref<20480x128xf32, #tpu.memory_space<hbm>> -> memref<20480x128xf32, #tpu.memory_space<hbm>>
      tpu.enqueue_indirect_dma source(%dma_start3A_275 : memref<20480x128xf32, #tpu.memory_space<hbm>>) target(%arg7 : memref<128x128xf32, #tpu.memory_space<vmem>>) offsets(%dma_start3A_272 : memref<128xi32, #tpu.memory_space<vmem>>) semaphore(%arg14 : memref<!tpu.dma_semaphore, #tpu.memory_space<semaphore_mem>>)
      %dma_wait3A_276 = arith.constant 0 : i32
      %dma_wait3A_277 = arith.constant 0 : i32
      %dma_wait3A_278 = tpu.memref_slice %arg2[%dma_wait3A_276, %dma_wait3A_277] : memref<20480x128xf32, #tpu.memory_space<hbm>> -> memref<128x128xf32, #tpu.memory_space<hbm>>
      %dma_wait3A_279 = arith.constant 0 : i32
      %dma_wait3A_280 = arith.constant 0 : i32
      %dma_wait3A_281 = tpu.memref_slice %arg2[%dma_wait3A_279, %dma_wait3A_280] : memref<20480x128xf32, #tpu.memory_space<hbm>> -> memref<128x128xf32, #tpu.memory_space<hbm>>
      tpu.wait_dma2 semaphore(%arg15 : memref<!tpu.dma_semaphore, #tpu.memory_space<semaphore_mem>>) src(%dma_wait3A_281 : memref<128x128xf32, #tpu.memory_space<hbm>>) dst(%arg8 : memref<128x128xf32, #tpu.memory_space<vmem>>)
      %dma_start3A_282 = arith.constant 3 : i32
      %dma_start3A_283 = arith.constant 0 : i32
      %dma_start3A_284 = tpu.memref_slice %arg12[%dma_start3A_282, %dma_start3A_283] : memref<4x128xi32, #tpu.memory_space<vmem>> -> memref<1x128xi32, #tpu.memory_space<vmem>>
      %dma_start3A_285 = tpu.memref_squeeze %dma_start3A_284 : memref<1x128xi32, #tpu.memory_space<vmem>> -> memref<128xi32, #tpu.memory_space<vmem>>
      %dma_start3A_286 = arith.constant 0 : i32
      %dma_start3A_287 = arith.constant 0 : i32
      %dma_start3A_288 = tpu.memref_slice %arg6[%dma_start3A_286, %dma_start3A_287] : memref<10240x128xf32, #tpu.memory_space<vmem_shared>> -> memref<10240x128xf32, #tpu.memory_space<vmem_shared>>
      tpu.enqueue_indirect_dma source(%arg8 : memref<128x128xf32, #tpu.memory_space<vmem>>) target(%dma_start3A_288 : memref<10240x128xf32, #tpu.memory_space<vmem_shared>>) offsets(%dma_start3A_285 : memref<128xi32, #tpu.memory_space<vmem>>) semaphore(%arg17 : memref<!tpu.dma_semaphore, #tpu.memory_space<semaphore_mem>>) {add = true}
    }
    %scan3A_13 = arith.constant 20 : i32
    %dma_wait3A = arith.constant 0 : i32
    %dma_wait3A_14 = arith.constant 0 : i32
    %dma_wait3A_15 = tpu.memref_slice %arg2[%dma_wait3A, %dma_wait3A_14] : memref<20480x128xf32, #tpu.memory_space<hbm>> -> memref<128x128xf32, #tpu.memory_space<hbm>>
    %dma_wait3A_16 = arith.constant 0 : i32
    %dma_wait3A_17 = arith.constant 0 : i32
    %dma_wait3A_18 = tpu.memref_slice %arg2[%dma_wait3A_16, %dma_wait3A_17] : memref<20480x128xf32, #tpu.memory_space<hbm>> -> memref<128x128xf32, #tpu.memory_space<hbm>>
    tpu.wait_dma2 semaphore(%arg17 : memref<!tpu.dma_semaphore, #tpu.memory_space<semaphore_mem>>) src(%dma_wait3A_18 : memref<128x128xf32, #tpu.memory_space<hbm>>) dst(%arg8 : memref<128x128xf32, #tpu.memory_space<vmem>>)
    %dma_wait3A_19 = arith.constant 0 : i32
    %dma_wait3A_20 = arith.constant 0 : i32
    %dma_wait3A_21 = tpu.memref_slice %arg2[%dma_wait3A_19, %dma_wait3A_20] : memref<20480x128xf32, #tpu.memory_space<hbm>> -> memref<128x128xf32, #tpu.memory_space<hbm>>
    %dma_wait3A_22 = arith.constant 0 : i32
    %dma_wait3A_23 = arith.constant 0 : i32
    %dma_wait3A_24 = tpu.memref_slice %arg2[%dma_wait3A_22, %dma_wait3A_23] : memref<20480x128xf32, #tpu.memory_space<hbm>> -> memref<128x128xf32, #tpu.memory_space<hbm>>
    tpu.wait_dma2 semaphore(%arg14 : memref<!tpu.dma_semaphore, #tpu.memory_space<semaphore_mem>>) src(%dma_wait3A_24 : memref<128x128xf32, #tpu.memory_space<hbm>>) dst(%arg7 : memref<128x128xf32, #tpu.memory_space<vmem>>)
    %barrier3A_25 = arith.constant 0 : index
    tpu.barrier barrier_id(%barrier3A_25)
    "tpu.region"() ({
      %run_scoped3A = tpu.sem_alloc : memref<!tpu.dma_semaphore, #tpu.memory_space<semaphore_mem>>
      %dma_start3A_26 = arith.constant 0 : i32
      %dma_start3A_27 = tpu.memref_slice %arg5[%arg0, %mul3A_0, %dma_start3A_26] : memref<2x10240x128xf32, #tpu.memory_space<hbm>> -> memref<1x640x128xf32, #tpu.memory_space<hbm>>
      %dma_start3A_28 = tpu.memref_squeeze %dma_start3A_27 : memref<1x640x128xf32, #tpu.memory_space<hbm>> -> memref<640x128xf32, #tpu.memory_space<hbm>>
      %dma_start3A_29 = arith.constant 0 : i32
      %dma_start3A_30 = tpu.memref_slice %arg6[%mul3A_0, %dma_start3A_29] : memref<10240x128xf32, #tpu.memory_space<vmem_shared>> -> memref<640x128xf32, #tpu.memory_space<vmem_shared>>
      tpu.enqueue_dma source(%dma_start3A_30 : memref<640x128xf32, #tpu.memory_space<vmem_shared>>) target(%dma_start3A_28 : memref<640x128xf32, #tpu.memory_space<hbm>>) target_semaphore(%run_scoped3A : memref<!tpu.dma_semaphore, #tpu.memory_space<semaphore_mem>>)
      %dma_wait3A_31 = arith.constant 0 : i32
      %dma_wait3A_32 = tpu.memref_slice %arg5[%arg0, %mul3A_0, %dma_wait3A_31] : memref<2x10240x128xf32, #tpu.memory_space<hbm>> -> memref<1x640x128xf32, #tpu.memory_space<hbm>>
      %dma_wait3A_33 = tpu.memref_squeeze %dma_wait3A_32 : memref<1x640x128xf32, #tpu.memory_space<hbm>> -> memref<640x128xf32, #tpu.memory_space<hbm>>
      %dma_wait3A_34 = arith.constant 0 : i32
      %dma_wait3A_35 = tpu.memref_slice %arg6[%mul3A_0, %dma_wait3A_34] : memref<10240x128xf32, #tpu.memory_space<vmem_shared>> -> memref<640x128xf32, #tpu.memory_space<vmem_shared>>
      tpu.wait_dma2 semaphore(%run_scoped3A : memref<!tpu.dma_semaphore, #tpu.memory_space<semaphore_mem>>) src(%dma_wait3A_35 : memref<640x128xf32, #tpu.memory_space<vmem_shared>>) dst(%dma_wait3A_33 : memref<640x128xf32, #tpu.memory_space<hbm>>)
      tpu.yield
    }) : () -> ()
    return
  }
}

#map = affine_map<(d0, d1) -> (0, 0, 0)>
#map1 = affine_map<(d0, d1) -> (0, 0)>
module attributes {stable_mosaic.version = 14 : i64} {
  func.func @sc_degree_count(%arg0: i32, %arg1: i32, %arg2: memref<16x164x128xi32, #tpu.memory_space<hbm>>, %arg3: memref<10240x128xf32, #tpu.memory_space<hbm>>, %arg4: memref<128x128xf32, #tpu.memory_space<hbm>>, %arg5: memref<2x10240x128xf32, #tpu.memory_space<hbm>>, %arg6: memref<10240x128xf32, #tpu.memory_space<vmem_shared>>, %arg7: memref<80x128xi32, #tpu.memory_space<vmem>>, %arg8: memref<128x128xf32, #tpu.memory_space<vmem>>, %arg9: memref<!tpu.dma_semaphore, #tpu.memory_space<semaphore_mem>>) attributes {dimension_semantics = [#tpu.dimension_semantics<core_parallel>, #tpu.dimension_semantics<subcore_parallel>], iteration_bounds = array<i64: 2, 16>, scalar_prefetch = 0 : i64, scratch_operands = 4 : i64, tpu.core_type = #tpu.core_type<sc_vector_subcore>, window_params = [{transform_indices = #map}, {transform_indices = #map1}, {transform_indices = #map1}, {transform_indices = #map}]} {
    %mul3A = arith.constant 640 : i32
    %mul3A_0 = arith.muli %arg1, %mul3A : i32
    "tpu.region"() ({
      %run_scoped3A = tpu.sem_alloc : memref<!tpu.dma_semaphore, #tpu.memory_space<semaphore_mem>>
      %dma_start3A = arith.constant 0 : i32
      %dma_start3A_9 = tpu.memref_slice %arg6[%mul3A_0, %dma_start3A] : memref<10240x128xf32, #tpu.memory_space<vmem_shared>> -> memref<640x128xf32, #tpu.memory_space<vmem_shared>>
      %dma_start3A_10 = arith.constant 0 : i32
      %dma_start3A_11 = tpu.memref_slice %arg3[%mul3A_0, %dma_start3A_10] : memref<10240x128xf32, #tpu.memory_space<hbm>> -> memref<640x128xf32, #tpu.memory_space<hbm>>
      tpu.enqueue_dma source(%dma_start3A_11 : memref<640x128xf32, #tpu.memory_space<hbm>>) target(%dma_start3A_9 : memref<640x128xf32, #tpu.memory_space<vmem_shared>>) target_semaphore(%run_scoped3A : memref<!tpu.dma_semaphore, #tpu.memory_space<semaphore_mem>>)
      %dma_wait3A = arith.constant 0 : i32
      %dma_wait3A_12 = tpu.memref_slice %arg6[%mul3A_0, %dma_wait3A] : memref<10240x128xf32, #tpu.memory_space<vmem_shared>> -> memref<640x128xf32, #tpu.memory_space<vmem_shared>>
      %dma_wait3A_13 = arith.constant 0 : i32
      %dma_wait3A_14 = tpu.memref_slice %arg3[%mul3A_0, %dma_wait3A_13] : memref<10240x128xf32, #tpu.memory_space<hbm>> -> memref<640x128xf32, #tpu.memory_space<hbm>>
      tpu.wait_dma2 semaphore(%run_scoped3A : memref<!tpu.dma_semaphore, #tpu.memory_space<semaphore_mem>>) src(%dma_wait3A_14 : memref<640x128xf32, #tpu.memory_space<hbm>>) dst(%dma_wait3A_12 : memref<640x128xf32, #tpu.memory_space<vmem_shared>>)
      tpu.yield
    }) : () -> ()
    "tpu.region"() ({
      %run_scoped3A = tpu.sem_alloc : memref<!tpu.dma_semaphore, #tpu.memory_space<semaphore_mem>>
      tpu.enqueue_dma source(%arg4 : memref<128x128xf32, #tpu.memory_space<hbm>>) target(%arg8 : memref<128x128xf32, #tpu.memory_space<vmem>>) target_semaphore(%run_scoped3A : memref<!tpu.dma_semaphore, #tpu.memory_space<semaphore_mem>>)
      tpu.wait_dma2 semaphore(%run_scoped3A : memref<!tpu.dma_semaphore, #tpu.memory_space<semaphore_mem>>) src(%arg4 : memref<128x128xf32, #tpu.memory_space<hbm>>) dst(%arg8 : memref<128x128xf32, #tpu.memory_space<vmem>>)
      tpu.yield
    }) : () -> ()
    %mul3A_1 = arith.constant 80 : i32
    %mul3A_2 = arith.muli %arg0, %mul3A_1 : i32
    "tpu.region"() ({
      %run_scoped3A = tpu.sem_alloc : memref<!tpu.dma_semaphore, #tpu.memory_space<semaphore_mem>>
      %dma_start3A = arith.constant 0 : i32
      %dma_start3A_9 = tpu.memref_slice %arg2[%arg1, %mul3A_2, %dma_start3A] : memref<16x164x128xi32, #tpu.memory_space<hbm>> -> memref<1x80x128xi32, #tpu.memory_space<hbm>>
      %dma_start3A_10 = tpu.memref_squeeze %dma_start3A_9 : memref<1x80x128xi32, #tpu.memory_space<hbm>> -> memref<80x128xi32, #tpu.memory_space<hbm>>
      %dma_start3A_11 = arith.constant 0 : i32
      %dma_start3A_12 = tpu.memref_slice %arg2[%arg1, %mul3A_2, %dma_start3A_11] : memref<16x164x128xi32, #tpu.memory_space<hbm>> -> memref<1x80x128xi32, #tpu.memory_space<hbm>>
      %dma_start3A_13 = tpu.memref_squeeze %dma_start3A_12 : memref<1x80x128xi32, #tpu.memory_space<hbm>> -> memref<80x128xi32, #tpu.memory_space<hbm>>
      tpu.enqueue_dma source(%dma_start3A_13 : memref<80x128xi32, #tpu.memory_space<hbm>>) target(%arg7 : memref<80x128xi32, #tpu.memory_space<vmem>>) target_semaphore(%run_scoped3A : memref<!tpu.dma_semaphore, #tpu.memory_space<semaphore_mem>>)
      %dma_wait3A = arith.constant 0 : i32
      %dma_wait3A_14 = tpu.memref_slice %arg2[%arg1, %mul3A_2, %dma_wait3A] : memref<16x164x128xi32, #tpu.memory_space<hbm>> -> memref<1x80x128xi32, #tpu.memory_space<hbm>>
      %dma_wait3A_15 = tpu.memref_squeeze %dma_wait3A_14 : memref<1x80x128xi32, #tpu.memory_space<hbm>> -> memref<80x128xi32, #tpu.memory_space<hbm>>
      %dma_wait3A_16 = arith.constant 0 : i32
      %dma_wait3A_17 = tpu.memref_slice %arg2[%arg1, %mul3A_2, %dma_wait3A_16] : memref<16x164x128xi32, #tpu.memory_space<hbm>> -> memref<1x80x128xi32, #tpu.memory_space<hbm>>
      %dma_wait3A_18 = tpu.memref_squeeze %dma_wait3A_17 : memref<1x80x128xi32, #tpu.memory_space<hbm>> -> memref<80x128xi32, #tpu.memory_space<hbm>>
      tpu.wait_dma2 semaphore(%run_scoped3A : memref<!tpu.dma_semaphore, #tpu.memory_space<semaphore_mem>>) src(%dma_wait3A_18 : memref<80x128xi32, #tpu.memory_space<hbm>>) dst(%arg7 : memref<80x128xi32, #tpu.memory_space<vmem>>)
      tpu.yield
    }) : () -> ()
    %barrier3A = arith.constant 0 : index
    tpu.barrier barrier_id(%barrier3A)
    %scan3A = arith.constant 0 : i32
    %scan3A_3 = arith.constant 0 : i32
    %scan3A_4 = arith.constant 10 : i32
    %scan3A_5 = arith.addi %scan3A_3, %scan3A_4 : i32
    %scan3A_6 = arith.constant 1 : i32
    scf.for %scan3A_9 = %scan3A_3 to %scan3A_5 step %scan3A_6  : i32 {
      %mul3A_10 = arith.constant 8 : i32
      %mul3A_11 = arith.muli %scan3A_9, %mul3A_10 : i32
      %add3A = arith.constant 0 : i32
      %add3A_12 = arith.addi %mul3A_11, %add3A : i32
      %dma_start3A = arith.constant 0 : i32
      %dma_start3A_13 = tpu.memref_slice %arg7[%add3A_12, %dma_start3A] : memref<80x128xi32, #tpu.memory_space<vmem>> -> memref<1x128xi32, #tpu.memory_space<vmem>>
      %dma_start3A_14 = tpu.memref_squeeze %dma_start3A_13 : memref<1x128xi32, #tpu.memory_space<vmem>> -> memref<128xi32, #tpu.memory_space<vmem>>
      %dma_start3A_15 = arith.constant 0 : i32
      %dma_start3A_16 = arith.constant 0 : i32
      %dma_start3A_17 = tpu.memref_slice %arg6[%dma_start3A_15, %dma_start3A_16] : memref<10240x128xf32, #tpu.memory_space<vmem_shared>> -> memref<10240x128xf32, #tpu.memory_space<vmem_shared>>
      tpu.enqueue_indirect_dma source(%arg8 : memref<128x128xf32, #tpu.memory_space<vmem>>) target(%dma_start3A_17 : memref<10240x128xf32, #tpu.memory_space<vmem_shared>>) offsets(%dma_start3A_14 : memref<128xi32, #tpu.memory_space<vmem>>) semaphore(%arg9 : memref<!tpu.dma_semaphore, #tpu.memory_space<semaphore_mem>>) {add = true}
      %mul3A_18 = arith.constant 8 : i32
      %mul3A_19 = arith.muli %scan3A_9, %mul3A_18 : i32
      %add3A_20 = arith.constant 1 : i32
      %add3A_21 = arith.addi %mul3A_19, %add3A_20 : i32
      %dma_start3A_22 = arith.constant 0 : i32
      %dma_start3A_23 = tpu.memref_slice %arg7[%add3A_21, %dma_start3A_22] : memref<80x128xi32, #tpu.memory_space<vmem>> -> memref<1x128xi32, #tpu.memory_space<vmem>>
      %dma_start3A_24 = tpu.memref_squeeze %dma_start3A_23 : memref<1x128xi32, #tpu.memory_space<vmem>> -> memref<128xi32, #tpu.memory_space<vmem>>
      %dma_start3A_25 = arith.constant 0 : i32
      %dma_start3A_26 = arith.constant 0 : i32
      %dma_start3A_27 = tpu.memref_slice %arg6[%dma_start3A_25, %dma_start3A_26] : memref<10240x128xf32, #tpu.memory_space<vmem_shared>> -> memref<10240x128xf32, #tpu.memory_space<vmem_shared>>
      tpu.enqueue_indirect_dma source(%arg8 : memref<128x128xf32, #tpu.memory_space<vmem>>) target(%dma_start3A_27 : memref<10240x128xf32, #tpu.memory_space<vmem_shared>>) offsets(%dma_start3A_24 : memref<128xi32, #tpu.memory_space<vmem>>) semaphore(%arg9 : memref<!tpu.dma_semaphore, #tpu.memory_space<semaphore_mem>>) {add = true}
      %mul3A_28 = arith.constant 8 : i32
      %mul3A_29 = arith.muli %scan3A_9, %mul3A_28 : i32
      %add3A_30 = arith.constant 2 : i32
      %add3A_31 = arith.addi %mul3A_29, %add3A_30 : i32
      %dma_start3A_32 = arith.constant 0 : i32
      %dma_start3A_33 = tpu.memref_slice %arg7[%add3A_31, %dma_start3A_32] : memref<80x128xi32, #tpu.memory_space<vmem>> -> memref<1x128xi32, #tpu.memory_space<vmem>>
      %dma_start3A_34 = tpu.memref_squeeze %dma_start3A_33 : memref<1x128xi32, #tpu.memory_space<vmem>> -> memref<128xi32, #tpu.memory_space<vmem>>
      %dma_start3A_35 = arith.constant 0 : i32
      %dma_start3A_36 = arith.constant 0 : i32
      %dma_start3A_37 = tpu.memref_slice %arg6[%dma_start3A_35, %dma_start3A_36] : memref<10240x128xf32, #tpu.memory_space<vmem_shared>> -> memref<10240x128xf32, #tpu.memory_space<vmem_shared>>
      tpu.enqueue_indirect_dma source(%arg8 : memref<128x128xf32, #tpu.memory_space<vmem>>) target(%dma_start3A_37 : memref<10240x128xf32, #tpu.memory_space<vmem_shared>>) offsets(%dma_start3A_34 : memref<128xi32, #tpu.memory_space<vmem>>) semaphore(%arg9 : memref<!tpu.dma_semaphore, #tpu.memory_space<semaphore_mem>>) {add = true}
      %mul3A_38 = arith.constant 8 : i32
      %mul3A_39 = arith.muli %scan3A_9, %mul3A_38 : i32
      %add3A_40 = arith.constant 3 : i32
      %add3A_41 = arith.addi %mul3A_39, %add3A_40 : i32
      %dma_start3A_42 = arith.constant 0 : i32
      %dma_start3A_43 = tpu.memref_slice %arg7[%add3A_41, %dma_start3A_42] : memref<80x128xi32, #tpu.memory_space<vmem>> -> memref<1x128xi32, #tpu.memory_space<vmem>>
      %dma_start3A_44 = tpu.memref_squeeze %dma_start3A_43 : memref<1x128xi32, #tpu.memory_space<vmem>> -> memref<128xi32, #tpu.memory_space<vmem>>
      %dma_start3A_45 = arith.constant 0 : i32
      %dma_start3A_46 = arith.constant 0 : i32
      %dma_start3A_47 = tpu.memref_slice %arg6[%dma_start3A_45, %dma_start3A_46] : memref<10240x128xf32, #tpu.memory_space<vmem_shared>> -> memref<10240x128xf32, #tpu.memory_space<vmem_shared>>
      tpu.enqueue_indirect_dma source(%arg8 : memref<128x128xf32, #tpu.memory_space<vmem>>) target(%dma_start3A_47 : memref<10240x128xf32, #tpu.memory_space<vmem_shared>>) offsets(%dma_start3A_44 : memref<128xi32, #tpu.memory_space<vmem>>) semaphore(%arg9 : memref<!tpu.dma_semaphore, #tpu.memory_space<semaphore_mem>>) {add = true}
      %mul3A_48 = arith.constant 8 : i32
      %mul3A_49 = arith.muli %scan3A_9, %mul3A_48 : i32
      %add3A_50 = arith.constant 4 : i32
      %add3A_51 = arith.addi %mul3A_49, %add3A_50 : i32
      %dma_start3A_52 = arith.constant 0 : i32
      %dma_start3A_53 = tpu.memref_slice %arg7[%add3A_51, %dma_start3A_52] : memref<80x128xi32, #tpu.memory_space<vmem>> -> memref<1x128xi32, #tpu.memory_space<vmem>>
      %dma_start3A_54 = tpu.memref_squeeze %dma_start3A_53 : memref<1x128xi32, #tpu.memory_space<vmem>> -> memref<128xi32, #tpu.memory_space<vmem>>
      %dma_start3A_55 = arith.constant 0 : i32
      %dma_start3A_56 = arith.constant 0 : i32
      %dma_start3A_57 = tpu.memref_slice %arg6[%dma_start3A_55, %dma_start3A_56] : memref<10240x128xf32, #tpu.memory_space<vmem_shared>> -> memref<10240x128xf32, #tpu.memory_space<vmem_shared>>
      tpu.enqueue_indirect_dma source(%arg8 : memref<128x128xf32, #tpu.memory_space<vmem>>) target(%dma_start3A_57 : memref<10240x128xf32, #tpu.memory_space<vmem_shared>>) offsets(%dma_start3A_54 : memref<128xi32, #tpu.memory_space<vmem>>) semaphore(%arg9 : memref<!tpu.dma_semaphore, #tpu.memory_space<semaphore_mem>>) {add = true}
      %mul3A_58 = arith.constant 8 : i32
      %mul3A_59 = arith.muli %scan3A_9, %mul3A_58 : i32
      %add3A_60 = arith.constant 5 : i32
      %add3A_61 = arith.addi %mul3A_59, %add3A_60 : i32
      %dma_start3A_62 = arith.constant 0 : i32
      %dma_start3A_63 = tpu.memref_slice %arg7[%add3A_61, %dma_start3A_62] : memref<80x128xi32, #tpu.memory_space<vmem>> -> memref<1x128xi32, #tpu.memory_space<vmem>>
      %dma_start3A_64 = tpu.memref_squeeze %dma_start3A_63 : memref<1x128xi32, #tpu.memory_space<vmem>> -> memref<128xi32, #tpu.memory_space<vmem>>
      %dma_start3A_65 = arith.constant 0 : i32
      %dma_start3A_66 = arith.constant 0 : i32
      %dma_start3A_67 = tpu.memref_slice %arg6[%dma_start3A_65, %dma_start3A_66] : memref<10240x128xf32, #tpu.memory_space<vmem_shared>> -> memref<10240x128xf32, #tpu.memory_space<vmem_shared>>
      tpu.enqueue_indirect_dma source(%arg8 : memref<128x128xf32, #tpu.memory_space<vmem>>) target(%dma_start3A_67 : memref<10240x128xf32, #tpu.memory_space<vmem_shared>>) offsets(%dma_start3A_64 : memref<128xi32, #tpu.memory_space<vmem>>) semaphore(%arg9 : memref<!tpu.dma_semaphore, #tpu.memory_space<semaphore_mem>>) {add = true}
      %mul3A_68 = arith.constant 8 : i32
      %mul3A_69 = arith.muli %scan3A_9, %mul3A_68 : i32
      %add3A_70 = arith.constant 6 : i32
      %add3A_71 = arith.addi %mul3A_69, %add3A_70 : i32
      %dma_start3A_72 = arith.constant 0 : i32
      %dma_start3A_73 = tpu.memref_slice %arg7[%add3A_71, %dma_start3A_72] : memref<80x128xi32, #tpu.memory_space<vmem>> -> memref<1x128xi32, #tpu.memory_space<vmem>>
      %dma_start3A_74 = tpu.memref_squeeze %dma_start3A_73 : memref<1x128xi32, #tpu.memory_space<vmem>> -> memref<128xi32, #tpu.memory_space<vmem>>
      %dma_start3A_75 = arith.constant 0 : i32
      %dma_start3A_76 = arith.constant 0 : i32
      %dma_start3A_77 = tpu.memref_slice %arg6[%dma_start3A_75, %dma_start3A_76] : memref<10240x128xf32, #tpu.memory_space<vmem_shared>> -> memref<10240x128xf32, #tpu.memory_space<vmem_shared>>
      tpu.enqueue_indirect_dma source(%arg8 : memref<128x128xf32, #tpu.memory_space<vmem>>) target(%dma_start3A_77 : memref<10240x128xf32, #tpu.memory_space<vmem_shared>>) offsets(%dma_start3A_74 : memref<128xi32, #tpu.memory_space<vmem>>) semaphore(%arg9 : memref<!tpu.dma_semaphore, #tpu.memory_space<semaphore_mem>>) {add = true}
      %mul3A_78 = arith.constant 8 : i32
      %mul3A_79 = arith.muli %scan3A_9, %mul3A_78 : i32
      %add3A_80 = arith.constant 7 : i32
      %add3A_81 = arith.addi %mul3A_79, %add3A_80 : i32
      %dma_start3A_82 = arith.constant 0 : i32
      %dma_start3A_83 = tpu.memref_slice %arg7[%add3A_81, %dma_start3A_82] : memref<80x128xi32, #tpu.memory_space<vmem>> -> memref<1x128xi32, #tpu.memory_space<vmem>>
      %dma_start3A_84 = tpu.memref_squeeze %dma_start3A_83 : memref<1x128xi32, #tpu.memory_space<vmem>> -> memref<128xi32, #tpu.memory_space<vmem>>
      %dma_start3A_85 = arith.constant 0 : i32
      %dma_start3A_86 = arith.constant 0 : i32
      %dma_start3A_87 = tpu.memref_slice %arg6[%dma_start3A_85, %dma_start3A_86] : memref<10240x128xf32, #tpu.memory_space<vmem_shared>> -> memref<10240x128xf32, #tpu.memory_space<vmem_shared>>
      tpu.enqueue_indirect_dma source(%arg8 : memref<128x128xf32, #tpu.memory_space<vmem>>) target(%dma_start3A_87 : memref<10240x128xf32, #tpu.memory_space<vmem_shared>>) offsets(%dma_start3A_84 : memref<128xi32, #tpu.memory_space<vmem>>) semaphore(%arg9 : memref<!tpu.dma_semaphore, #tpu.memory_space<semaphore_mem>>) {add = true}
      %dma_wait3A = arith.constant 0 : i32
      %dma_wait3A_88 = tpu.memref_slice %arg7[%add3A_12, %dma_wait3A] : memref<80x128xi32, #tpu.memory_space<vmem>> -> memref<1x128xi32, #tpu.memory_space<vmem>>
      %dma_wait3A_89 = tpu.memref_squeeze %dma_wait3A_88 : memref<1x128xi32, #tpu.memory_space<vmem>> -> memref<128xi32, #tpu.memory_space<vmem>>
      %dma_wait3A_90 = arith.constant 0 : i32
      %dma_wait3A_91 = arith.constant 0 : i32
      %dma_wait3A_92 = tpu.memref_slice %arg6[%dma_wait3A_90, %dma_wait3A_91] : memref<10240x128xf32, #tpu.memory_space<vmem_shared>> -> memref<10240x128xf32, #tpu.memory_space<vmem_shared>>
      tpu.wait_indirect_dma semaphore(%arg9 : memref<!tpu.dma_semaphore, #tpu.memory_space<semaphore_mem>>) src(%arg8 : memref<128x128xf32, #tpu.memory_space<vmem>>) dst(%dma_wait3A_92 : memref<10240x128xf32, #tpu.memory_space<vmem_shared>>)
      %dma_wait3A_93 = arith.constant 0 : i32
      %dma_wait3A_94 = tpu.memref_slice %arg7[%add3A_21, %dma_wait3A_93] : memref<80x128xi32, #tpu.memory_space<vmem>> -> memref<1x128xi32, #tpu.memory_space<vmem>>
      %dma_wait3A_95 = tpu.memref_squeeze %dma_wait3A_94 : memref<1x128xi32, #tpu.memory_space<vmem>> -> memref<128xi32, #tpu.memory_space<vmem>>
      %dma_wait3A_96 = arith.constant 0 : i32
      %dma_wait3A_97 = arith.constant 0 : i32
      %dma_wait3A_98 = tpu.memref_slice %arg6[%dma_wait3A_96, %dma_wait3A_97] : memref<10240x128xf32, #tpu.memory_space<vmem_shared>> -> memref<10240x128xf32, #tpu.memory_space<vmem_shared>>
      tpu.wait_indirect_dma semaphore(%arg9 : memref<!tpu.dma_semaphore, #tpu.memory_space<semaphore_mem>>) src(%arg8 : memref<128x128xf32, #tpu.memory_space<vmem>>) dst(%dma_wait3A_98 : memref<10240x128xf32, #tpu.memory_space<vmem_shared>>)
      %dma_wait3A_99 = arith.constant 0 : i32
      %dma_wait3A_100 = tpu.memref_slice %arg7[%add3A_31, %dma_wait3A_99] : memref<80x128xi32, #tpu.memory_space<vmem>> -> memref<1x128xi32, #tpu.memory_space<vmem>>
      %dma_wait3A_101 = tpu.memref_squeeze %dma_wait3A_100 : memref<1x128xi32, #tpu.memory_space<vmem>> -> memref<128xi32, #tpu.memory_space<vmem>>
      %dma_wait3A_102 = arith.constant 0 : i32
      %dma_wait3A_103 = arith.constant 0 : i32
      %dma_wait3A_104 = tpu.memref_slice %arg6[%dma_wait3A_102, %dma_wait3A_103] : memref<10240x128xf32, #tpu.memory_space<vmem_shared>> -> memref<10240x128xf32, #tpu.memory_space<vmem_shared>>
      tpu.wait_indirect_dma semaphore(%arg9 : memref<!tpu.dma_semaphore, #tpu.memory_space<semaphore_mem>>) src(%arg8 : memref<128x128xf32, #tpu.memory_space<vmem>>) dst(%dma_wait3A_104 : memref<10240x128xf32, #tpu.memory_space<vmem_shared>>)
      %dma_wait3A_105 = arith.constant 0 : i32
      %dma_wait3A_106 = tpu.memref_slice %arg7[%add3A_41, %dma_wait3A_105] : memref<80x128xi32, #tpu.memory_space<vmem>> -> memref<1x128xi32, #tpu.memory_space<vmem>>
      %dma_wait3A_107 = tpu.memref_squeeze %dma_wait3A_106 : memref<1x128xi32, #tpu.memory_space<vmem>> -> memref<128xi32, #tpu.memory_space<vmem>>
      %dma_wait3A_108 = arith.constant 0 : i32
      %dma_wait3A_109 = arith.constant 0 : i32
      %dma_wait3A_110 = tpu.memref_slice %arg6[%dma_wait3A_108, %dma_wait3A_109] : memref<10240x128xf32, #tpu.memory_space<vmem_shared>> -> memref<10240x128xf32, #tpu.memory_space<vmem_shared>>
      tpu.wait_indirect_dma semaphore(%arg9 : memref<!tpu.dma_semaphore, #tpu.memory_space<semaphore_mem>>) src(%arg8 : memref<128x128xf32, #tpu.memory_space<vmem>>) dst(%dma_wait3A_110 : memref<10240x128xf32, #tpu.memory_space<vmem_shared>>)
      %dma_wait3A_111 = arith.constant 0 : i32
      %dma_wait3A_112 = tpu.memref_slice %arg7[%add3A_51, %dma_wait3A_111] : memref<80x128xi32, #tpu.memory_space<vmem>> -> memref<1x128xi32, #tpu.memory_space<vmem>>
      %dma_wait3A_113 = tpu.memref_squeeze %dma_wait3A_112 : memref<1x128xi32, #tpu.memory_space<vmem>> -> memref<128xi32, #tpu.memory_space<vmem>>
      %dma_wait3A_114 = arith.constant 0 : i32
      %dma_wait3A_115 = arith.constant 0 : i32
      %dma_wait3A_116 = tpu.memref_slice %arg6[%dma_wait3A_114, %dma_wait3A_115] : memref<10240x128xf32, #tpu.memory_space<vmem_shared>> -> memref<10240x128xf32, #tpu.memory_space<vmem_shared>>
      tpu.wait_indirect_dma semaphore(%arg9 : memref<!tpu.dma_semaphore, #tpu.memory_space<semaphore_mem>>) src(%arg8 : memref<128x128xf32, #tpu.memory_space<vmem>>) dst(%dma_wait3A_116 : memref<10240x128xf32, #tpu.memory_space<vmem_shared>>)
      %dma_wait3A_117 = arith.constant 0 : i32
      %dma_wait3A_118 = tpu.memref_slice %arg7[%add3A_61, %dma_wait3A_117] : memref<80x128xi32, #tpu.memory_space<vmem>> -> memref<1x128xi32, #tpu.memory_space<vmem>>
      %dma_wait3A_119 = tpu.memref_squeeze %dma_wait3A_118 : memref<1x128xi32, #tpu.memory_space<vmem>> -> memref<128xi32, #tpu.memory_space<vmem>>
      %dma_wait3A_120 = arith.constant 0 : i32
      %dma_wait3A_121 = arith.constant 0 : i32
      %dma_wait3A_122 = tpu.memref_slice %arg6[%dma_wait3A_120, %dma_wait3A_121] : memref<10240x128xf32, #tpu.memory_space<vmem_shared>> -> memref<10240x128xf32, #tpu.memory_space<vmem_shared>>
      tpu.wait_indirect_dma semaphore(%arg9 : memref<!tpu.dma_semaphore, #tpu.memory_space<semaphore_mem>>) src(%arg8 : memref<128x128xf32, #tpu.memory_space<vmem>>) dst(%dma_wait3A_122 : memref<10240x128xf32, #tpu.memory_space<vmem_shared>>)
      %dma_wait3A_123 = arith.constant 0 : i32
      %dma_wait3A_124 = tpu.memref_slice %arg7[%add3A_71, %dma_wait3A_123] : memref<80x128xi32, #tpu.memory_space<vmem>> -> memref<1x128xi32, #tpu.memory_space<vmem>>
      %dma_wait3A_125 = tpu.memref_squeeze %dma_wait3A_124 : memref<1x128xi32, #tpu.memory_space<vmem>> -> memref<128xi32, #tpu.memory_space<vmem>>
      %dma_wait3A_126 = arith.constant 0 : i32
      %dma_wait3A_127 = arith.constant 0 : i32
      %dma_wait3A_128 = tpu.memref_slice %arg6[%dma_wait3A_126, %dma_wait3A_127] : memref<10240x128xf32, #tpu.memory_space<vmem_shared>> -> memref<10240x128xf32, #tpu.memory_space<vmem_shared>>
      tpu.wait_indirect_dma semaphore(%arg9 : memref<!tpu.dma_semaphore, #tpu.memory_space<semaphore_mem>>) src(%arg8 : memref<128x128xf32, #tpu.memory_space<vmem>>) dst(%dma_wait3A_128 : memref<10240x128xf32, #tpu.memory_space<vmem_shared>>)
      %dma_wait3A_129 = arith.constant 0 : i32
      %dma_wait3A_130 = tpu.memref_slice %arg7[%add3A_81, %dma_wait3A_129] : memref<80x128xi32, #tpu.memory_space<vmem>> -> memref<1x128xi32, #tpu.memory_space<vmem>>
      %dma_wait3A_131 = tpu.memref_squeeze %dma_wait3A_130 : memref<1x128xi32, #tpu.memory_space<vmem>> -> memref<128xi32, #tpu.memory_space<vmem>>
      %dma_wait3A_132 = arith.constant 0 : i32
      %dma_wait3A_133 = arith.constant 0 : i32
      %dma_wait3A_134 = tpu.memref_slice %arg6[%dma_wait3A_132, %dma_wait3A_133] : memref<10240x128xf32, #tpu.memory_space<vmem_shared>> -> memref<10240x128xf32, #tpu.memory_space<vmem_shared>>
      tpu.wait_indirect_dma semaphore(%arg9 : memref<!tpu.dma_semaphore, #tpu.memory_space<semaphore_mem>>) src(%arg8 : memref<128x128xf32, #tpu.memory_space<vmem>>) dst(%dma_wait3A_134 : memref<10240x128xf32, #tpu.memory_space<vmem_shared>>)
    }
    %scan3A_7 = arith.constant 10 : i32
    %barrier3A_8 = arith.constant 0 : index
    tpu.barrier barrier_id(%barrier3A_8)
    "tpu.region"() ({
      %run_scoped3A = tpu.sem_alloc : memref<!tpu.dma_semaphore, #tpu.memory_space<semaphore_mem>>
      %dma_start3A = arith.constant 0 : i32
      %dma_start3A_9 = tpu.memref_slice %arg5[%arg0, %mul3A_0, %dma_start3A] : memref<2x10240x128xf32, #tpu.memory_space<hbm>> -> memref<1x640x128xf32, #tpu.memory_space<hbm>>
      %dma_start3A_10 = tpu.memref_squeeze %dma_start3A_9 : memref<1x640x128xf32, #tpu.memory_space<hbm>> -> memref<640x128xf32, #tpu.memory_space<hbm>>
      %dma_start3A_11 = arith.constant 0 : i32
      %dma_start3A_12 = tpu.memref_slice %arg6[%mul3A_0, %dma_start3A_11] : memref<10240x128xf32, #tpu.memory_space<vmem_shared>> -> memref<640x128xf32, #tpu.memory_space<vmem_shared>>
      tpu.enqueue_dma source(%dma_start3A_12 : memref<640x128xf32, #tpu.memory_space<vmem_shared>>) target(%dma_start3A_10 : memref<640x128xf32, #tpu.memory_space<hbm>>) target_semaphore(%run_scoped3A : memref<!tpu.dma_semaphore, #tpu.memory_space<semaphore_mem>>)
      %dma_wait3A = arith.constant 0 : i32
      %dma_wait3A_13 = tpu.memref_slice %arg5[%arg0, %mul3A_0, %dma_wait3A] : memref<2x10240x128xf32, #tpu.memory_space<hbm>> -> memref<1x640x128xf32, #tpu.memory_space<hbm>>
      %dma_wait3A_14 = tpu.memref_squeeze %dma_wait3A_13 : memref<1x640x128xf32, #tpu.memory_space<hbm>> -> memref<640x128xf32, #tpu.memory_space<hbm>>
      %dma_wait3A_15 = arith.constant 0 : i32
      %dma_wait3A_16 = tpu.memref_slice %arg6[%mul3A_0, %dma_wait3A_15] : memref<10240x128xf32, #tpu.memory_space<vmem_shared>> -> memref<640x128xf32, #tpu.memory_space<vmem_shared>>
      tpu.wait_dma2 semaphore(%run_scoped3A : memref<!tpu.dma_semaphore, #tpu.memory_space<semaphore_mem>>) src(%dma_wait3A_16 : memref<640x128xf32, #tpu.memory_space<vmem_shared>>) dst(%dma_wait3A_14 : memref<640x128xf32, #tpu.memory_space<hbm>>)
      tpu.yield
    }) : () -> ()
    return
  }
}

#map = affine_map<(d0, d1) -> (0, 0)>
#map1 = affine_map<(d0, d1) -> (0, 0, 0, 0)>
#map2 = affine_map<(d0, d1) -> (0, 0, 0)>
module attributes {stable_mosaic.version = 14 : i64} {
  func.func @sc_edge_aggregate(%arg0: i32, %arg1: i32, %arg2: memref<20480x128xf32, #tpu.memory_space<hbm>>, %arg3: memref<2x16x164x128xi32, #tpu.memory_space<hbm>>, %arg4: memref<16x164x128xi32, #tpu.memory_space<hbm>>, %arg5: memref<2x10240x128xf32, #tpu.memory_space<hbm>>, %arg6: memref<10240x128xf32, #tpu.memory_space<vmem_shared>>, %arg7: memref<128x128xf32, #tpu.memory_space<vmem>>, %arg8: memref<128x128xf32, #tpu.memory_space<vmem>>, %arg9: memref<4x128xi32, #tpu.memory_space<vmem>>, %arg10: memref<4x128xi32, #tpu.memory_space<vmem>>, %arg11: memref<4x128xi32, #tpu.memory_space<vmem>>, %arg12: memref<4x128xi32, #tpu.memory_space<vmem>>, %arg13: memref<!tpu.dma_semaphore, #tpu.memory_space<semaphore_mem>>, %arg14: memref<!tpu.dma_semaphore, #tpu.memory_space<semaphore_mem>>, %arg15: memref<!tpu.dma_semaphore, #tpu.memory_space<semaphore_mem>>, %arg16: memref<!tpu.dma_semaphore, #tpu.memory_space<semaphore_mem>>, %arg17: memref<!tpu.dma_semaphore, #tpu.memory_space<semaphore_mem>>) attributes {dimension_semantics = [#tpu.dimension_semantics<core_parallel>, #tpu.dimension_semantics<subcore_parallel>], iteration_bounds = array<i64: 2, 16>, scalar_prefetch = 0 : i64, scratch_operands = 12 : i64, tpu.core_type = #tpu.core_type<sc_vector_subcore>, window_params = [{transform_indices = #map}, {transform_indices = #map1}, {transform_indices = #map2}, {transform_indices = #map2}]} {
    %mul3A = arith.constant 640 : i32
    %mul3A_0 = arith.muli %arg1, %mul3A : i32
    %mul3A_1 = arith.constant 10240 : i32
    %mul3A_2 = arith.muli %arg0, %mul3A_1 : i32
    %add3A = arith.addi %mul3A_2, %mul3A_0 : i32
    "tpu.region"() ({
      %run_scoped3A = tpu.sem_alloc : memref<!tpu.dma_semaphore, #tpu.memory_space<semaphore_mem>>
      %dma_start3A_26 = arith.constant 0 : i32
      %dma_start3A_27 = tpu.memref_slice %arg6[%mul3A_0, %dma_start3A_26] : memref<10240x128xf32, #tpu.memory_space<vmem_shared>> -> memref<640x128xf32, #tpu.memory_space<vmem_shared>>
      %dma_start3A_28 = arith.constant 0 : i32
      %dma_start3A_29 = tpu.memref_slice %arg2[%add3A, %dma_start3A_28] : memref<20480x128xf32, #tpu.memory_space<hbm>> -> memref<640x128xf32, #tpu.memory_space<hbm>>
      tpu.enqueue_dma source(%dma_start3A_29 : memref<640x128xf32, #tpu.memory_space<hbm>>) target(%dma_start3A_27 : memref<640x128xf32, #tpu.memory_space<vmem_shared>>) target_semaphore(%run_scoped3A : memref<!tpu.dma_semaphore, #tpu.memory_space<semaphore_mem>>)
      %dma_wait3A_30 = arith.constant 0 : i32
      %dma_wait3A_31 = tpu.memref_slice %arg6[%mul3A_0, %dma_wait3A_30] : memref<10240x128xf32, #tpu.memory_space<vmem_shared>> -> memref<640x128xf32, #tpu.memory_space<vmem_shared>>
      %dma_wait3A_32 = arith.constant 0 : i32
      %dma_wait3A_33 = tpu.memref_slice %arg2[%add3A, %dma_wait3A_32] : memref<20480x128xf32, #tpu.memory_space<hbm>> -> memref<640x128xf32, #tpu.memory_space<hbm>>
      tpu.wait_dma2 semaphore(%run_scoped3A : memref<!tpu.dma_semaphore, #tpu.memory_space<semaphore_mem>>) src(%dma_wait3A_33 : memref<640x128xf32, #tpu.memory_space<hbm>>) dst(%dma_wait3A_31 : memref<640x128xf32, #tpu.memory_space<vmem_shared>>)
      tpu.yield
    }) : () -> ()
    "tpu.region"() ({
      %run_scoped3A = tpu.sem_alloc : memref<!tpu.dma_semaphore, #tpu.memory_space<semaphore_mem>>
      %dma_start3A_26 = arith.constant 0 : i32
      %dma_start3A_27 = arith.constant 0 : i32
      %dma_start3A_28 = tpu.memref_slice %arg3[%arg0, %arg1, %dma_start3A_26, %dma_start3A_27] : memref<2x16x164x128xi32, #tpu.memory_space<hbm>> -> memref<1x1x4x128xi32, #tpu.memory_space<hbm>>
      %dma_start3A_29 = tpu.memref_squeeze %dma_start3A_28 : memref<1x1x4x128xi32, #tpu.memory_space<hbm>> -> memref<4x128xi32, #tpu.memory_space<hbm>>
      %dma_start3A_30 = arith.constant 0 : i32
      %dma_start3A_31 = arith.constant 0 : i32
      %dma_start3A_32 = tpu.memref_slice %arg3[%arg0, %arg1, %dma_start3A_30, %dma_start3A_31] : memref<2x16x164x128xi32, #tpu.memory_space<hbm>> -> memref<1x1x4x128xi32, #tpu.memory_space<hbm>>
      %dma_start3A_33 = tpu.memref_squeeze %dma_start3A_32 : memref<1x1x4x128xi32, #tpu.memory_space<hbm>> -> memref<4x128xi32, #tpu.memory_space<hbm>>
      tpu.enqueue_dma source(%dma_start3A_33 : memref<4x128xi32, #tpu.memory_space<hbm>>) target(%arg9 : memref<4x128xi32, #tpu.memory_space<vmem>>) target_semaphore(%run_scoped3A : memref<!tpu.dma_semaphore, #tpu.memory_space<semaphore_mem>>)
      %dma_wait3A_34 = arith.constant 0 : i32
      %dma_wait3A_35 = arith.constant 0 : i32
      %dma_wait3A_36 = tpu.memref_slice %arg3[%arg0, %arg1, %dma_wait3A_34, %dma_wait3A_35] : memref<2x16x164x128xi32, #tpu.memory_space<hbm>> -> memref<1x1x4x128xi32, #tpu.memory_space<hbm>>
      %dma_wait3A_37 = tpu.memref_squeeze %dma_wait3A_36 : memref<1x1x4x128xi32, #tpu.memory_space<hbm>> -> memref<4x128xi32, #tpu.memory_space<hbm>>
      %dma_wait3A_38 = arith.constant 0 : i32
      %dma_wait3A_39 = arith.constant 0 : i32
      %dma_wait3A_40 = tpu.memref_slice %arg3[%arg0, %arg1, %dma_wait3A_38, %dma_wait3A_39] : memref<2x16x164x128xi32, #tpu.memory_space<hbm>> -> memref<1x1x4x128xi32, #tpu.memory_space<hbm>>
      %dma_wait3A_41 = tpu.memref_squeeze %dma_wait3A_40 : memref<1x1x4x128xi32, #tpu.memory_space<hbm>> -> memref<4x128xi32, #tpu.memory_space<hbm>>
      tpu.wait_dma2 semaphore(%run_scoped3A : memref<!tpu.dma_semaphore, #tpu.memory_space<semaphore_mem>>) src(%dma_wait3A_41 : memref<4x128xi32, #tpu.memory_space<hbm>>) dst(%arg9 : memref<4x128xi32, #tpu.memory_space<vmem>>)
      tpu.yield
    }) : () -> ()
    "tpu.region"() ({
      %run_scoped3A = tpu.sem_alloc : memref<!tpu.dma_semaphore, #tpu.memory_space<semaphore_mem>>
      %dma_start3A_26 = arith.constant 0 : i32
      %dma_start3A_27 = arith.constant 0 : i32
      %dma_start3A_28 = tpu.memref_slice %arg4[%arg1, %dma_start3A_26, %dma_start3A_27] : memref<16x164x128xi32, #tpu.memory_space<hbm>> -> memref<1x4x128xi32, #tpu.memory_space<hbm>>
      %dma_start3A_29 = tpu.memref_squeeze %dma_start3A_28 : memref<1x4x128xi32, #tpu.memory_space<hbm>> -> memref<4x128xi32, #tpu.memory_space<hbm>>
      %dma_start3A_30 = arith.constant 0 : i32
      %dma_start3A_31 = arith.constant 0 : i32
      %dma_start3A_32 = tpu.memref_slice %arg4[%arg1, %dma_start3A_30, %dma_start3A_31] : memref<16x164x128xi32, #tpu.memory_space<hbm>> -> memref<1x4x128xi32, #tpu.memory_space<hbm>>
      %dma_start3A_33 = tpu.memref_squeeze %dma_start3A_32 : memref<1x4x128xi32, #tpu.memory_space<hbm>> -> memref<4x128xi32, #tpu.memory_space<hbm>>
      tpu.enqueue_dma source(%dma_start3A_33 : memref<4x128xi32, #tpu.memory_space<hbm>>) target(%arg10 : memref<4x128xi32, #tpu.memory_space<vmem>>) target_semaphore(%run_scoped3A : memref<!tpu.dma_semaphore, #tpu.memory_space<semaphore_mem>>)
      %dma_wait3A_34 = arith.constant 0 : i32
      %dma_wait3A_35 = arith.constant 0 : i32
      %dma_wait3A_36 = tpu.memref_slice %arg4[%arg1, %dma_wait3A_34, %dma_wait3A_35] : memref<16x164x128xi32, #tpu.memory_space<hbm>> -> memref<1x4x128xi32, #tpu.memory_space<hbm>>
      %dma_wait3A_37 = tpu.memref_squeeze %dma_wait3A_36 : memref<1x4x128xi32, #tpu.memory_space<hbm>> -> memref<4x128xi32, #tpu.memory_space<hbm>>
      %dma_wait3A_38 = arith.constant 0 : i32
      %dma_wait3A_39 = arith.constant 0 : i32
      %dma_wait3A_40 = tpu.memref_slice %arg4[%arg1, %dma_wait3A_38, %dma_wait3A_39] : memref<16x164x128xi32, #tpu.memory_space<hbm>> -> memref<1x4x128xi32, #tpu.memory_space<hbm>>
      %dma_wait3A_41 = tpu.memref_squeeze %dma_wait3A_40 : memref<1x4x128xi32, #tpu.memory_space<hbm>> -> memref<4x128xi32, #tpu.memory_space<hbm>>
      tpu.wait_dma2 semaphore(%run_scoped3A : memref<!tpu.dma_semaphore, #tpu.memory_space<semaphore_mem>>) src(%dma_wait3A_41 : memref<4x128xi32, #tpu.memory_space<hbm>>) dst(%arg10 : memref<4x128xi32, #tpu.memory_space<vmem>>)
      tpu.yield
    }) : () -> ()
    %dma_start3A = arith.constant 0 : i32
    %dma_start3A_3 = arith.constant 0 : i32
    %dma_start3A_4 = tpu.memref_slice %arg9[%dma_start3A, %dma_start3A_3] : memref<4x128xi32, #tpu.memory_space<vmem>> -> memref<1x128xi32, #tpu.memory_space<vmem>>
    %dma_start3A_5 = tpu.memref_squeeze %dma_start3A_4 : memref<1x128xi32, #tpu.memory_space<vmem>> -> memref<128xi32, #tpu.memory_space<vmem>>
    %dma_start3A_6 = arith.constant 0 : i32
    %dma_start3A_7 = arith.constant 0 : i32
    %dma_start3A_8 = tpu.memref_slice %arg2[%dma_start3A_6, %dma_start3A_7] : memref<20480x128xf32, #tpu.memory_space<hbm>> -> memref<20480x128xf32, #tpu.memory_space<hbm>>
    tpu.enqueue_indirect_dma source(%dma_start3A_8 : memref<20480x128xf32, #tpu.memory_space<hbm>>) target(%arg7 : memref<128x128xf32, #tpu.memory_space<vmem>>) offsets(%dma_start3A_5 : memref<128xi32, #tpu.memory_space<vmem>>) semaphore(%arg14 : memref<!tpu.dma_semaphore, #tpu.memory_space<semaphore_mem>>)
    %barrier3A = arith.constant 0 : index
    tpu.barrier barrier_id(%barrier3A)
    %scan3A = arith.constant 0 : i32
    %scan3A_9 = arith.constant 0 : i32
    %scan3A_10 = arith.constant 20 : i32
    %scan3A_11 = arith.addi %scan3A_9, %scan3A_10 : i32
    %scan3A_12 = arith.constant 1 : i32
    scf.for %scan3A_26 = %scan3A_9 to %scan3A_11 step %scan3A_12  : i32 {
      %mul3A_27 = arith.constant 8 : i32
      %mul3A_28 = arith.muli %mul3A_27, %scan3A_26 : i32
      %gt3A = arith.constant 0 : i32
      %gt3A_29 = arith.cmpi sgt, %scan3A_26, %gt3A : i32
      %convert_element_type3A = arith.extui %gt3A_29 : i1 to i32
      %cond3A = arith.constant 0 : i32
      %cond3A_30 = arith.cmpi ne, %convert_element_type3A, %cond3A : i32
      scf.if %cond3A_30 {
        %dma_wait3A_289 = arith.constant 0 : i32
        %dma_wait3A_290 = arith.constant 0 : i32
        %dma_wait3A_291 = tpu.memref_slice %arg2[%dma_wait3A_289, %dma_wait3A_290] : memref<20480x128xf32, #tpu.memory_space<hbm>> -> memref<128x128xf32, #tpu.memory_space<hbm>>
        %dma_wait3A_292 = arith.constant 0 : i32
        %dma_wait3A_293 = arith.constant 0 : i32
        %dma_wait3A_294 = tpu.memref_slice %arg2[%dma_wait3A_292, %dma_wait3A_293] : memref<20480x128xf32, #tpu.memory_space<hbm>> -> memref<128x128xf32, #tpu.memory_space<hbm>>
        tpu.wait_dma2 semaphore(%arg17 : memref<!tpu.dma_semaphore, #tpu.memory_space<semaphore_mem>>) src(%dma_wait3A_294 : memref<128x128xf32, #tpu.memory_space<hbm>>) dst(%arg8 : memref<128x128xf32, #tpu.memory_space<vmem>>)
      } else {
      }
      %dma_start3A_31 = arith.constant 1 : i32
      %dma_start3A_32 = arith.constant 0 : i32
      %dma_start3A_33 = tpu.memref_slice %arg9[%dma_start3A_31, %dma_start3A_32] : memref<4x128xi32, #tpu.memory_space<vmem>> -> memref<1x128xi32, #tpu.memory_space<vmem>>
      %dma_start3A_34 = tpu.memref_squeeze %dma_start3A_33 : memref<1x128xi32, #tpu.memory_space<vmem>> -> memref<128xi32, #tpu.memory_space<vmem>>
      %dma_start3A_35 = arith.constant 0 : i32
      %dma_start3A_36 = arith.constant 0 : i32
      %dma_start3A_37 = tpu.memref_slice %arg2[%dma_start3A_35, %dma_start3A_36] : memref<20480x128xf32, #tpu.memory_space<hbm>> -> memref<20480x128xf32, #tpu.memory_space<hbm>>
      tpu.enqueue_indirect_dma source(%dma_start3A_37 : memref<20480x128xf32, #tpu.memory_space<hbm>>) target(%arg8 : memref<128x128xf32, #tpu.memory_space<vmem>>) offsets(%dma_start3A_34 : memref<128xi32, #tpu.memory_space<vmem>>) semaphore(%arg15 : memref<!tpu.dma_semaphore, #tpu.memory_space<semaphore_mem>>)
      %dma_wait3A_38 = arith.constant 0 : i32
      %dma_wait3A_39 = arith.constant 0 : i32
      %dma_wait3A_40 = tpu.memref_slice %arg2[%dma_wait3A_38, %dma_wait3A_39] : memref<20480x128xf32, #tpu.memory_space<hbm>> -> memref<128x128xf32, #tpu.memory_space<hbm>>
      %dma_wait3A_41 = arith.constant 0 : i32
      %dma_wait3A_42 = arith.constant 0 : i32
      %dma_wait3A_43 = tpu.memref_slice %arg2[%dma_wait3A_41, %dma_wait3A_42] : memref<20480x128xf32, #tpu.memory_space<hbm>> -> memref<128x128xf32, #tpu.memory_space<hbm>>
      tpu.wait_dma2 semaphore(%arg14 : memref<!tpu.dma_semaphore, #tpu.memory_space<semaphore_mem>>) src(%dma_wait3A_43 : memref<128x128xf32, #tpu.memory_space<hbm>>) dst(%arg7 : memref<128x128xf32, #tpu.memory_space<vmem>>)
      %dma_start3A_44 = arith.constant 0 : i32
      %dma_start3A_45 = arith.constant 0 : i32
      %dma_start3A_46 = tpu.memref_slice %arg10[%dma_start3A_44, %dma_start3A_45] : memref<4x128xi32, #tpu.memory_space<vmem>> -> memref<1x128xi32, #tpu.memory_space<vmem>>
      %dma_start3A_47 = tpu.memref_squeeze %dma_start3A_46 : memref<1x128xi32, #tpu.memory_space<vmem>> -> memref<128xi32, #tpu.memory_space<vmem>>
      %dma_start3A_48 = arith.constant 0 : i32
      %dma_start3A_49 = arith.constant 0 : i32
      %dma_start3A_50 = tpu.memref_slice %arg6[%dma_start3A_48, %dma_start3A_49] : memref<10240x128xf32, #tpu.memory_space<vmem_shared>> -> memref<10240x128xf32, #tpu.memory_space<vmem_shared>>
      tpu.enqueue_indirect_dma source(%arg7 : memref<128x128xf32, #tpu.memory_space<vmem>>) target(%dma_start3A_50 : memref<10240x128xf32, #tpu.memory_space<vmem_shared>>) offsets(%dma_start3A_47 : memref<128xi32, #tpu.memory_space<vmem>>) semaphore(%arg16 : memref<!tpu.dma_semaphore, #tpu.memory_space<semaphore_mem>>) {add = true}
      %add3A_51 = arith.constant 4 : i32
      %add3A_52 = arith.addi %mul3A_28, %add3A_51 : i32
      %dma_start3A_53 = arith.constant 0 : i32
      %dma_start3A_54 = tpu.memref_slice %arg3[%arg0, %arg1, %add3A_52, %dma_start3A_53] : memref<2x16x164x128xi32, #tpu.memory_space<hbm>> -> memref<1x1x4x128xi32, #tpu.memory_space<hbm>>
      %dma_start3A_55 = tpu.memref_squeeze %dma_start3A_54 : memref<1x1x4x128xi32, #tpu.memory_space<hbm>> -> memref<4x128xi32, #tpu.memory_space<hbm>>
      %dma_start3A_56 = arith.constant 0 : i32
      %dma_start3A_57 = tpu.memref_slice %arg3[%arg0, %arg1, %add3A_52, %dma_start3A_56] : memref<2x16x164x128xi32, #tpu.memory_space<hbm>> -> memref<1x1x4x128xi32, #tpu.memory_space<hbm>>
      %dma_start3A_58 = tpu.memref_squeeze %dma_start3A_57 : memref<1x1x4x128xi32, #tpu.memory_space<hbm>> -> memref<4x128xi32, #tpu.memory_space<hbm>>
      tpu.enqueue_dma source(%dma_start3A_58 : memref<4x128xi32, #tpu.memory_space<hbm>>) target(%arg11 : memref<4x128xi32, #tpu.memory_space<vmem>>) target_semaphore(%arg13 : memref<!tpu.dma_semaphore, #tpu.memory_space<semaphore_mem>>)
      %add3A_59 = arith.constant 4 : i32
      %add3A_60 = arith.addi %mul3A_28, %add3A_59 : i32
      %dma_start3A_61 = arith.constant 0 : i32
      %dma_start3A_62 = tpu.memref_slice %arg4[%arg1, %add3A_60, %dma_start3A_61] : memref<16x164x128xi32, #tpu.memory_space<hbm>> -> memref<1x4x128xi32, #tpu.memory_space<hbm>>
      %dma_start3A_63 = tpu.memref_squeeze %dma_start3A_62 : memref<1x4x128xi32, #tpu.memory_space<hbm>> -> memref<4x128xi32, #tpu.memory_space<hbm>>
      %dma_start3A_64 = arith.constant 0 : i32
      %dma_start3A_65 = tpu.memref_slice %arg4[%arg1, %add3A_60, %dma_start3A_64] : memref<16x164x128xi32, #tpu.memory_space<hbm>> -> memref<1x4x128xi32, #tpu.memory_space<hbm>>
      %dma_start3A_66 = tpu.memref_squeeze %dma_start3A_65 : memref<1x4x128xi32, #tpu.memory_space<hbm>> -> memref<4x128xi32, #tpu.memory_space<hbm>>
      tpu.enqueue_dma source(%dma_start3A_66 : memref<4x128xi32, #tpu.memory_space<hbm>>) target(%arg12 : memref<4x128xi32, #tpu.memory_space<vmem>>) target_semaphore(%arg13 : memref<!tpu.dma_semaphore, #tpu.memory_space<semaphore_mem>>)
      %dma_wait3A_67 = arith.constant 0 : i32
      %dma_wait3A_68 = arith.constant 0 : i32
      %dma_wait3A_69 = tpu.memref_slice %arg2[%dma_wait3A_67, %dma_wait3A_68] : memref<20480x128xf32, #tpu.memory_space<hbm>> -> memref<128x128xf32, #tpu.memory_space<hbm>>
      %dma_wait3A_70 = arith.constant 0 : i32
      %dma_wait3A_71 = arith.constant 0 : i32
      %dma_wait3A_72 = tpu.memref_slice %arg2[%dma_wait3A_70, %dma_wait3A_71] : memref<20480x128xf32, #tpu.memory_space<hbm>> -> memref<128x128xf32, #tpu.memory_space<hbm>>
      tpu.wait_dma2 semaphore(%arg16 : memref<!tpu.dma_semaphore, #tpu.memory_space<semaphore_mem>>) src(%dma_wait3A_72 : memref<128x128xf32, #tpu.memory_space<hbm>>) dst(%arg7 : memref<128x128xf32, #tpu.memory_space<vmem>>)
      %dma_start3A_73 = arith.constant 2 : i32
      %dma_start3A_74 = arith.constant 0 : i32
      %dma_start3A_75 = tpu.memref_slice %arg9[%dma_start3A_73, %dma_start3A_74] : memref<4x128xi32, #tpu.memory_space<vmem>> -> memref<1x128xi32, #tpu.memory_space<vmem>>
      %dma_start3A_76 = tpu.memref_squeeze %dma_start3A_75 : memref<1x128xi32, #tpu.memory_space<vmem>> -> memref<128xi32, #tpu.memory_space<vmem>>
      %dma_start3A_77 = arith.constant 0 : i32
      %dma_start3A_78 = arith.constant 0 : i32
      %dma_start3A_79 = tpu.memref_slice %arg2[%dma_start3A_77, %dma_start3A_78] : memref<20480x128xf32, #tpu.memory_space<hbm>> -> memref<20480x128xf32, #tpu.memory_space<hbm>>
      tpu.enqueue_indirect_dma source(%dma_start3A_79 : memref<20480x128xf32, #tpu.memory_space<hbm>>) target(%arg7 : memref<128x128xf32, #tpu.memory_space<vmem>>) offsets(%dma_start3A_76 : memref<128xi32, #tpu.memory_space<vmem>>) semaphore(%arg14 : memref<!tpu.dma_semaphore, #tpu.memory_space<semaphore_mem>>)
      %dma_wait3A_80 = arith.constant 0 : i32
      %dma_wait3A_81 = arith.constant 0 : i32
      %dma_wait3A_82 = tpu.memref_slice %arg2[%dma_wait3A_80, %dma_wait3A_81] : memref<20480x128xf32, #tpu.memory_space<hbm>> -> memref<128x128xf32, #tpu.memory_space<hbm>>
      %dma_wait3A_83 = arith.constant 0 : i32
      %dma_wait3A_84 = arith.constant 0 : i32
      %dma_wait3A_85 = tpu.memref_slice %arg2[%dma_wait3A_83, %dma_wait3A_84] : memref<20480x128xf32, #tpu.memory_space<hbm>> -> memref<128x128xf32, #tpu.memory_space<hbm>>
      tpu.wait_dma2 semaphore(%arg15 : memref<!tpu.dma_semaphore, #tpu.memory_space<semaphore_mem>>) src(%dma_wait3A_85 : memref<128x128xf32, #tpu.memory_space<hbm>>) dst(%arg8 : memref<128x128xf32, #tpu.memory_space<vmem>>)
      %dma_start3A_86 = arith.constant 1 : i32
      %dma_start3A_87 = arith.constant 0 : i32
      %dma_start3A_88 = tpu.memref_slice %arg10[%dma_start3A_86, %dma_start3A_87] : memref<4x128xi32, #tpu.memory_space<vmem>> -> memref<1x128xi32, #tpu.memory_space<vmem>>
      %dma_start3A_89 = tpu.memref_squeeze %dma_start3A_88 : memref<1x128xi32, #tpu.memory_space<vmem>> -> memref<128xi32, #tpu.memory_space<vmem>>
      %dma_start3A_90 = arith.constant 0 : i32
      %dma_start3A_91 = arith.constant 0 : i32
      %dma_start3A_92 = tpu.memref_slice %arg6[%dma_start3A_90, %dma_start3A_91] : memref<10240x128xf32, #tpu.memory_space<vmem_shared>> -> memref<10240x128xf32, #tpu.memory_space<vmem_shared>>
      tpu.enqueue_indirect_dma source(%arg8 : memref<128x128xf32, #tpu.memory_space<vmem>>) target(%dma_start3A_92 : memref<10240x128xf32, #tpu.memory_space<vmem_shared>>) offsets(%dma_start3A_89 : memref<128xi32, #tpu.memory_space<vmem>>) semaphore(%arg17 : memref<!tpu.dma_semaphore, #tpu.memory_space<semaphore_mem>>) {add = true}
      %dma_wait3A_93 = arith.constant 0 : i32
      %dma_wait3A_94 = arith.constant 0 : i32
      %dma_wait3A_95 = tpu.memref_slice %arg2[%dma_wait3A_93, %dma_wait3A_94] : memref<20480x128xf32, #tpu.memory_space<hbm>> -> memref<128x128xf32, #tpu.memory_space<hbm>>
      %dma_wait3A_96 = arith.constant 0 : i32
      %dma_wait3A_97 = arith.constant 0 : i32
      %dma_wait3A_98 = tpu.memref_slice %arg2[%dma_wait3A_96, %dma_wait3A_97] : memref<20480x128xf32, #tpu.memory_space<hbm>> -> memref<128x128xf32, #tpu.memory_space<hbm>>
      tpu.wait_dma2 semaphore(%arg17 : memref<!tpu.dma_semaphore, #tpu.memory_space<semaphore_mem>>) src(%dma_wait3A_98 : memref<128x128xf32, #tpu.memory_space<hbm>>) dst(%arg8 : memref<128x128xf32, #tpu.memory_space<vmem>>)
      %dma_start3A_99 = arith.constant 3 : i32
      %dma_start3A_100 = arith.constant 0 : i32
      %dma_start3A_101 = tpu.memref_slice %arg9[%dma_start3A_99, %dma_start3A_100] : memref<4x128xi32, #tpu.memory_space<vmem>> -> memref<1x128xi32, #tpu.memory_space<vmem>>
      %dma_start3A_102 = tpu.memref_squeeze %dma_start3A_101 : memref<1x128xi32, #tpu.memory_space<vmem>> -> memref<128xi32, #tpu.memory_space<vmem>>
      %dma_start3A_103 = arith.constant 0 : i32
      %dma_start3A_104 = arith.constant 0 : i32
      %dma_start3A_105 = tpu.memref_slice %arg2[%dma_start3A_103, %dma_start3A_104] : memref<20480x128xf32, #tpu.memory_space<hbm>> -> memref<20480x128xf32, #tpu.memory_space<hbm>>
      tpu.enqueue_indirect_dma source(%dma_start3A_105 : memref<20480x128xf32, #tpu.memory_space<hbm>>) target(%arg8 : memref<128x128xf32, #tpu.memory_space<vmem>>) offsets(%dma_start3A_102 : memref<128xi32, #tpu.memory_space<vmem>>) semaphore(%arg15 : memref<!tpu.dma_semaphore, #tpu.memory_space<semaphore_mem>>)
      %dma_wait3A_106 = arith.constant 0 : i32
      %dma_wait3A_107 = arith.constant 0 : i32
      %dma_wait3A_108 = tpu.memref_slice %arg2[%dma_wait3A_106, %dma_wait3A_107] : memref<20480x128xf32, #tpu.memory_space<hbm>> -> memref<128x128xf32, #tpu.memory_space<hbm>>
      %dma_wait3A_109 = arith.constant 0 : i32
      %dma_wait3A_110 = arith.constant 0 : i32
      %dma_wait3A_111 = tpu.memref_slice %arg2[%dma_wait3A_109, %dma_wait3A_110] : memref<20480x128xf32, #tpu.memory_space<hbm>> -> memref<128x128xf32, #tpu.memory_space<hbm>>
      tpu.wait_dma2 semaphore(%arg14 : memref<!tpu.dma_semaphore, #tpu.memory_space<semaphore_mem>>) src(%dma_wait3A_111 : memref<128x128xf32, #tpu.memory_space<hbm>>) dst(%arg7 : memref<128x128xf32, #tpu.memory_space<vmem>>)
      %dma_start3A_112 = arith.constant 2 : i32
      %dma_start3A_113 = arith.constant 0 : i32
      %dma_start3A_114 = tpu.memref_slice %arg10[%dma_start3A_112, %dma_start3A_113] : memref<4x128xi32, #tpu.memory_space<vmem>> -> memref<1x128xi32, #tpu.memory_space<vmem>>
      %dma_start3A_115 = tpu.memref_squeeze %dma_start3A_114 : memref<1x128xi32, #tpu.memory_space<vmem>> -> memref<128xi32, #tpu.memory_space<vmem>>
      %dma_start3A_116 = arith.constant 0 : i32
      %dma_start3A_117 = arith.constant 0 : i32
      %dma_start3A_118 = tpu.memref_slice %arg6[%dma_start3A_116, %dma_start3A_117] : memref<10240x128xf32, #tpu.memory_space<vmem_shared>> -> memref<10240x128xf32, #tpu.memory_space<vmem_shared>>
      tpu.enqueue_indirect_dma source(%arg7 : memref<128x128xf32, #tpu.memory_space<vmem>>) target(%dma_start3A_118 : memref<10240x128xf32, #tpu.memory_space<vmem_shared>>) offsets(%dma_start3A_115 : memref<128xi32, #tpu.memory_space<vmem>>) semaphore(%arg16 : memref<!tpu.dma_semaphore, #tpu.memory_space<semaphore_mem>>) {add = true}
      %dma_wait3A_119 = arith.constant 0 : i32
      %dma_wait3A_120 = arith.constant 0 : i32
      %dma_wait3A_121 = tpu.memref_slice %arg2[%dma_wait3A_119, %dma_wait3A_120] : memref<20480x128xf32, #tpu.memory_space<hbm>> -> memref<128x128xf32, #tpu.memory_space<hbm>>
      %dma_wait3A_122 = arith.constant 0 : i32
      %dma_wait3A_123 = arith.constant 0 : i32
      %dma_wait3A_124 = tpu.memref_slice %arg2[%dma_wait3A_122, %dma_wait3A_123] : memref<20480x128xf32, #tpu.memory_space<hbm>> -> memref<128x128xf32, #tpu.memory_space<hbm>>
      tpu.wait_dma2 semaphore(%arg16 : memref<!tpu.dma_semaphore, #tpu.memory_space<semaphore_mem>>) src(%dma_wait3A_124 : memref<128x128xf32, #tpu.memory_space<hbm>>) dst(%arg7 : memref<128x128xf32, #tpu.memory_space<vmem>>)
      %dma_wait3A_125 = arith.constant 0 : i32
      %dma_wait3A_126 = tpu.memref_slice %arg3[%arg0, %arg1, %add3A_52, %dma_wait3A_125] : memref<2x16x164x128xi32, #tpu.memory_space<hbm>> -> memref<1x1x4x128xi32, #tpu.memory_space<hbm>>
      %dma_wait3A_127 = tpu.memref_squeeze %dma_wait3A_126 : memref<1x1x4x128xi32, #tpu.memory_space<hbm>> -> memref<4x128xi32, #tpu.memory_space<hbm>>
      %dma_wait3A_128 = arith.constant 0 : i32
      %dma_wait3A_129 = tpu.memref_slice %arg3[%arg0, %arg1, %add3A_52, %dma_wait3A_128] : memref<2x16x164x128xi32, #tpu.memory_space<hbm>> -> memref<1x1x4x128xi32, #tpu.memory_space<hbm>>
      %dma_wait3A_130 = tpu.memref_squeeze %dma_wait3A_129 : memref<1x1x4x128xi32, #tpu.memory_space<hbm>> -> memref<4x128xi32, #tpu.memory_space<hbm>>
      tpu.wait_dma2 semaphore(%arg13 : memref<!tpu.dma_semaphore, #tpu.memory_space<semaphore_mem>>) src(%dma_wait3A_130 : memref<4x128xi32, #tpu.memory_space<hbm>>) dst(%arg11 : memref<4x128xi32, #tpu.memory_space<vmem>>)
      %dma_wait3A_131 = arith.constant 0 : i32
      %dma_wait3A_132 = tpu.memref_slice %arg4[%arg1, %add3A_60, %dma_wait3A_131] : memref<16x164x128xi32, #tpu.memory_space<hbm>> -> memref<1x4x128xi32, #tpu.memory_space<hbm>>
      %dma_wait3A_133 = tpu.memref_squeeze %dma_wait3A_132 : memref<1x4x128xi32, #tpu.memory_space<hbm>> -> memref<4x128xi32, #tpu.memory_space<hbm>>
      %dma_wait3A_134 = arith.constant 0 : i32
      %dma_wait3A_135 = tpu.memref_slice %arg4[%arg1, %add3A_60, %dma_wait3A_134] : memref<16x164x128xi32, #tpu.memory_space<hbm>> -> memref<1x4x128xi32, #tpu.memory_space<hbm>>
      %dma_wait3A_136 = tpu.memref_squeeze %dma_wait3A_135 : memref<1x4x128xi32, #tpu.memory_space<hbm>> -> memref<4x128xi32, #tpu.memory_space<hbm>>
      tpu.wait_dma2 semaphore(%arg13 : memref<!tpu.dma_semaphore, #tpu.memory_space<semaphore_mem>>) src(%dma_wait3A_136 : memref<4x128xi32, #tpu.memory_space<hbm>>) dst(%arg12 : memref<4x128xi32, #tpu.memory_space<vmem>>)
      %dma_start3A_137 = arith.constant 0 : i32
      %dma_start3A_138 = arith.constant 0 : i32
      %dma_start3A_139 = tpu.memref_slice %arg11[%dma_start3A_137, %dma_start3A_138] : memref<4x128xi32, #tpu.memory_space<vmem>> -> memref<1x128xi32, #tpu.memory_space<vmem>>
      %dma_start3A_140 = tpu.memref_squeeze %dma_start3A_139 : memref<1x128xi32, #tpu.memory_space<vmem>> -> memref<128xi32, #tpu.memory_space<vmem>>
      %dma_start3A_141 = arith.constant 0 : i32
      %dma_start3A_142 = arith.constant 0 : i32
      %dma_start3A_143 = tpu.memref_slice %arg2[%dma_start3A_141, %dma_start3A_142] : memref<20480x128xf32, #tpu.memory_space<hbm>> -> memref<20480x128xf32, #tpu.memory_space<hbm>>
      tpu.enqueue_indirect_dma source(%dma_start3A_143 : memref<20480x128xf32, #tpu.memory_space<hbm>>) target(%arg7 : memref<128x128xf32, #tpu.memory_space<vmem>>) offsets(%dma_start3A_140 : memref<128xi32, #tpu.memory_space<vmem>>) semaphore(%arg14 : memref<!tpu.dma_semaphore, #tpu.memory_space<semaphore_mem>>)
      %dma_wait3A_144 = arith.constant 0 : i32
      %dma_wait3A_145 = arith.constant 0 : i32
      %dma_wait3A_146 = tpu.memref_slice %arg2[%dma_wait3A_144, %dma_wait3A_145] : memref<20480x128xf32, #tpu.memory_space<hbm>> -> memref<128x128xf32, #tpu.memory_space<hbm>>
      %dma_wait3A_147 = arith.constant 0 : i32
      %dma_wait3A_148 = arith.constant 0 : i32
      %dma_wait3A_149 = tpu.memref_slice %arg2[%dma_wait3A_147, %dma_wait3A_148] : memref<20480x128xf32, #tpu.memory_space<hbm>> -> memref<128x128xf32, #tpu.memory_space<hbm>>
      tpu.wait_dma2 semaphore(%arg15 : memref<!tpu.dma_semaphore, #tpu.memory_space<semaphore_mem>>) src(%dma_wait3A_149 : memref<128x128xf32, #tpu.memory_space<hbm>>) dst(%arg8 : memref<128x128xf32, #tpu.memory_space<vmem>>)
      %dma_start3A_150 = arith.constant 3 : i32
      %dma_start3A_151 = arith.constant 0 : i32
      %dma_start3A_152 = tpu.memref_slice %arg10[%dma_start3A_150, %dma_start3A_151] : memref<4x128xi32, #tpu.memory_space<vmem>> -> memref<1x128xi32, #tpu.memory_space<vmem>>
      %dma_start3A_153 = tpu.memref_squeeze %dma_start3A_152 : memref<1x128xi32, #tpu.memory_space<vmem>> -> memref<128xi32, #tpu.memory_space<vmem>>
      %dma_start3A_154 = arith.constant 0 : i32
      %dma_start3A_155 = arith.constant 0 : i32
      %dma_start3A_156 = tpu.memref_slice %arg6[%dma_start3A_154, %dma_start3A_155] : memref<10240x128xf32, #tpu.memory_space<vmem_shared>> -> memref<10240x128xf32, #tpu.memory_space<vmem_shared>>
      tpu.enqueue_indirect_dma source(%arg8 : memref<128x128xf32, #tpu.memory_space<vmem>>) target(%dma_start3A_156 : memref<10240x128xf32, #tpu.memory_space<vmem_shared>>) offsets(%dma_start3A_153 : memref<128xi32, #tpu.memory_space<vmem>>) semaphore(%arg17 : memref<!tpu.dma_semaphore, #tpu.memory_space<semaphore_mem>>) {add = true}
      %dma_wait3A_157 = arith.constant 0 : i32
      %dma_wait3A_158 = arith.constant 0 : i32
      %dma_wait3A_159 = tpu.memref_slice %arg2[%dma_wait3A_157, %dma_wait3A_158] : memref<20480x128xf32, #tpu.memory_space<hbm>> -> memref<128x128xf32, #tpu.memory_space<hbm>>
      %dma_wait3A_160 = arith.constant 0 : i32
      %dma_wait3A_161 = arith.constant 0 : i32
      %dma_wait3A_162 = tpu.memref_slice %arg2[%dma_wait3A_160, %dma_wait3A_161] : memref<20480x128xf32, #tpu.memory_space<hbm>> -> memref<128x128xf32, #tpu.memory_space<hbm>>
      tpu.wait_dma2 semaphore(%arg17 : memref<!tpu.dma_semaphore, #tpu.memory_space<semaphore_mem>>) src(%dma_wait3A_162 : memref<128x128xf32, #tpu.memory_space<hbm>>) dst(%arg8 : memref<128x128xf32, #tpu.memory_space<vmem>>)
      %dma_start3A_163 = arith.constant 1 : i32
      %dma_start3A_164 = arith.constant 0 : i32
      %dma_start3A_165 = tpu.memref_slice %arg11[%dma_start3A_163, %dma_start3A_164] : memref<4x128xi32, #tpu.memory_space<vmem>> -> memref<1x128xi32, #tpu.memory_space<vmem>>
      %dma_start3A_166 = tpu.memref_squeeze %dma_start3A_165 : memref<1x128xi32, #tpu.memory_space<vmem>> -> memref<128xi32, #tpu.memory_space<vmem>>
      %dma_start3A_167 = arith.constant 0 : i32
      %dma_start3A_168 = arith.constant 0 : i32
      %dma_start3A_169 = tpu.memref_slice %arg2[%dma_start3A_167, %dma_start3A_168] : memref<20480x128xf32, #tpu.memory_space<hbm>> -> memref<20480x128xf32, #tpu.memory_space<hbm>>
      tpu.enqueue_indirect_dma source(%dma_start3A_169 : memref<20480x128xf32, #tpu.memory_space<hbm>>) target(%arg8 : memref<128x128xf32, #tpu.memory_space<vmem>>) offsets(%dma_start3A_166 : memref<128xi32, #tpu.memory_space<vmem>>) semaphore(%arg15 : memref<!tpu.dma_semaphore, #tpu.memory_space<semaphore_mem>>)
      %dma_wait3A_170 = arith.constant 0 : i32
      %dma_wait3A_171 = arith.constant 0 : i32
      %dma_wait3A_172 = tpu.memref_slice %arg2[%dma_wait3A_170, %dma_wait3A_171] : memref<20480x128xf32, #tpu.memory_space<hbm>> -> memref<128x128xf32, #tpu.memory_space<hbm>>
      %dma_wait3A_173 = arith.constant 0 : i32
      %dma_wait3A_174 = arith.constant 0 : i32
      %dma_wait3A_175 = tpu.memref_slice %arg2[%dma_wait3A_173, %dma_wait3A_174] : memref<20480x128xf32, #tpu.memory_space<hbm>> -> memref<128x128xf32, #tpu.memory_space<hbm>>
      tpu.wait_dma2 semaphore(%arg14 : memref<!tpu.dma_semaphore, #tpu.memory_space<semaphore_mem>>) src(%dma_wait3A_175 : memref<128x128xf32, #tpu.memory_space<hbm>>) dst(%arg7 : memref<128x128xf32, #tpu.memory_space<vmem>>)
      %dma_start3A_176 = arith.constant 0 : i32
      %dma_start3A_177 = arith.constant 0 : i32
      %dma_start3A_178 = tpu.memref_slice %arg12[%dma_start3A_176, %dma_start3A_177] : memref<4x128xi32, #tpu.memory_space<vmem>> -> memref<1x128xi32, #tpu.memory_space<vmem>>
      %dma_start3A_179 = tpu.memref_squeeze %dma_start3A_178 : memref<1x128xi32, #tpu.memory_space<vmem>> -> memref<128xi32, #tpu.memory_space<vmem>>
      %dma_start3A_180 = arith.constant 0 : i32
      %dma_start3A_181 = arith.constant 0 : i32
      %dma_start3A_182 = tpu.memref_slice %arg6[%dma_start3A_180, %dma_start3A_181] : memref<10240x128xf32, #tpu.memory_space<vmem_shared>> -> memref<10240x128xf32, #tpu.memory_space<vmem_shared>>
      tpu.enqueue_indirect_dma source(%arg7 : memref<128x128xf32, #tpu.memory_space<vmem>>) target(%dma_start3A_182 : memref<10240x128xf32, #tpu.memory_space<vmem_shared>>) offsets(%dma_start3A_179 : memref<128xi32, #tpu.memory_space<vmem>>) semaphore(%arg16 : memref<!tpu.dma_semaphore, #tpu.memory_space<semaphore_mem>>) {add = true}
      %add3A_183 = arith.constant 8 : i32
      %add3A_184 = arith.addi %mul3A_28, %add3A_183 : i32
      %dma_start3A_185 = arith.constant 0 : i32
      %dma_start3A_186 = tpu.memref_slice %arg3[%arg0, %arg1, %add3A_184, %dma_start3A_185] : memref<2x16x164x128xi32, #tpu.memory_space<hbm>> -> memref<1x1x4x128xi32, #tpu.memory_space<hbm>>
      %dma_start3A_187 = tpu.memref_squeeze %dma_start3A_186 : memref<1x1x4x128xi32, #tpu.memory_space<hbm>> -> memref<4x128xi32, #tpu.memory_space<hbm>>
      %dma_start3A_188 = arith.constant 0 : i32
      %dma_start3A_189 = tpu.memref_slice %arg3[%arg0, %arg1, %add3A_184, %dma_start3A_188] : memref<2x16x164x128xi32, #tpu.memory_space<hbm>> -> memref<1x1x4x128xi32, #tpu.memory_space<hbm>>
      %dma_start3A_190 = tpu.memref_squeeze %dma_start3A_189 : memref<1x1x4x128xi32, #tpu.memory_space<hbm>> -> memref<4x128xi32, #tpu.memory_space<hbm>>
      tpu.enqueue_dma source(%dma_start3A_190 : memref<4x128xi32, #tpu.memory_space<hbm>>) target(%arg9 : memref<4x128xi32, #tpu.memory_space<vmem>>) target_semaphore(%arg13 : memref<!tpu.dma_semaphore, #tpu.memory_space<semaphore_mem>>)
      %add3A_191 = arith.constant 8 : i32
      %add3A_192 = arith.addi %mul3A_28, %add3A_191 : i32
      %dma_start3A_193 = arith.constant 0 : i32
      %dma_start3A_194 = tpu.memref_slice %arg4[%arg1, %add3A_192, %dma_start3A_193] : memref<16x164x128xi32, #tpu.memory_space<hbm>> -> memref<1x4x128xi32, #tpu.memory_space<hbm>>
      %dma_start3A_195 = tpu.memref_squeeze %dma_start3A_194 : memref<1x4x128xi32, #tpu.memory_space<hbm>> -> memref<4x128xi32, #tpu.memory_space<hbm>>
      %dma_start3A_196 = arith.constant 0 : i32
      %dma_start3A_197 = tpu.memref_slice %arg4[%arg1, %add3A_192, %dma_start3A_196] : memref<16x164x128xi32, #tpu.memory_space<hbm>> -> memref<1x4x128xi32, #tpu.memory_space<hbm>>
      %dma_start3A_198 = tpu.memref_squeeze %dma_start3A_197 : memref<1x4x128xi32, #tpu.memory_space<hbm>> -> memref<4x128xi32, #tpu.memory_space<hbm>>
      tpu.enqueue_dma source(%dma_start3A_198 : memref<4x128xi32, #tpu.memory_space<hbm>>) target(%arg10 : memref<4x128xi32, #tpu.memory_space<vmem>>) target_semaphore(%arg13 : memref<!tpu.dma_semaphore, #tpu.memory_space<semaphore_mem>>)
      %dma_wait3A_199 = arith.constant 0 : i32
      %dma_wait3A_200 = arith.constant 0 : i32
      %dma_wait3A_201 = tpu.memref_slice %arg2[%dma_wait3A_199, %dma_wait3A_200] : memref<20480x128xf32, #tpu.memory_space<hbm>> -> memref<128x128xf32, #tpu.memory_space<hbm>>
      %dma_wait3A_202 = arith.constant 0 : i32
      %dma_wait3A_203 = arith.constant 0 : i32
      %dma_wait3A_204 = tpu.memref_slice %arg2[%dma_wait3A_202, %dma_wait3A_203] : memref<20480x128xf32, #tpu.memory_space<hbm>> -> memref<128x128xf32, #tpu.memory_space<hbm>>
      tpu.wait_dma2 semaphore(%arg16 : memref<!tpu.dma_semaphore, #tpu.memory_space<semaphore_mem>>) src(%dma_wait3A_204 : memref<128x128xf32, #tpu.memory_space<hbm>>) dst(%arg7 : memref<128x128xf32, #tpu.memory_space<vmem>>)
      %dma_start3A_205 = arith.constant 2 : i32
      %dma_start3A_206 = arith.constant 0 : i32
      %dma_start3A_207 = tpu.memref_slice %arg11[%dma_start3A_205, %dma_start3A_206] : memref<4x128xi32, #tpu.memory_space<vmem>> -> memref<1x128xi32, #tpu.memory_space<vmem>>
      %dma_start3A_208 = tpu.memref_squeeze %dma_start3A_207 : memref<1x128xi32, #tpu.memory_space<vmem>> -> memref<128xi32, #tpu.memory_space<vmem>>
      %dma_start3A_209 = arith.constant 0 : i32
      %dma_start3A_210 = arith.constant 0 : i32
      %dma_start3A_211 = tpu.memref_slice %arg2[%dma_start3A_209, %dma_start3A_210] : memref<20480x128xf32, #tpu.memory_space<hbm>> -> memref<20480x128xf32, #tpu.memory_space<hbm>>
      tpu.enqueue_indirect_dma source(%dma_start3A_211 : memref<20480x128xf32, #tpu.memory_space<hbm>>) target(%arg7 : memref<128x128xf32, #tpu.memory_space<vmem>>) offsets(%dma_start3A_208 : memref<128xi32, #tpu.memory_space<vmem>>) semaphore(%arg14 : memref<!tpu.dma_semaphore, #tpu.memory_space<semaphore_mem>>)
      %dma_wait3A_212 = arith.constant 0 : i32
      %dma_wait3A_213 = arith.constant 0 : i32
      %dma_wait3A_214 = tpu.memref_slice %arg2[%dma_wait3A_212, %dma_wait3A_213] : memref<20480x128xf32, #tpu.memory_space<hbm>> -> memref<128x128xf32, #tpu.memory_space<hbm>>
      %dma_wait3A_215 = arith.constant 0 : i32
      %dma_wait3A_216 = arith.constant 0 : i32
      %dma_wait3A_217 = tpu.memref_slice %arg2[%dma_wait3A_215, %dma_wait3A_216] : memref<20480x128xf32, #tpu.memory_space<hbm>> -> memref<128x128xf32, #tpu.memory_space<hbm>>
      tpu.wait_dma2 semaphore(%arg15 : memref<!tpu.dma_semaphore, #tpu.memory_space<semaphore_mem>>) src(%dma_wait3A_217 : memref<128x128xf32, #tpu.memory_space<hbm>>) dst(%arg8 : memref<128x128xf32, #tpu.memory_space<vmem>>)
      %dma_start3A_218 = arith.constant 1 : i32
      %dma_start3A_219 = arith.constant 0 : i32
      %dma_start3A_220 = tpu.memref_slice %arg12[%dma_start3A_218, %dma_start3A_219] : memref<4x128xi32, #tpu.memory_space<vmem>> -> memref<1x128xi32, #tpu.memory_space<vmem>>
      %dma_start3A_221 = tpu.memref_squeeze %dma_start3A_220 : memref<1x128xi32, #tpu.memory_space<vmem>> -> memref<128xi32, #tpu.memory_space<vmem>>
      %dma_start3A_222 = arith.constant 0 : i32
      %dma_start3A_223 = arith.constant 0 : i32
      %dma_start3A_224 = tpu.memref_slice %arg6[%dma_start3A_222, %dma_start3A_223] : memref<10240x128xf32, #tpu.memory_space<vmem_shared>> -> memref<10240x128xf32, #tpu.memory_space<vmem_shared>>
      tpu.enqueue_indirect_dma source(%arg8 : memref<128x128xf32, #tpu.memory_space<vmem>>) target(%dma_start3A_224 : memref<10240x128xf32, #tpu.memory_space<vmem_shared>>) offsets(%dma_start3A_221 : memref<128xi32, #tpu.memory_space<vmem>>) semaphore(%arg17 : memref<!tpu.dma_semaphore, #tpu.memory_space<semaphore_mem>>) {add = true}
      %dma_wait3A_225 = arith.constant 0 : i32
      %dma_wait3A_226 = arith.constant 0 : i32
      %dma_wait3A_227 = tpu.memref_slice %arg2[%dma_wait3A_225, %dma_wait3A_226] : memref<20480x128xf32, #tpu.memory_space<hbm>> -> memref<128x128xf32, #tpu.memory_space<hbm>>
      %dma_wait3A_228 = arith.constant 0 : i32
      %dma_wait3A_229 = arith.constant 0 : i32
      %dma_wait3A_230 = tpu.memref_slice %arg2[%dma_wait3A_228, %dma_wait3A_229] : memref<20480x128xf32, #tpu.memory_space<hbm>> -> memref<128x128xf32, #tpu.memory_space<hbm>>
      tpu.wait_dma2 semaphore(%arg17 : memref<!tpu.dma_semaphore, #tpu.memory_space<semaphore_mem>>) src(%dma_wait3A_230 : memref<128x128xf32, #tpu.memory_space<hbm>>) dst(%arg8 : memref<128x128xf32, #tpu.memory_space<vmem>>)
      %dma_start3A_231 = arith.constant 3 : i32
      %dma_start3A_232 = arith.constant 0 : i32
      %dma_start3A_233 = tpu.memref_slice %arg11[%dma_start3A_231, %dma_start3A_232] : memref<4x128xi32, #tpu.memory_space<vmem>> -> memref<1x128xi32, #tpu.memory_space<vmem>>
      %dma_start3A_234 = tpu.memref_squeeze %dma_start3A_233 : memref<1x128xi32, #tpu.memory_space<vmem>> -> memref<128xi32, #tpu.memory_space<vmem>>
      %dma_start3A_235 = arith.constant 0 : i32
      %dma_start3A_236 = arith.constant 0 : i32
      %dma_start3A_237 = tpu.memref_slice %arg2[%dma_start3A_235, %dma_start3A_236] : memref<20480x128xf32, #tpu.memory_space<hbm>> -> memref<20480x128xf32, #tpu.memory_space<hbm>>
      tpu.enqueue_indirect_dma source(%dma_start3A_237 : memref<20480x128xf32, #tpu.memory_space<hbm>>) target(%arg8 : memref<128x128xf32, #tpu.memory_space<vmem>>) offsets(%dma_start3A_234 : memref<128xi32, #tpu.memory_space<vmem>>) semaphore(%arg15 : memref<!tpu.dma_semaphore, #tpu.memory_space<semaphore_mem>>)
      %dma_wait3A_238 = arith.constant 0 : i32
      %dma_wait3A_239 = arith.constant 0 : i32
      %dma_wait3A_240 = tpu.memref_slice %arg2[%dma_wait3A_238, %dma_wait3A_239] : memref<20480x128xf32, #tpu.memory_space<hbm>> -> memref<128x128xf32, #tpu.memory_space<hbm>>
      %dma_wait3A_241 = arith.constant 0 : i32
      %dma_wait3A_242 = arith.constant 0 : i32
      %dma_wait3A_243 = tpu.memref_slice %arg2[%dma_wait3A_241, %dma_wait3A_242] : memref<20480x128xf32, #tpu.memory_space<hbm>> -> memref<128x128xf32, #tpu.memory_space<hbm>>
      tpu.wait_dma2 semaphore(%arg14 : memref<!tpu.dma_semaphore, #tpu.memory_space<semaphore_mem>>) src(%dma_wait3A_243 : memref<128x128xf32, #tpu.memory_space<hbm>>) dst(%arg7 : memref<128x128xf32, #tpu.memory_space<vmem>>)
      %dma_start3A_244 = arith.constant 2 : i32
      %dma_start3A_245 = arith.constant 0 : i32
      %dma_start3A_246 = tpu.memref_slice %arg12[%dma_start3A_244, %dma_start3A_245] : memref<4x128xi32, #tpu.memory_space<vmem>> -> memref<1x128xi32, #tpu.memory_space<vmem>>
      %dma_start3A_247 = tpu.memref_squeeze %dma_start3A_246 : memref<1x128xi32, #tpu.memory_space<vmem>> -> memref<128xi32, #tpu.memory_space<vmem>>
      %dma_start3A_248 = arith.constant 0 : i32
      %dma_start3A_249 = arith.constant 0 : i32
      %dma_start3A_250 = tpu.memref_slice %arg6[%dma_start3A_248, %dma_start3A_249] : memref<10240x128xf32, #tpu.memory_space<vmem_shared>> -> memref<10240x128xf32, #tpu.memory_space<vmem_shared>>
      tpu.enqueue_indirect_dma source(%arg7 : memref<128x128xf32, #tpu.memory_space<vmem>>) target(%dma_start3A_250 : memref<10240x128xf32, #tpu.memory_space<vmem_shared>>) offsets(%dma_start3A_247 : memref<128xi32, #tpu.memory_space<vmem>>) semaphore(%arg16 : memref<!tpu.dma_semaphore, #tpu.memory_space<semaphore_mem>>) {add = true}
      %dma_wait3A_251 = arith.constant 0 : i32
      %dma_wait3A_252 = arith.constant 0 : i32
      %dma_wait3A_253 = tpu.memref_slice %arg2[%dma_wait3A_251, %dma_wait3A_252] : memref<20480x128xf32, #tpu.memory_space<hbm>> -> memref<128x128xf32, #tpu.memory_space<hbm>>
      %dma_wait3A_254 = arith.constant 0 : i32
      %dma_wait3A_255 = arith.constant 0 : i32
      %dma_wait3A_256 = tpu.memref_slice %arg2[%dma_wait3A_254, %dma_wait3A_255] : memref<20480x128xf32, #tpu.memory_space<hbm>> -> memref<128x128xf32, #tpu.memory_space<hbm>>
      tpu.wait_dma2 semaphore(%arg16 : memref<!tpu.dma_semaphore, #tpu.memory_space<semaphore_mem>>) src(%dma_wait3A_256 : memref<128x128xf32, #tpu.memory_space<hbm>>) dst(%arg7 : memref<128x128xf32, #tpu.memory_space<vmem>>)
      %dma_wait3A_257 = arith.constant 0 : i32
      %dma_wait3A_258 = tpu.memref_slice %arg3[%arg0, %arg1, %add3A_184, %dma_wait3A_257] : memref<2x16x164x128xi32, #tpu.memory_space<hbm>> -> memref<1x1x4x128xi32, #tpu.memory_space<hbm>>
      %dma_wait3A_259 = tpu.memref_squeeze %dma_wait3A_258 : memref<1x1x4x128xi32, #tpu.memory_space<hbm>> -> memref<4x128xi32, #tpu.memory_space<hbm>>
      %dma_wait3A_260 = arith.constant 0 : i32
      %dma_wait3A_261 = tpu.memref_slice %arg3[%arg0, %arg1, %add3A_184, %dma_wait3A_260] : memref<2x16x164x128xi32, #tpu.memory_space<hbm>> -> memref<1x1x4x128xi32, #tpu.memory_space<hbm>>
      %dma_wait3A_262 = tpu.memref_squeeze %dma_wait3A_261 : memref<1x1x4x128xi32, #tpu.memory_space<hbm>> -> memref<4x128xi32, #tpu.memory_space<hbm>>
      tpu.wait_dma2 semaphore(%arg13 : memref<!tpu.dma_semaphore, #tpu.memory_space<semaphore_mem>>) src(%dma_wait3A_262 : memref<4x128xi32, #tpu.memory_space<hbm>>) dst(%arg9 : memref<4x128xi32, #tpu.memory_space<vmem>>)
      %dma_wait3A_263 = arith.constant 0 : i32
      %dma_wait3A_264 = tpu.memref_slice %arg4[%arg1, %add3A_192, %dma_wait3A_263] : memref<16x164x128xi32, #tpu.memory_space<hbm>> -> memref<1x4x128xi32, #tpu.memory_space<hbm>>
      %dma_wait3A_265 = tpu.memref_squeeze %dma_wait3A_264 : memref<1x4x128xi32, #tpu.memory_space<hbm>> -> memref<4x128xi32, #tpu.memory_space<hbm>>
      %dma_wait3A_266 = arith.constant 0 : i32
      %dma_wait3A_267 = tpu.memref_slice %arg4[%arg1, %add3A_192, %dma_wait3A_266] : memref<16x164x128xi32, #tpu.memory_space<hbm>> -> memref<1x4x128xi32, #tpu.memory_space<hbm>>
      %dma_wait3A_268 = tpu.memref_squeeze %dma_wait3A_267 : memref<1x4x128xi32, #tpu.memory_space<hbm>> -> memref<4x128xi32, #tpu.memory_space<hbm>>
      tpu.wait_dma2 semaphore(%arg13 : memref<!tpu.dma_semaphore, #tpu.memory_space<semaphore_mem>>) src(%dma_wait3A_268 : memref<4x128xi32, #tpu.memory_space<hbm>>) dst(%arg10 : memref<4x128xi32, #tpu.memory_space<vmem>>)
      %dma_start3A_269 = arith.constant 0 : i32
      %dma_start3A_270 = arith.constant 0 : i32
      %dma_start3A_271 = tpu.memref_slice %arg9[%dma_start3A_269, %dma_start3A_270] : memref<4x128xi32, #tpu.memory_space<vmem>> -> memref<1x128xi32, #tpu.memory_space<vmem>>
      %dma_start3A_272 = tpu.memref_squeeze %dma_start3A_271 : memref<1x128xi32, #tpu.memory_space<vmem>> -> memref<128xi32, #tpu.memory_space<vmem>>
      %dma_start3A_273 = arith.constant 0 : i32
      %dma_start3A_274 = arith.constant 0 : i32
      %dma_start3A_275 = tpu.memref_slice %arg2[%dma_start3A_273, %dma_start3A_274] : memref<20480x128xf32, #tpu.memory_space<hbm>> -> memref<20480x128xf32, #tpu.memory_space<hbm>>
      tpu.enqueue_indirect_dma source(%dma_start3A_275 : memref<20480x128xf32, #tpu.memory_space<hbm>>) target(%arg7 : memref<128x128xf32, #tpu.memory_space<vmem>>) offsets(%dma_start3A_272 : memref<128xi32, #tpu.memory_space<vmem>>) semaphore(%arg14 : memref<!tpu.dma_semaphore, #tpu.memory_space<semaphore_mem>>)
      %dma_wait3A_276 = arith.constant 0 : i32
      %dma_wait3A_277 = arith.constant 0 : i32
      %dma_wait3A_278 = tpu.memref_slice %arg2[%dma_wait3A_276, %dma_wait3A_277] : memref<20480x128xf32, #tpu.memory_space<hbm>> -> memref<128x128xf32, #tpu.memory_space<hbm>>
      %dma_wait3A_279 = arith.constant 0 : i32
      %dma_wait3A_280 = arith.constant 0 : i32
      %dma_wait3A_281 = tpu.memref_slice %arg2[%dma_wait3A_279, %dma_wait3A_280] : memref<20480x128xf32, #tpu.memory_space<hbm>> -> memref<128x128xf32, #tpu.memory_space<hbm>>
      tpu.wait_dma2 semaphore(%arg15 : memref<!tpu.dma_semaphore, #tpu.memory_space<semaphore_mem>>) src(%dma_wait3A_281 : memref<128x128xf32, #tpu.memory_space<hbm>>) dst(%arg8 : memref<128x128xf32, #tpu.memory_space<vmem>>)
      %dma_start3A_282 = arith.constant 3 : i32
      %dma_start3A_283 = arith.constant 0 : i32
      %dma_start3A_284 = tpu.memref_slice %arg12[%dma_start3A_282, %dma_start3A_283] : memref<4x128xi32, #tpu.memory_space<vmem>> -> memref<1x128xi32, #tpu.memory_space<vmem>>
      %dma_start3A_285 = tpu.memref_squeeze %dma_start3A_284 : memref<1x128xi32, #tpu.memory_space<vmem>> -> memref<128xi32, #tpu.memory_space<vmem>>
      %dma_start3A_286 = arith.constant 0 : i32
      %dma_start3A_287 = arith.constant 0 : i32
      %dma_start3A_288 = tpu.memref_slice %arg6[%dma_start3A_286, %dma_start3A_287] : memref<10240x128xf32, #tpu.memory_space<vmem_shared>> -> memref<10240x128xf32, #tpu.memory_space<vmem_shared>>
      tpu.enqueue_indirect_dma source(%arg8 : memref<128x128xf32, #tpu.memory_space<vmem>>) target(%dma_start3A_288 : memref<10240x128xf32, #tpu.memory_space<vmem_shared>>) offsets(%dma_start3A_285 : memref<128xi32, #tpu.memory_space<vmem>>) semaphore(%arg17 : memref<!tpu.dma_semaphore, #tpu.memory_space<semaphore_mem>>) {add = true}
    }
    %scan3A_13 = arith.constant 20 : i32
    %dma_wait3A = arith.constant 0 : i32
    %dma_wait3A_14 = arith.constant 0 : i32
    %dma_wait3A_15 = tpu.memref_slice %arg2[%dma_wait3A, %dma_wait3A_14] : memref<20480x128xf32, #tpu.memory_space<hbm>> -> memref<128x128xf32, #tpu.memory_space<hbm>>
    %dma_wait3A_16 = arith.constant 0 : i32
    %dma_wait3A_17 = arith.constant 0 : i32
    %dma_wait3A_18 = tpu.memref_slice %arg2[%dma_wait3A_16, %dma_wait3A_17] : memref<20480x128xf32, #tpu.memory_space<hbm>> -> memref<128x128xf32, #tpu.memory_space<hbm>>
    tpu.wait_dma2 semaphore(%arg17 : memref<!tpu.dma_semaphore, #tpu.memory_space<semaphore_mem>>) src(%dma_wait3A_18 : memref<128x128xf32, #tpu.memory_space<hbm>>) dst(%arg8 : memref<128x128xf32, #tpu.memory_space<vmem>>)
    %dma_wait3A_19 = arith.constant 0 : i32
    %dma_wait3A_20 = arith.constant 0 : i32
    %dma_wait3A_21 = tpu.memref_slice %arg2[%dma_wait3A_19, %dma_wait3A_20] : memref<20480x128xf32, #tpu.memory_space<hbm>> -> memref<128x128xf32, #tpu.memory_space<hbm>>
    %dma_wait3A_22 = arith.constant 0 : i32
    %dma_wait3A_23 = arith.constant 0 : i32
    %dma_wait3A_24 = tpu.memref_slice %arg2[%dma_wait3A_22, %dma_wait3A_23] : memref<20480x128xf32, #tpu.memory_space<hbm>> -> memref<128x128xf32, #tpu.memory_space<hbm>>
    tpu.wait_dma2 semaphore(%arg14 : memref<!tpu.dma_semaphore, #tpu.memory_space<semaphore_mem>>) src(%dma_wait3A_24 : memref<128x128xf32, #tpu.memory_space<hbm>>) dst(%arg7 : memref<128x128xf32, #tpu.memory_space<vmem>>)
    %barrier3A_25 = arith.constant 0 : index
    tpu.barrier barrier_id(%barrier3A_25)
    "tpu.region"() ({
      %run_scoped3A = tpu.sem_alloc : memref<!tpu.dma_semaphore, #tpu.memory_space<semaphore_mem>>
      %dma_start3A_26 = arith.constant 0 : i32
      %dma_start3A_27 = tpu.memref_slice %arg5[%arg0, %mul3A_0, %dma_start3A_26] : memref<2x10240x128xf32, #tpu.memory_space<hbm>> -> memref<1x640x128xf32, #tpu.memory_space<hbm>>
      %dma_start3A_28 = tpu.memref_squeeze %dma_start3A_27 : memref<1x640x128xf32, #tpu.memory_space<hbm>> -> memref<640x128xf32, #tpu.memory_space<hbm>>
      %dma_start3A_29 = arith.constant 0 : i32
      %dma_start3A_30 = tpu.memref_slice %arg6[%mul3A_0, %dma_start3A_29] : memref<10240x128xf32, #tpu.memory_space<vmem_shared>> -> memref<640x128xf32, #tpu.memory_space<vmem_shared>>
      tpu.enqueue_dma source(%dma_start3A_30 : memref<640x128xf32, #tpu.memory_space<vmem_shared>>) target(%dma_start3A_28 : memref<640x128xf32, #tpu.memory_space<hbm>>) target_semaphore(%run_scoped3A : memref<!tpu.dma_semaphore, #tpu.memory_space<semaphore_mem>>)
      %dma_wait3A_31 = arith.constant 0 : i32
      %dma_wait3A_32 = tpu.memref_slice %arg5[%arg0, %mul3A_0, %dma_wait3A_31] : memref<2x10240x128xf32, #tpu.memory_space<hbm>> -> memref<1x640x128xf32, #tpu.memory_space<hbm>>
      %dma_wait3A_33 = tpu.memref_squeeze %dma_wait3A_32 : memref<1x640x128xf32, #tpu.memory_space<hbm>> -> memref<640x128xf32, #tpu.memory_space<hbm>>
      %dma_wait3A_34 = arith.constant 0 : i32
      %dma_wait3A_35 = tpu.memref_slice %arg6[%mul3A_0, %dma_wait3A_34] : memref<10240x128xf32, #tpu.memory_space<vmem_shared>> -> memref<640x128xf32, #tpu.memory_space<vmem_shared>>
      tpu.wait_dma2 semaphore(%run_scoped3A : memref<!tpu.dma_semaphore, #tpu.memory_space<semaphore_mem>>) src(%dma_wait3A_35 : memref<640x128xf32, #tpu.memory_space<vmem_shared>>) dst(%dma_wait3A_33 : memref<640x128xf32, #tpu.memory_space<hbm>>)
      tpu.yield
    }) : () -> ()
    return
  }
}

#map = affine_map<(d0, d1) -> (0, 0)>
#map1 = affine_map<(d0, d1) -> (0, 0, 0, 0)>
#map2 = affine_map<(d0, d1) -> (0, 0, 0)>
module attributes {stable_mosaic.version = 14 : i64} {
  func.func @sc_edge_aggregate(%arg0: i32, %arg1: i32, %arg2: memref<20480x128xf32, #tpu.memory_space<hbm>>, %arg3: memref<2x16x164x128xi32, #tpu.memory_space<hbm>>, %arg4: memref<16x164x128xi32, #tpu.memory_space<hbm>>, %arg5: memref<2x10240x128xf32, #tpu.memory_space<hbm>>, %arg6: memref<10240x128xf32, #tpu.memory_space<vmem_shared>>, %arg7: memref<128x128xf32, #tpu.memory_space<vmem>>, %arg8: memref<128x128xf32, #tpu.memory_space<vmem>>, %arg9: memref<4x128xi32, #tpu.memory_space<vmem>>, %arg10: memref<4x128xi32, #tpu.memory_space<vmem>>, %arg11: memref<4x128xi32, #tpu.memory_space<vmem>>, %arg12: memref<4x128xi32, #tpu.memory_space<vmem>>, %arg13: memref<!tpu.dma_semaphore, #tpu.memory_space<semaphore_mem>>, %arg14: memref<!tpu.dma_semaphore, #tpu.memory_space<semaphore_mem>>, %arg15: memref<!tpu.dma_semaphore, #tpu.memory_space<semaphore_mem>>, %arg16: memref<!tpu.dma_semaphore, #tpu.memory_space<semaphore_mem>>, %arg17: memref<!tpu.dma_semaphore, #tpu.memory_space<semaphore_mem>>) attributes {dimension_semantics = [#tpu.dimension_semantics<core_parallel>, #tpu.dimension_semantics<subcore_parallel>], iteration_bounds = array<i64: 2, 16>, scalar_prefetch = 0 : i64, scratch_operands = 12 : i64, tpu.core_type = #tpu.core_type<sc_vector_subcore>, window_params = [{transform_indices = #map}, {transform_indices = #map1}, {transform_indices = #map2}, {transform_indices = #map2}]} {
    %mul3A = arith.constant 640 : i32
    %mul3A_0 = arith.muli %arg1, %mul3A : i32
    %mul3A_1 = arith.constant 10240 : i32
    %mul3A_2 = arith.muli %arg0, %mul3A_1 : i32
    %add3A = arith.addi %mul3A_2, %mul3A_0 : i32
    "tpu.region"() ({
      %run_scoped3A = tpu.sem_alloc : memref<!tpu.dma_semaphore, #tpu.memory_space<semaphore_mem>>
      %dma_start3A_26 = arith.constant 0 : i32
      %dma_start3A_27 = tpu.memref_slice %arg6[%mul3A_0, %dma_start3A_26] : memref<10240x128xf32, #tpu.memory_space<vmem_shared>> -> memref<640x128xf32, #tpu.memory_space<vmem_shared>>
      %dma_start3A_28 = arith.constant 0 : i32
      %dma_start3A_29 = tpu.memref_slice %arg2[%add3A, %dma_start3A_28] : memref<20480x128xf32, #tpu.memory_space<hbm>> -> memref<640x128xf32, #tpu.memory_space<hbm>>
      tpu.enqueue_dma source(%dma_start3A_29 : memref<640x128xf32, #tpu.memory_space<hbm>>) target(%dma_start3A_27 : memref<640x128xf32, #tpu.memory_space<vmem_shared>>) target_semaphore(%run_scoped3A : memref<!tpu.dma_semaphore, #tpu.memory_space<semaphore_mem>>)
      %dma_wait3A_30 = arith.constant 0 : i32
      %dma_wait3A_31 = tpu.memref_slice %arg6[%mul3A_0, %dma_wait3A_30] : memref<10240x128xf32, #tpu.memory_space<vmem_shared>> -> memref<640x128xf32, #tpu.memory_space<vmem_shared>>
      %dma_wait3A_32 = arith.constant 0 : i32
      %dma_wait3A_33 = tpu.memref_slice %arg2[%add3A, %dma_wait3A_32] : memref<20480x128xf32, #tpu.memory_space<hbm>> -> memref<640x128xf32, #tpu.memory_space<hbm>>
      tpu.wait_dma2 semaphore(%run_scoped3A : memref<!tpu.dma_semaphore, #tpu.memory_space<semaphore_mem>>) src(%dma_wait3A_33 : memref<640x128xf32, #tpu.memory_space<hbm>>) dst(%dma_wait3A_31 : memref<640x128xf32, #tpu.memory_space<vmem_shared>>)
      tpu.yield
    }) : () -> ()
    "tpu.region"() ({
      %run_scoped3A = tpu.sem_alloc : memref<!tpu.dma_semaphore, #tpu.memory_space<semaphore_mem>>
      %dma_start3A_26 = arith.constant 0 : i32
      %dma_start3A_27 = arith.constant 0 : i32
      %dma_start3A_28 = tpu.memref_slice %arg3[%arg0, %arg1, %dma_start3A_26, %dma_start3A_27] : memref<2x16x164x128xi32, #tpu.memory_space<hbm>> -> memref<1x1x4x128xi32, #tpu.memory_space<hbm>>
      %dma_start3A_29 = tpu.memref_squeeze %dma_start3A_28 : memref<1x1x4x128xi32, #tpu.memory_space<hbm>> -> memref<4x128xi32, #tpu.memory_space<hbm>>
      %dma_start3A_30 = arith.constant 0 : i32
      %dma_start3A_31 = arith.constant 0 : i32
      %dma_start3A_32 = tpu.memref_slice %arg3[%arg0, %arg1, %dma_start3A_30, %dma_start3A_31] : memref<2x16x164x128xi32, #tpu.memory_space<hbm>> -> memref<1x1x4x128xi32, #tpu.memory_space<hbm>>
      %dma_start3A_33 = tpu.memref_squeeze %dma_start3A_32 : memref<1x1x4x128xi32, #tpu.memory_space<hbm>> -> memref<4x128xi32, #tpu.memory_space<hbm>>
      tpu.enqueue_dma source(%dma_start3A_33 : memref<4x128xi32, #tpu.memory_space<hbm>>) target(%arg9 : memref<4x128xi32, #tpu.memory_space<vmem>>) target_semaphore(%run_scoped3A : memref<!tpu.dma_semaphore, #tpu.memory_space<semaphore_mem>>)
      %dma_wait3A_34 = arith.constant 0 : i32
      %dma_wait3A_35 = arith.constant 0 : i32
      %dma_wait3A_36 = tpu.memref_slice %arg3[%arg0, %arg1, %dma_wait3A_34, %dma_wait3A_35] : memref<2x16x164x128xi32, #tpu.memory_space<hbm>> -> memref<1x1x4x128xi32, #tpu.memory_space<hbm>>
      %dma_wait3A_37 = tpu.memref_squeeze %dma_wait3A_36 : memref<1x1x4x128xi32, #tpu.memory_space<hbm>> -> memref<4x128xi32, #tpu.memory_space<hbm>>
      %dma_wait3A_38 = arith.constant 0 : i32
      %dma_wait3A_39 = arith.constant 0 : i32
      %dma_wait3A_40 = tpu.memref_slice %arg3[%arg0, %arg1, %dma_wait3A_38, %dma_wait3A_39] : memref<2x16x164x128xi32, #tpu.memory_space<hbm>> -> memref<1x1x4x128xi32, #tpu.memory_space<hbm>>
      %dma_wait3A_41 = tpu.memref_squeeze %dma_wait3A_40 : memref<1x1x4x128xi32, #tpu.memory_space<hbm>> -> memref<4x128xi32, #tpu.memory_space<hbm>>
      tpu.wait_dma2 semaphore(%run_scoped3A : memref<!tpu.dma_semaphore, #tpu.memory_space<semaphore_mem>>) src(%dma_wait3A_41 : memref<4x128xi32, #tpu.memory_space<hbm>>) dst(%arg9 : memref<4x128xi32, #tpu.memory_space<vmem>>)
      tpu.yield
    }) : () -> ()
    "tpu.region"() ({
      %run_scoped3A = tpu.sem_alloc : memref<!tpu.dma_semaphore, #tpu.memory_space<semaphore_mem>>
      %dma_start3A_26 = arith.constant 0 : i32
      %dma_start3A_27 = arith.constant 0 : i32
      %dma_start3A_28 = tpu.memref_slice %arg4[%arg1, %dma_start3A_26, %dma_start3A_27] : memref<16x164x128xi32, #tpu.memory_space<hbm>> -> memref<1x4x128xi32, #tpu.memory_space<hbm>>
      %dma_start3A_29 = tpu.memref_squeeze %dma_start3A_28 : memref<1x4x128xi32, #tpu.memory_space<hbm>> -> memref<4x128xi32, #tpu.memory_space<hbm>>
      %dma_start3A_30 = arith.constant 0 : i32
      %dma_start3A_31 = arith.constant 0 : i32
      %dma_start3A_32 = tpu.memref_slice %arg4[%arg1, %dma_start3A_30, %dma_start3A_31] : memref<16x164x128xi32, #tpu.memory_space<hbm>> -> memref<1x4x128xi32, #tpu.memory_space<hbm>>
      %dma_start3A_33 = tpu.memref_squeeze %dma_start3A_32 : memref<1x4x128xi32, #tpu.memory_space<hbm>> -> memref<4x128xi32, #tpu.memory_space<hbm>>
      tpu.enqueue_dma source(%dma_start3A_33 : memref<4x128xi32, #tpu.memory_space<hbm>>) target(%arg10 : memref<4x128xi32, #tpu.memory_space<vmem>>) target_semaphore(%run_scoped3A : memref<!tpu.dma_semaphore, #tpu.memory_space<semaphore_mem>>)
      %dma_wait3A_34 = arith.constant 0 : i32
      %dma_wait3A_35 = arith.constant 0 : i32
      %dma_wait3A_36 = tpu.memref_slice %arg4[%arg1, %dma_wait3A_34, %dma_wait3A_35] : memref<16x164x128xi32, #tpu.memory_space<hbm>> -> memref<1x4x128xi32, #tpu.memory_space<hbm>>
      %dma_wait3A_37 = tpu.memref_squeeze %dma_wait3A_36 : memref<1x4x128xi32, #tpu.memory_space<hbm>> -> memref<4x128xi32, #tpu.memory_space<hbm>>
      %dma_wait3A_38 = arith.constant 0 : i32
      %dma_wait3A_39 = arith.constant 0 : i32
      %dma_wait3A_40 = tpu.memref_slice %arg4[%arg1, %dma_wait3A_38, %dma_wait3A_39] : memref<16x164x128xi32, #tpu.memory_space<hbm>> -> memref<1x4x128xi32, #tpu.memory_space<hbm>>
      %dma_wait3A_41 = tpu.memref_squeeze %dma_wait3A_40 : memref<1x4x128xi32, #tpu.memory_space<hbm>> -> memref<4x128xi32, #tpu.memory_space<hbm>>
      tpu.wait_dma2 semaphore(%run_scoped3A : memref<!tpu.dma_semaphore, #tpu.memory_space<semaphore_mem>>) src(%dma_wait3A_41 : memref<4x128xi32, #tpu.memory_space<hbm>>) dst(%arg10 : memref<4x128xi32, #tpu.memory_space<vmem>>)
      tpu.yield
    }) : () -> ()
    %dma_start3A = arith.constant 0 : i32
    %dma_start3A_3 = arith.constant 0 : i32
    %dma_start3A_4 = tpu.memref_slice %arg9[%dma_start3A, %dma_start3A_3] : memref<4x128xi32, #tpu.memory_space<vmem>> -> memref<1x128xi32, #tpu.memory_space<vmem>>
    %dma_start3A_5 = tpu.memref_squeeze %dma_start3A_4 : memref<1x128xi32, #tpu.memory_space<vmem>> -> memref<128xi32, #tpu.memory_space<vmem>>
    %dma_start3A_6 = arith.constant 0 : i32
    %dma_start3A_7 = arith.constant 0 : i32
    %dma_start3A_8 = tpu.memref_slice %arg2[%dma_start3A_6, %dma_start3A_7] : memref<20480x128xf32, #tpu.memory_space<hbm>> -> memref<20480x128xf32, #tpu.memory_space<hbm>>
    tpu.enqueue_indirect_dma source(%dma_start3A_8 : memref<20480x128xf32, #tpu.memory_space<hbm>>) target(%arg7 : memref<128x128xf32, #tpu.memory_space<vmem>>) offsets(%dma_start3A_5 : memref<128xi32, #tpu.memory_space<vmem>>) semaphore(%arg14 : memref<!tpu.dma_semaphore, #tpu.memory_space<semaphore_mem>>)
    %barrier3A = arith.constant 0 : index
    tpu.barrier barrier_id(%barrier3A)
    %scan3A = arith.constant 0 : i32
    %scan3A_9 = arith.constant 0 : i32
    %scan3A_10 = arith.constant 20 : i32
    %scan3A_11 = arith.addi %scan3A_9, %scan3A_10 : i32
    %scan3A_12 = arith.constant 1 : i32
    scf.for %scan3A_26 = %scan3A_9 to %scan3A_11 step %scan3A_12  : i32 {
      %mul3A_27 = arith.constant 8 : i32
      %mul3A_28 = arith.muli %mul3A_27, %scan3A_26 : i32
      %gt3A = arith.constant 0 : i32
      %gt3A_29 = arith.cmpi sgt, %scan3A_26, %gt3A : i32
      %convert_element_type3A = arith.extui %gt3A_29 : i1 to i32
      %cond3A = arith.constant 0 : i32
      %cond3A_30 = arith.cmpi ne, %convert_element_type3A, %cond3A : i32
      scf.if %cond3A_30 {
        %dma_wait3A_289 = arith.constant 0 : i32
        %dma_wait3A_290 = arith.constant 0 : i32
        %dma_wait3A_291 = tpu.memref_slice %arg2[%dma_wait3A_289, %dma_wait3A_290] : memref<20480x128xf32, #tpu.memory_space<hbm>> -> memref<128x128xf32, #tpu.memory_space<hbm>>
        %dma_wait3A_292 = arith.constant 0 : i32
        %dma_wait3A_293 = arith.constant 0 : i32
        %dma_wait3A_294 = tpu.memref_slice %arg2[%dma_wait3A_292, %dma_wait3A_293] : memref<20480x128xf32, #tpu.memory_space<hbm>> -> memref<128x128xf32, #tpu.memory_space<hbm>>
        tpu.wait_dma2 semaphore(%arg17 : memref<!tpu.dma_semaphore, #tpu.memory_space<semaphore_mem>>) src(%dma_wait3A_294 : memref<128x128xf32, #tpu.memory_space<hbm>>) dst(%arg8 : memref<128x128xf32, #tpu.memory_space<vmem>>)
      } else {
      }
      %dma_start3A_31 = arith.constant 1 : i32
      %dma_start3A_32 = arith.constant 0 : i32
      %dma_start3A_33 = tpu.memref_slice %arg9[%dma_start3A_31, %dma_start3A_32] : memref<4x128xi32, #tpu.memory_space<vmem>> -> memref<1x128xi32, #tpu.memory_space<vmem>>
      %dma_start3A_34 = tpu.memref_squeeze %dma_start3A_33 : memref<1x128xi32, #tpu.memory_space<vmem>> -> memref<128xi32, #tpu.memory_space<vmem>>
      %dma_start3A_35 = arith.constant 0 : i32
      %dma_start3A_36 = arith.constant 0 : i32
      %dma_start3A_37 = tpu.memref_slice %arg2[%dma_start3A_35, %dma_start3A_36] : memref<20480x128xf32, #tpu.memory_space<hbm>> -> memref<20480x128xf32, #tpu.memory_space<hbm>>
      tpu.enqueue_indirect_dma source(%dma_start3A_37 : memref<20480x128xf32, #tpu.memory_space<hbm>>) target(%arg8 : memref<128x128xf32, #tpu.memory_space<vmem>>) offsets(%dma_start3A_34 : memref<128xi32, #tpu.memory_space<vmem>>) semaphore(%arg15 : memref<!tpu.dma_semaphore, #tpu.memory_space<semaphore_mem>>)
      %dma_wait3A_38 = arith.constant 0 : i32
      %dma_wait3A_39 = arith.constant 0 : i32
      %dma_wait3A_40 = tpu.memref_slice %arg2[%dma_wait3A_38, %dma_wait3A_39] : memref<20480x128xf32, #tpu.memory_space<hbm>> -> memref<128x128xf32, #tpu.memory_space<hbm>>
      %dma_wait3A_41 = arith.constant 0 : i32
      %dma_wait3A_42 = arith.constant 0 : i32
      %dma_wait3A_43 = tpu.memref_slice %arg2[%dma_wait3A_41, %dma_wait3A_42] : memref<20480x128xf32, #tpu.memory_space<hbm>> -> memref<128x128xf32, #tpu.memory_space<hbm>>
      tpu.wait_dma2 semaphore(%arg14 : memref<!tpu.dma_semaphore, #tpu.memory_space<semaphore_mem>>) src(%dma_wait3A_43 : memref<128x128xf32, #tpu.memory_space<hbm>>) dst(%arg7 : memref<128x128xf32, #tpu.memory_space<vmem>>)
      %dma_start3A_44 = arith.constant 0 : i32
      %dma_start3A_45 = arith.constant 0 : i32
      %dma_start3A_46 = tpu.memref_slice %arg10[%dma_start3A_44, %dma_start3A_45] : memref<4x128xi32, #tpu.memory_space<vmem>> -> memref<1x128xi32, #tpu.memory_space<vmem>>
      %dma_start3A_47 = tpu.memref_squeeze %dma_start3A_46 : memref<1x128xi32, #tpu.memory_space<vmem>> -> memref<128xi32, #tpu.memory_space<vmem>>
      %dma_start3A_48 = arith.constant 0 : i32
      %dma_start3A_49 = arith.constant 0 : i32
      %dma_start3A_50 = tpu.memref_slice %arg6[%dma_start3A_48, %dma_start3A_49] : memref<10240x128xf32, #tpu.memory_space<vmem_shared>> -> memref<10240x128xf32, #tpu.memory_space<vmem_shared>>
      tpu.enqueue_indirect_dma source(%arg7 : memref<128x128xf32, #tpu.memory_space<vmem>>) target(%dma_start3A_50 : memref<10240x128xf32, #tpu.memory_space<vmem_shared>>) offsets(%dma_start3A_47 : memref<128xi32, #tpu.memory_space<vmem>>) semaphore(%arg16 : memref<!tpu.dma_semaphore, #tpu.memory_space<semaphore_mem>>) {add = true}
      %add3A_51 = arith.constant 4 : i32
      %add3A_52 = arith.addi %mul3A_28, %add3A_51 : i32
      %dma_start3A_53 = arith.constant 0 : i32
      %dma_start3A_54 = tpu.memref_slice %arg3[%arg0, %arg1, %add3A_52, %dma_start3A_53] : memref<2x16x164x128xi32, #tpu.memory_space<hbm>> -> memref<1x1x4x128xi32, #tpu.memory_space<hbm>>
      %dma_start3A_55 = tpu.memref_squeeze %dma_start3A_54 : memref<1x1x4x128xi32, #tpu.memory_space<hbm>> -> memref<4x128xi32, #tpu.memory_space<hbm>>
      %dma_start3A_56 = arith.constant 0 : i32
      %dma_start3A_57 = tpu.memref_slice %arg3[%arg0, %arg1, %add3A_52, %dma_start3A_56] : memref<2x16x164x128xi32, #tpu.memory_space<hbm>> -> memref<1x1x4x128xi32, #tpu.memory_space<hbm>>
      %dma_start3A_58 = tpu.memref_squeeze %dma_start3A_57 : memref<1x1x4x128xi32, #tpu.memory_space<hbm>> -> memref<4x128xi32, #tpu.memory_space<hbm>>
      tpu.enqueue_dma source(%dma_start3A_58 : memref<4x128xi32, #tpu.memory_space<hbm>>) target(%arg11 : memref<4x128xi32, #tpu.memory_space<vmem>>) target_semaphore(%arg13 : memref<!tpu.dma_semaphore, #tpu.memory_space<semaphore_mem>>)
      %add3A_59 = arith.constant 4 : i32
      %add3A_60 = arith.addi %mul3A_28, %add3A_59 : i32
      %dma_start3A_61 = arith.constant 0 : i32
      %dma_start3A_62 = tpu.memref_slice %arg4[%arg1, %add3A_60, %dma_start3A_61] : memref<16x164x128xi32, #tpu.memory_space<hbm>> -> memref<1x4x128xi32, #tpu.memory_space<hbm>>
      %dma_start3A_63 = tpu.memref_squeeze %dma_start3A_62 : memref<1x4x128xi32, #tpu.memory_space<hbm>> -> memref<4x128xi32, #tpu.memory_space<hbm>>
      %dma_start3A_64 = arith.constant 0 : i32
      %dma_start3A_65 = tpu.memref_slice %arg4[%arg1, %add3A_60, %dma_start3A_64] : memref<16x164x128xi32, #tpu.memory_space<hbm>> -> memref<1x4x128xi32, #tpu.memory_space<hbm>>
      %dma_start3A_66 = tpu.memref_squeeze %dma_start3A_65 : memref<1x4x128xi32, #tpu.memory_space<hbm>> -> memref<4x128xi32, #tpu.memory_space<hbm>>
      tpu.enqueue_dma source(%dma_start3A_66 : memref<4x128xi32, #tpu.memory_space<hbm>>) target(%arg12 : memref<4x128xi32, #tpu.memory_space<vmem>>) target_semaphore(%arg13 : memref<!tpu.dma_semaphore, #tpu.memory_space<semaphore_mem>>)
      %dma_wait3A_67 = arith.constant 0 : i32
      %dma_wait3A_68 = arith.constant 0 : i32
      %dma_wait3A_69 = tpu.memref_slice %arg2[%dma_wait3A_67, %dma_wait3A_68] : memref<20480x128xf32, #tpu.memory_space<hbm>> -> memref<128x128xf32, #tpu.memory_space<hbm>>
      %dma_wait3A_70 = arith.constant 0 : i32
      %dma_wait3A_71 = arith.constant 0 : i32
      %dma_wait3A_72 = tpu.memref_slice %arg2[%dma_wait3A_70, %dma_wait3A_71] : memref<20480x128xf32, #tpu.memory_space<hbm>> -> memref<128x128xf32, #tpu.memory_space<hbm>>
      tpu.wait_dma2 semaphore(%arg16 : memref<!tpu.dma_semaphore, #tpu.memory_space<semaphore_mem>>) src(%dma_wait3A_72 : memref<128x128xf32, #tpu.memory_space<hbm>>) dst(%arg7 : memref<128x128xf32, #tpu.memory_space<vmem>>)
      %dma_start3A_73 = arith.constant 2 : i32
      %dma_start3A_74 = arith.constant 0 : i32
      %dma_start3A_75 = tpu.memref_slice %arg9[%dma_start3A_73, %dma_start3A_74] : memref<4x128xi32, #tpu.memory_space<vmem>> -> memref<1x128xi32, #tpu.memory_space<vmem>>
      %dma_start3A_76 = tpu.memref_squeeze %dma_start3A_75 : memref<1x128xi32, #tpu.memory_space<vmem>> -> memref<128xi32, #tpu.memory_space<vmem>>
      %dma_start3A_77 = arith.constant 0 : i32
      %dma_start3A_78 = arith.constant 0 : i32
      %dma_start3A_79 = tpu.memref_slice %arg2[%dma_start3A_77, %dma_start3A_78] : memref<20480x128xf32, #tpu.memory_space<hbm>> -> memref<20480x128xf32, #tpu.memory_space<hbm>>
      tpu.enqueue_indirect_dma source(%dma_start3A_79 : memref<20480x128xf32, #tpu.memory_space<hbm>>) target(%arg7 : memref<128x128xf32, #tpu.memory_space<vmem>>) offsets(%dma_start3A_76 : memref<128xi32, #tpu.memory_space<vmem>>) semaphore(%arg14 : memref<!tpu.dma_semaphore, #tpu.memory_space<semaphore_mem>>)
      %dma_wait3A_80 = arith.constant 0 : i32
      %dma_wait3A_81 = arith.constant 0 : i32
      %dma_wait3A_82 = tpu.memref_slice %arg2[%dma_wait3A_80, %dma_wait3A_81] : memref<20480x128xf32, #tpu.memory_space<hbm>> -> memref<128x128xf32, #tpu.memory_space<hbm>>
      %dma_wait3A_83 = arith.constant 0 : i32
      %dma_wait3A_84 = arith.constant 0 : i32
      %dma_wait3A_85 = tpu.memref_slice %arg2[%dma_wait3A_83, %dma_wait3A_84] : memref<20480x128xf32, #tpu.memory_space<hbm>> -> memref<128x128xf32, #tpu.memory_space<hbm>>
      tpu.wait_dma2 semaphore(%arg15 : memref<!tpu.dma_semaphore, #tpu.memory_space<semaphore_mem>>) src(%dma_wait3A_85 : memref<128x128xf32, #tpu.memory_space<hbm>>) dst(%arg8 : memref<128x128xf32, #tpu.memory_space<vmem>>)
      %dma_start3A_86 = arith.constant 1 : i32
      %dma_start3A_87 = arith.constant 0 : i32
      %dma_start3A_88 = tpu.memref_slice %arg10[%dma_start3A_86, %dma_start3A_87] : memref<4x128xi32, #tpu.memory_space<vmem>> -> memref<1x128xi32, #tpu.memory_space<vmem>>
      %dma_start3A_89 = tpu.memref_squeeze %dma_start3A_88 : memref<1x128xi32, #tpu.memory_space<vmem>> -> memref<128xi32, #tpu.memory_space<vmem>>
      %dma_start3A_90 = arith.constant 0 : i32
      %dma_start3A_91 = arith.constant 0 : i32
      %dma_start3A_92 = tpu.memref_slice %arg6[%dma_start3A_90, %dma_start3A_91] : memref<10240x128xf32, #tpu.memory_space<vmem_shared>> -> memref<10240x128xf32, #tpu.memory_space<vmem_shared>>
      tpu.enqueue_indirect_dma source(%arg8 : memref<128x128xf32, #tpu.memory_space<vmem>>) target(%dma_start3A_92 : memref<10240x128xf32, #tpu.memory_space<vmem_shared>>) offsets(%dma_start3A_89 : memref<128xi32, #tpu.memory_space<vmem>>) semaphore(%arg17 : memref<!tpu.dma_semaphore, #tpu.memory_space<semaphore_mem>>) {add = true}
      %dma_wait3A_93 = arith.constant 0 : i32
      %dma_wait3A_94 = arith.constant 0 : i32
      %dma_wait3A_95 = tpu.memref_slice %arg2[%dma_wait3A_93, %dma_wait3A_94] : memref<20480x128xf32, #tpu.memory_space<hbm>> -> memref<128x128xf32, #tpu.memory_space<hbm>>
      %dma_wait3A_96 = arith.constant 0 : i32
      %dma_wait3A_97 = arith.constant 0 : i32
      %dma_wait3A_98 = tpu.memref_slice %arg2[%dma_wait3A_96, %dma_wait3A_97] : memref<20480x128xf32, #tpu.memory_space<hbm>> -> memref<128x128xf32, #tpu.memory_space<hbm>>
      tpu.wait_dma2 semaphore(%arg17 : memref<!tpu.dma_semaphore, #tpu.memory_space<semaphore_mem>>) src(%dma_wait3A_98 : memref<128x128xf32, #tpu.memory_space<hbm>>) dst(%arg8 : memref<128x128xf32, #tpu.memory_space<vmem>>)
      %dma_start3A_99 = arith.constant 3 : i32
      %dma_start3A_100 = arith.constant 0 : i32
      %dma_start3A_101 = tpu.memref_slice %arg9[%dma_start3A_99, %dma_start3A_100] : memref<4x128xi32, #tpu.memory_space<vmem>> -> memref<1x128xi32, #tpu.memory_space<vmem>>
      %dma_start3A_102 = tpu.memref_squeeze %dma_start3A_101 : memref<1x128xi32, #tpu.memory_space<vmem>> -> memref<128xi32, #tpu.memory_space<vmem>>
      %dma_start3A_103 = arith.constant 0 : i32
      %dma_start3A_104 = arith.constant 0 : i32
      %dma_start3A_105 = tpu.memref_slice %arg2[%dma_start3A_103, %dma_start3A_104] : memref<20480x128xf32, #tpu.memory_space<hbm>> -> memref<20480x128xf32, #tpu.memory_space<hbm>>
      tpu.enqueue_indirect_dma source(%dma_start3A_105 : memref<20480x128xf32, #tpu.memory_space<hbm>>) target(%arg8 : memref<128x128xf32, #tpu.memory_space<vmem>>) offsets(%dma_start3A_102 : memref<128xi32, #tpu.memory_space<vmem>>) semaphore(%arg15 : memref<!tpu.dma_semaphore, #tpu.memory_space<semaphore_mem>>)
      %dma_wait3A_106 = arith.constant 0 : i32
      %dma_wait3A_107 = arith.constant 0 : i32
      %dma_wait3A_108 = tpu.memref_slice %arg2[%dma_wait3A_106, %dma_wait3A_107] : memref<20480x128xf32, #tpu.memory_space<hbm>> -> memref<128x128xf32, #tpu.memory_space<hbm>>
      %dma_wait3A_109 = arith.constant 0 : i32
      %dma_wait3A_110 = arith.constant 0 : i32
      %dma_wait3A_111 = tpu.memref_slice %arg2[%dma_wait3A_109, %dma_wait3A_110] : memref<20480x128xf32, #tpu.memory_space<hbm>> -> memref<128x128xf32, #tpu.memory_space<hbm>>
      tpu.wait_dma2 semaphore(%arg14 : memref<!tpu.dma_semaphore, #tpu.memory_space<semaphore_mem>>) src(%dma_wait3A_111 : memref<128x128xf32, #tpu.memory_space<hbm>>) dst(%arg7 : memref<128x128xf32, #tpu.memory_space<vmem>>)
      %dma_start3A_112 = arith.constant 2 : i32
      %dma_start3A_113 = arith.constant 0 : i32
      %dma_start3A_114 = tpu.memref_slice %arg10[%dma_start3A_112, %dma_start3A_113] : memref<4x128xi32, #tpu.memory_space<vmem>> -> memref<1x128xi32, #tpu.memory_space<vmem>>
      %dma_start3A_115 = tpu.memref_squeeze %dma_start3A_114 : memref<1x128xi32, #tpu.memory_space<vmem>> -> memref<128xi32, #tpu.memory_space<vmem>>
      %dma_start3A_116 = arith.constant 0 : i32
      %dma_start3A_117 = arith.constant 0 : i32
      %dma_start3A_118 = tpu.memref_slice %arg6[%dma_start3A_116, %dma_start3A_117] : memref<10240x128xf32, #tpu.memory_space<vmem_shared>> -> memref<10240x128xf32, #tpu.memory_space<vmem_shared>>
      tpu.enqueue_indirect_dma source(%arg7 : memref<128x128xf32, #tpu.memory_space<vmem>>) target(%dma_start3A_118 : memref<10240x128xf32, #tpu.memory_space<vmem_shared>>) offsets(%dma_start3A_115 : memref<128xi32, #tpu.memory_space<vmem>>) semaphore(%arg16 : memref<!tpu.dma_semaphore, #tpu.memory_space<semaphore_mem>>) {add = true}
      %dma_wait3A_119 = arith.constant 0 : i32
      %dma_wait3A_120 = arith.constant 0 : i32
      %dma_wait3A_121 = tpu.memref_slice %arg2[%dma_wait3A_119, %dma_wait3A_120] : memref<20480x128xf32, #tpu.memory_space<hbm>> -> memref<128x128xf32, #tpu.memory_space<hbm>>
      %dma_wait3A_122 = arith.constant 0 : i32
      %dma_wait3A_123 = arith.constant 0 : i32
      %dma_wait3A_124 = tpu.memref_slice %arg2[%dma_wait3A_122, %dma_wait3A_123] : memref<20480x128xf32, #tpu.memory_space<hbm>> -> memref<128x128xf32, #tpu.memory_space<hbm>>
      tpu.wait_dma2 semaphore(%arg16 : memref<!tpu.dma_semaphore, #tpu.memory_space<semaphore_mem>>) src(%dma_wait3A_124 : memref<128x128xf32, #tpu.memory_space<hbm>>) dst(%arg7 : memref<128x128xf32, #tpu.memory_space<vmem>>)
      %dma_wait3A_125 = arith.constant 0 : i32
      %dma_wait3A_126 = tpu.memref_slice %arg3[%arg0, %arg1, %add3A_52, %dma_wait3A_125] : memref<2x16x164x128xi32, #tpu.memory_space<hbm>> -> memref<1x1x4x128xi32, #tpu.memory_space<hbm>>
      %dma_wait3A_127 = tpu.memref_squeeze %dma_wait3A_126 : memref<1x1x4x128xi32, #tpu.memory_space<hbm>> -> memref<4x128xi32, #tpu.memory_space<hbm>>
      %dma_wait3A_128 = arith.constant 0 : i32
      %dma_wait3A_129 = tpu.memref_slice %arg3[%arg0, %arg1, %add3A_52, %dma_wait3A_128] : memref<2x16x164x128xi32, #tpu.memory_space<hbm>> -> memref<1x1x4x128xi32, #tpu.memory_space<hbm>>
      %dma_wait3A_130 = tpu.memref_squeeze %dma_wait3A_129 : memref<1x1x4x128xi32, #tpu.memory_space<hbm>> -> memref<4x128xi32, #tpu.memory_space<hbm>>
      tpu.wait_dma2 semaphore(%arg13 : memref<!tpu.dma_semaphore, #tpu.memory_space<semaphore_mem>>) src(%dma_wait3A_130 : memref<4x128xi32, #tpu.memory_space<hbm>>) dst(%arg11 : memref<4x128xi32, #tpu.memory_space<vmem>>)
      %dma_wait3A_131 = arith.constant 0 : i32
      %dma_wait3A_132 = tpu.memref_slice %arg4[%arg1, %add3A_60, %dma_wait3A_131] : memref<16x164x128xi32, #tpu.memory_space<hbm>> -> memref<1x4x128xi32, #tpu.memory_space<hbm>>
      %dma_wait3A_133 = tpu.memref_squeeze %dma_wait3A_132 : memref<1x4x128xi32, #tpu.memory_space<hbm>> -> memref<4x128xi32, #tpu.memory_space<hbm>>
      %dma_wait3A_134 = arith.constant 0 : i32
      %dma_wait3A_135 = tpu.memref_slice %arg4[%arg1, %add3A_60, %dma_wait3A_134] : memref<16x164x128xi32, #tpu.memory_space<hbm>> -> memref<1x4x128xi32, #tpu.memory_space<hbm>>
      %dma_wait3A_136 = tpu.memref_squeeze %dma_wait3A_135 : memref<1x4x128xi32, #tpu.memory_space<hbm>> -> memref<4x128xi32, #tpu.memory_space<hbm>>
      tpu.wait_dma2 semaphore(%arg13 : memref<!tpu.dma_semaphore, #tpu.memory_space<semaphore_mem>>) src(%dma_wait3A_136 : memref<4x128xi32, #tpu.memory_space<hbm>>) dst(%arg12 : memref<4x128xi32, #tpu.memory_space<vmem>>)
      %dma_start3A_137 = arith.constant 0 : i32
      %dma_start3A_138 = arith.constant 0 : i32
      %dma_start3A_139 = tpu.memref_slice %arg11[%dma_start3A_137, %dma_start3A_138] : memref<4x128xi32, #tpu.memory_space<vmem>> -> memref<1x128xi32, #tpu.memory_space<vmem>>
      %dma_start3A_140 = tpu.memref_squeeze %dma_start3A_139 : memref<1x128xi32, #tpu.memory_space<vmem>> -> memref<128xi32, #tpu.memory_space<vmem>>
      %dma_start3A_141 = arith.constant 0 : i32
      %dma_start3A_142 = arith.constant 0 : i32
      %dma_start3A_143 = tpu.memref_slice %arg2[%dma_start3A_141, %dma_start3A_142] : memref<20480x128xf32, #tpu.memory_space<hbm>> -> memref<20480x128xf32, #tpu.memory_space<hbm>>
      tpu.enqueue_indirect_dma source(%dma_start3A_143 : memref<20480x128xf32, #tpu.memory_space<hbm>>) target(%arg7 : memref<128x128xf32, #tpu.memory_space<vmem>>) offsets(%dma_start3A_140 : memref<128xi32, #tpu.memory_space<vmem>>) semaphore(%arg14 : memref<!tpu.dma_semaphore, #tpu.memory_space<semaphore_mem>>)
      %dma_wait3A_144 = arith.constant 0 : i32
      %dma_wait3A_145 = arith.constant 0 : i32
      %dma_wait3A_146 = tpu.memref_slice %arg2[%dma_wait3A_144, %dma_wait3A_145] : memref<20480x128xf32, #tpu.memory_space<hbm>> -> memref<128x128xf32, #tpu.memory_space<hbm>>
      %dma_wait3A_147 = arith.constant 0 : i32
      %dma_wait3A_148 = arith.constant 0 : i32
      %dma_wait3A_149 = tpu.memref_slice %arg2[%dma_wait3A_147, %dma_wait3A_148] : memref<20480x128xf32, #tpu.memory_space<hbm>> -> memref<128x128xf32, #tpu.memory_space<hbm>>
      tpu.wait_dma2 semaphore(%arg15 : memref<!tpu.dma_semaphore, #tpu.memory_space<semaphore_mem>>) src(%dma_wait3A_149 : memref<128x128xf32, #tpu.memory_space<hbm>>) dst(%arg8 : memref<128x128xf32, #tpu.memory_space<vmem>>)
      %dma_start3A_150 = arith.constant 3 : i32
      %dma_start3A_151 = arith.constant 0 : i32
      %dma_start3A_152 = tpu.memref_slice %arg10[%dma_start3A_150, %dma_start3A_151] : memref<4x128xi32, #tpu.memory_space<vmem>> -> memref<1x128xi32, #tpu.memory_space<vmem>>
      %dma_start3A_153 = tpu.memref_squeeze %dma_start3A_152 : memref<1x128xi32, #tpu.memory_space<vmem>> -> memref<128xi32, #tpu.memory_space<vmem>>
      %dma_start3A_154 = arith.constant 0 : i32
      %dma_start3A_155 = arith.constant 0 : i32
      %dma_start3A_156 = tpu.memref_slice %arg6[%dma_start3A_154, %dma_start3A_155] : memref<10240x128xf32, #tpu.memory_space<vmem_shared>> -> memref<10240x128xf32, #tpu.memory_space<vmem_shared>>
      tpu.enqueue_indirect_dma source(%arg8 : memref<128x128xf32, #tpu.memory_space<vmem>>) target(%dma_start3A_156 : memref<10240x128xf32, #tpu.memory_space<vmem_shared>>) offsets(%dma_start3A_153 : memref<128xi32, #tpu.memory_space<vmem>>) semaphore(%arg17 : memref<!tpu.dma_semaphore, #tpu.memory_space<semaphore_mem>>) {add = true}
      %dma_wait3A_157 = arith.constant 0 : i32
      %dma_wait3A_158 = arith.constant 0 : i32
      %dma_wait3A_159 = tpu.memref_slice %arg2[%dma_wait3A_157, %dma_wait3A_158] : memref<20480x128xf32, #tpu.memory_space<hbm>> -> memref<128x128xf32, #tpu.memory_space<hbm>>
      %dma_wait3A_160 = arith.constant 0 : i32
      %dma_wait3A_161 = arith.constant 0 : i32
      %dma_wait3A_162 = tpu.memref_slice %arg2[%dma_wait3A_160, %dma_wait3A_161] : memref<20480x128xf32, #tpu.memory_space<hbm>> -> memref<128x128xf32, #tpu.memory_space<hbm>>
      tpu.wait_dma2 semaphore(%arg17 : memref<!tpu.dma_semaphore, #tpu.memory_space<semaphore_mem>>) src(%dma_wait3A_162 : memref<128x128xf32, #tpu.memory_space<hbm>>) dst(%arg8 : memref<128x128xf32, #tpu.memory_space<vmem>>)
      %dma_start3A_163 = arith.constant 1 : i32
      %dma_start3A_164 = arith.constant 0 : i32
      %dma_start3A_165 = tpu.memref_slice %arg11[%dma_start3A_163, %dma_start3A_164] : memref<4x128xi32, #tpu.memory_space<vmem>> -> memref<1x128xi32, #tpu.memory_space<vmem>>
      %dma_start3A_166 = tpu.memref_squeeze %dma_start3A_165 : memref<1x128xi32, #tpu.memory_space<vmem>> -> memref<128xi32, #tpu.memory_space<vmem>>
      %dma_start3A_167 = arith.constant 0 : i32
      %dma_start3A_168 = arith.constant 0 : i32
      %dma_start3A_169 = tpu.memref_slice %arg2[%dma_start3A_167, %dma_start3A_168] : memref<20480x128xf32, #tpu.memory_space<hbm>> -> memref<20480x128xf32, #tpu.memory_space<hbm>>
      tpu.enqueue_indirect_dma source(%dma_start3A_169 : memref<20480x128xf32, #tpu.memory_space<hbm>>) target(%arg8 : memref<128x128xf32, #tpu.memory_space<vmem>>) offsets(%dma_start3A_166 : memref<128xi32, #tpu.memory_space<vmem>>) semaphore(%arg15 : memref<!tpu.dma_semaphore, #tpu.memory_space<semaphore_mem>>)
      %dma_wait3A_170 = arith.constant 0 : i32
      %dma_wait3A_171 = arith.constant 0 : i32
      %dma_wait3A_172 = tpu.memref_slice %arg2[%dma_wait3A_170, %dma_wait3A_171] : memref<20480x128xf32, #tpu.memory_space<hbm>> -> memref<128x128xf32, #tpu.memory_space<hbm>>
      %dma_wait3A_173 = arith.constant 0 : i32
      %dma_wait3A_174 = arith.constant 0 : i32
      %dma_wait3A_175 = tpu.memref_slice %arg2[%dma_wait3A_173, %dma_wait3A_174] : memref<20480x128xf32, #tpu.memory_space<hbm>> -> memref<128x128xf32, #tpu.memory_space<hbm>>
      tpu.wait_dma2 semaphore(%arg14 : memref<!tpu.dma_semaphore, #tpu.memory_space<semaphore_mem>>) src(%dma_wait3A_175 : memref<128x128xf32, #tpu.memory_space<hbm>>) dst(%arg7 : memref<128x128xf32, #tpu.memory_space<vmem>>)
      %dma_start3A_176 = arith.constant 0 : i32
      %dma_start3A_177 = arith.constant 0 : i32
      %dma_start3A_178 = tpu.memref_slice %arg12[%dma_start3A_176, %dma_start3A_177] : memref<4x128xi32, #tpu.memory_space<vmem>> -> memref<1x128xi32, #tpu.memory_space<vmem>>
      %dma_start3A_179 = tpu.memref_squeeze %dma_start3A_178 : memref<1x128xi32, #tpu.memory_space<vmem>> -> memref<128xi32, #tpu.memory_space<vmem>>
      %dma_start3A_180 = arith.constant 0 : i32
      %dma_start3A_181 = arith.constant 0 : i32
      %dma_start3A_182 = tpu.memref_slice %arg6[%dma_start3A_180, %dma_start3A_181] : memref<10240x128xf32, #tpu.memory_space<vmem_shared>> -> memref<10240x128xf32, #tpu.memory_space<vmem_shared>>
      tpu.enqueue_indirect_dma source(%arg7 : memref<128x128xf32, #tpu.memory_space<vmem>>) target(%dma_start3A_182 : memref<10240x128xf32, #tpu.memory_space<vmem_shared>>) offsets(%dma_start3A_179 : memref<128xi32, #tpu.memory_space<vmem>>) semaphore(%arg16 : memref<!tpu.dma_semaphore, #tpu.memory_space<semaphore_mem>>) {add = true}
      %add3A_183 = arith.constant 8 : i32
      %add3A_184 = arith.addi %mul3A_28, %add3A_183 : i32
      %dma_start3A_185 = arith.constant 0 : i32
      %dma_start3A_186 = tpu.memref_slice %arg3[%arg0, %arg1, %add3A_184, %dma_start3A_185] : memref<2x16x164x128xi32, #tpu.memory_space<hbm>> -> memref<1x1x4x128xi32, #tpu.memory_space<hbm>>
      %dma_start3A_187 = tpu.memref_squeeze %dma_start3A_186 : memref<1x1x4x128xi32, #tpu.memory_space<hbm>> -> memref<4x128xi32, #tpu.memory_space<hbm>>
      %dma_start3A_188 = arith.constant 0 : i32
      %dma_start3A_189 = tpu.memref_slice %arg3[%arg0, %arg1, %add3A_184, %dma_start3A_188] : memref<2x16x164x128xi32, #tpu.memory_space<hbm>> -> memref<1x1x4x128xi32, #tpu.memory_space<hbm>>
      %dma_start3A_190 = tpu.memref_squeeze %dma_start3A_189 : memref<1x1x4x128xi32, #tpu.memory_space<hbm>> -> memref<4x128xi32, #tpu.memory_space<hbm>>
      tpu.enqueue_dma source(%dma_start3A_190 : memref<4x128xi32, #tpu.memory_space<hbm>>) target(%arg9 : memref<4x128xi32, #tpu.memory_space<vmem>>) target_semaphore(%arg13 : memref<!tpu.dma_semaphore, #tpu.memory_space<semaphore_mem>>)
      %add3A_191 = arith.constant 8 : i32
      %add3A_192 = arith.addi %mul3A_28, %add3A_191 : i32
      %dma_start3A_193 = arith.constant 0 : i32
      %dma_start3A_194 = tpu.memref_slice %arg4[%arg1, %add3A_192, %dma_start3A_193] : memref<16x164x128xi32, #tpu.memory_space<hbm>> -> memref<1x4x128xi32, #tpu.memory_space<hbm>>
      %dma_start3A_195 = tpu.memref_squeeze %dma_start3A_194 : memref<1x4x128xi32, #tpu.memory_space<hbm>> -> memref<4x128xi32, #tpu.memory_space<hbm>>
      %dma_start3A_196 = arith.constant 0 : i32
      %dma_start3A_197 = tpu.memref_slice %arg4[%arg1, %add3A_192, %dma_start3A_196] : memref<16x164x128xi32, #tpu.memory_space<hbm>> -> memref<1x4x128xi32, #tpu.memory_space<hbm>>
      %dma_start3A_198 = tpu.memref_squeeze %dma_start3A_197 : memref<1x4x128xi32, #tpu.memory_space<hbm>> -> memref<4x128xi32, #tpu.memory_space<hbm>>
      tpu.enqueue_dma source(%dma_start3A_198 : memref<4x128xi32, #tpu.memory_space<hbm>>) target(%arg10 : memref<4x128xi32, #tpu.memory_space<vmem>>) target_semaphore(%arg13 : memref<!tpu.dma_semaphore, #tpu.memory_space<semaphore_mem>>)
      %dma_wait3A_199 = arith.constant 0 : i32
      %dma_wait3A_200 = arith.constant 0 : i32
      %dma_wait3A_201 = tpu.memref_slice %arg2[%dma_wait3A_199, %dma_wait3A_200] : memref<20480x128xf32, #tpu.memory_space<hbm>> -> memref<128x128xf32, #tpu.memory_space<hbm>>
      %dma_wait3A_202 = arith.constant 0 : i32
      %dma_wait3A_203 = arith.constant 0 : i32
      %dma_wait3A_204 = tpu.memref_slice %arg2[%dma_wait3A_202, %dma_wait3A_203] : memref<20480x128xf32, #tpu.memory_space<hbm>> -> memref<128x128xf32, #tpu.memory_space<hbm>>
      tpu.wait_dma2 semaphore(%arg16 : memref<!tpu.dma_semaphore, #tpu.memory_space<semaphore_mem>>) src(%dma_wait3A_204 : memref<128x128xf32, #tpu.memory_space<hbm>>) dst(%arg7 : memref<128x128xf32, #tpu.memory_space<vmem>>)
      %dma_start3A_205 = arith.constant 2 : i32
      %dma_start3A_206 = arith.constant 0 : i32
      %dma_start3A_207 = tpu.memref_slice %arg11[%dma_start3A_205, %dma_start3A_206] : memref<4x128xi32, #tpu.memory_space<vmem>> -> memref<1x128xi32, #tpu.memory_space<vmem>>
      %dma_start3A_208 = tpu.memref_squeeze %dma_start3A_207 : memref<1x128xi32, #tpu.memory_space<vmem>> -> memref<128xi32, #tpu.memory_space<vmem>>
      %dma_start3A_209 = arith.constant 0 : i32
      %dma_start3A_210 = arith.constant 0 : i32
      %dma_start3A_211 = tpu.memref_slice %arg2[%dma_start3A_209, %dma_start3A_210] : memref<20480x128xf32, #tpu.memory_space<hbm>> -> memref<20480x128xf32, #tpu.memory_space<hbm>>
      tpu.enqueue_indirect_dma source(%dma_start3A_211 : memref<20480x128xf32, #tpu.memory_space<hbm>>) target(%arg7 : memref<128x128xf32, #tpu.memory_space<vmem>>) offsets(%dma_start3A_208 : memref<128xi32, #tpu.memory_space<vmem>>) semaphore(%arg14 : memref<!tpu.dma_semaphore, #tpu.memory_space<semaphore_mem>>)
      %dma_wait3A_212 = arith.constant 0 : i32
      %dma_wait3A_213 = arith.constant 0 : i32
      %dma_wait3A_214 = tpu.memref_slice %arg2[%dma_wait3A_212, %dma_wait3A_213] : memref<20480x128xf32, #tpu.memory_space<hbm>> -> memref<128x128xf32, #tpu.memory_space<hbm>>
      %dma_wait3A_215 = arith.constant 0 : i32
      %dma_wait3A_216 = arith.constant 0 : i32
      %dma_wait3A_217 = tpu.memref_slice %arg2[%dma_wait3A_215, %dma_wait3A_216] : memref<20480x128xf32, #tpu.memory_space<hbm>> -> memref<128x128xf32, #tpu.memory_space<hbm>>
      tpu.wait_dma2 semaphore(%arg15 : memref<!tpu.dma_semaphore, #tpu.memory_space<semaphore_mem>>) src(%dma_wait3A_217 : memref<128x128xf32, #tpu.memory_space<hbm>>) dst(%arg8 : memref<128x128xf32, #tpu.memory_space<vmem>>)
      %dma_start3A_218 = arith.constant 1 : i32
      %dma_start3A_219 = arith.constant 0 : i32
      %dma_start3A_220 = tpu.memref_slice %arg12[%dma_start3A_218, %dma_start3A_219] : memref<4x128xi32, #tpu.memory_space<vmem>> -> memref<1x128xi32, #tpu.memory_space<vmem>>
      %dma_start3A_221 = tpu.memref_squeeze %dma_start3A_220 : memref<1x128xi32, #tpu.memory_space<vmem>> -> memref<128xi32, #tpu.memory_space<vmem>>
      %dma_start3A_222 = arith.constant 0 : i32
      %dma_start3A_223 = arith.constant 0 : i32
      %dma_start3A_224 = tpu.memref_slice %arg6[%dma_start3A_222, %dma_start3A_223] : memref<10240x128xf32, #tpu.memory_space<vmem_shared>> -> memref<10240x128xf32, #tpu.memory_space<vmem_shared>>
      tpu.enqueue_indirect_dma source(%arg8 : memref<128x128xf32, #tpu.memory_space<vmem>>) target(%dma_start3A_224 : memref<10240x128xf32, #tpu.memory_space<vmem_shared>>) offsets(%dma_start3A_221 : memref<128xi32, #tpu.memory_space<vmem>>) semaphore(%arg17 : memref<!tpu.dma_semaphore, #tpu.memory_space<semaphore_mem>>) {add = true}
      %dma_wait3A_225 = arith.constant 0 : i32
      %dma_wait3A_226 = arith.constant 0 : i32
      %dma_wait3A_227 = tpu.memref_slice %arg2[%dma_wait3A_225, %dma_wait3A_226] : memref<20480x128xf32, #tpu.memory_space<hbm>> -> memref<128x128xf32, #tpu.memory_space<hbm>>
      %dma_wait3A_228 = arith.constant 0 : i32
      %dma_wait3A_229 = arith.constant 0 : i32
      %dma_wait3A_230 = tpu.memref_slice %arg2[%dma_wait3A_228, %dma_wait3A_229] : memref<20480x128xf32, #tpu.memory_space<hbm>> -> memref<128x128xf32, #tpu.memory_space<hbm>>
      tpu.wait_dma2 semaphore(%arg17 : memref<!tpu.dma_semaphore, #tpu.memory_space<semaphore_mem>>) src(%dma_wait3A_230 : memref<128x128xf32, #tpu.memory_space<hbm>>) dst(%arg8 : memref<128x128xf32, #tpu.memory_space<vmem>>)
      %dma_start3A_231 = arith.constant 3 : i32
      %dma_start3A_232 = arith.constant 0 : i32
      %dma_start3A_233 = tpu.memref_slice %arg11[%dma_start3A_231, %dma_start3A_232] : memref<4x128xi32, #tpu.memory_space<vmem>> -> memref<1x128xi32, #tpu.memory_space<vmem>>
      %dma_start3A_234 = tpu.memref_squeeze %dma_start3A_233 : memref<1x128xi32, #tpu.memory_space<vmem>> -> memref<128xi32, #tpu.memory_space<vmem>>
      %dma_start3A_235 = arith.constant 0 : i32
      %dma_start3A_236 = arith.constant 0 : i32
      %dma_start3A_237 = tpu.memref_slice %arg2[%dma_start3A_235, %dma_start3A_236] : memref<20480x128xf32, #tpu.memory_space<hbm>> -> memref<20480x128xf32, #tpu.memory_space<hbm>>
      tpu.enqueue_indirect_dma source(%dma_start3A_237 : memref<20480x128xf32, #tpu.memory_space<hbm>>) target(%arg8 : memref<128x128xf32, #tpu.memory_space<vmem>>) offsets(%dma_start3A_234 : memref<128xi32, #tpu.memory_space<vmem>>) semaphore(%arg15 : memref<!tpu.dma_semaphore, #tpu.memory_space<semaphore_mem>>)
      %dma_wait3A_238 = arith.constant 0 : i32
      %dma_wait3A_239 = arith.constant 0 : i32
      %dma_wait3A_240 = tpu.memref_slice %arg2[%dma_wait3A_238, %dma_wait3A_239] : memref<20480x128xf32, #tpu.memory_space<hbm>> -> memref<128x128xf32, #tpu.memory_space<hbm>>
      %dma_wait3A_241 = arith.constant 0 : i32
      %dma_wait3A_242 = arith.constant 0 : i32
      %dma_wait3A_243 = tpu.memref_slice %arg2[%dma_wait3A_241, %dma_wait3A_242] : memref<20480x128xf32, #tpu.memory_space<hbm>> -> memref<128x128xf32, #tpu.memory_space<hbm>>
      tpu.wait_dma2 semaphore(%arg14 : memref<!tpu.dma_semaphore, #tpu.memory_space<semaphore_mem>>) src(%dma_wait3A_243 : memref<128x128xf32, #tpu.memory_space<hbm>>) dst(%arg7 : memref<128x128xf32, #tpu.memory_space<vmem>>)
      %dma_start3A_244 = arith.constant 2 : i32
      %dma_start3A_245 = arith.constant 0 : i32
      %dma_start3A_246 = tpu.memref_slice %arg12[%dma_start3A_244, %dma_start3A_245] : memref<4x128xi32, #tpu.memory_space<vmem>> -> memref<1x128xi32, #tpu.memory_space<vmem>>
      %dma_start3A_247 = tpu.memref_squeeze %dma_start3A_246 : memref<1x128xi32, #tpu.memory_space<vmem>> -> memref<128xi32, #tpu.memory_space<vmem>>
      %dma_start3A_248 = arith.constant 0 : i32
      %dma_start3A_249 = arith.constant 0 : i32
      %dma_start3A_250 = tpu.memref_slice %arg6[%dma_start3A_248, %dma_start3A_249] : memref<10240x128xf32, #tpu.memory_space<vmem_shared>> -> memref<10240x128xf32, #tpu.memory_space<vmem_shared>>
      tpu.enqueue_indirect_dma source(%arg7 : memref<128x128xf32, #tpu.memory_space<vmem>>) target(%dma_start3A_250 : memref<10240x128xf32, #tpu.memory_space<vmem_shared>>) offsets(%dma_start3A_247 : memref<128xi32, #tpu.memory_space<vmem>>) semaphore(%arg16 : memref<!tpu.dma_semaphore, #tpu.memory_space<semaphore_mem>>) {add = true}
      %dma_wait3A_251 = arith.constant 0 : i32
      %dma_wait3A_252 = arith.constant 0 : i32
      %dma_wait3A_253 = tpu.memref_slice %arg2[%dma_wait3A_251, %dma_wait3A_252] : memref<20480x128xf32, #tpu.memory_space<hbm>> -> memref<128x128xf32, #tpu.memory_space<hbm>>
      %dma_wait3A_254 = arith.constant 0 : i32
      %dma_wait3A_255 = arith.constant 0 : i32
      %dma_wait3A_256 = tpu.memref_slice %arg2[%dma_wait3A_254, %dma_wait3A_255] : memref<20480x128xf32, #tpu.memory_space<hbm>> -> memref<128x128xf32, #tpu.memory_space<hbm>>
      tpu.wait_dma2 semaphore(%arg16 : memref<!tpu.dma_semaphore, #tpu.memory_space<semaphore_mem>>) src(%dma_wait3A_256 : memref<128x128xf32, #tpu.memory_space<hbm>>) dst(%arg7 : memref<128x128xf32, #tpu.memory_space<vmem>>)
      %dma_wait3A_257 = arith.constant 0 : i32
      %dma_wait3A_258 = tpu.memref_slice %arg3[%arg0, %arg1, %add3A_184, %dma_wait3A_257] : memref<2x16x164x128xi32, #tpu.memory_space<hbm>> -> memref<1x1x4x128xi32, #tpu.memory_space<hbm>>
      %dma_wait3A_259 = tpu.memref_squeeze %dma_wait3A_258 : memref<1x1x4x128xi32, #tpu.memory_space<hbm>> -> memref<4x128xi32, #tpu.memory_space<hbm>>
      %dma_wait3A_260 = arith.constant 0 : i32
      %dma_wait3A_261 = tpu.memref_slice %arg3[%arg0, %arg1, %add3A_184, %dma_wait3A_260] : memref<2x16x164x128xi32, #tpu.memory_space<hbm>> -> memref<1x1x4x128xi32, #tpu.memory_space<hbm>>
      %dma_wait3A_262 = tpu.memref_squeeze %dma_wait3A_261 : memref<1x1x4x128xi32, #tpu.memory_space<hbm>> -> memref<4x128xi32, #tpu.memory_space<hbm>>
      tpu.wait_dma2 semaphore(%arg13 : memref<!tpu.dma_semaphore, #tpu.memory_space<semaphore_mem>>) src(%dma_wait3A_262 : memref<4x128xi32, #tpu.memory_space<hbm>>) dst(%arg9 : memref<4x128xi32, #tpu.memory_space<vmem>>)
      %dma_wait3A_263 = arith.constant 0 : i32
      %dma_wait3A_264 = tpu.memref_slice %arg4[%arg1, %add3A_192, %dma_wait3A_263] : memref<16x164x128xi32, #tpu.memory_space<hbm>> -> memref<1x4x128xi32, #tpu.memory_space<hbm>>
      %dma_wait3A_265 = tpu.memref_squeeze %dma_wait3A_264 : memref<1x4x128xi32, #tpu.memory_space<hbm>> -> memref<4x128xi32, #tpu.memory_space<hbm>>
      %dma_wait3A_266 = arith.constant 0 : i32
      %dma_wait3A_267 = tpu.memref_slice %arg4[%arg1, %add3A_192, %dma_wait3A_266] : memref<16x164x128xi32, #tpu.memory_space<hbm>> -> memref<1x4x128xi32, #tpu.memory_space<hbm>>
      %dma_wait3A_268 = tpu.memref_squeeze %dma_wait3A_267 : memref<1x4x128xi32, #tpu.memory_space<hbm>> -> memref<4x128xi32, #tpu.memory_space<hbm>>
      tpu.wait_dma2 semaphore(%arg13 : memref<!tpu.dma_semaphore, #tpu.memory_space<semaphore_mem>>) src(%dma_wait3A_268 : memref<4x128xi32, #tpu.memory_space<hbm>>) dst(%arg10 : memref<4x128xi32, #tpu.memory_space<vmem>>)
      %dma_start3A_269 = arith.constant 0 : i32
      %dma_start3A_270 = arith.constant 0 : i32
      %dma_start3A_271 = tpu.memref_slice %arg9[%dma_start3A_269, %dma_start3A_270] : memref<4x128xi32, #tpu.memory_space<vmem>> -> memref<1x128xi32, #tpu.memory_space<vmem>>
      %dma_start3A_272 = tpu.memref_squeeze %dma_start3A_271 : memref<1x128xi32, #tpu.memory_space<vmem>> -> memref<128xi32, #tpu.memory_space<vmem>>
      %dma_start3A_273 = arith.constant 0 : i32
      %dma_start3A_274 = arith.constant 0 : i32
      %dma_start3A_275 = tpu.memref_slice %arg2[%dma_start3A_273, %dma_start3A_274] : memref<20480x128xf32, #tpu.memory_space<hbm>> -> memref<20480x128xf32, #tpu.memory_space<hbm>>
      tpu.enqueue_indirect_dma source(%dma_start3A_275 : memref<20480x128xf32, #tpu.memory_space<hbm>>) target(%arg7 : memref<128x128xf32, #tpu.memory_space<vmem>>) offsets(%dma_start3A_272 : memref<128xi32, #tpu.memory_space<vmem>>) semaphore(%arg14 : memref<!tpu.dma_semaphore, #tpu.memory_space<semaphore_mem>>)
      %dma_wait3A_276 = arith.constant 0 : i32
      %dma_wait3A_277 = arith.constant 0 : i32
      %dma_wait3A_278 = tpu.memref_slice %arg2[%dma_wait3A_276, %dma_wait3A_277] : memref<20480x128xf32, #tpu.memory_space<hbm>> -> memref<128x128xf32, #tpu.memory_space<hbm>>
      %dma_wait3A_279 = arith.constant 0 : i32
      %dma_wait3A_280 = arith.constant 0 : i32
      %dma_wait3A_281 = tpu.memref_slice %arg2[%dma_wait3A_279, %dma_wait3A_280] : memref<20480x128xf32, #tpu.memory_space<hbm>> -> memref<128x128xf32, #tpu.memory_space<hbm>>
      tpu.wait_dma2 semaphore(%arg15 : memref<!tpu.dma_semaphore, #tpu.memory_space<semaphore_mem>>) src(%dma_wait3A_281 : memref<128x128xf32, #tpu.memory_space<hbm>>) dst(%arg8 : memref<128x128xf32, #tpu.memory_space<vmem>>)
      %dma_start3A_282 = arith.constant 3 : i32
      %dma_start3A_283 = arith.constant 0 : i32
      %dma_start3A_284 = tpu.memref_slice %arg12[%dma_start3A_282, %dma_start3A_283] : memref<4x128xi32, #tpu.memory_space<vmem>> -> memref<1x128xi32, #tpu.memory_space<vmem>>
      %dma_start3A_285 = tpu.memref_squeeze %dma_start3A_284 : memref<1x128xi32, #tpu.memory_space<vmem>> -> memref<128xi32, #tpu.memory_space<vmem>>
      %dma_start3A_286 = arith.constant 0 : i32
      %dma_start3A_287 = arith.constant 0 : i32
      %dma_start3A_288 = tpu.memref_slice %arg6[%dma_start3A_286, %dma_start3A_287] : memref<10240x128xf32, #tpu.memory_space<vmem_shared>> -> memref<10240x128xf32, #tpu.memory_space<vmem_shared>>
      tpu.enqueue_indirect_dma source(%arg8 : memref<128x128xf32, #tpu.memory_space<vmem>>) target(%dma_start3A_288 : memref<10240x128xf32, #tpu.memory_space<vmem_shared>>) offsets(%dma_start3A_285 : memref<128xi32, #tpu.memory_space<vmem>>) semaphore(%arg17 : memref<!tpu.dma_semaphore, #tpu.memory_space<semaphore_mem>>) {add = true}
    }
    %scan3A_13 = arith.constant 20 : i32
    %dma_wait3A = arith.constant 0 : i32
    %dma_wait3A_14 = arith.constant 0 : i32
    %dma_wait3A_15 = tpu.memref_slice %arg2[%dma_wait3A, %dma_wait3A_14] : memref<20480x128xf32, #tpu.memory_space<hbm>> -> memref<128x128xf32, #tpu.memory_space<hbm>>
    %dma_wait3A_16 = arith.constant 0 : i32
    %dma_wait3A_17 = arith.constant 0 : i32
    %dma_wait3A_18 = tpu.memref_slice %arg2[%dma_wait3A_16, %dma_wait3A_17] : memref<20480x128xf32, #tpu.memory_space<hbm>> -> memref<128x128xf32, #tpu.memory_space<hbm>>
    tpu.wait_dma2 semaphore(%arg17 : memref<!tpu.dma_semaphore, #tpu.memory_space<semaphore_mem>>) src(%dma_wait3A_18 : memref<128x128xf32, #tpu.memory_space<hbm>>) dst(%arg8 : memref<128x128xf32, #tpu.memory_space<vmem>>)
    %dma_wait3A_19 = arith.constant 0 : i32
    %dma_wait3A_20 = arith.constant 0 : i32
    %dma_wait3A_21 = tpu.memref_slice %arg2[%dma_wait3A_19, %dma_wait3A_20] : memref<20480x128xf32, #tpu.memory_space<hbm>> -> memref<128x128xf32, #tpu.memory_space<hbm>>
    %dma_wait3A_22 = arith.constant 0 : i32
    %dma_wait3A_23 = arith.constant 0 : i32
    %dma_wait3A_24 = tpu.memref_slice %arg2[%dma_wait3A_22, %dma_wait3A_23] : memref<20480x128xf32, #tpu.memory_space<hbm>> -> memref<128x128xf32, #tpu.memory_space<hbm>>
    tpu.wait_dma2 semaphore(%arg14 : memref<!tpu.dma_semaphore, #tpu.memory_space<semaphore_mem>>) src(%dma_wait3A_24 : memref<128x128xf32, #tpu.memory_space<hbm>>) dst(%arg7 : memref<128x128xf32, #tpu.memory_space<vmem>>)
    %barrier3A_25 = arith.constant 0 : index
    tpu.barrier barrier_id(%barrier3A_25)
    "tpu.region"() ({
      %run_scoped3A = tpu.sem_alloc : memref<!tpu.dma_semaphore, #tpu.memory_space<semaphore_mem>>
      %dma_start3A_26 = arith.constant 0 : i32
      %dma_start3A_27 = tpu.memref_slice %arg5[%arg0, %mul3A_0, %dma_start3A_26] : memref<2x10240x128xf32, #tpu.memory_space<hbm>> -> memref<1x640x128xf32, #tpu.memory_space<hbm>>
      %dma_start3A_28 = tpu.memref_squeeze %dma_start3A_27 : memref<1x640x128xf32, #tpu.memory_space<hbm>> -> memref<640x128xf32, #tpu.memory_space<hbm>>
      %dma_start3A_29 = arith.constant 0 : i32
      %dma_start3A_30 = tpu.memref_slice %arg6[%mul3A_0, %dma_start3A_29] : memref<10240x128xf32, #tpu.memory_space<vmem_shared>> -> memref<640x128xf32, #tpu.memory_space<vmem_shared>>
      tpu.enqueue_dma source(%dma_start3A_30 : memref<640x128xf32, #tpu.memory_space<vmem_shared>>) target(%dma_start3A_28 : memref<640x128xf32, #tpu.memory_space<hbm>>) target_semaphore(%run_scoped3A : memref<!tpu.dma_semaphore, #tpu.memory_space<semaphore_mem>>)
      %dma_wait3A_31 = arith.constant 0 : i32
      %dma_wait3A_32 = tpu.memref_slice %arg5[%arg0, %mul3A_0, %dma_wait3A_31] : memref<2x10240x128xf32, #tpu.memory_space<hbm>> -> memref<1x640x128xf32, #tpu.memory_space<hbm>>
      %dma_wait3A_33 = tpu.memref_squeeze %dma_wait3A_32 : memref<1x640x128xf32, #tpu.memory_space<hbm>> -> memref<640x128xf32, #tpu.memory_space<hbm>>
      %dma_wait3A_34 = arith.constant 0 : i32
      %dma_wait3A_35 = tpu.memref_slice %arg6[%mul3A_0, %dma_wait3A_34] : memref<10240x128xf32, #tpu.memory_space<vmem_shared>> -> memref<640x128xf32, #tpu.memory_space<vmem_shared>>
      tpu.wait_dma2 semaphore(%run_scoped3A : memref<!tpu.dma_semaphore, #tpu.memory_space<semaphore_mem>>) src(%dma_wait3A_35 : memref<640x128xf32, #tpu.memory_space<vmem_shared>>) dst(%dma_wait3A_33 : memref<640x128xf32, #tpu.memory_space<hbm>>)
      tpu.yield
    }) : () -> ()
    return
  }
}

module attributes {stable_mosaic.version = 14 : i64} {
  func.func @_k1_body(%arg0: i32, %arg1: i32, %arg2: memref<512x128xf32, #tpu.memory_space<vmem>>, %arg3: memref<2x512x128xf32, #tpu.memory_space<vmem>>, %arg4: memref<128x128xf32, #tpu.memory_space<vmem>>, %arg5: memref<512x128xf32, #tpu.memory_space<vmem>>, %arg6: memref<512x1xf32, #tpu.memory_space<vmem>>) attributes {dimension_semantics = [#tpu.dimension_semantics<arbitrary>, #tpu.dimension_semantics<arbitrary>], iteration_bounds = array<i64: 20, 2>, scalar_prefetch = 0 : i64, scratch_operands = 0 : i64, tpu.core_type = #tpu.core_type<tc>, window_params = [{transform_indices = @transform_0, window_bounds = array<i64: 512, 128>}, {transform_indices = @transform_1, window_bounds = array<i64: 2, 512, 128>}, {transform_indices = @transform_2, window_bounds = array<i64: 128, 128>}, {transform_indices = @transform_3, window_bounds = array<i64: 512, 128>}, {transform_indices = @transform_4, window_bounds = array<i64: 512, 1>}]} {
    %get3A = arith.constant 0 : index
    %get3A_0 = arith.constant 0 : index
    %get3A_1 = arith.constant 0 : index
    %get3A_2 = vector.load %arg3[%get3A, %get3A_0, %get3A_1] : memref<2x512x128xf32, #tpu.memory_space<vmem>>, vector<2x512x128xf32>
    %slice3A = vector.extract_strided_slice %get3A_2 {offsets = [0, 0, 0], sizes = [1, 512, 1], strides = [1, 1, 1]} : vector<2x512x128xf32> to vector<1x512x1xf32>
    %squeeze3A = vector.shape_cast %slice3A : vector<1x512x1xf32> to vector<512x1xf32>
    %slice3A_3 = vector.extract_strided_slice %get3A_2 {offsets = [1, 0, 0], sizes = [1, 512, 1], strides = [1, 1, 1]} : vector<2x512x128xf32> to vector<1x512x1xf32>
    %squeeze3A_4 = vector.shape_cast %slice3A_3 : vector<1x512x1xf32> to vector<512x1xf32>
    %add3A = arith.addf %squeeze3A, %squeeze3A_4 : vector<512x1xf32>
    %add3A_5 = arith.constant 1.000000e+00 : f32
    %add3A_6 = vector.broadcast %add3A_5 : f32 to vector<512x1xf32>
    %add3A_7 = arith.addf %add3A_6, %add3A : vector<512x1xf32>
    %rsqrt3A = math.rsqrt %add3A_7 : vector<512x1xf32>
    %swap3A = arith.constant 0 : index
    %swap3A_8 = arith.constant 0 : index
    %swap3A_9 = vector.load %arg6[%swap3A, %swap3A_8] : memref<512x1xf32, #tpu.memory_space<vmem>>, vector<512x1xf32>
    tpu.vector_store %arg6[%swap3A, %swap3A_8], %rsqrt3A {strides = array<i32>} : memref<512x1xf32, #tpu.memory_space<vmem>>, vector<512x1xf32>,
    %get3A_10 = arith.constant 0 : index
    %get3A_11 = arith.constant 0 : index
    %get3A_12 = vector.load %arg2[%get3A_10, %get3A_11] : memref<512x128xf32, #tpu.memory_space<vmem>>, vector<512x128xf32>
    %get3A_13 = arith.constant 0 : index
    %get3A_14 = arith.constant 0 : index
    %get3A_15 = vector.load %arg4[%get3A_13, %get3A_14] : memref<128x128xf32, #tpu.memory_space<vmem>>, vector<128x128xf32>
    %dot_general3A = arith.constant dense<0.000000e+00> : vector<512x128xf32>
    %dot_general3A_16 = tpu.matmul %get3A_12, %get3A_15, %dot_general3A {dimension_numbers = #tpu.dot_dimension_numbers<[1], [0], [0], [1], [0, 0, 1, 1], [], []>, transpose_lhs_hint = false} : vector<512x128xf32>, vector<128x128xf32>, vector<512x128xf32> -> vector<512x128xf32>
    %mul3A = vector.broadcast %rsqrt3A : vector<512x1xf32> to vector<512x128xf32>
    %mul3A_17 = arith.mulf %mul3A, %dot_general3A_16 : vector<512x128xf32>
    %swap3A_18 = arith.constant 0 : index
    %swap3A_19 = arith.constant 0 : index
    %swap3A_20 = vector.load %arg5[%swap3A_18, %swap3A_19] : memref<512x128xf32, #tpu.memory_space<vmem>>, vector<512x128xf32>
    tpu.vector_store %arg5[%swap3A_18, %swap3A_19], %mul3A_17 {strides = array<i32>} : memref<512x128xf32, #tpu.memory_space<vmem>>, vector<512x128xf32>,
    return
  }
  func.func @transform_0(%arg0: i32, %arg1: i32) -> (i32, i32) {
    %c0_i32 = arith.constant 0 : i32
    %c0_i32_0 = arith.constant 0 : i32
    return %arg0, %c0_i32 : i32, i32
  }
  func.func @transform_1(%arg0: i32, %arg1: i32) -> (i32, i32, i32) {
    %c0_i32 = arith.constant 0 : i32
    %c0_i32_0 = arith.constant 0 : i32
    %c0_i32_1 = arith.constant 0 : i32
    return %c0_i32, %arg0, %c0_i32_0 : i32, i32, i32
  }
  func.func @transform_2(%arg0: i32, %arg1: i32) -> (i32, i32) {
    %c0_i32 = arith.constant 0 : i32
    %c0_i32_0 = arith.constant 0 : i32
    return %c0_i32, %arg1 : i32, i32
  }
  func.func @transform_3(%arg0: i32, %arg1: i32) -> (i32, i32) {
    %mul3A = arith.constant 20 : i32
    %mul3A_0 = arith.muli %arg1, %mul3A : i32
    %add3A = arith.addi %mul3A_0, %arg0 : i32
    %c0_i32 = arith.constant 0 : i32
    %c0_i32_1 = arith.constant 0 : i32
    return %add3A, %c0_i32 : i32, i32
  }
  func.func @transform_4(%arg0: i32, %arg1: i32) -> (i32, i32) {
    %c0_i32 = arith.constant 0 : i32
    %c0_i32_0 = arith.constant 0 : i32
    return %arg0, %c0_i32 : i32, i32
  }
}

module attributes {stable_mosaic.version = 14 : i64} {
  func.func @_mid_body(%arg0: i32, %arg1: i32, %arg2: memref<2x512x128xf32, #tpu.memory_space<vmem>>, %arg3: memref<512x1xf32, #tpu.memory_space<vmem>>, %arg4: memref<1x256xf32, #tpu.memory_space<vmem>>, %arg5: memref<1x256xf32, #tpu.memory_space<vmem>>, %arg6: memref<256x128xf32, #tpu.memory_space<vmem>>, %arg7: memref<512x128xf32, #tpu.memory_space<vmem>>) attributes {dimension_semantics = [#tpu.dimension_semantics<arbitrary>, #tpu.dimension_semantics<arbitrary>], iteration_bounds = array<i64: 20, 2>, scalar_prefetch = 0 : i64, scratch_operands = 0 : i64, tpu.core_type = #tpu.core_type<tc>, window_params = [{transform_indices = @transform_0, window_bounds = array<i64: 2, 512, 128>}, {transform_indices = @transform_1, window_bounds = array<i64: 512, 1>}, {pipeline_mode = #tpu.pipeline_mode<synchronous>, transform_indices = @transform_2, window_bounds = array<i64: 1, 256>}, {pipeline_mode = #tpu.pipeline_mode<synchronous>, transform_indices = @transform_3, window_bounds = array<i64: 1, 256>}, {transform_indices = @transform_4, window_bounds = array<i64: 256, 128>}, {transform_indices = @transform_5, window_bounds = array<i64: 512, 128>}]} {
    %get3A = arith.constant 0 : index
    %get3A_0 = arith.constant 0 : index
    %get3A_1 = arith.constant 0 : index
    %get3A_2 = vector.load %arg2[%get3A, %get3A_0, %get3A_1] : memref<2x512x128xf32, #tpu.memory_space<vmem>>, vector<2x512x128xf32>
    %get3A_3 = arith.constant 0 : index
    %get3A_4 = arith.constant 0 : index
    %get3A_5 = vector.load %arg3[%get3A_3, %get3A_4] : memref<512x1xf32, #tpu.memory_space<vmem>>, vector<512x1xf32>
    %slice3A = vector.extract_strided_slice %get3A_2 {offsets = [0, 0, 0], sizes = [1, 512, 128], strides = [1, 1, 1]} : vector<2x512x128xf32> to vector<1x512x128xf32>
    %squeeze3A = vector.shape_cast %slice3A : vector<1x512x128xf32> to vector<512x128xf32>
    %slice3A_6 = vector.extract_strided_slice %get3A_2 {offsets = [1, 0, 0], sizes = [1, 512, 128], strides = [1, 1, 1]} : vector<2x512x128xf32> to vector<1x512x128xf32>
    %squeeze3A_7 = vector.shape_cast %slice3A_6 : vector<1x512x128xf32> to vector<512x128xf32>
    %concatenate3A = tpu.concatenate %squeeze3A, %squeeze3A_7 in 1 : vector<512x128xf32>, vector<512x128xf32> -> vector<512x256xf32>
    %mul3A = vector.broadcast %get3A_5 : vector<512x1xf32> to vector<512x256xf32>
    %mul3A_8 = arith.mulf %mul3A, %concatenate3A : vector<512x256xf32>
    %get3A_9 = arith.constant 0 : index
    %get3A_10 = arith.constant 0 : index
    %get3A_11 = vector.load %arg4[%get3A_9, %get3A_10] : memref<1x256xf32, #tpu.memory_space<vmem>>, vector<1x256xf32>
    %mul3A_12 = vector.broadcast %get3A_11 : vector<1x256xf32> to vector<512x256xf32>
    %mul3A_13 = arith.mulf %mul3A_8, %mul3A_12 : vector<512x256xf32>
    %get3A_14 = arith.constant 0 : index
    %get3A_15 = arith.constant 0 : index
    %get3A_16 = vector.load %arg5[%get3A_14, %get3A_15] : memref<1x256xf32, #tpu.memory_space<vmem>>, vector<1x256xf32>
    %add3A = vector.broadcast %get3A_16 : vector<1x256xf32> to vector<512x256xf32>
    %add3A_17 = arith.addf %mul3A_13, %add3A : vector<512x256xf32>
    %max3A = arith.constant 0.000000e+00 : f32
    %max3A_18 = vector.broadcast %max3A : f32 to vector<512x256xf32>
    %max3A_19 = arith.maximumf %add3A_17, %max3A_18 : vector<512x256xf32>
    %get3A_20 = arith.constant 0 : index
    %get3A_21 = arith.constant 0 : index
    %get3A_22 = vector.load %arg6[%get3A_20, %get3A_21] : memref<256x128xf32, #tpu.memory_space<vmem>>, vector<256x128xf32>
    %dot_general3A = arith.constant dense<0.000000e+00> : vector<512x128xf32>
    %dot_general3A_23 = tpu.matmul %max3A_19, %get3A_22, %dot_general3A {dimension_numbers = #tpu.dot_dimension_numbers<[1], [0], [0], [1], [0, 0, 1, 1], [], []>, transpose_lhs_hint = false} : vector<512x256xf32>, vector<256x128xf32>, vector<512x128xf32> -> vector<512x128xf32>
    %mul3A_24 = vector.broadcast %get3A_5 : vector<512x1xf32> to vector<512x128xf32>
    %mul3A_25 = arith.mulf %mul3A_24, %dot_general3A_23 : vector<512x128xf32>
    %swap3A = arith.constant 0 : index
    %swap3A_26 = arith.constant 0 : index
    %swap3A_27 = vector.load %arg7[%swap3A, %swap3A_26] : memref<512x128xf32, #tpu.memory_space<vmem>>, vector<512x128xf32>
    tpu.vector_store %arg7[%swap3A, %swap3A_26], %mul3A_25 {strides = array<i32>} : memref<512x128xf32, #tpu.memory_space<vmem>>, vector<512x128xf32>,
    return
  }
  func.func @transform_0(%arg0: i32, %arg1: i32) -> (i32, i32, i32) {
    %c0_i32 = arith.constant 0 : i32
    %c0_i32_0 = arith.constant 0 : i32
    %c0_i32_1 = arith.constant 0 : i32
    return %c0_i32, %arg0, %c0_i32_0 : i32, i32, i32
  }
  func.func @transform_1(%arg0: i32, %arg1: i32) -> (i32, i32) {
    %c0_i32 = arith.constant 0 : i32
    %c0_i32_0 = arith.constant 0 : i32
    return %arg0, %c0_i32 : i32, i32
  }
  func.func @transform_2(%arg0: i32, %arg1: i32) -> (i32, i32) {
    %c0_i32 = arith.constant 0 : i32
    %c0_i32_0 = arith.constant 0 : i32
    %c0_i32_1 = arith.constant 0 : i32
    return %c0_i32, %c0_i32_0 : i32, i32
  }
  func.func @transform_3(%arg0: i32, %arg1: i32) -> (i32, i32) {
    %c0_i32 = arith.constant 0 : i32
    %c0_i32_0 = arith.constant 0 : i32
    %c0_i32_1 = arith.constant 0 : i32
    return %c0_i32, %c0_i32_0 : i32, i32
  }
  func.func @transform_4(%arg0: i32, %arg1: i32) -> (i32, i32) {
    %c0_i32 = arith.constant 0 : i32
    %c0_i32_0 = arith.constant 0 : i32
    return %c0_i32, %arg1 : i32, i32
  }
  func.func @transform_5(%arg0: i32, %arg1: i32) -> (i32, i32) {
    %mul3A = arith.constant 20 : i32
    %mul3A_0 = arith.muli %arg1, %mul3A : i32
    %add3A = arith.addi %mul3A_0, %arg0 : i32
    %c0_i32 = arith.constant 0 : i32
    %c0_i32_1 = arith.constant 0 : i32
    return %add3A, %c0_i32 : i32, i32
  }
}

module attributes {stable_mosaic.version = 14 : i64} {
  func.func @_head_body(%arg0: i32, %arg1: memref<2x512x128xf32, #tpu.memory_space<vmem>>, %arg2: memref<512x1xf32, #tpu.memory_space<vmem>>, %arg3: memref<1x256xf32, #tpu.memory_space<vmem>>, %arg4: memref<256x128xf32, #tpu.memory_space<vmem>>, %arg5: memref<1x128xf32, #tpu.memory_space<vmem>>, %arg6: memref<128x128xf32, #tpu.memory_space<vmem>>, %arg7: memref<1x128xf32, #tpu.memory_space<vmem>>, %arg8: memref<512x128xf32, #tpu.memory_space<vmem>>) attributes {dimension_semantics = [#tpu.dimension_semantics<arbitrary>], iteration_bounds = array<i64: 20>, scalar_prefetch = 0 : i64, scratch_operands = 0 : i64, tpu.core_type = #tpu.core_type<tc>, window_params = [{transform_indices = @transform_0, window_bounds = array<i64: 2, 512, 128>}, {transform_indices = @transform_1, window_bounds = array<i64: 512, 1>}, {pipeline_mode = #tpu.pipeline_mode<synchronous>, transform_indices = @transform_2, window_bounds = array<i64: 1, 256>}, {pipeline_mode = #tpu.pipeline_mode<synchronous>, transform_indices = @transform_3, window_bounds = array<i64: 256, 128>}, {pipeline_mode = #tpu.pipeline_mode<synchronous>, transform_indices = @transform_4, window_bounds = array<i64: 1, 128>}, {pipeline_mode = #tpu.pipeline_mode<synchronous>, transform_indices = @transform_5, window_bounds = array<i64: 128, 128>}, {pipeline_mode = #tpu.pipeline_mode<synchronous>, transform_indices = @transform_6, window_bounds = array<i64: 1, 128>}, {transform_indices = @transform_7, window_bounds = array<i64: 512, 128>}]} {
    %get3A = arith.constant 0 : index
    %get3A_0 = arith.constant 0 : index
    %get3A_1 = arith.constant 0 : index
    %get3A_2 = vector.load %arg1[%get3A, %get3A_0, %get3A_1] : memref<2x512x128xf32, #tpu.memory_space<vmem>>, vector<2x512x128xf32>
    %get3A_3 = arith.constant 0 : index
    %get3A_4 = arith.constant 0 : index
    %get3A_5 = vector.load %arg2[%get3A_3, %get3A_4] : memref<512x1xf32, #tpu.memory_space<vmem>>, vector<512x1xf32>
    %slice3A = vector.extract_strided_slice %get3A_2 {offsets = [0, 0, 0], sizes = [1, 512, 128], strides = [1, 1, 1]} : vector<2x512x128xf32> to vector<1x512x128xf32>
    %squeeze3A = vector.shape_cast %slice3A : vector<1x512x128xf32> to vector<512x128xf32>
    %slice3A_6 = vector.extract_strided_slice %get3A_2 {offsets = [1, 0, 0], sizes = [1, 512, 128], strides = [1, 1, 1]} : vector<2x512x128xf32> to vector<1x512x128xf32>
    %squeeze3A_7 = vector.shape_cast %slice3A_6 : vector<1x512x128xf32> to vector<512x128xf32>
    %concatenate3A = tpu.concatenate %squeeze3A, %squeeze3A_7 in 1 : vector<512x128xf32>, vector<512x128xf32> -> vector<512x256xf32>
    %mul3A = vector.broadcast %get3A_5 : vector<512x1xf32> to vector<512x256xf32>
    %mul3A_8 = arith.mulf %mul3A, %concatenate3A : vector<512x256xf32>
    %get3A_9 = arith.constant 0 : index
    %get3A_10 = arith.constant 0 : index
    %get3A_11 = vector.load %arg3[%get3A_9, %get3A_10] : memref<1x256xf32, #tpu.memory_space<vmem>>, vector<1x256xf32>
    %add3A = vector.broadcast %get3A_11 : vector<1x256xf32> to vector<512x256xf32>
    %add3A_12 = arith.addf %mul3A_8, %add3A : vector<512x256xf32>
    %get3A_13 = arith.constant 0 : index
    %get3A_14 = arith.constant 0 : index
    %get3A_15 = vector.load %arg4[%get3A_13, %get3A_14] : memref<256x128xf32, #tpu.memory_space<vmem>>, vector<256x128xf32>
    %dot_general3A = arith.constant dense<0.000000e+00> : vector<512x128xf32>
    %dot_general3A_16 = tpu.matmul %add3A_12, %get3A_15, %dot_general3A {dimension_numbers = #tpu.dot_dimension_numbers<[1], [0], [0], [1], [0, 0, 1, 1], [], []>, transpose_lhs_hint = false} : vector<512x256xf32>, vector<256x128xf32>, vector<512x128xf32> -> vector<512x128xf32>
    %get3A_17 = arith.constant 0 : index
    %get3A_18 = arith.constant 0 : index
    %get3A_19 = vector.load %arg5[%get3A_17, %get3A_18] : memref<1x128xf32, #tpu.memory_space<vmem>>, vector<1x128xf32>
    %add3A_20 = vector.broadcast %get3A_19 : vector<1x128xf32> to vector<512x128xf32>
    %add3A_21 = arith.addf %dot_general3A_16, %add3A_20 : vector<512x128xf32>
    %max3A = arith.constant 0.000000e+00 : f32
    %max3A_22 = vector.broadcast %max3A : f32 to vector<512x128xf32>
    %max3A_23 = arith.maximumf %add3A_21, %max3A_22 : vector<512x128xf32>
    %get3A_24 = arith.constant 0 : index
    %get3A_25 = arith.constant 0 : index
    %get3A_26 = vector.load %arg6[%get3A_24, %get3A_25] : memref<128x128xf32, #tpu.memory_space<vmem>>, vector<128x128xf32>
    %dot_general3A_27 = arith.constant dense<0.000000e+00> : vector<512x128xf32>
    %dot_general3A_28 = tpu.matmul %max3A_23, %get3A_26, %dot_general3A_27 {dimension_numbers = #tpu.dot_dimension_numbers<[1], [0], [0], [1], [0, 0, 1, 1], [], []>, transpose_lhs_hint = false} : vector<512x128xf32>, vector<128x128xf32>, vector<512x128xf32> -> vector<512x128xf32>
    %get3A_29 = arith.constant 0 : index
    %get3A_30 = arith.constant 0 : index
    %get3A_31 = vector.load %arg7[%get3A_29, %get3A_30] : memref<1x128xf32, #tpu.memory_space<vmem>>, vector<1x128xf32>
    %add3A_32 = vector.broadcast %get3A_31 : vector<1x128xf32> to vector<512x128xf32>
    %add3A_33 = arith.addf %dot_general3A_28, %add3A_32 : vector<512x128xf32>
    %swap3A = arith.constant 0 : index
    %swap3A_34 = arith.constant 0 : index
    %swap3A_35 = vector.load %arg8[%swap3A, %swap3A_34] : memref<512x128xf32, #tpu.memory_space<vmem>>, vector<512x128xf32>
    tpu.vector_store %arg8[%swap3A, %swap3A_34], %add3A_33 {strides = array<i32>} : memref<512x128xf32, #tpu.memory_space<vmem>>, vector<512x128xf32>,
    return
  }
  func.func @transform_0(%arg0: i32) -> (i32, i32, i32) {
    %c0_i32 = arith.constant 0 : i32
    %c0_i32_0 = arith.constant 0 : i32
    %c0_i32_1 = arith.constant 0 : i32
    return %c0_i32, %arg0, %c0_i32_0 : i32, i32, i32
  }
  func.func @transform_1(%arg0: i32) -> (i32, i32) {
    %c0_i32 = arith.constant 0 : i32
    %c0_i32_0 = arith.constant 0 : i32
    return %arg0, %c0_i32 : i32, i32
  }
  func.func @transform_2(%arg0: i32) -> (i32, i32) {
    %c0_i32 = arith.constant 0 : i32
    %c0_i32_0 = arith.constant 0 : i32
    %c0_i32_1 = arith.constant 0 : i32
    return %c0_i32, %c0_i32_0 : i32, i32
  }
  func.func @transform_3(%arg0: i32) -> (i32, i32) {
    %c0_i32 = arith.constant 0 : i32
    %c0_i32_0 = arith.constant 0 : i32
    %c0_i32_1 = arith.constant 0 : i32
    return %c0_i32, %c0_i32_0 : i32, i32
  }
  func.func @transform_4(%arg0: i32) -> (i32, i32) {
    %c0_i32 = arith.constant 0 : i32
    %c0_i32_0 = arith.constant 0 : i32
    %c0_i32_1 = arith.constant 0 : i32
    return %c0_i32, %c0_i32_0 : i32, i32
  }
  func.func @transform_5(%arg0: i32) -> (i32, i32) {
    %c0_i32 = arith.constant 0 : i32
    %c0_i32_0 = arith.constant 0 : i32
    %c0_i32_1 = arith.constant 0 : i32
    return %c0_i32, %c0_i32_0 : i32, i32
  }
  func.func @transform_6(%arg0: i32) -> (i32, i32) {
    %c0_i32 = arith.constant 0 : i32
    %c0_i32_0 = arith.constant 0 : i32
    %c0_i32_1 = arith.constant 0 : i32
    return %c0_i32, %c0_i32_0 : i32, i32
  }
  func.func @transform_7(%arg0: i32) -> (i32, i32) {
    %c0_i32 = arith.constant 0 : i32
    %c0_i32_0 = arith.constant 0 : i32
    return %arg0, %c0_i32 : i32, i32
  }
}

</mosaic_0001>

<sc_bundles>
// kernel: sc_degree_count.3.cloned.1.call-start
scs
__scs_entry_jumppad:
0x0: {  	(pc) =	sbr.rel $0x88, $3  }
0x1: {  	(tag) =	ssettag $0x0;
	lr =	simm.s32 $0x1  }
0x2: {  	[smem:$0x3F8D] =	sst lr;
	_ =	strace $0xD0000000  }
0x3: {  	_ = 	snop  }
0x4: {  	_ = 	snop  }
0x5: {  	_ = 	snop  }
0x6: {  	_ = 	snop  }
0x7: {  	_ = 	snop  }
__scs_overlays_trampoline_lowered:
0x8: {  	[smem:$0x3F9C] =	sst s0  }
0x9: {  	[smem:$0x3F9D] =	sst s1  }
0xa: {  	[smem:$0x3F9E] =	sst s2  }
0xb: {  	[smem:$0x3F9F] =	sst s3  }
0xc: {  	[smem:$0x3FA0] =	sst s4  }
0xd: {  	[smem:$0x3FA1] =	sst s5  }
0xe: {  	[smem:$0x3FA2] =	sst s6  }
0xf: {  	[smem:$0x3FA3] =	sst s7  }
0x10: {  	[smem:$0x3FA4] =	sst s8  }
0x11: {  	[smem:$0x3FA5] =	sst s9;
	s0 =	simm.s32 @!p0 $0x0  }
0x12: {  	s1 =	sld [smem:$0x3F8B];
	s0 =	simm.s32 @p0 $0x1  }
0x13: {  	[smem:$0x3FA6] =	sst s0;
	s0 =	simm.s32 @!p1 $0x0  }
0x14: {  	s2 =	sld [smem:$0x3F8A];
	s0 =	simm.s32 @p1 $0x1  }
0x15: {  	[smem:$0x3FA7] =	sst s0;
	s0 =	simm.s32 @!p2 $0x0  }
0x16: {  	s3 =	sld [smem:$0x3FDB];
	s0 =	simm.s32 @p2 $0x1  }
0x17: {  	s4 =	simm.s32 $0x1BF5;
	[smem:$0x3FA9] =	sst s0  }
0x18: {  	s0 =	sld [smem:$0x3F8C];
	_ =	swait.ge [sflag:s4], $0x0  }
0x19: {  	s7 =	sld [smem:$0x3F8D]  }
0x1a: {  	s8 =	sadd.s32 $0xFFFFE003, lr  }
0x1b: {  	s9 =	sadd.s32 $0xFFFFFEF7, lr;
	s5 =	simm.s32 $0xFFFFFFFF;
	p2 =	slt.u32 s8, $0xFFFFF086  }
0x1c: {  	p1 =	slt.u32 s9, $0xF7A;
	s5 =	simm.s32 @!p2 $0x0  }
0x1d: {  	s5 =	simm.s32 @p1 $0x1;
	p0 =	seq.s32 s7, s2  }
0x1e: {  	s7 =	smul.u32 @!p0 $0xF7A, s2;
	p2 =	seq.s32 @!p0 s5, $0x0  }
0x1f: {  	s9 =	smul.u32 $0xF7A, s1;
	s8 =	simm.s32 @!p0 $0x1BF5;
	p2 =	por !p2, p0  }
0x20: {  	[sflag:s8] =	ssyncset.s32 @!p0 $0xFFFFF086;
	s6 =	sadd.s32 @!p0 s3, s7;
	s7 =	simm.s32 @!p0 $0x108  }
0x21: {  	s3 =	sadd.s32 s3, s9;
	s6 =	sadd.s32 @!p0 $0x88, s6;
	s7 =	simm.s32 @p2 $0x1082  }
0x22: {  	[simem:s7], [sflag:s8] =	dma.local @!p0 [hbm:s6], $0xF7A  }
0x23: {  	s9 =	sor.u32 $0xD0000000, s2;
	s6 =	simm.s32 $0x108;
	_ =	swait.ge @!p0 [sflag:s8], $0x0  }
0x24: {  	s3 =	sadd.s32 $0x88, s3;
	s6 =	simm.s32 @!p1 $0x1082;
	[sflag:s4] =	ssyncset.s32 $0xFFFFF086  }
0x25: {  	[simem:s6], [sflag:s4] =	dma.local [hbm:s3], $0xF7A  }
0x26: {  	[smem:$0x3F8D] =	sst s1;
	(tag) =	ssettag s2;
	_ =	strace s9  }
0x27: {  	s1 =	sld [smem:$0x3F9D]  }
0x28: {  	s2 =	sld [smem:$0x3F9E]  }
0x29: {  	s4 =	sld [smem:$0x3FA0]  }
0x2a: {  	p0 =	seq.s32 s5, $0x0;
	s5 =	sld [smem:$0x3FA1]  }
0x2b: {  	s6 =	sld [smem:$0x3FA2]  }
0x2c: {  	s7 =	sld [smem:$0x3FA3]  }
0x2d: {  	s3 =	simm.s32 $0x108;
	s8 =	sld [smem:$0x3FA4]  }
0x2e: {  	s3 =	simm.s32 @!p0 $0x1082;
	s9 =	sld [smem:$0x3FA5]  }
0x2f: {  	lr =	sadd.s32 s0, s3;
	s0 =	sld [smem:$0x3F9C]  }
0x30: {  	s3 =	sld [smem:$0x3F9F]  }
0x31: {  	[smem:$0x3FA8] =	sst s10  }
0x32: {  	s10 =	sld [smem:$0x3FA6];
	_ =	sdelay $0x3  }
0x33: {  	p0 =	seq.s32 s10, $0x1;
	s10 =	sld [smem:$0x3FA8];
	_ =	sdelay $0x3  }
0x34: {  	[smem:$0x3FA8] =	sst s10  }
0x35: {  	s10 =	sld [smem:$0x3FA7];
	_ =	sdelay $0x3  }
0x36: {  	p1 =	seq.s32 s10, $0x1;
	s10 =	sld [smem:$0x3FA8];
	_ =	sdelay $0x3  }
0x37: {  	[smem:$0x3FA8] =	sst s10  }
0x38: {  	s10 =	sld [smem:$0x3FA9]  }
0x39: {  	_ = 	snop;
	(pc) =	sbr.ind lr, $3  }
0x3a: {  	_ = 	snop  }
0x3b: {  	_ = 	snop  }
0x3c: {  	p2 =	seq.s32 s10, $0x1;
	s10 =	sld [smem:$0x3FA8]  }
0x3d: {  	_ =	shalt  }
0x3e: {  	_ =	shalt  }
0x3f: {  	_ =	shalt  }
0x40: {  	_ =	shalt  }
0x41: {  	_ =	shalt  }
0x42: {  	_ =	shalt  }
0x43: {  	_ =	shalt  }
0x44: {  	_ =	shalt  }
0x45: {  	_ =	shalt  }
0x46: {  	_ =	shalt  }
0x47: {  	_ =	shalt  }
0x48: {  	_ =	shalt  }
0x49: {  	_ =	shalt  }
0x4a: {  	_ =	shalt  }
0x4b: {  	_ =	shalt  }
0x4c: {  	_ =	shalt  }
0x4d: {  	_ =	shalt  }
0x4e: {  	_ =	shalt  }
0x4f: {  	_ =	shalt  }
0x50: {  	_ =	shalt  }
0x51: {  	_ =	shalt  }
0x52: {  	_ =	shalt  }
0x53: {  	_ =	shalt  }
0x54: {  	_ =	shalt  }
0x55: {  	_ =	shalt  }
0x56: {  	_ =	shalt  }
0x57: {  	_ =	shalt  }
0x58: {  	_ =	shalt  }
0x59: {  	_ =	shalt  }
0x5a: {  	_ =	shalt  }
0x5b: {  	_ =	shalt  }
0x5c: {  	_ =	shalt  }
0x5d: {  	_ =	shalt  }
0x5e: {  	_ =	shalt  }
0x5f: {  	_ =	shalt  }
0x60: {  	_ =	shalt  }
0x61: {  	_ =	shalt  }
0x62: {  	_ =	shalt  }
0x63: {  	_ =	shalt  }
0x64: {  	_ =	shalt  }
0x65: {  	_ =	shalt  }
0x66: {  	_ =	shalt  }
0x67: {  	_ =	shalt  }
0x68: {  	_ =	shalt  }
0x69: {  	_ =	shalt  }
0x6a: {  	_ =	shalt  }
0x6b: {  	_ =	shalt  }
0x6c: {  	_ =	shalt  }
0x6d: {  	_ =	shalt  }
0x6e: {  	_ =	shalt  }
0x6f: {  	_ =	shalt  }
0x70: {  	_ =	shalt  }
0x71: {  	_ =	shalt  }
0x72: {  	_ =	shalt  }
0x73: {  	_ =	shalt  }
0x74: {  	_ =	shalt  }
0x75: {  	_ =	shalt  }
0x76: {  	_ =	shalt  }
0x77: {  	_ =	shalt  }
0x78: {  	_ =	shalt  }
0x79: {  	_ =	shalt  }
0x7a: {  	_ =	shalt  }
0x7b: {  	_ =	shalt  }
0x7c: {  	_ =	shalt  }
0x7d: {  	_ =	shalt  }
0x7e: {  	_ =	shalt  }
0x7f: {  	_ =	shalt  }
0x80: {  	_ =	shalt  }
0x81: {  	_ =	shalt  }
0x82: {  	_ =	shalt  }
0x83: {  	_ =	shalt  }
0x84: {  	_ =	shalt  }
0x85: {  	_ =	shalt  }
0x86: {  	_ =	shalt  }
0x87: {  	_ =	shalt  }
.Lfunc_end0:
.L_simem_size_0:
called_computation_lowered:
.L_overlay_start_0:
0x88: {  	s2 =	sld [smem:$0x3FD9]  }
0x89: {  	s3 =	sld [smem:$0x3FFE];
	_ =	sdelay $0x1  }
0x8a: {  	s1 =	srdreg.scid  }
0x8b: {  	s0 =	sand.u32 $0x1, s1  }
0x8c: {  	s17 =	sshll.u32 s0, $0xA;
	s2 =	sadd.s32 s3, s2  }
0x8d: {  	s2 =	sadd.s32 s2, s17  }
0x8e: {  	[smem:$0x3FB4] =	sst s2  }
0x8f: {  	_ = 	snop  }
0x90: {  	s2 =	sld [smem:$0x3FD0];
	(tm) =	ssettm $0x1  }
0x91: {  	s18 =	sld [smem:$0x3FFB];
	_ =	sdelay $0x3  }
0x92: {  	_ =	strace s18  }
0x93: {  	s3 =	sld [smem:$0x3FFC];
	_ =	sdelay $0x3  }
0x94: {  	_ =	strace s3  }
0x95: {  	s3 =	sld [smem:$0x3FFD];
	_ =	sdelay $0x3  }
0x96: {  	_ =	strace s3  }
0x97: {  	_ =	strace $0x8FFFFFFF  }
0x98: {  	s19 =	sld [smem:$0x3FDB];
	_ =	sdelay $0x1  }
0x99: {  	s4 =	simm.s32 $_scs_section_size  }
0x9a: {  	s5 =	simm.s32 $_size__tile_overlayer_lowered;
	s6 =	simm.s32 $_tile_overlayer_lowered  }
0x9b: {  	s22 =	simm.s32 $0x1BFF;
	s21 =	sshll.u32 s6, $0x1;
	s3 =	sadd.s32 s4, s19  }
0x9c: {  	s7 =	simm.s32 $0x0;
	s20 =	sshll.u32 s5, $0x1;
	s5 =	sadd.s32 s21, s3  }
0x9d: {  	[timem:s7], [sflag:s22] =	dma.local [hbm:s5], s20  }
0x9e: {  	_ =	swait.ge [sflag:s22], s20  }
0x9f: {  	s4 =	ssub.s32 $0x0, s20;
	[sflag:s22] =	ssyncset.done $0x0  }
0xa0: {  	[sflag:s22] =	ssyncadd.s32 s4;
	_ =	sdelay $0x1  }
0xa1: {  	s23 =	simm.s32 $0x1B8B  }
0xa2: {  	_ =	swait.ge [sflag:s23], $0x1  }
0xa3: {  	[sflag:s23] =	ssyncset.done $0x0  }
0xa4: {  	s25 =	simm.s32 $0x1B8E;
	s24 =	sld [smem:$0x3FFE];
	[sflag:s23] =	ssyncadd.s32 $0xFFFFFFFF  }
0xa5: {  	s26 =	simm.s32 $execute0_lowered;
	[smem:$0x3FD2] =	sst s25  }
0xa6: {  	s5 =	sshll.u32 s26, $0x1;
	_ =	strace $0x80000046;
	[dreg:$0x1] =	wrdreg $0xFFFFFFFF  }
0xa7: {  	s28 =	simm.s32 $_size_execute0_lowered;
	s3 =	sadd.s32 s3, s5;
	[dreg:$0x0] =	wrdreg $0x0  }
0xa8: {  	s5 =	sshll.u32 s28, $0x1;
	[dreg:$0x2] =	wrdreg s3  }
0xa9: {  	[dreg:$0x3] =	wrdreg s5  }
0xaa: {  	[dreg:$0x4] =	wrdreg $0xC0  }
0xab: {  	_ =	task [dreg:s7], $0x5FFFF  }
0xac: {  	[dreg:$0x1] =	wrdreg $0xFFFFFFFF  }
0xad: {  	[dreg:$0x0] =	wrdreg $0x60  }
0xae: {  	[dreg:$0x2] =	wrdreg s24  }
0xaf: {  	[dreg:$0x3] =	wrdreg s2  }
0xb0: {  	[dreg:$0x4] =	wrdreg $0x0  }
0xb1: {  	[dreg:$0x5] =	wrdreg $0x9  }
0xb2: {  	_ =	task.clear_ibuf [dreg:s7], $0x6FFFF;
	_ =	strace $0x90000046  }
0xb3: {  	s29 =	simm.s32 $0x9;
	_ =	strace $0x80000048  }
0xb4: {  	_ =	swait.ge [sflag:s29], $0x1  }
0xb5: {  	[sflag:s29] =	ssyncadd.s32 $0xFFFFFFFF  }
0xb6: {  	_ =	strace $0x90000048  }
0xb7: {  	_ =	sfence  }
0xb8: {  	s30 =	sld [smem:$0x0];
	_ =	sdelay $0x2  }
0xb9: {  	s31 =	sshll.u32 s1, $0xD;
	s1 =	sshrl.u32 s1, $0x2  }
0xba: {  	s3 =	sand.u32 $0x4000, s31;
	s1 =	sadd.s32 s1, s30  }
0xbb: {  	s0 =	sor.u32 s3, s0;
	s1 =	sshll.u32 s1, $0x11  }
0xbc: {  	s0 =	sor.u32 s1, s0  }
0xbd: {  	s0 =	sadd.s32 $0x8F2B, s0  }
0xbe: {  	[sflag:s0] =	ssyncadd.remote.s32 $0x1  }
0xbf: {  	_ =	sfence.sel $0xFFFF  }
0xc0: {  	[dreg:$0x0] =	wrdreg $0xFFFFFFFF;
	(pc) =	sbr.abs _section_cstart, $3  }
0xc1: {  	[dreg:$0x1] =	wrdreg $0xFFFFFFFF  }
0xc2: {  	_ =	task.clear_ibuf [dreg:s7], $0x2FFFF;
	_ =	strace $0x9FFFFFFF  }
0xc3: {  	(tm) =	ssettm $0x7FFFFFFF  }
tec
execute0_lowered:
.L_overlay_start_1:
0x0: {  	(tag) =	ssettag $0x1  }
0x1: {  	s5 =	rddreg [dreg:$0x0]  }
0x2: {  	s1 =	srdreg.scid;
	s2 =	rddreg [dreg:$0x1]  }
0x3: {  	s0 =	stileid.u32;
	s3 =	rddreg [dreg:$0x2]  }
0x4: {  	s4 =	simm.s32 $0x0;
	s13 =	simm.s32 $0x14000;
	s7 =	smul.u32 $0x5400, s0  }
0x5: {  	s14 =	simm.s32 $0x80;
	s15 =	simm.s32 $0x1;
	s28 =	smul.u32 $0x14000, s0  }
0x6: {  	s6 =	sand.u32 $0x1, s1;
	s1 =	rddreg [dreg:$0x3];
	s29 =	smul.u32 $0x50000, s0  }
0x7: {  	s16 =	simm.s32 $0x0;
	[smem:$0x7FF] =	sst s4;
	s8 =	smul.u32 $0x2800, s6  }
0x8: {  	s31 =	sshll.u32 s0, $0x6;
	s9 =	smul.u32 $0x140000, s6;
	s6 =	ssub.s32 $0x2, s6  }
0x9: {  	_ =	strace $0x80000047;
	s10 =	sshrl.u32 s28, $0x3;
	s30 =	sshrl.u32 s6, $0x1  }
0xa: {  	s7 =	sadd.s32 s8, s7;
	s8 =	sadd.s32 s28, s9;
	s10 =	sadd.s32 s10, s5  }
0xb: {  	s9 =	sshrl.u32 s29, $0x2;
	s11 =	ssub.s32 s6, s30;
	s6 =	sor.u32 $0x1C02, s31  }
0xc: {  	s7 =	sshrl.u32 s7, $0x3;
	s8 =	sshrl.u32 s8, $0x3;
	s12 =	sadd.s32 s9, s3  }
0xd: {  	s9 =	smax.u32 s11, $0x1;
	s11 =	simm.s32 $0x2;
	s7 =	sadd.s32 s7, s5  }
0xe: {  	s8 =	sadd.s32 s8, s5;
	s5 =	sadd.s32 $0xE600, s10;
	s10 =	sshrl.u32 s12, $0x3  }
0xf: {  	s12 =	simm.s32 $0x16800;
	s7 =	sadd.s32 $0x3E00, s7;
	s8 =	sadd.s32 $0x36600, s8  }
.LBB2_1:
0x10: {  	[spmem:s10], [sflag:s6] =	dma.local [hbm:s5], $0x2800  }
0x11: {  	_ =	swait.ge [sflag:s11], $0x2800  }
0x12: {  	[sflag:s11] =	ssyncset.done $0x0  }
0x13: {  	[sflag:s11] =	ssyncadd.s32 $0xFFFFD800  }
0x14: {  	[tilespmem:s12], [sflag:$0x2] =	stream.linear.gather [hbm4b:s2+s4], $0x4000, $0x38;
	[tilespmem:$0x1A800] =	vst v63  }
0x15: {  	_ =	swait.ge [sflag:s11], $0x4000  }
0x16: {  	[sflag:s11] =	ssyncset.done $0x0  }
0x17: {  	[sflag:s11] =	ssyncadd.s32 $0xFFFFC000  }
0x18: {  	[tilespmem:s13], [sflag:$0x2] =	stream.linear.gather [hbm4b:s7+s4], $0x2800, $0x38;
	[tilespmem:$0x1A800] =	vst v63  }
0x19: {  	_ =	swait.ge [sflag:s11], $0x2800  }
0x1a: {  	[sflag:s11] =	ssyncset.done $0x0  }
0x1b: {  	[sflag:s11] =	ssyncadd.s32 $0xFFFFD800  }
0x1c: {  	s17 =	simm.s32 $0x14000;
	[bflag:$0x0] =	sbarrier.arrive $0xFFFF  }
0x1d: {  	[spmem:s3] =	stream.indirect.scatter.add.f32 [tilespmem:s12], [sflag:$0x1], $0x80, s17, s14, $0xb8;
	[tilespmem:$0x1A800] =	vst v63  }
0x1e: {  	s24 =	simm.s32 $0x14080  }
0x1f: {  	[spmem:s3] =	stream.indirect.scatter.add.f32 [tilespmem:s12], [sflag:$0x1], $0x80, s24, s14, $0xb8;
	[tilespmem:$0x1A800] =	vst v63  }
0x20: {  	s25 =	simm.s32 $0x14100  }
0x21: {  	[spmem:s3] =	stream.indirect.scatter.add.f32 [tilespmem:s12], [sflag:$0x1], $0x80, s25, s14, $0xb8;
	[tilespmem:$0x1A800] =	vst v63  }
0x22: {  	s26 =	simm.s32 $0x14180  }
0x23: {  	[spmem:s3] =	stream.indirect.scatter.add.f32 [tilespmem:s12], [sflag:$0x1], $0x80, s26, s14, $0xb8;
	[tilespmem:$0x1A800] =	vst v63  }
0x24: {  	s28 =	simm.s32 $0x14200  }
0x25: {  	[spmem:s3] =	stream.indirect.scatter.add.f32 [tilespmem:s12], [sflag:$0x1], $0x80, s28, s14, $0xb8;
	[tilespmem:$0x1A800] =	vst v63  }
0x26: {  	s29 =	simm.s32 $0x14280  }
0x27: {  	[spmem:s3] =	stream.indirect.scatter.add.f32 [tilespmem:s12], [sflag:$0x1], $0x80, s29, s14, $0xb8;
	[tilespmem:$0x1A800] =	vst v63  }
0x28: {  	s30 =	simm.s32 $0x14300  }
0x29: {  	[spmem:s3] =	stream.indirect.scatter.add.f32 [tilespmem:s12], [sflag:$0x1], $0x80, s30, s14, $0xb8;
	[tilespmem:$0x1A800] =	vst v63  }
0x2a: {  	s31 =	simm.s32 $0x14380  }
0x2b: {  	[spmem:s3] =	stream.indirect.scatter.add.f32 [tilespmem:s12], [sflag:$0x1], $0x80, s31, s14, $0xb8;
	[tilespmem:$0x1A800] =	vst v63  }
0x2c: {  	_ =	swait.ge [sflag:s15], $0x4000  }
0x2d: {  	[sflag:s15] =	ssyncset.done $0x0  }
0x2e: {  	[sflag:s15] =	ssyncadd.s32 $0xFFFFC000  }
0x2f: {  	_ =	swait.ge [sflag:s15], $0x4000  }
0x30: {  	[sflag:s15] =	ssyncset.done $0x0  }
0x31: {  	[sflag:s15] =	ssyncadd.s32 $0xFFFFC000  }
0x32: {  	_ =	swait.ge [sflag:s15], $0x4000  }
0x33: {  	[sflag:s15] =	ssyncset.done $0x0  }
0x34: {  	[sflag:s15] =	ssyncadd.s32 $0xFFFFC000  }
0x35: {  	_ =	swait.ge [sflag:s15], $0x4000  }
0x36: {  	[sflag:s15] =	ssyncset.done $0x0  }
0x37: {  	[sflag:s15] =	ssyncadd.s32 $0xFFFFC000  }
0x38: {  	_ =	swait.ge [sflag:s15], $0x4000  }
0x39: {  	[sflag:s15] =	ssyncset.done $0x0  }
0x3a: {  	[sflag:s15] =	ssyncadd.s32 $0xFFFFC000  }
0x3b: {  	_ =	swait.ge [sflag:s15], $0x4000  }
0x3c: {  	[sflag:s15] =	ssyncset.done $0x0  }
0x3d: {  	[sflag:s15] =	ssyncadd.s32 $0xFFFFC000  }
0x3e: {  	_ =	swait.ge [sflag:s15], $0x4000  }
0x3f: {  	[sflag:s15] =	ssyncset.done $0x0  }
0x40: {  	[sflag:s15] =	ssyncadd.s32 $0xFFFFC000  }
0x41: {  	_ =	swait.ge [sflag:s15], $0x4000  }
0x42: {  	s20 =	simm.s32 $0x2000;
	s19 =	simm.s32 $0x400;
	[sflag:s15] =	ssyncset.done $0x0  }
.LBB2_2:
0x43: {  	s21 =	sadd.s32 $0x14000, s19  }
0x44: {  	[sflag:s15] =	ssyncadd.s32 $0xFFFFC000;
	s18 =	smov.u32 s20;
	s17 =	sadd.s32 $0x1000, s20  }
0x45: {  	[spmem:s3] =	stream.indirect.scatter.add.f32 [tilespmem:s12], [sflag:$0x1], $0x80, s21, s14, $0xb8;
	[tilespmem:$0x1A800] =	vst v63  }
0x46: {  	p0 =	sne.s32 s20, $0x9000;
	s20 =	sadd.s32 $0x14080, s19  }
0x47: {  	[spmem:s3] =	stream.indirect.scatter.add.f32 [tilespmem:s12], [sflag:$0x1], $0x80, s20, s14, $0xb8;
	[tilespmem:$0x1A800] =	vst v63  }
0x48: {  	s20 =	sadd.s32 $0x14100, s19  }
0x49: {  	[spmem:s3] =	stream.indirect.scatter.add.f32 [tilespmem:s12], [sflag:$0x1], $0x80, s20, s14, $0xb8;
	[tilespmem:$0x1A800] =	vst v63  }
0x4a: {  	s20 =	sadd.s32 $0x14180, s19  }
0x4b: {  	[spmem:s3] =	stream.indirect.scatter.add.f32 [tilespmem:s12], [sflag:$0x1], $0x80, s20, s14, $0xb8;
	[tilespmem:$0x1A800] =	vst v63  }
0x4c: {  	s20 =	sadd.s32 $0x14200, s19  }
0x4d: {  	[spmem:s3] =	stream.indirect.scatter.add.f32 [tilespmem:s12], [sflag:$0x1], $0x80, s20, s14, $0xb8;
	[tilespmem:$0x1A800] =	vst v63  }
0x4e: {  	s20 =	sadd.s32 $0x14280, s19  }
0x4f: {  	[spmem:s3] =	stream.indirect.scatter.add.f32 [tilespmem:s12], [sflag:$0x1], $0x80, s20, s14, $0xb8;
	[tilespmem:$0x1A800] =	vst v63  }
0x50: {  	s20 =	sadd.s32 $0x14300, s19  }
0x51: {  	[spmem:s3] =	stream.indirect.scatter.add.f32 [tilespmem:s12], [sflag:$0x1], $0x80, s20, s14, $0xb8;
	[tilespmem:$0x1A800] =	vst v63  }
0x52: {  	s19 =	sadd.s32 $0x14380, s19  }
0x53: {  	[spmem:s3] =	stream.indirect.scatter.add.f32 [tilespmem:s12], [sflag:$0x1], $0x80, s19, s14, $0xb8;
	[tilespmem:$0x1A800] =	vst v63  }
0x54: {  	_ =	swait.ge [sflag:s15], $0x4000  }
0x55: {  	[sflag:s15] =	ssyncset.done $0x0  }
0x56: {  	[sflag:s15] =	ssyncadd.s32 $0xFFFFC000  }
0x57: {  	_ =	swait.ge [sflag:s15], $0x4000  }
0x58: {  	[sflag:s15] =	ssyncset.done $0x0  }
0x59: {  	[sflag:s15] =	ssyncadd.s32 $0xFFFFC000  }
0x5a: {  	_ =	swait.ge [sflag:s15], $0x4000  }
0x5b: {  	[sflag:s15] =	ssyncset.done $0x0  }
0x5c: {  	[sflag:s15] =	ssyncadd.s32 $0xFFFFC000  }
0x5d: {  	_ =	swait.ge [sflag:s15], $0x4000  }
0x5e: {  	[sflag:s15] =	ssyncset.done $0x0  }
0x5f: {  	[sflag:s15] =	ssyncadd.s32 $0xFFFFC000  }
0x60: {  	_ =	swait.ge [sflag:s15], $0x4000  }
0x61: {  	[sflag:s15] =	ssyncset.done $0x0  }
0x62: {  	[sflag:s15] =	ssyncadd.s32 $0xFFFFC000  }
0x63: {  	_ =	swait.ge [sflag:s15], $0x4000  }
0x64: {  	[sflag:s15] =	ssyncset.done $0x0  }
0x65: {  	[sflag:s15] =	ssyncadd.s32 $0xFFFFC000  }
.Ltmp0:
0x66: {  	_ =	swait.ge [sflag:s15], $0x4000;
	(pc) =	sbr.rel @p0 .LBB2_2-.Ltmp0, $4  }
0x67: {  	[sflag:s15] =	ssyncset.done $0x0  }
0x68: {  	[sflag:s15] =	ssyncadd.s32 $0xFFFFC000  }
0x69: {  	_ =	swait.ge [sflag:s15], $0x4000  }
0x6a: {  	s20 =	smov.u32 s17;
	s19 =	sshra.s32 s18, $0x2;
	[sflag:s15] =	ssyncset.done $0x0  }
0x6b: {  	s17 =	sadd.s32 $0x14000, s19;
	[sflag:s15] =	ssyncadd.s32 $0xFFFFC000  }
0x6c: {  	[spmem:s3] =	stream.indirect.scatter.add.f32 [tilespmem:s12], [sflag:$0x1], $0x80, s17, s14, $0xb8;
	[tilespmem:$0x1A800] =	vst v63  }
0x6d: {  	s24 =	sadd.s32 $0x14080, s19  }
0x6e: {  	[spmem:s3] =	stream.indirect.scatter.add.f32 [tilespmem:s12], [sflag:$0x1], $0x80, s24, s14, $0xb8;
	[tilespmem:$0x1A800] =	vst v63  }
0x6f: {  	s25 =	sadd.s32 $0x14100, s19  }
0x70: {  	[spmem:s3] =	stream.indirect.scatter.add.f32 [tilespmem:s12], [sflag:$0x1], $0x80, s25, s14, $0xb8;
	[tilespmem:$0x1A800] =	vst v63  }
0x71: {  	s26 =	sadd.s32 $0x14180, s19  }
0x72: {  	[spmem:s3] =	stream.indirect.scatter.add.f32 [tilespmem:s12], [sflag:$0x1], $0x80, s26, s14, $0xb8;
	[tilespmem:$0x1A800] =	vst v63  }
0x73: {  	s28 =	sadd.s32 $0x14200, s19  }
0x74: {  	[spmem:s3] =	stream.indirect.scatter.add.f32 [tilespmem:s12], [sflag:$0x1], $0x80, s28, s14, $0xb8;
	[tilespmem:$0x1A800] =	vst v63  }
0x75: {  	s29 =	sadd.s32 $0x14280, s19  }
0x76: {  	[spmem:s3] =	stream.indirect.scatter.add.f32 [tilespmem:s12], [sflag:$0x1], $0x80, s29, s14, $0xb8;
	[tilespmem:$0x1A800] =	vst v63  }
0x77: {  	s30 =	sadd.s32 $0x14300, s19  }
0x78: {  	[spmem:s3] =	stream.indirect.scatter.add.f32 [tilespmem:s12], [sflag:$0x1], $0x80, s30, s14, $0xb8;
	[tilespmem:$0x1A800] =	vst v63  }
0x79: {  	s31 =	sadd.s32 $0x14380, s19  }
0x7a: {  	[spmem:s3] =	stream.indirect.scatter.add.f32 [tilespmem:s12], [sflag:$0x1], $0x80, s31, s14, $0xb8;
	[tilespmem:$0x1A800] =	vst v63  }
0x7b: {  	_ =	swait.ge [sflag:s15], $0x4000  }
0x7c: {  	[sflag:s15] =	ssyncset.done $0x0  }
0x7d: {  	[sflag:s15] =	ssyncadd.s32 $0xFFFFC000  }
0x7e: {  	_ =	swait.ge [sflag:s15], $0x4000  }
0x7f: {  	[sflag:s15] =	ssyncset.done $0x0  }
0x80: {  	[sflag:s15] =	ssyncadd.s32 $0xFFFFC000  }
0x81: {  	_ =	swait.ge [sflag:s15], $0x4000  }
0x82: {  	[sflag:s15] =	ssyncset.done $0x0  }
0x83: {  	[sflag:s15] =	ssyncadd.s32 $0xFFFFC000  }
0x84: {  	_ =	swait.ge [sflag:s15], $0x4000  }
0x85: {  	[sflag:s15] =	ssyncset.done $0x0  }
0x86: {  	[sflag:s15] =	ssyncadd.s32 $0xFFFFC000  }
0x87: {  	_ =	swait.ge [sflag:s15], $0x4000  }
0x88: {  	[sflag:s15] =	ssyncset.done $0x0  }
0x89: {  	[sflag:s15] =	ssyncadd.s32 $0xFFFFC000  }
0x8a: {  	_ =	swait.ge [sflag:s15], $0x4000  }
0x8b: {  	[sflag:s15] =	ssyncset.done $0x0  }
0x8c: {  	[sflag:s15] =	ssyncadd.s32 $0xFFFFC000  }
0x8d: {  	_ =	swait.ge [sflag:s15], $0x4000  }
0x8e: {  	[sflag:s15] =	ssyncset.done $0x0  }
0x8f: {  	[sflag:s15] =	ssyncadd.s32 $0xFFFFC000  }
0x90: {  	_ =	swait.ge [sflag:s15], $0x4000  }
0x91: {  	s16 =	sadd.s32 $0x1, s16;
	[sflag:s15] =	ssyncset.done $0x0  }
0x92: {  	p0 =	sne.s32 s16, s9;
	[sflag:s15] =	ssyncadd.s32 $0xFFFFC000  }
.Ltmp1:
0x93: {  	[bflag:$0x0] =	sbarrier.arrive $0xFFFF;
	(pc) =	sbr.rel @p0 .LBB2_1-.Ltmp1, $4  }
0x94: {  	[hbm:s8], [sflag:s6] =	dma.local [spmem:s10], $0x2800  }
0x95: {  	_ =	swait.ge [sflag:s11], $0x2800  }
0x96: {  	[sflag:s11] =	ssyncset.done $0x0  }
0x97: {  	[sflag:s11] =	ssyncadd.s32 $0xFFFFD800  }
0x98: {  	_ =	sfence.sel $0x180000  }
0x99: {  	[bflag:$0x0] =	sbarrier.arrive $0xFFFF  }
0x9a: {  	p0 =	sne.s32 s0, $0x0;
	_ =	strace $0x90000047  }
0x9b: {  	s0 =	sadd.s32 @!p0 $0x100000, s1;
	[bflag:$0x2] =	sbarrier.arrive $0xFFFF  }
0x9c: {  	[sflag:s0] =	ssyncadd.tile.s32 @!p0 $0x1;
	_ =	shalt  }
.Lfunc_end2:
_tile_overlayer_lowered:
.L_overlay_start_2:
0x9d: {  	(tag) =	ssettag $0x2  }
0x9e: {  	s0 =	rddreg [dreg:$0x0];
	s2 =	stileid.u32  }
0x9f: {  	s1 =	rddreg [dreg:$0x1];
	p0 =	sne.s32 s2, $0x0  }
0xa0: {  	s3 =	rddreg [dreg:$0x2];
	[bflag:$0x3] =	sbarrier.arrive $0xFFFF;
	s2 =	simm.s32 @!p0 $0x1C02  }
0xa1: {  	[timem:s3], [sflag:s2] =	dma.local @!p0 [hbm:s0], s1  }
0xa2: {  	s0 =	simm.s32 @!p0 $0x2  }
0xa3: {  	_ =	swait.ge @!p0 [sflag:s0], s1  }
0xa4: {  	s1 =	ssub.s32 @!p0 $0x0, s1;
	[sflag:s0] =	ssyncset.done @!p0 $0x0  }
0xa5: {  	[sflag:s0] =	ssyncadd.s32 @!p0 s1  }
0xa6: {  	[bflag:$0x3] =	sbarrier.arrive $0xFFFF  }
0xa7: {  	_ =	shalt  }

// kernel: sc_edge_aggregate.11.cloned.1.call-start
scs
__scs_entry_jumppad:
0x0: {  	(pc) =	sbr.rel $0x88, $3  }
0x1: {  	(tag) =	ssettag $0x0;
	lr =	simm.s32 $0x1  }
0x2: {  	[smem:$0x3F8D] =	sst lr;
	_ =	strace $0xD0000000  }
0x3: {  	_ = 	snop  }
0x4: {  	_ = 	snop  }
0x5: {  	_ = 	snop  }
0x6: {  	_ = 	snop  }
0x7: {  	_ = 	snop  }
__scs_overlays_trampoline_lowered:
0x8: {  	[smem:$0x3F9C] =	sst s0  }
0x9: {  	[smem:$0x3F9D] =	sst s1  }
0xa: {  	[smem:$0x3F9E] =	sst s2  }
0xb: {  	[smem:$0x3F9F] =	sst s3  }
0xc: {  	[smem:$0x3FA0] =	sst s4  }
0xd: {  	[smem:$0x3FA1] =	sst s5  }
0xe: {  	[smem:$0x3FA2] =	sst s6  }
0xf: {  	[smem:$0x3FA3] =	sst s7  }
0x10: {  	[smem:$0x3FA4] =	sst s8  }
0x11: {  	[smem:$0x3FA5] =	sst s9;
	s0 =	simm.s32 @!p0 $0x0  }
0x12: {  	s1 =	sld [smem:$0x3F8B];
	s0 =	simm.s32 @p0 $0x1  }
0x13: {  	[smem:$0x3FA6] =	sst s0;
	s0 =	simm.s32 @!p1 $0x0  }
0x14: {  	s2 =	sld [smem:$0x3F8A];
	s0 =	simm.s32 @p1 $0x1  }
0x15: {  	[smem:$0x3FA7] =	sst s0;
	s0 =	simm.s32 @!p2 $0x0  }
0x16: {  	s3 =	sld [smem:$0x3FDB];
	s0 =	simm.s32 @p2 $0x1  }
0x17: {  	s4 =	simm.s32 $0x1BF5;
	[smem:$0x3FA9] =	sst s0  }
0x18: {  	s0 =	sld [smem:$0x3F8C];
	_ =	swait.ge [sflag:s4], $0x0  }
0x19: {  	s7 =	sld [smem:$0x3F8D]  }
0x1a: {  	s8 =	sadd.s32 $0xFFFFE003, lr  }
0x1b: {  	s9 =	sadd.s32 $0xFFFFFEF7, lr;
	s5 =	simm.s32 $0xFFFFFFFF;
	p2 =	slt.u32 s8, $0xFFFFF086  }
0x1c: {  	p1 =	slt.u32 s9, $0xF7A;
	s5 =	simm.s32 @!p2 $0x0  }
0x1d: {  	s5 =	simm.s32 @p1 $0x1;
	p0 =	seq.s32 s7, s2  }
0x1e: {  	s7 =	smul.u32 @!p0 $0xF7A, s2;
	p2 =	seq.s32 @!p0 s5, $0x0  }
0x1f: {  	s9 =	smul.u32 $0xF7A, s1;
	s8 =	simm.s32 @!p0 $0x1BF5;
	p2 =	por !p2, p0  }
0x20: {  	[sflag:s8] =	ssyncset.s32 @!p0 $0xFFFFF086;
	s6 =	sadd.s32 @!p0 s3, s7;
	s7 =	simm.s32 @!p0 $0x108  }
0x21: {  	s3 =	sadd.s32 s3, s9;
	s6 =	sadd.s32 @!p0 $0x88, s6;
	s7 =	simm.s32 @p2 $0x1082  }
0x22: {  	[simem:s7], [sflag:s8] =	dma.local @!p0 [hbm:s6], $0xF7A  }
0x23: {  	s9 =	sor.u32 $0xD0000000, s2;
	s6 =	simm.s32 $0x108;
	_ =	swait.ge @!p0 [sflag:s8], $0x0  }
0x24: {  	s3 =	sadd.s32 $0x88, s3;
	s6 =	simm.s32 @!p1 $0x1082;
	[sflag:s4] =	ssyncset.s32 $0xFFFFF086  }
0x25: {  	[simem:s6], [sflag:s4] =	dma.local [hbm:s3], $0xF7A  }
0x26: {  	[smem:$0x3F8D] =	sst s1;
	(tag) =	ssettag s2;
	_ =	strace s9  }
0x27: {  	s1 =	sld [smem:$0x3F9D]  }
0x28: {  	s2 =	sld [smem:$0x3F9E]  }
0x29: {  	s4 =	sld [smem:$0x3FA0]  }
0x2a: {  	p0 =	seq.s32 s5, $0x0;
	s5 =	sld [smem:$0x3FA1]  }
0x2b: {  	s6 =	sld [smem:$0x3FA2]  }
0x2c: {  	s7 =	sld [smem:$0x3FA3]  }
0x2d: {  	s3 =	simm.s32 $0x108;
	s8 =	sld [smem:$0x3FA4]  }
0x2e: {  	s3 =	simm.s32 @!p0 $0x1082;
	s9 =	sld [smem:$0x3FA5]  }
0x2f: {  	lr =	sadd.s32 s0, s3;
	s0 =	sld [smem:$0x3F9C]  }
0x30: {  	s3 =	sld [smem:$0x3F9F]  }
0x31: {  	[smem:$0x3FA8] =	sst s10  }
0x32: {  	s10 =	sld [smem:$0x3FA6];
	_ =	sdelay $0x3  }
0x33: {  	p0 =	seq.s32 s10, $0x1;
	s10 =	sld [smem:$0x3FA8];
	_ =	sdelay $0x3  }
0x34: {  	[smem:$0x3FA8] =	sst s10  }
0x35: {  	s10 =	sld [smem:$0x3FA7];
	_ =	sdelay $0x3  }
0x36: {  	p1 =	seq.s32 s10, $0x1;
	s10 =	sld [smem:$0x3FA8];
	_ =	sdelay $0x3  }
0x37: {  	[smem:$0x3FA8] =	sst s10  }
0x38: {  	s10 =	sld [smem:$0x3FA9]  }
0x39: {  	_ = 	snop;
	(pc) =	sbr.ind lr, $3  }
0x3a: {  	_ = 	snop  }
0x3b: {  	_ = 	snop  }
0x3c: {  	p2 =	seq.s32 s10, $0x1;
	s10 =	sld [smem:$0x3FA8]  }
0x3d: {  	_ =	shalt  }
0x3e: {  	_ =	shalt  }
0x3f: {  	_ =	shalt  }
0x40: {  	_ =	shalt  }
0x41: {  	_ =	shalt  }
0x42: {  	_ =	shalt  }
0x43: {  	_ =	shalt  }
0x44: {  	_ =	shalt  }
0x45: {  	_ =	shalt  }
0x46: {  	_ =	shalt  }
0x47: {  	_ =	shalt  }
0x48: {  	_ =	shalt  }
0x49: {  	_ =	shalt  }
0x4a: {  	_ =	shalt  }
0x4b: {  	_ =	shalt  }
0x4c: {  	_ =	shalt  }
0x4d: {  	_ =	shalt  }
0x4e: {  	_ =	shalt  }
0x4f: {  	_ =	shalt  }
0x50: {  	_ =	shalt  }
0x51: {  	_ =	shalt  }
0x52: {  	_ =	shalt  }
0x53: {  	_ =	shalt  }
0x54: {  	_ =	shalt  }
0x55: {  	_ =	shalt  }
0x56: {  	_ =	shalt  }
0x57: {  	_ =	shalt  }
0x58: {  	_ =	shalt  }
0x59: {  	_ =	shalt  }
0x5a: {  	_ =	shalt  }
0x5b: {  	_ =	shalt  }
0x5c: {  	_ =	shalt  }
0x5d: {  	_ =	shalt  }
0x5e: {  	_ =	shalt  }
0x5f: {  	_ =	shalt  }
0x60: {  	_ =	shalt  }
0x61: {  	_ =	shalt  }
0x62: {  	_ =	shalt  }
0x63: {  	_ =	shalt  }
0x64: {  	_ =	shalt  }
0x65: {  	_ =	shalt  }
0x66: {  	_ =	shalt  }
0x67: {  	_ =	shalt  }
0x68: {  	_ =	shalt  }
0x69: {  	_ =	shalt  }
0x6a: {  	_ =	shalt  }
0x6b: {  	_ =	shalt  }
0x6c: {  	_ =	shalt  }
0x6d: {  	_ =	shalt  }
0x6e: {  	_ =	shalt  }
0x6f: {  	_ =	shalt  }
0x70: {  	_ =	shalt  }
0x71: {  	_ =	shalt  }
0x72: {  	_ =	shalt  }
0x73: {  	_ =	shalt  }
0x74: {  	_ =	shalt  }
0x75: {  	_ =	shalt  }
0x76: {  	_ =	shalt  }
0x77: {  	_ =	shalt  }
0x78: {  	_ =	shalt  }
0x79: {  	_ =	shalt  }
0x7a: {  	_ =	shalt  }
0x7b: {  	_ =	shalt  }
0x7c: {  	_ =	shalt  }
0x7d: {  	_ =	shalt  }
0x7e: {  	_ =	shalt  }
0x7f: {  	_ =	shalt  }
0x80: {  	_ =	shalt  }
0x81: {  	_ =	shalt  }
0x82: {  	_ =	shalt  }
0x83: {  	_ =	shalt  }
0x84: {  	_ =	shalt  }
0x85: {  	_ =	shalt  }
0x86: {  	_ =	shalt  }
0x87: {  	_ =	shalt  }
.Lfunc_end0:
.L_simem_size_0:
called_computation.3_lowered:
.L_overlay_start_0:
0x88: {  	s2 =	sld [smem:$0x3FD9]  }
0x89: {  	s3 =	sld [smem:$0x3FFE];
	_ =	sdelay $0x1  }
0x8a: {  	s1 =	srdreg.scid  }
0x8b: {  	s0 =	sand.u32 $0x1, s1  }
0x8c: {  	s16 =	sshll.u32 s0, $0xA;
	s2 =	sadd.s32 s3, s2  }
0x8d: {  	s2 =	sadd.s32 s2, s16  }
0x8e: {  	[smem:$0x3FB4] =	sst s2  }
0x8f: {  	_ = 	snop  }
0x90: {  	(tm) =	ssettm $0x1  }
0x91: {  	s17 =	sld [smem:$0x3FFB];
	_ =	sdelay $0x3  }
0x92: {  	_ =	strace s17  }
0x93: {  	s2 =	sld [smem:$0x3FFC];
	_ =	sdelay $0x3  }
0x94: {  	_ =	strace s2  }
0x95: {  	s2 =	sld [smem:$0x3FFD];
	_ =	sdelay $0x3  }
0x96: {  	_ =	strace s2  }
0x97: {  	_ =	strace $0x8FFFFFFF  }
0x98: {  	s18 =	sld [smem:$0x3FDB];
	_ =	sdelay $0x1  }
0x99: {  	s19 =	simm.s32 $_scs_section_size  }
0x9a: {  	s4 =	simm.s32 $_size__tile_overlayer_lowered;
	s5 =	simm.s32 $_tile_overlayer_lowered  }
0x9b: {  	s22 =	simm.s32 $0x1BFF;
	s21 =	sshll.u32 s5, $0x1;
	s2 =	sadd.s32 s19, s18  }
0x9c: {  	s6 =	simm.s32 $0x0;
	s20 =	sshll.u32 s4, $0x1;
	s4 =	sadd.s32 s21, s2  }
0x9d: {  	[timem:s6], [sflag:s22] =	dma.local [hbm:s4], s20  }
0x9e: {  	_ =	swait.ge [sflag:s22], s20  }
0x9f: {  	s3 =	ssub.s32 $0x0, s20;
	[sflag:s22] =	ssyncset.done $0x0  }
0xa0: {  	[sflag:s22] =	ssyncadd.s32 s3;
	_ =	sdelay $0x1  }
0xa1: {  	s23 =	simm.s32 $0x1B8B  }
0xa2: {  	_ =	swait.ge [sflag:s23], $0x1  }
0xa3: {  	[sflag:s23] =	ssyncset.done $0x0  }
0xa4: {  	s25 =	simm.s32 $0x1B8E;
	s24 =	sld [smem:$0x3FFE];
	[sflag:s23] =	ssyncadd.s32 $0xFFFFFFFF  }
0xa5: {  	s26 =	simm.s32 $execute0_lowered;
	[smem:$0x3FD2] =	sst s25  }
0xa6: {  	s4 =	sshll.u32 s26, $0x1;
	_ =	strace $0x8000004F;
	[dreg:$0x1] =	wrdreg $0xFFFFFFFF  }
0xa7: {  	s28 =	simm.s32 $_size_execute0_lowered;
	s2 =	sadd.s32 s2, s4;
	[dreg:$0x0] =	wrdreg $0x0  }
0xa8: {  	s4 =	sshll.u32 s28, $0x1;
	[dreg:$0x2] =	wrdreg s2  }
0xa9: {  	[dreg:$0x3] =	wrdreg s4  }
0xaa: {  	[dreg:$0x4] =	wrdreg $0xC0  }
0xab: {  	_ =	task [dreg:s6], $0x5FFFF  }
0xac: {  	[dreg:$0x1] =	wrdreg $0xFFFFFFFF  }
0xad: {  	[dreg:$0x0] =	wrdreg $0x60  }
0xae: {  	[dreg:$0x2] =	wrdreg s24  }
0xaf: {  	[dreg:$0x3] =	wrdreg $0x0  }
0xb0: {  	[dreg:$0x4] =	wrdreg $0x9  }
0xb1: {  	_ =	task.clear_ibuf [dreg:s6], $0x5FFFF;
	_ =	strace $0x9000004F  }
0xb2: {  	s29 =	simm.s32 $0x9;
	_ =	strace $0x80000051  }
0xb3: {  	_ =	swait.ge [sflag:s29], $0x1  }
0xb4: {  	[sflag:s29] =	ssyncadd.s32 $0xFFFFFFFF  }
0xb5: {  	_ =	strace $0x90000051  }
0xb6: {  	_ =	sfence  }
0xb7: {  	s30 =	sld [smem:$0x0];
	_ =	sdelay $0x2  }
0xb8: {  	s31 =	sshll.u32 s1, $0xD;
	s1 =	sshrl.u32 s1, $0x2  }
0xb9: {  	s3 =	sand.u32 $0x4000, s31;
	s1 =	sadd.s32 s1, s30  }
0xba: {  	s0 =	sor.u32 s3, s0;
	s1 =	sshll.u32 s1, $0x11  }
0xbb: {  	s0 =	sor.u32 s1, s0  }
0xbc: {  	s0 =	sadd.s32 $0x8F2B, s0  }
0xbd: {  	[sflag:s0] =	ssyncadd.remote.s32 $0x1  }
0xbe: {  	_ =	sfence.sel $0xFFFF  }
0xbf: {  	[dreg:$0x0] =	wrdreg $0xFFFFFFFF;
	(pc) =	sbr.abs _section_cstart, $3  }
0xc0: {  	[dreg:$0x1] =	wrdreg $0xFFFFFFFF  }
0xc1: {  	_ =	task.clear_ibuf [dreg:s6], $0x2FFFF;
	_ =	strace $0x9FFFFFFF  }
0xc2: {  	(tm) =	ssettm $0x7FFFFFFF  }
0xc3: {  	_ =	shalt  }
tec
execute0_lowered:
.L_overlay_start_1:
0x0: {  	(tag) =	ssettag $0x1  }
0x1: {  	s0 =	rddreg [dreg:$0x0]  }
0x2: {  	s1 =	rddreg [dreg:$0x1]  }
0x3: {  	s2 =	srdreg.scid;
	s3 =	simm.s32 $0x0;
	s13 =	stileid.u32  }
0x4: {  	s20 =	simm.s32 $0x1C080;
	s21 =	simm.s32 $0x1C100;
	s22 =	simm.s32 $0x1C280  }
0x5: {  	s23 =	simm.s32 $0x1C180;
	s24 =	simm.s32 $0x1C300;
	s7 =	smul.u32 $0x14000, s13  }
0x6: {  	s28 =	simm.s32 $0x1C500;
	s29 =	simm.s32 $0x1C680;
	s8 =	smul.u32 $0x50000, s13  }
0x7: {  	s30 =	simm.s32 $0x1C580;
	s31 =	simm.s32 $0x1C700;
	s25 =	smul.u32 $0x2800, s13  }
0x8: {  	s2 =	sand.u32 $0x1, s2;
	[smem:$0x7FF] =	sst s3;
	s12 =	smul.u32 $0x5400, s13  }
0x9: {  	s4 =	sadd.s32 $0xE600, s0;
	s5 =	sadd.s32 $0x86600, s0;
	s17 =	smul.u32 $0xA80, s13  }
0xa: {  	s10 =	sadd.s32 $0x3E00, s0;
	s15 =	sshll.u32 s13, $0x6;
	s6 =	smul.u32 $0x140000, s2  }
0xb: {  	_ =	strace $0x80000050;
	s9 =	smul.u32 $0x28000, s2;
	[dreg:$0x5] =	wrdreg s20  }
0xc: {  	s11 =	ssub.s32 $0x2, s2;
	s2 =	smul.u32 $0x54000, s2;
	[dreg:$0x6] =	wrdreg s21  }
0xd: {  	s20 =	simm.s32 $0x2;
	s21 =	simm.s32 $0x1C400;
	[dreg:$0x7] =	wrdreg s22  }
0xe: {  	s22 =	simm.s32 $0x1C600;
	[dreg:$0x8] =	wrdreg s23;
	s23 =	simm.s32 $0x4  }
0xf: {  	[dreg:$0x9] =	wrdreg s24;
	s24 =	simm.s32 $0x3;
	s26 =	sshrl.u32 s11, $0x1  }
0x10: {  	s8 =	sshrl.u32 s8, $0x2;
	s18 =	sadd.s32 s17, s10;
	s17 =	simm.s32 $0x80  }
0x11: {  	s6 =	sadd.s32 s7, s6;
	s7 =	sadd.s32 s25, s9;
	s14 =	sadd.s32 s8, s1  }
0x12: {  	s2 =	sadd.s32 s12, s2;
	s12 =	sshrl.u32 s12, $0x3;
	[dreg:$0x3] =	wrdreg s18  }
0x13: {  	s18 =	simm.s32 $0x14000;
	s25 =	simm.s32 $0x1C380;
	s6 =	sshrl.u32 s6, $0x3  }
0x14: {  	s7 =	sadd.s32 s4, s7;
	s16 =	sshrl.u32 s2, $0x3;
	s12 =	sadd.s32 s10, s12  }
0x15: {  	s2 =	sadd.s32 $0x400, s2;
	s13 =	sshrl.u32 s14, $0x3;
	[dreg:$0xa] =	wrdreg s25  }
0x16: {  	s14 =	simm.s32 $0x6;
	s25 =	simm.s32 $0x5;
	[dreg:$0xc] =	wrdreg s7  }
0x17: {  	s0 =	sadd.s32 s6, s0;
	s6 =	ssub.s32 s11, s26;
	[dreg:$0xe] =	wrdreg s12  }
0x18: {  	s7 =	sor.u32 $0x1C06, s15;
	s8 =	sadd.s32 s5, s16;
	[dreg:$0x11] =	wrdreg s2  }
0x19: {  	s15 =	simm.s32 $0x1C000;
	s26 =	simm.s32 $0x1C480;
	[dreg:$0xd] =	wrdreg s8  }
0x1a: {  	s16 =	simm.s32 $0x1C200;
	s0 =	sadd.s32 $0x9B600, s0;
	[dreg:$0xb] =	wrdreg s26  }
0x1b: {  	s2 =	simm.s32 $0x0;
	s6 =	smax.u32 s6, $0x1;
	[dreg:$0xf] =	wrdreg s0  }
0x1c: {  	s19 =	sadd.s32 $0x40, s8;
	s26 =	simm.s32 $0x1;
	[dreg:$0x10] =	wrdreg s6  }
0x1d: {  	[dreg:$0x4] =	wrdreg s19;
	s19 =	simm.s32 $0x18000;
	s0 =	simm.s32 $0x1C780  }
.LBB2_1:
0x1e: {  	s6 =	rddreg [dreg:$0xc]  }
0x1f: {  	[spmem:s13], [sflag:s7] =	dma.local [hbm:s6], $0x2800  }
0x20: {  	_ =	swait.ge [sflag:s14], $0x2800  }
0x21: {  	[sflag:s14] =	ssyncset.done $0x0  }
0x22: {  	s12 =	smov.u32 s7;
	s7 =	rddreg [dreg:$0xd];
	[sflag:s14] =	ssyncadd.s32 $0xFFFFD800  }
0x23: {  	[tilespmem:s15], [sflag:$0x6] =	stream.linear.gather [hbm4b:s7+s3], $0x200, $0x38;
	[tilespmem:$0x1C800] =	vst v63  }
0x24: {  	_ =	swait.ge [sflag:s14], $0x200  }
0x25: {  	[sflag:s14] =	ssyncset.done $0x0  }
0x26: {  	s8 =	rddreg [dreg:$0xe];
	[sflag:s14] =	ssyncadd.s32 $0xFFFFFE00  }
0x27: {  	[tilespmem:s16], [sflag:$0x6] =	stream.linear.gather [hbm4b:s8+s3], $0x200, $0x38;
	[tilespmem:$0x1C800] =	vst v63  }
0x28: {  	_ =	swait.ge [sflag:s14], $0x200  }
0x29: {  	p0 =	por $0x1, $0x1;
	[sflag:s14] =	ssyncset.done $0x0  }
0x2a: {  	p0 =	por p0, p0;
	[sflag:s14] =	ssyncadd.s32 $0xFFFFFE00  }
0x2b: {  	[tilespmem:s18], [sflag:$0x2] =	stream.indirect.gather [hbm4b:s4+s17], $0x80, s15, s17, $0xb8;
	[tilespmem:$0x1C800] =	vst v63  }
0x2c: {  	s6 =	simm.s32 @!p0 $0x5;
	[bflag:$0x0] =	sbarrier.arrive $0xFFFF  }
0x2d: {  	_ =	swait.ge @!p0 [sflag:s6], $0x4000  }
0x2e: {  	[sflag:s6] =	ssyncset.done @!p0 $0x0  }
0x2f: {  	s9 =	rddreg [dreg:$0x5];
	[sflag:s6] =	ssyncadd.s32 @!p0 $0xFFFFC000  }
0x30: {  	[tilespmem:s19], [sflag:$0x3] =	stream.indirect.gather [hbm4b:s4+s17], $0x80, s9, s17, $0xb8;
	[tilespmem:$0x1C800] =	vst v63  }
0x31: {  	_ =	swait.ge [sflag:s20], $0x4000  }
0x32: {  	[sflag:s20] =	ssyncset.done $0x0  }
0x33: {  	s9 =	rddreg [dreg:$0x4];
	[sflag:s20] =	ssyncadd.s32 $0xFFFFC000  }
0x34: {  	[spmem:s1] =	stream.indirect.scatter.add.f32 [tilespmem:s18], [sflag:$0x4], $0x80, s16, s17, $0xb8;
	[tilespmem:$0x1C800] =	vst v63  }
0x35: {  	s10 =	rddreg [dreg:$0x3];
	s6 =	sadd.s32 $0x0, s9  }
0x36: {  	[tilespmem:s21], [sflag:$0x1] =	stream.linear.gather [hbm4b:s6+s3], $0x200, $0x38;
	[tilespmem:$0x1C800] =	vst v63  }
0x37: {  	s6 =	sadd.s32 $0x0, s10  }
0x38: {  	s9 =	sadd.s32 $0x40, s6  }
0x39: {  	[tilespmem:s22], [sflag:$0x1] =	stream.linear.gather [hbm4b:s9+s3], $0x200, $0x38;
	[tilespmem:$0x1C800] =	vst v63  }
0x3a: {  	_ =	swait.ge [sflag:s23], $0x4000  }
0x3b: {  	[sflag:s23] =	ssyncset.done $0x0  }
0x3c: {  	s11 =	rddreg [dreg:$0x6];
	[sflag:s23] =	ssyncadd.s32 $0xFFFFC000  }
0x3d: {  	[tilespmem:s18], [sflag:$0x2] =	stream.indirect.gather [hbm4b:s4+s17], $0x80, s11, s17, $0xb8;
	[tilespmem:$0x1C800] =	vst v63  }
0x3e: {  	_ =	swait.ge [sflag:s24], $0x4000  }
0x3f: {  	[sflag:s24] =	ssyncset.done $0x0  }
0x40: {  	s7 =	rddreg [dreg:$0x7];
	[sflag:s24] =	ssyncadd.s32 $0xFFFFC000  }
0x41: {  	[spmem:s1] =	stream.indirect.scatter.add.f32 [tilespmem:s19], [sflag:$0x5], $0x80, s7, s17, $0xb8;
	[tilespmem:$0x1C800] =	vst v63  }
0x42: {  	_ =	swait.ge [sflag:s25], $0x4000  }
0x43: {  	[sflag:s25] =	ssyncset.done $0x0  }
0x44: {  	s8 =	rddreg [dreg:$0x8];
	[sflag:s25] =	ssyncadd.s32 $0xFFFFC000  }
0x45: {  	[tilespmem:s19], [sflag:$0x3] =	stream.indirect.gather [hbm4b:s4+s17], $0x80, s8, s17, $0xb8;
	[tilespmem:$0x1C800] =	vst v63  }
0x46: {  	_ =	swait.ge [sflag:s20], $0x4000  }
0x47: {  	[sflag:s20] =	ssyncset.done $0x0  }
0x48: {  	s10 =	rddreg [dreg:$0x9];
	[sflag:s20] =	ssyncadd.s32 $0xFFFFC000  }
0x49: {  	[spmem:s1] =	stream.indirect.scatter.add.f32 [tilespmem:s18], [sflag:$0x4], $0x80, s10, s17, $0xb8;
	[tilespmem:$0x1C800] =	vst v63  }
0x4a: {  	_ =	swait.ge [sflag:s23], $0x4000  }
0x4b: {  	[sflag:s23] =	ssyncset.done $0x0  }
0x4c: {  	[sflag:s23] =	ssyncadd.s32 $0xFFFFC000  }
0x4d: {  	_ =	swait.ge [sflag:s26], $0x200  }
0x4e: {  	[sflag:s26] =	ssyncset.done $0x0  }
0x4f: {  	[sflag:s26] =	ssyncadd.s32 $0xFFFFFE00  }
0x50: {  	_ =	swait.ge [sflag:s26], $0x200  }
0x51: {  	[sflag:s26] =	ssyncset.done $0x0  }
0x52: {  	[sflag:s26] =	ssyncadd.s32 $0xFFFFFE00  }
0x53: {  	[tilespmem:s18], [sflag:$0x2] =	stream.indirect.gather [hbm4b:s4+s17], $0x80, s21, s17, $0xb8;
	[tilespmem:$0x1C800] =	vst v63  }
0x54: {  	_ =	swait.ge [sflag:s24], $0x4000  }
0x55: {  	[sflag:s24] =	ssyncset.done $0x0  }
0x56: {  	s11 =	rddreg [dreg:$0xa];
	[sflag:s24] =	ssyncadd.s32 $0xFFFFC000  }
0x57: {  	[spmem:s1] =	stream.indirect.scatter.add.f32 [tilespmem:s19], [sflag:$0x5], $0x80, s11, s17, $0xb8;
	[tilespmem:$0x1C800] =	vst v63  }
0x58: {  	_ =	swait.ge [sflag:s25], $0x4000  }
0x59: {  	[sflag:s25] =	ssyncset.done $0x0  }
0x5a: {  	s7 =	rddreg [dreg:$0xb];
	[sflag:s25] =	ssyncadd.s32 $0xFFFFC000  }
0x5b: {  	[tilespmem:s19], [sflag:$0x3] =	stream.indirect.gather [hbm4b:s4+s17], $0x80, s7, s17, $0xb8;
	[tilespmem:$0x1C800] =	vst v63  }
0x5c: {  	_ =	swait.ge [sflag:s20], $0x4000  }
0x5d: {  	[sflag:s20] =	ssyncset.done $0x0;
	s8 =	rddreg [dreg:$0x11]  }
0x5e: {  	[sflag:s20] =	ssyncadd.s32 $0xFFFFC000;
	s11 =	sshrl.u32 s8, $0x3  }
0x5f: {  	[spmem:s1] =	stream.indirect.scatter.add.f32 [tilespmem:s18], [sflag:$0x4], $0x80, s22, s17, $0xb8;
	[tilespmem:$0x1C800] =	vst v63  }
0x60: {  	s9 =	sadd.s32 s5, s11  }
0x61: {  	[tilespmem:s15], [sflag:$0x1] =	stream.linear.gather [hbm4b:s9+s3], $0x200, $0x38;
	[tilespmem:$0x1C800] =	vst v63  }
0x62: {  	s6 =	sadd.s32 $0x80, s6  }
0x63: {  	[tilespmem:s16], [sflag:$0x1] =	stream.linear.gather [hbm4b:s6+s3], $0x200, $0x38;
	[tilespmem:$0x1C800] =	vst v63  }
0x64: {  	_ =	swait.ge [sflag:s23], $0x4000  }
0x65: {  	[sflag:s23] =	ssyncset.done $0x0  }
0x66: {  	[sflag:s23] =	ssyncadd.s32 $0xFFFFC000  }
0x67: {  	[tilespmem:s18], [sflag:$0x2] =	stream.indirect.gather [hbm4b:s4+s17], $0x80, s28, s17, $0xb8;
	[tilespmem:$0x1C800] =	vst v63  }
0x68: {  	_ =	swait.ge [sflag:s24], $0x4000  }
0x69: {  	[sflag:s24] =	ssyncset.done $0x0  }
0x6a: {  	[sflag:s24] =	ssyncadd.s32 $0xFFFFC000  }
0x6b: {  	[spmem:s1] =	stream.indirect.scatter.add.f32 [tilespmem:s19], [sflag:$0x5], $0x80, s29, s17, $0xb8;
	[tilespmem:$0x1C800] =	vst v63  }
0x6c: {  	_ =	swait.ge [sflag:s25], $0x4000  }
0x6d: {  	[sflag:s25] =	ssyncset.done $0x0  }
0x6e: {  	[sflag:s25] =	ssyncadd.s32 $0xFFFFC000  }
0x6f: {  	[tilespmem:s19], [sflag:$0x3] =	stream.indirect.gather [hbm4b:s4+s17], $0x80, s30, s17, $0xb8;
	[tilespmem:$0x1C800] =	vst v63  }
0x70: {  	_ =	swait.ge [sflag:s20], $0x4000  }
0x71: {  	[sflag:s20] =	ssyncset.done $0x0  }
0x72: {  	[sflag:s20] =	ssyncadd.s32 $0xFFFFC000  }
0x73: {  	[spmem:s1] =	stream.indirect.scatter.add.f32 [tilespmem:s18], [sflag:$0x4], $0x80, s31, s17, $0xb8;
	[tilespmem:$0x1C800] =	vst v63  }
0x74: {  	_ =	swait.ge [sflag:s23], $0x4000  }
0x75: {  	[sflag:s23] =	ssyncset.done $0x0  }
0x76: {  	[sflag:s23] =	ssyncadd.s32 $0xFFFFC000  }
0x77: {  	_ =	swait.ge [sflag:s26], $0x200  }
0x78: {  	[sflag:s26] =	ssyncset.done $0x0  }
0x79: {  	[sflag:s26] =	ssyncadd.s32 $0xFFFFFE00  }
0x7a: {  	_ =	swait.ge [sflag:s26], $0x200  }
0x7b: {  	[sflag:s26] =	ssyncset.done $0x0  }
0x7c: {  	p6 =	por $0x0, $0x0;
	[sflag:s26] =	ssyncadd.s32 $0xFFFFFE00  }
0x7d: {  	[tilespmem:s18], [sflag:$0x2] =	stream.indirect.gather [hbm4b:s4+s17], $0x80, s15, s17, $0xb8;
	[tilespmem:$0x1C800] =	vst v63  }
0x7e: {  	p0 =	por p6, p6;
	s10 =	simm.s32 $0x100;
	_ =	swait.ge [sflag:s24], $0x4000  }
0x7f: {  	s9 =	simm.s32 $0x80;
	s6 =	sadd.s32 $0x400, s8;
	[sflag:s24] =	ssyncset.done $0x0  }
.LBB2_2:
0x80: {  	s11 =	simm.s32 @!p0 $0x5;
	[sflag:s24] =	ssyncadd.s32 $0xFFFFC000  }
0x81: {  	[spmem:s1] =	stream.indirect.scatter.add.f32 [tilespmem:s19], [sflag:$0x5], $0x80, s0, s17, $0xb8;
	[tilespmem:$0x1C800] =	vst v63  }
0x82: {  	_ =	swait.ge @!p0 [sflag:s11], $0x4000  }
0x83: {  	[sflag:s11] =	ssyncset.done @!p0 $0x0  }
0x84: {  	s7 =	rddreg [dreg:$0x5];
	[sflag:s11] =	ssyncadd.s32 @!p0 $0xFFFFC000  }
0x85: {  	[tilespmem:s19], [sflag:$0x3] =	stream.indirect.gather [hbm4b:s4+s17], $0x80, s7, s17, $0xb8;
	[tilespmem:$0x1C800] =	vst v63  }
0x86: {  	_ =	swait.ge [sflag:s20], $0x4000  }
0x87: {  	[sflag:s20] =	ssyncset.done $0x0;
	s7 =	rddreg [dreg:$0x4]  }
0x88: {  	s11 =	rddreg [dreg:$0x3];
	[sflag:s20] =	ssyncadd.s32 $0xFFFFC000  }
0x89: {  	[spmem:s1] =	stream.indirect.scatter.add.f32 [tilespmem:s18], [sflag:$0x4], $0x80, s16, s17, $0xb8;
	[tilespmem:$0x1C800] =	vst v63  }
0x8a: {  	s8 =	smov.u32 s10;
	s7 =	sadd.s32 s9, s7;
	s11 =	sadd.s32 s9, s11  }
0x8b: {  	[tilespmem:s21], [sflag:$0x1] =	stream.linear.gather [hbm4b:s7+s3], $0x200, $0x38;
	[tilespmem:$0x1C800] =	vst v63  }
0x8c: {  	s9 =	smov.u32 s8;
	s8 =	sadd.s32 $0x40, s11  }
0x8d: {  	[tilespmem:s22], [sflag:$0x1] =	stream.linear.gather [hbm4b:s8+s3], $0x200, $0x38;
	[tilespmem:$0x1C800] =	vst v63  }
0x8e: {  	_ =	swait.ge [sflag:s23], $0x4000  }
0x8f: {  	[sflag:s23] =	ssyncset.done $0x0  }
0x90: {  	s8 =	rddreg [dreg:$0x6];
	[sflag:s23] =	ssyncadd.s32 $0xFFFFC000  }
0x91: {  	[tilespmem:s18], [sflag:$0x2] =	stream.indirect.gather [hbm4b:s4+s17], $0x80, s8, s17, $0xb8;
	[tilespmem:$0x1C800] =	vst v63  }
0x92: {  	_ =	swait.ge [sflag:s24], $0x4000  }
0x93: {  	[sflag:s24] =	ssyncset.done $0x0  }
0x94: {  	s8 =	rddreg [dreg:$0x7];
	[sflag:s24] =	ssyncadd.s32 $0xFFFFC000  }
0x95: {  	[spmem:s1] =	stream.indirect.scatter.add.f32 [tilespmem:s19], [sflag:$0x5], $0x80, s8, s17, $0xb8;
	[tilespmem:$0x1C800] =	vst v63  }
0x96: {  	_ =	swait.ge [sflag:s25], $0x4000  }
0x97: {  	[sflag:s25] =	ssyncset.done $0x0  }
0x98: {  	s8 =	rddreg [dreg:$0x8];
	[sflag:s25] =	ssyncadd.s32 $0xFFFFC000  }
0x99: {  	[tilespmem:s19], [sflag:$0x3] =	stream.indirect.gather [hbm4b:s4+s17], $0x80, s8, s17, $0xb8;
	[tilespmem:$0x1C800] =	vst v63  }
0x9a: {  	_ =	swait.ge [sflag:s20], $0x4000  }
0x9b: {  	[sflag:s20] =	ssyncset.done $0x0  }
0x9c: {  	s8 =	rddreg [dreg:$0x9];
	[sflag:s20] =	ssyncadd.s32 $0xFFFFC000  }
0x9d: {  	[spmem:s1] =	stream.indirect.scatter.add.f32 [tilespmem:s18], [sflag:$0x4], $0x80, s8, s17, $0xb8;
	[tilespmem:$0x1C800] =	vst v63  }
0x9e: {  	_ =	swait.ge [sflag:s23], $0x4000  }
0x9f: {  	[sflag:s23] =	ssyncset.done $0x0  }
0xa0: {  	[sflag:s23] =	ssyncadd.s32 $0xFFFFC000  }
0xa1: {  	_ =	swait.ge [sflag:s26], $0x200  }
0xa2: {  	[sflag:s26] =	ssyncset.done $0x0  }
0xa3: {  	[sflag:s26] =	ssyncadd.s32 $0xFFFFFE00  }
0xa4: {  	_ =	swait.ge [sflag:s26], $0x200  }
0xa5: {  	[sflag:s26] =	ssyncset.done $0x0  }
0xa6: {  	[sflag:s26] =	ssyncadd.s32 $0xFFFFFE00  }
0xa7: {  	[tilespmem:s18], [sflag:$0x2] =	stream.indirect.gather [hbm4b:s4+s17], $0x80, s21, s17, $0xb8;
	[tilespmem:$0x1C800] =	vst v63  }
0xa8: {  	_ =	swait.ge [sflag:s24], $0x4000  }
0xa9: {  	[sflag:s24] =	ssyncset.done $0x0  }
0xaa: {  	s8 =	rddreg [dreg:$0xa];
	[sflag:s24] =	ssyncadd.s32 $0xFFFFC000  }
0xab: {  	[spmem:s1] =	stream.indirect.scatter.add.f32 [tilespmem:s19], [sflag:$0x5], $0x80, s8, s17, $0xb8;
	[tilespmem:$0x1C800] =	vst v63  }
0xac: {  	_ =	swait.ge [sflag:s25], $0x4000  }
0xad: {  	[sflag:s25] =	ssyncset.done $0x0  }
0xae: {  	s8 =	rddreg [dreg:$0xb];
	[sflag:s25] =	ssyncadd.s32 $0xFFFFC000  }
0xaf: {  	[tilespmem:s19], [sflag:$0x3] =	stream.indirect.gather [hbm4b:s4+s17], $0x80, s8, s17, $0xb8;
	[tilespmem:$0x1C800] =	vst v63  }
0xb0: {  	_ =	swait.ge [sflag:s20], $0x4000  }
0xb1: {  	[sflag:s20] =	ssyncset.done $0x0  }
0xb2: {  	s8 =	sshrl.u32 s6, $0x3;
	[sflag:s20] =	ssyncadd.s32 $0xFFFFC000  }
0xb3: {  	[spmem:s1] =	stream.indirect.scatter.add.f32 [tilespmem:s18], [sflag:$0x4], $0x80, s22, s17, $0xb8;
	[tilespmem:$0x1C800] =	vst v63  }
0xb4: {  	s7 =	sadd.s32 s5, s8  }
0xb5: {  	[tilespmem:s15], [sflag:$0x1] =	stream.linear.gather [hbm4b:s7+s3], $0x200, $0x38;
	[tilespmem:$0x1C800] =	vst v63  }
0xb6: {  	s11 =	sadd.s32 $0x80, s11  }
0xb7: {  	[tilespmem:s16], [sflag:$0x1] =	stream.linear.gather [hbm4b:s11+s3], $0x200, $0x38;
	[tilespmem:$0x1C800] =	vst v63  }
0xb8: {  	_ =	swait.ge [sflag:s23], $0x4000  }
0xb9: {  	[sflag:s23] =	ssyncset.done $0x0  }
0xba: {  	[sflag:s23] =	ssyncadd.s32 $0xFFFFC000  }
0xbb: {  	[tilespmem:s18], [sflag:$0x2] =	stream.indirect.gather [hbm4b:s4+s17], $0x80, s28, s17, $0xb8;
	[tilespmem:$0x1C800] =	vst v63  }
0xbc: {  	_ =	swait.ge [sflag:s24], $0x4000  }
0xbd: {  	[sflag:s24] =	ssyncset.done $0x0  }
0xbe: {  	[sflag:s24] =	ssyncadd.s32 $0xFFFFC000  }
0xbf: {  	[spmem:s1] =	stream.indirect.scatter.add.f32 [tilespmem:s19], [sflag:$0x5], $0x80, s29, s17, $0xb8;
	[tilespmem:$0x1C800] =	vst v63  }
0xc0: {  	_ =	swait.ge [sflag:s25], $0x4000  }
0xc1: {  	[sflag:s25] =	ssyncset.done $0x0  }
0xc2: {  	[sflag:s25] =	ssyncadd.s32 $0xFFFFC000  }
0xc3: {  	[tilespmem:s19], [sflag:$0x3] =	stream.indirect.gather [hbm4b:s4+s17], $0x80, s30, s17, $0xb8;
	[tilespmem:$0x1C800] =	vst v63  }
0xc4: {  	_ =	swait.ge [sflag:s20], $0x4000  }
0xc5: {  	[sflag:s20] =	ssyncset.done $0x0  }
0xc6: {  	[sflag:s20] =	ssyncadd.s32 $0xFFFFC000  }
0xc7: {  	[spmem:s1] =	stream.indirect.scatter.add.f32 [tilespmem:s18], [sflag:$0x4], $0x80, s31, s17, $0xb8;
	[tilespmem:$0x1C800] =	vst v63  }
0xc8: {  	_ =	swait.ge [sflag:s23], $0x4000  }
0xc9: {  	[sflag:s23] =	ssyncset.done $0x0  }
0xca: {  	[sflag:s23] =	ssyncadd.s32 $0xFFFFC000  }
0xcb: {  	_ =	swait.ge [sflag:s26], $0x200  }
0xcc: {  	[sflag:s26] =	ssyncset.done $0x0  }
0xcd: {  	p2 =	seq.s32 s10, $0x0;
	s10 =	sadd.s32 $0x80, s10;
	[sflag:s26] =	ssyncadd.s32 $0xFFFFFE00  }
0xce: {  	p1 =	sne.s32 s10, $0xA00;
	_ =	swait.ge [sflag:s26], $0x200  }
.Ltmp0:
0xcf: {  	[sflag:s26] =	ssyncset.done $0x0;
	(pc) =	sbr.rel @p1 .LBB2_2-.Ltmp0, $4  }
0xd0: {  	[sflag:s26] =	ssyncadd.s32 $0xFFFFFE00  }
0xd1: {  	[tilespmem:s18], [sflag:$0x2] =	stream.indirect.gather [hbm4b:s4+s17], $0x80, s15, s17, $0xb8;
	[tilespmem:$0x1C800] =	vst v63  }
0xd2: {  	_ =	swait.ge [sflag:s24], $0x4000  }
0xd3: {  	p0 =	por p2, p2;
	s6 =	sadd.s32 $0x400, s6;
	[sflag:s24] =	ssyncset.done $0x0  }
0xd4: {  	s7 =	simm.s32 @!p0 $0x5;
	[sflag:s24] =	ssyncadd.s32 $0xFFFFC000  }
0xd5: {  	[spmem:s1] =	stream.indirect.scatter.add.f32 [tilespmem:s19], [sflag:$0x5], $0x80, s0, s17, $0xb8;
	[tilespmem:$0x1C800] =	vst v63  }
0xd6: {  	_ =	swait.ge @!p0 [sflag:s7], $0x4000  }
0xd7: {  	[sflag:s7] =	ssyncset.done @!p0 $0x0  }
0xd8: {  	s8 =	rddreg [dreg:$0x5];
	[sflag:s7] =	ssyncadd.s32 @!p0 $0xFFFFC000  }
0xd9: {  	[tilespmem:s19], [sflag:$0x3] =	stream.indirect.gather [hbm4b:s4+s17], $0x80, s8, s17, $0xb8;
	[tilespmem:$0x1C800] =	vst v63  }
0xda: {  	_ =	swait.ge [sflag:s20], $0x4000  }
0xdb: {  	[sflag:s20] =	ssyncset.done $0x0  }
0xdc: {  	s10 =	rddreg [dreg:$0x4];
	[sflag:s20] =	ssyncadd.s32 $0xFFFFC000  }
0xdd: {  	[spmem:s1] =	stream.indirect.scatter.add.f32 [tilespmem:s18], [sflag:$0x4], $0x80, s16, s17, $0xb8;
	[tilespmem:$0x1C800] =	vst v63  }
0xde: {  	s11 =	rddreg [dreg:$0x3];
	s7 =	sadd.s32 s9, s10  }
0xdf: {  	[tilespmem:s21], [sflag:$0x1] =	stream.linear.gather [hbm4b:s7+s3], $0x200, $0x38;
	[tilespmem:$0x1C800] =	vst v63  }
0xe0: {  	s7 =	sadd.s32 s9, s11  }
0xe1: {  	s8 =	sadd.s32 $0x40, s7  }
0xe2: {  	[tilespmem:s22], [sflag:$0x1] =	stream.linear.gather [hbm4b:s8+s3], $0x200, $0x38;
	[tilespmem:$0x1C800] =	vst v63  }
0xe3: {  	_ =	swait.ge [sflag:s23], $0x4000  }
0xe4: {  	[sflag:s23] =	ssyncset.done $0x0  }
0xe5: {  	s10 =	rddreg [dreg:$0x6];
	[sflag:s23] =	ssyncadd.s32 $0xFFFFC000  }
0xe6: {  	[tilespmem:s18], [sflag:$0x2] =	stream.indirect.gather [hbm4b:s4+s17], $0x80, s10, s17, $0xb8;
	[tilespmem:$0x1C800] =	vst v63  }
0xe7: {  	_ =	swait.ge [sflag:s24], $0x4000  }
0xe8: {  	[sflag:s24] =	ssyncset.done $0x0  }
0xe9: {  	s11 =	rddreg [dreg:$0x7];
	[sflag:s24] =	ssyncadd.s32 $0xFFFFC000  }
0xea: {  	[spmem:s1] =	stream.indirect.scatter.add.f32 [tilespmem:s19], [sflag:$0x5], $0x80, s11, s17, $0xb8;
	[tilespmem:$0x1C800] =	vst v63  }
0xeb: {  	_ =	swait.ge [sflag:s25], $0x4000  }
0xec: {  	[sflag:s25] =	ssyncset.done $0x0  }
0xed: {  	s9 =	rddreg [dreg:$0x8];
	[sflag:s25] =	ssyncadd.s32 $0xFFFFC000  }
0xee: {  	[tilespmem:s19], [sflag:$0x3] =	stream.indirect.gather [hbm4b:s4+s17], $0x80, s9, s17, $0xb8;
	[tilespmem:$0x1C800] =	vst v63  }
0xef: {  	_ =	swait.ge [sflag:s20], $0x4000  }
0xf0: {  	[sflag:s20] =	ssyncset.done $0x0  }
0xf1: {  	s10 =	rddreg [dreg:$0x9];
	[sflag:s20] =	ssyncadd.s32 $0xFFFFC000  }
0xf2: {  	[spmem:s1] =	stream.indirect.scatter.add.f32 [tilespmem:s18], [sflag:$0x4], $0x80, s10, s17, $0xb8;
	[tilespmem:$0x1C800] =	vst v63  }
0xf3: {  	_ =	swait.ge [sflag:s23], $0x4000  }
0xf4: {  	[sflag:s23] =	ssyncset.done $0x0  }
0xf5: {  	[sflag:s23] =	ssyncadd.s32 $0xFFFFC000  }
0xf6: {  	_ =	swait.ge [sflag:s26], $0x200  }
0xf7: {  	[sflag:s26] =	ssyncset.done $0x0  }
0xf8: {  	[sflag:s26] =	ssyncadd.s32 $0xFFFFFE00  }
0xf9: {  	_ =	swait.ge [sflag:s26], $0x200  }
0xfa: {  	[sflag:s26] =	ssyncset.done $0x0  }
0xfb: {  	[sflag:s26] =	ssyncadd.s32 $0xFFFFFE00  }
0xfc: {  	[tilespmem:s18], [sflag:$0x2] =	stream.indirect.gather [hbm4b:s4+s17], $0x80, s21, s17, $0xb8;
	[tilespmem:$0x1C800] =	vst v63  }
0xfd: {  	_ =	swait.ge [sflag:s24], $0x4000  }
0xfe: {  	[sflag:s24] =	ssyncset.done $0x0  }
0xff: {  	s11 =	rddreg [dreg:$0xa];
	[sflag:s24] =	ssyncadd.s32 $0xFFFFC000  }
0x100: {  	[spmem:s1] =	stream.indirect.scatter.add.f32 [tilespmem:s19], [sflag:$0x5], $0x80, s11, s17, $0xb8;
	[tilespmem:$0x1C800] =	vst v63  }
0x101: {  	_ =	swait.ge [sflag:s25], $0x4000  }
0x102: {  	[sflag:s25] =	ssyncset.done $0x0  }
0x103: {  	s9 =	rddreg [dreg:$0xb];
	[sflag:s25] =	ssyncadd.s32 $0xFFFFC000  }
0x104: {  	[tilespmem:s19], [sflag:$0x3] =	stream.indirect.gather [hbm4b:s4+s17], $0x80, s9, s17, $0xb8;
	[tilespmem:$0x1C800] =	vst v63  }
0x105: {  	_ =	swait.ge [sflag:s20], $0x4000  }
0x106: {  	[sflag:s20] =	ssyncset.done $0x0  }
0x107: {  	s6 =	sshrl.u32 s6, $0x3;
	[sflag:s20] =	ssyncadd.s32 $0xFFFFC000  }
0x108: {  	[spmem:s1] =	stream.indirect.scatter.add.f32 [tilespmem:s18], [sflag:$0x4], $0x80, s22, s17, $0xb8;
	[tilespmem:$0x1C800] =	vst v63  }
0x109: {  	s6 =	sadd.s32 s5, s6  }
0x10a: {  	[tilespmem:s15], [sflag:$0x1] =	stream.linear.gather [hbm4b:s6+s3], $0x200, $0x38;
	[tilespmem:$0x1C800] =	vst v63  }
0x10b: {  	s10 =	sadd.s32 $0x80, s7  }
0x10c: {  	[tilespmem:s16], [sflag:$0x1] =	stream.linear.gather [hbm4b:s10+s3], $0x200, $0x38;
	[tilespmem:$0x1C800] =	vst v63  }
0x10d: {  	_ =	swait.ge [sflag:s23], $0x4000  }
0x10e: {  	[sflag:s23] =	ssyncset.done $0x0  }
0x10f: {  	[sflag:s23] =	ssyncadd.s32 $0xFFFFC000  }
0x110: {  	[tilespmem:s18], [sflag:$0x2] =	stream.indirect.gather [hbm4b:s4+s17], $0x80, s28, s17, $0xb8;
	[tilespmem:$0x1C800] =	vst v63  }
0x111: {  	_ =	swait.ge [sflag:s24], $0x4000  }
0x112: {  	[sflag:s24] =	ssyncset.done $0x0  }
0x113: {  	[sflag:s24] =	ssyncadd.s32 $0xFFFFC000  }
0x114: {  	[spmem:s1] =	stream.indirect.scatter.add.f32 [tilespmem:s19], [sflag:$0x5], $0x80, s29, s17, $0xb8;
	[tilespmem:$0x1C800] =	vst v63  }
0x115: {  	_ =	swait.ge [sflag:s25], $0x4000  }
0x116: {  	[sflag:s25] =	ssyncset.done $0x0  }
0x117: {  	[sflag:s25] =	ssyncadd.s32 $0xFFFFC000  }
0x118: {  	[tilespmem:s19], [sflag:$0x3] =	stream.indirect.gather [hbm4b:s4+s17], $0x80, s30, s17, $0xb8;
	[tilespmem:$0x1C800] =	vst v63  }
0x119: {  	_ =	swait.ge [sflag:s20], $0x4000  }
0x11a: {  	[sflag:s20] =	ssyncset.done $0x0  }
0x11b: {  	[sflag:s20] =	ssyncadd.s32 $0xFFFFC000  }
0x11c: {  	[spmem:s1] =	stream.indirect.scatter.add.f32 [tilespmem:s18], [sflag:$0x4], $0x80, s31, s17, $0xb8;
	[tilespmem:$0x1C800] =	vst v63  }
0x11d: {  	_ =	swait.ge [sflag:s23], $0x4000  }
0x11e: {  	[sflag:s23] =	ssyncset.done $0x0  }
0x11f: {  	[sflag:s23] =	ssyncadd.s32 $0xFFFFC000  }
0x120: {  	_ =	swait.ge [sflag:s26], $0x200  }
0x121: {  	[sflag:s26] =	ssyncset.done $0x0  }
0x122: {  	[sflag:s26] =	ssyncadd.s32 $0xFFFFFE00  }
0x123: {  	_ =	swait.ge [sflag:s26], $0x200  }
0x124: {  	[sflag:s26] =	ssyncset.done $0x0  }
0x125: {  	[sflag:s26] =	ssyncadd.s32 $0xFFFFFE00  }
0x126: {  	[tilespmem:s18], [sflag:$0x2] =	stream.indirect.gather [hbm4b:s4+s17], $0x80, s15, s17, $0xb8;
	[tilespmem:$0x1C800] =	vst v63  }
0x127: {  	_ =	swait.ge [sflag:s24], $0x4000  }
0x128: {  	[sflag:s24] =	ssyncset.done $0x0  }
0x129: {  	[sflag:s24] =	ssyncadd.s32 $0xFFFFC000  }
0x12a: {  	[spmem:s1] =	stream.indirect.scatter.add.f32 [tilespmem:s19], [sflag:$0x5], $0x80, s0, s17, $0xb8;
	[tilespmem:$0x1C800] =	vst v63  }
0x12b: {  	_ =	swait.ge [sflag:s25], $0x4000  }
0x12c: {  	[sflag:s25] =	ssyncset.done $0x0  }
0x12d: {  	[sflag:s25] =	ssyncadd.s32 $0xFFFFC000  }
0x12e: {  	_ =	swait.ge [sflag:s20], $0x4000  }
0x12f: {  	[sflag:s20] =	ssyncset.done $0x0  }
0x130: {  	[sflag:s20] =	ssyncadd.s32 $0xFFFFC000  }
0x131: {  	[bflag:$0x0] =	sbarrier.arrive $0xFFFF  }
0x132: {  	s11 =	rddreg [dreg:$0xf]  }
0x133: {  	[hbm:s11], [sflag:s12] =	dma.local [spmem:s13], $0x2800  }
0x134: {  	_ =	swait.ge [sflag:s14], $0x2800  }
0x135: {  	s2 =	sadd.s32 $0x1, s2;
	s7 =	smov.u32 s12;
	s12 =	rddreg [dreg:$0x10]  }
0x136: {  	p0 =	sne.s32 s2, s12  }
.Ltmp1:
0x137: {  	_ = 	snop;
	(pc) =	sbr.rel @p0 .LBB2_1-.Ltmp1, $3  }
0x138: {  	_ =	sdelay $0x1  }
0x139: {  	[sflag:s14] =	ssyncset.done $0x0  }
0x13a: {  	[sflag:s14] =	ssyncadd.s32 $0xFFFFD800  }
0x13b: {  	_ =	sfence.sel $0x180000  }
0x13c: {  	[bflag:$0x0] =	sbarrier.arrive $0xFFFF  }
0x13d: {  	_ =	strace $0x90000050  }
0x13e: {  	s0 =	stileid.u32;
	[bflag:$0x2] =	sbarrier.arrive $0xFFFF  }
0x13f: {  	p0 =	sne.s32 s0, $0x0;
	s0 =	rddreg [dreg:$0x2]  }
0x140: {  	s0 =	sadd.s32 @!p0 $0x100000, s0  }
0x141: {  	[sflag:s0] =	ssyncadd.tile.s32 @!p0 $0x1;
	_ =	shalt  }
.Lfunc_end2:
_tile_overlayer_lowered:
.L_overlay_start_2:
0x142: {  	(tag) =	ssettag $0x2  }
0x143: {  	s0 =	rddreg [dreg:$0x0];
	s2 =	stileid.u32  }
0x144: {  	s1 =	rddreg [dreg:$0x1];
	p0 =	sne.s32 s2, $0x0  }
0x145: {  	s3 =	rddreg [dreg:$0x2];
	[bflag:$0x3] =	sbarrier.arrive $0xFFFF;
	s2 =	simm.s32 @!p0 $0x1C06  }
0x146: {  	[timem:s3], [sflag:s2] =	dma.local @!p0 [hbm:s0], s1  }
0x147: {  	s0 =	simm.s32 @!p0 $0x6  }
0x148: {  	_ =	swait.ge @!p0 [sflag:s0], s1  }
0x149: {  	s1 =	ssub.s32 @!p0 $0x0, s1;
	[sflag:s0] =	ssyncset.done @!p0 $0x0  }
0x14a: {  	[sflag:s0] =	ssyncadd.s32 @!p0 s1  }
0x14b: {  	[bflag:$0x3] =	sbarrier.arrive $0xFFFF  }
0x14c: {  	_ =	shalt  }

// kernel: sc_edge_aggregate.5.cloned.1.call-start
scs
__scs_entry_jumppad:
0x0: {  	(pc) =	sbr.rel $0x88, $3  }
0x1: {  	(tag) =	ssettag $0x0;
	lr =	simm.s32 $0x1  }
0x2: {  	[smem:$0x3F8D] =	sst lr;
	_ =	strace $0xD0000000  }
0x3: {  	_ = 	snop  }
0x4: {  	_ = 	snop  }
0x5: {  	_ = 	snop  }
0x6: {  	_ = 	snop  }
0x7: {  	_ = 	snop  }
__scs_overlays_trampoline_lowered:
0x8: {  	[smem:$0x3F9C] =	sst s0  }
0x9: {  	[smem:$0x3F9D] =	sst s1  }
0xa: {  	[smem:$0x3F9E] =	sst s2  }
0xb: {  	[smem:$0x3F9F] =	sst s3  }
0xc: {  	[smem:$0x3FA0] =	sst s4  }
0xd: {  	[smem:$0x3FA1] =	sst s5  }
0xe: {  	[smem:$0x3FA2] =	sst s6  }
0xf: {  	[smem:$0x3FA3] =	sst s7  }
0x10: {  	[smem:$0x3FA4] =	sst s8  }
0x11: {  	[smem:$0x3FA5] =	sst s9;
	s0 =	simm.s32 @!p0 $0x0  }
0x12: {  	s1 =	sld [smem:$0x3F8B];
	s0 =	simm.s32 @p0 $0x1  }
0x13: {  	[smem:$0x3FA6] =	sst s0;
	s0 =	simm.s32 @!p1 $0x0  }
0x14: {  	s2 =	sld [smem:$0x3F8A];
	s0 =	simm.s32 @p1 $0x1  }
0x15: {  	[smem:$0x3FA7] =	sst s0;
	s0 =	simm.s32 @!p2 $0x0  }
0x16: {  	s3 =	sld [smem:$0x3FDB];
	s0 =	simm.s32 @p2 $0x1  }
0x17: {  	s4 =	simm.s32 $0x1BF5;
	[smem:$0x3FA9] =	sst s0  }
0x18: {  	s0 =	sld [smem:$0x3F8C];
	_ =	swait.ge [sflag:s4], $0x0  }
0x19: {  	s7 =	sld [smem:$0x3F8D]  }
0x1a: {  	s8 =	sadd.s32 $0xFFFFE003, lr  }
0x1b: {  	s9 =	sadd.s32 $0xFFFFFEF7, lr;
	s5 =	simm.s32 $0xFFFFFFFF;
	p2 =	slt.u32 s8, $0xFFFFF086  }
0x1c: {  	p1 =	slt.u32 s9, $0xF7A;
	s5 =	simm.s32 @!p2 $0x0  }
0x1d: {  	s5 =	simm.s32 @p1 $0x1;
	p0 =	seq.s32 s7, s2  }
0x1e: {  	s7 =	smul.u32 @!p0 $0xF7A, s2;
	p2 =	seq.s32 @!p0 s5, $0x0  }
0x1f: {  	s9 =	smul.u32 $0xF7A, s1;
	s8 =	simm.s32 @!p0 $0x1BF5;
	p2 =	por !p2, p0  }
0x20: {  	[sflag:s8] =	ssyncset.s32 @!p0 $0xFFFFF086;
	s6 =	sadd.s32 @!p0 s3, s7;
	s7 =	simm.s32 @!p0 $0x108  }
0x21: {  	s3 =	sadd.s32 s3, s9;
	s6 =	sadd.s32 @!p0 $0x88, s6;
	s7 =	simm.s32 @p2 $0x1082  }
0x22: {  	[simem:s7], [sflag:s8] =	dma.local @!p0 [hbm:s6], $0xF7A  }
0x23: {  	s9 =	sor.u32 $0xD0000000, s2;
	s6 =	simm.s32 $0x108;
	_ =	swait.ge @!p0 [sflag:s8], $0x0  }
0x24: {  	s3 =	sadd.s32 $0x88, s3;
	s6 =	simm.s32 @!p1 $0x1082;
	[sflag:s4] =	ssyncset.s32 $0xFFFFF086  }
0x25: {  	[simem:s6], [sflag:s4] =	dma.local [hbm:s3], $0xF7A  }
0x26: {  	[smem:$0x3F8D] =	sst s1;
	(tag) =	ssettag s2;
	_ =	strace s9  }
0x27: {  	s1 =	sld [smem:$0x3F9D]  }
0x28: {  	s2 =	sld [smem:$0x3F9E]  }
0x29: {  	s4 =	sld [smem:$0x3FA0]  }
0x2a: {  	p0 =	seq.s32 s5, $0x0;
	s5 =	sld [smem:$0x3FA1]  }
0x2b: {  	s6 =	sld [smem:$0x3FA2]  }
0x2c: {  	s7 =	sld [smem:$0x3FA3]  }
0x2d: {  	s3 =	simm.s32 $0x108;
	s8 =	sld [smem:$0x3FA4]  }
0x2e: {  	s3 =	simm.s32 @!p0 $0x1082;
	s9 =	sld [smem:$0x3FA5]  }
0x2f: {  	lr =	sadd.s32 s0, s3;
	s0 =	sld [smem:$0x3F9C]  }
0x30: {  	s3 =	sld [smem:$0x3F9F]  }
0x31: {  	[smem:$0x3FA8] =	sst s10  }
0x32: {  	s10 =	sld [smem:$0x3FA6];
	_ =	sdelay $0x3  }
0x33: {  	p0 =	seq.s32 s10, $0x1;
	s10 =	sld [smem:$0x3FA8];
	_ =	sdelay $0x3  }
0x34: {  	[smem:$0x3FA8] =	sst s10  }
0x35: {  	s10 =	sld [smem:$0x3FA7];
	_ =	sdelay $0x3  }
0x36: {  	p1 =	seq.s32 s10, $0x1;
	s10 =	sld [smem:$0x3FA8];
	_ =	sdelay $0x3  }
0x37: {  	[smem:$0x3FA8] =	sst s10  }
0x38: {  	s10 =	sld [smem:$0x3FA9]  }
0x39: {  	_ = 	snop;
	(pc) =	sbr.ind lr, $3  }
0x3a: {  	_ = 	snop  }
0x3b: {  	_ = 	snop  }
0x3c: {  	p2 =	seq.s32 s10, $0x1;
	s10 =	sld [smem:$0x3FA8]  }
0x3d: {  	_ =	shalt  }
0x3e: {  	_ =	shalt  }
0x3f: {  	_ =	shalt  }
0x40: {  	_ =	shalt  }
0x41: {  	_ =	shalt  }
0x42: {  	_ =	shalt  }
0x43: {  	_ =	shalt  }
0x44: {  	_ =	shalt  }
0x45: {  	_ =	shalt  }
0x46: {  	_ =	shalt  }
0x47: {  	_ =	shalt  }
0x48: {  	_ =	shalt  }
0x49: {  	_ =	shalt  }
0x4a: {  	_ =	shalt  }
0x4b: {  	_ =	shalt  }
0x4c: {  	_ =	shalt  }
0x4d: {  	_ =	shalt  }
0x4e: {  	_ =	shalt  }
0x4f: {  	_ =	shalt  }
0x50: {  	_ =	shalt  }
0x51: {  	_ =	shalt  }
0x52: {  	_ =	shalt  }
0x53: {  	_ =	shalt  }
0x54: {  	_ =	shalt  }
0x55: {  	_ =	shalt  }
0x56: {  	_ =	shalt  }
0x57: {  	_ =	shalt  }
0x58: {  	_ =	shalt  }
0x59: {  	_ =	shalt  }
0x5a: {  	_ =	shalt  }
0x5b: {  	_ =	shalt  }
0x5c: {  	_ =	shalt  }
0x5d: {  	_ =	shalt  }
0x5e: {  	_ =	shalt  }
0x5f: {  	_ =	shalt  }
0x60: {  	_ =	shalt  }
0x61: {  	_ =	shalt  }
0x62: {  	_ =	shalt  }
0x63: {  	_ =	shalt  }
0x64: {  	_ =	shalt  }
0x65: {  	_ =	shalt  }
0x66: {  	_ =	shalt  }
0x67: {  	_ =	shalt  }
0x68: {  	_ =	shalt  }
0x69: {  	_ =	shalt  }
0x6a: {  	_ =	shalt  }
0x6b: {  	_ =	shalt  }
0x6c: {  	_ =	shalt  }
0x6d: {  	_ =	shalt  }
0x6e: {  	_ =	shalt  }
0x6f: {  	_ =	shalt  }
0x70: {  	_ =	shalt  }
0x71: {  	_ =	shalt  }
0x72: {  	_ =	shalt  }
0x73: {  	_ =	shalt  }
0x74: {  	_ =	shalt  }
0x75: {  	_ =	shalt  }
0x76: {  	_ =	shalt  }
0x77: {  	_ =	shalt  }
0x78: {  	_ =	shalt  }
0x79: {  	_ =	shalt  }
0x7a: {  	_ =	shalt  }
0x7b: {  	_ =	shalt  }
0x7c: {  	_ =	shalt  }
0x7d: {  	_ =	shalt  }
0x7e: {  	_ =	shalt  }
0x7f: {  	_ =	shalt  }
0x80: {  	_ =	shalt  }
0x81: {  	_ =	shalt  }
0x82: {  	_ =	shalt  }
0x83: {  	_ =	shalt  }
0x84: {  	_ =	shalt  }
0x85: {  	_ =	shalt  }
0x86: {  	_ =	shalt  }
0x87: {  	_ =	shalt  }
.Lfunc_end0:
.L_simem_size_0:
called_computation.1_lowered:
.L_overlay_start_0:
0x88: {  	s2 =	sld [smem:$0x3FD9]  }
0x89: {  	s3 =	sld [smem:$0x3FFE];
	_ =	sdelay $0x1  }
0x8a: {  	s1 =	srdreg.scid  }
0x8b: {  	s0 =	sand.u32 $0x1, s1  }
0x8c: {  	s16 =	sshll.u32 s0, $0xA;
	s2 =	sadd.s32 s3, s2  }
0x8d: {  	s2 =	sadd.s32 s2, s16  }
0x8e: {  	[smem:$0x3FB4] =	sst s2  }
0x8f: {  	_ = 	snop  }
0x90: {  	(tm) =	ssettm $0x1  }
0x91: {  	s17 =	sld [smem:$0x3FFB];
	_ =	sdelay $0x3  }
0x92: {  	_ =	strace s17  }
0x93: {  	s2 =	sld [smem:$0x3FFC];
	_ =	sdelay $0x3  }
0x94: {  	_ =	strace s2  }
0x95: {  	s2 =	sld [smem:$0x3FFD];
	_ =	sdelay $0x3  }
0x96: {  	_ =	strace s2  }
0x97: {  	_ =	strace $0x8FFFFFFF  }
0x98: {  	s18 =	sld [smem:$0x3FDB];
	_ =	sdelay $0x1  }
0x99: {  	s19 =	simm.s32 $_scs_section_size  }
0x9a: {  	s4 =	simm.s32 $_size__tile_overlayer_lowered;
	s5 =	simm.s32 $_tile_overlayer_lowered  }
0x9b: {  	s22 =	simm.s32 $0x1BFF;
	s21 =	sshll.u32 s5, $0x1;
	s2 =	sadd.s32 s19, s18  }
0x9c: {  	s6 =	simm.s32 $0x0;
	s20 =	sshll.u32 s4, $0x1;
	s4 =	sadd.s32 s21, s2  }
0x9d: {  	[timem:s6], [sflag:s22] =	dma.local [hbm:s4], s20  }
0x9e: {  	_ =	swait.ge [sflag:s22], s20  }
0x9f: {  	s3 =	ssub.s32 $0x0, s20;
	[sflag:s22] =	ssyncset.done $0x0  }
0xa0: {  	[sflag:s22] =	ssyncadd.s32 s3;
	_ =	sdelay $0x1  }
0xa1: {  	s23 =	simm.s32 $0x1B8B  }
0xa2: {  	_ =	swait.ge [sflag:s23], $0x1  }
0xa3: {  	[sflag:s23] =	ssyncset.done $0x0  }
0xa4: {  	s25 =	simm.s32 $0x1B8E;
	s24 =	sld [smem:$0x3FFE];
	[sflag:s23] =	ssyncadd.s32 $0xFFFFFFFF  }
0xa5: {  	s26 =	simm.s32 $execute0_lowered;
	[smem:$0x3FD2] =	sst s25  }
0xa6: {  	s4 =	sshll.u32 s26, $0x1;
	_ =	strace $0x80000049;
	[dreg:$0x1] =	wrdreg $0xFFFFFFFF  }
0xa7: {  	s28 =	simm.s32 $_size_execute0_lowered;
	s2 =	sadd.s32 s2, s4;
	[dreg:$0x0] =	wrdreg $0x0  }
0xa8: {  	s4 =	sshll.u32 s28, $0x1;
	[dreg:$0x2] =	wrdreg s2  }
0xa9: {  	[dreg:$0x3] =	wrdreg s4  }
0xaa: {  	[dreg:$0x4] =	wrdreg $0xC0  }
0xab: {  	_ =	task [dreg:s6], $0x5FFFF  }
0xac: {  	[dreg:$0x1] =	wrdreg $0xFFFFFFFF  }
0xad: {  	[dreg:$0x0] =	wrdreg $0x60  }
0xae: {  	[dreg:$0x2] =	wrdreg s24  }
0xaf: {  	[dreg:$0x3] =	wrdreg $0x0  }
0xb0: {  	[dreg:$0x4] =	wrdreg $0x9  }
0xb1: {  	_ =	task.clear_ibuf [dreg:s6], $0x5FFFF;
	_ =	strace $0x90000049  }
0xb2: {  	s29 =	simm.s32 $0x9;
	_ =	strace $0x8000004B  }
0xb3: {  	_ =	swait.ge [sflag:s29], $0x1  }
0xb4: {  	[sflag:s29] =	ssyncadd.s32 $0xFFFFFFFF  }
0xb5: {  	_ =	strace $0x9000004B  }
0xb6: {  	_ =	sfence  }
0xb7: {  	s30 =	sld [smem:$0x0];
	_ =	sdelay $0x2  }
0xb8: {  	s31 =	sshll.u32 s1, $0xD;
	s1 =	sshrl.u32 s1, $0x2  }
0xb9: {  	s3 =	sand.u32 $0x4000, s31;
	s1 =	sadd.s32 s1, s30  }
0xba: {  	s0 =	sor.u32 s3, s0;
	s1 =	sshll.u32 s1, $0x11  }
0xbb: {  	s0 =	sor.u32 s1, s0  }
0xbc: {  	s0 =	sadd.s32 $0x8F2B, s0  }
0xbd: {  	[sflag:s0] =	ssyncadd.remote.s32 $0x1  }
0xbe: {  	_ =	sfence.sel $0xFFFF  }
0xbf: {  	[dreg:$0x0] =	wrdreg $0xFFFFFFFF;
	(pc) =	sbr.abs _section_cstart, $3  }
0xc0: {  	[dreg:$0x1] =	wrdreg $0xFFFFFFFF  }
0xc1: {  	_ =	task.clear_ibuf [dreg:s6], $0x2FFFF;
	_ =	strace $0x9FFFFFFF  }
0xc2: {  	(tm) =	ssettm $0x7FFFFFFF  }
0xc3: {  	_ =	shalt  }
tec
execute0_lowered:
.L_overlay_start_1:
0x0: {  	(tag) =	ssettag $0x1  }
0x1: {  	s0 =	rddreg [dreg:$0x0]  }
0x2: {  	s1 =	rddreg [dreg:$0x1]  }
0x3: {  	s2 =	srdreg.scid;
	s3 =	simm.s32 $0x0;
	s13 =	stileid.u32  }
0x4: {  	s20 =	simm.s32 $0x1C080;
	s21 =	simm.s32 $0x1C100;
	s22 =	simm.s32 $0x1C280  }
0x5: {  	s23 =	simm.s32 $0x1C180;
	s24 =	simm.s32 $0x1C300;
	s7 =	smul.u32 $0x14000, s13  }
0x6: {  	s28 =	simm.s32 $0x1C500;
	s29 =	simm.s32 $0x1C680;
	s8 =	smul.u32 $0x50000, s13  }
0x7: {  	s30 =	simm.s32 $0x1C580;
	s31 =	simm.s32 $0x1C700;
	s25 =	smul.u32 $0x2800, s13  }
0x8: {  	s2 =	sand.u32 $0x1, s2;
	[smem:$0x7FF] =	sst s3;
	s12 =	smul.u32 $0x5400, s13  }
0x9: {  	s4 =	sadd.s32 $0xE600, s0;
	s5 =	sadd.s32 $0x86600, s0;
	s17 =	smul.u32 $0xA80, s13  }
0xa: {  	s10 =	sadd.s32 $0x3E00, s0;
	s15 =	sshll.u32 s13, $0x6;
	s6 =	smul.u32 $0x140000, s2  }
0xb: {  	_ =	strace $0x8000004A;
	s9 =	smul.u32 $0x28000, s2;
	[dreg:$0x5] =	wrdreg s20  }
0xc: {  	s11 =	ssub.s32 $0x2, s2;
	s2 =	smul.u32 $0x54000, s2;
	[dreg:$0x6] =	wrdreg s21  }
0xd: {  	s20 =	simm.s32 $0x2;
	s21 =	simm.s32 $0x1C400;
	[dreg:$0x7] =	wrdreg s22  }
0xe: {  	s22 =	simm.s32 $0x1C600;
	[dreg:$0x8] =	wrdreg s23;
	s23 =	simm.s32 $0x4  }
0xf: {  	[dreg:$0x9] =	wrdreg s24;
	s24 =	simm.s32 $0x3;
	s26 =	sshrl.u32 s11, $0x1  }
0x10: {  	s8 =	sshrl.u32 s8, $0x2;
	s18 =	sadd.s32 s17, s10;
	s17 =	simm.s32 $0x80  }
0x11: {  	s6 =	sadd.s32 s7, s6;
	s7 =	sadd.s32 s25, s9;
	s14 =	sadd.s32 s8, s1  }
0x12: {  	s2 =	sadd.s32 s12, s2;
	s12 =	sshrl.u32 s12, $0x3;
	[dreg:$0x3] =	wrdreg s18  }
0x13: {  	s18 =	simm.s32 $0x14000;
	s25 =	simm.s32 $0x1C380;
	s6 =	sshrl.u32 s6, $0x3  }
0x14: {  	s7 =	sadd.s32 s4, s7;
	s16 =	sshrl.u32 s2, $0x3;
	s12 =	sadd.s32 s10, s12  }
0x15: {  	s2 =	sadd.s32 $0x400, s2;
	s13 =	sshrl.u32 s14, $0x3;
	[dreg:$0xa] =	wrdreg s25  }
0x16: {  	s14 =	simm.s32 $0x6;
	s25 =	simm.s32 $0x5;
	[dreg:$0xc] =	wrdreg s7  }
0x17: {  	s0 =	sadd.s32 s6, s0;
	s6 =	ssub.s32 s11, s26;
	[dreg:$0xe] =	wrdreg s12  }
0x18: {  	s7 =	sor.u32 $0x1C06, s15;
	s8 =	sadd.s32 s5, s16;
	[dreg:$0x11] =	wrdreg s2  }
0x19: {  	s15 =	simm.s32 $0x1C000;
	s26 =	simm.s32 $0x1C480;
	[dreg:$0xd] =	wrdreg s8  }
0x1a: {  	s16 =	simm.s32 $0x1C200;
	s0 =	sadd.s32 $0x9B600, s0;
	[dreg:$0xb] =	wrdreg s26  }
0x1b: {  	s2 =	simm.s32 $0x0;
	s6 =	smax.u32 s6, $0x1;
	[dreg:$0xf] =	wrdreg s0  }
0x1c: {  	s19 =	sadd.s32 $0x40, s8;
	s26 =	simm.s32 $0x1;
	[dreg:$0x10] =	wrdreg s6  }
0x1d: {  	[dreg:$0x4] =	wrdreg s19;
	s19 =	simm.s32 $0x18000;
	s0 =	simm.s32 $0x1C780  }
.LBB2_1:
0x1e: {  	s6 =	rddreg [dreg:$0xc]  }
0x1f: {  	[spmem:s13], [sflag:s7] =	dma.local [hbm:s6], $0x2800  }
0x20: {  	_ =	swait.ge [sflag:s14], $0x2800  }
0x21: {  	[sflag:s14] =	ssyncset.done $0x0  }
0x22: {  	s12 =	smov.u32 s7;
	s7 =	rddreg [dreg:$0xd];
	[sflag:s14] =	ssyncadd.s32 $0xFFFFD800  }
0x23: {  	[tilespmem:s15], [sflag:$0x6] =	stream.linear.gather [hbm4b:s7+s3], $0x200, $0x38;
	[tilespmem:$0x1C800] =	vst v63  }
0x24: {  	_ =	swait.ge [sflag:s14], $0x200  }
0x25: {  	[sflag:s14] =	ssyncset.done $0x0  }
0x26: {  	s8 =	rddreg [dreg:$0xe];
	[sflag:s14] =	ssyncadd.s32 $0xFFFFFE00  }
0x27: {  	[tilespmem:s16], [sflag:$0x6] =	stream.linear.gather [hbm4b:s8+s3], $0x200, $0x38;
	[tilespmem:$0x1C800] =	vst v63  }
0x28: {  	_ =	swait.ge [sflag:s14], $0x200  }
0x29: {  	p0 =	por $0x1, $0x1;
	[sflag:s14] =	ssyncset.done $0x0  }
0x2a: {  	p0 =	por p0, p0;
	[sflag:s14] =	ssyncadd.s32 $0xFFFFFE00  }
0x2b: {  	[tilespmem:s18], [sflag:$0x2] =	stream.indirect.gather [hbm4b:s4+s17], $0x80, s15, s17, $0xb8;
	[tilespmem:$0x1C800] =	vst v63  }
0x2c: {  	s6 =	simm.s32 @!p0 $0x5;
	[bflag:$0x0] =	sbarrier.arrive $0xFFFF  }
0x2d: {  	_ =	swait.ge @!p0 [sflag:s6], $0x4000  }
0x2e: {  	[sflag:s6] =	ssyncset.done @!p0 $0x0  }
0x2f: {  	s9 =	rddreg [dreg:$0x5];
	[sflag:s6] =	ssyncadd.s32 @!p0 $0xFFFFC000  }
0x30: {  	[tilespmem:s19], [sflag:$0x3] =	stream.indirect.gather [hbm4b:s4+s17], $0x80, s9, s17, $0xb8;
	[tilespmem:$0x1C800] =	vst v63  }
0x31: {  	_ =	swait.ge [sflag:s20], $0x4000  }
0x32: {  	[sflag:s20] =	ssyncset.done $0x0  }
0x33: {  	s9 =	rddreg [dreg:$0x4];
	[sflag:s20] =	ssyncadd.s32 $0xFFFFC000  }
0x34: {  	[spmem:s1] =	stream.indirect.scatter.add.f32 [tilespmem:s18], [sflag:$0x4], $0x80, s16, s17, $0xb8;
	[tilespmem:$0x1C800] =	vst v63  }
0x35: {  	s10 =	rddreg [dreg:$0x3];
	s6 =	sadd.s32 $0x0, s9  }
0x36: {  	[tilespmem:s21], [sflag:$0x1] =	stream.linear.gather [hbm4b:s6+s3], $0x200, $0x38;
	[tilespmem:$0x1C800] =	vst v63  }
0x37: {  	s6 =	sadd.s32 $0x0, s10  }
0x38: {  	s9 =	sadd.s32 $0x40, s6  }
0x39: {  	[tilespmem:s22], [sflag:$0x1] =	stream.linear.gather [hbm4b:s9+s3], $0x200, $0x38;
	[tilespmem:$0x1C800] =	vst v63  }
0x3a: {  	_ =	swait.ge [sflag:s23], $0x4000  }
0x3b: {  	[sflag:s23] =	ssyncset.done $0x0  }
0x3c: {  	s11 =	rddreg [dreg:$0x6];
	[sflag:s23] =	ssyncadd.s32 $0xFFFFC000  }
0x3d: {  	[tilespmem:s18], [sflag:$0x2] =	stream.indirect.gather [hbm4b:s4+s17], $0x80, s11, s17, $0xb8;
	[tilespmem:$0x1C800] =	vst v63  }
0x3e: {  	_ =	swait.ge [sflag:s24], $0x4000  }
0x3f: {  	[sflag:s24] =	ssyncset.done $0x0  }
0x40: {  	s7 =	rddreg [dreg:$0x7];
	[sflag:s24] =	ssyncadd.s32 $0xFFFFC000  }
0x41: {  	[spmem:s1] =	stream.indirect.scatter.add.f32 [tilespmem:s19], [sflag:$0x5], $0x80, s7, s17, $0xb8;
	[tilespmem:$0x1C800] =	vst v63  }
0x42: {  	_ =	swait.ge [sflag:s25], $0x4000  }
0x43: {  	[sflag:s25] =	ssyncset.done $0x0  }
0x44: {  	s8 =	rddreg [dreg:$0x8];
	[sflag:s25] =	ssyncadd.s32 $0xFFFFC000  }
0x45: {  	[tilespmem:s19], [sflag:$0x3] =	stream.indirect.gather [hbm4b:s4+s17], $0x80, s8, s17, $0xb8;
	[tilespmem:$0x1C800] =	vst v63  }
0x46: {  	_ =	swait.ge [sflag:s20], $0x4000  }
0x47: {  	[sflag:s20] =	ssyncset.done $0x0  }
0x48: {  	s10 =	rddreg [dreg:$0x9];
	[sflag:s20] =	ssyncadd.s32 $0xFFFFC000  }
0x49: {  	[spmem:s1] =	stream.indirect.scatter.add.f32 [tilespmem:s18], [sflag:$0x4], $0x80, s10, s17, $0xb8;
	[tilespmem:$0x1C800] =	vst v63  }
0x4a: {  	_ =	swait.ge [sflag:s23], $0x4000  }
0x4b: {  	[sflag:s23] =	ssyncset.done $0x0  }
0x4c: {  	[sflag:s23] =	ssyncadd.s32 $0xFFFFC000  }
0x4d: {  	_ =	swait.ge [sflag:s26], $0x200  }
0x4e: {  	[sflag:s26] =	ssyncset.done $0x0  }
0x4f: {  	[sflag:s26] =	ssyncadd.s32 $0xFFFFFE00  }
0x50: {  	_ =	swait.ge [sflag:s26], $0x200  }
0x51: {  	[sflag:s26] =	ssyncset.done $0x0  }
0x52: {  	[sflag:s26] =	ssyncadd.s32 $0xFFFFFE00  }
0x53: {  	[tilespmem:s18], [sflag:$0x2] =	stream.indirect.gather [hbm4b:s4+s17], $0x80, s21, s17, $0xb8;
	[tilespmem:$0x1C800] =	vst v63  }
0x54: {  	_ =	swait.ge [sflag:s24], $0x4000  }
0x55: {  	[sflag:s24] =	ssyncset.done $0x0  }
0x56: {  	s11 =	rddreg [dreg:$0xa];
	[sflag:s24] =	ssyncadd.s32 $0xFFFFC000  }
0x57: {  	[spmem:s1] =	stream.indirect.scatter.add.f32 [tilespmem:s19], [sflag:$0x5], $0x80, s11, s17, $0xb8;
	[tilespmem:$0x1C800] =	vst v63  }
0x58: {  	_ =	swait.ge [sflag:s25], $0x4000  }
0x59: {  	[sflag:s25] =	ssyncset.done $0x0  }
0x5a: {  	s7 =	rddreg [dreg:$0xb];
	[sflag:s25] =	ssyncadd.s32 $0xFFFFC000  }
0x5b: {  	[tilespmem:s19], [sflag:$0x3] =	stream.indirect.gather [hbm4b:s4+s17], $0x80, s7, s17, $0xb8;
	[tilespmem:$0x1C800] =	vst v63  }
0x5c: {  	_ =	swait.ge [sflag:s20], $0x4000  }
0x5d: {  	[sflag:s20] =	ssyncset.done $0x0;
	s8 =	rddreg [dreg:$0x11]  }
0x5e: {  	[sflag:s20] =	ssyncadd.s32 $0xFFFFC000;
	s11 =	sshrl.u32 s8, $0x3  }
0x5f: {  	[spmem:s1] =	stream.indirect.scatter.add.f32 [tilespmem:s18], [sflag:$0x4], $0x80, s22, s17, $0xb8;
	[tilespmem:$0x1C800] =	vst v63  }
0x60: {  	s9 =	sadd.s32 s5, s11  }
0x61: {  	[tilespmem:s15], [sflag:$0x1] =	stream.linear.gather [hbm4b:s9+s3], $0x200, $0x38;
	[tilespmem:$0x1C800] =	vst v63  }
0x62: {  	s6 =	sadd.s32 $0x80, s6  }
0x63: {  	[tilespmem:s16], [sflag:$0x1] =	stream.linear.gather [hbm4b:s6+s3], $0x200, $0x38;
	[tilespmem:$0x1C800] =	vst v63  }
0x64: {  	_ =	swait.ge [sflag:s23], $0x4000  }
0x65: {  	[sflag:s23] =	ssyncset.done $0x0  }
0x66: {  	[sflag:s23] =	ssyncadd.s32 $0xFFFFC000  }
0x67: {  	[tilespmem:s18], [sflag:$0x2] =	stream.indirect.gather [hbm4b:s4+s17], $0x80, s28, s17, $0xb8;
	[tilespmem:$0x1C800] =	vst v63  }
0x68: {  	_ =	swait.ge [sflag:s24], $0x4000  }
0x69: {  	[sflag:s24] =	ssyncset.done $0x0  }
0x6a: {  	[sflag:s24] =	ssyncadd.s32 $0xFFFFC000  }
0x6b: {  	[spmem:s1] =	stream.indirect.scatter.add.f32 [tilespmem:s19], [sflag:$0x5], $0x80, s29, s17, $0xb8;
	[tilespmem:$0x1C800] =	vst v63  }
0x6c: {  	_ =	swait.ge [sflag:s25], $0x4000  }
0x6d: {  	[sflag:s25] =	ssyncset.done $0x0  }
0x6e: {  	[sflag:s25] =	ssyncadd.s32 $0xFFFFC000  }
0x6f: {  	[tilespmem:s19], [sflag:$0x3] =	stream.indirect.gather [hbm4b:s4+s17], $0x80, s30, s17, $0xb8;
	[tilespmem:$0x1C800] =	vst v63  }
0x70: {  	_ =	swait.ge [sflag:s20], $0x4000  }
0x71: {  	[sflag:s20] =	ssyncset.done $0x0  }
0x72: {  	[sflag:s20] =	ssyncadd.s32 $0xFFFFC000  }
0x73: {  	[spmem:s1] =	stream.indirect.scatter.add.f32 [tilespmem:s18], [sflag:$0x4], $0x80, s31, s17, $0xb8;
	[tilespmem:$0x1C800] =	vst v63  }
0x74: {  	_ =	swait.ge [sflag:s23], $0x4000  }
0x75: {  	[sflag:s23] =	ssyncset.done $0x0  }
0x76: {  	[sflag:s23] =	ssyncadd.s32 $0xFFFFC000  }
0x77: {  	_ =	swait.ge [sflag:s26], $0x200  }
0x78: {  	[sflag:s26] =	ssyncset.done $0x0  }
0x79: {  	[sflag:s26] =	ssyncadd.s32 $0xFFFFFE00  }
0x7a: {  	_ =	swait.ge [sflag:s26], $0x200  }
0x7b: {  	[sflag:s26] =	ssyncset.done $0x0  }
0x7c: {  	p6 =	por $0x0, $0x0;
	[sflag:s26] =	ssyncadd.s32 $0xFFFFFE00  }
0x7d: {  	[tilespmem:s18], [sflag:$0x2] =	stream.indirect.gather [hbm4b:s4+s17], $0x80, s15, s17, $0xb8;
	[tilespmem:$0x1C800] =	vst v63  }
0x7e: {  	p0 =	por p6, p6;
	s10 =	simm.s32 $0x100;
	_ =	swait.ge [sflag:s24], $0x4000  }
0x7f: {  	s9 =	simm.s32 $0x80;
	s6 =	sadd.s32 $0x400, s8;
	[sflag:s24] =	ssyncset.done $0x0  }
.LBB2_2:
0x80: {  	s11 =	simm.s32 @!p0 $0x5;
	[sflag:s24] =	ssyncadd.s32 $0xFFFFC000  }
0x81: {  	[spmem:s1] =	stream.indirect.scatter.add.f32 [tilespmem:s19], [sflag:$0x5], $0x80, s0, s17, $0xb8;
	[tilespmem:$0x1C800] =	vst v63  }
0x82: {  	_ =	swait.ge @!p0 [sflag:s11], $0x4000  }
0x83: {  	[sflag:s11] =	ssyncset.done @!p0 $0x0  }
0x84: {  	s7 =	rddreg [dreg:$0x5];
	[sflag:s11] =	ssyncadd.s32 @!p0 $0xFFFFC000  }
0x85: {  	[tilespmem:s19], [sflag:$0x3] =	stream.indirect.gather [hbm4b:s4+s17], $0x80, s7, s17, $0xb8;
	[tilespmem:$0x1C800] =	vst v63  }
0x86: {  	_ =	swait.ge [sflag:s20], $0x4000  }
0x87: {  	[sflag:s20] =	ssyncset.done $0x0;
	s7 =	rddreg [dreg:$0x4]  }
0x88: {  	s11 =	rddreg [dreg:$0x3];
	[sflag:s20] =	ssyncadd.s32 $0xFFFFC000  }
0x89: {  	[spmem:s1] =	stream.indirect.scatter.add.f32 [tilespmem:s18], [sflag:$0x4], $0x80, s16, s17, $0xb8;
	[tilespmem:$0x1C800] =	vst v63  }
0x8a: {  	s8 =	smov.u32 s10;
	s7 =	sadd.s32 s9, s7;
	s11 =	sadd.s32 s9, s11  }
0x8b: {  	[tilespmem:s21], [sflag:$0x1] =	stream.linear.gather [hbm4b:s7+s3], $0x200, $0x38;
	[tilespmem:$0x1C800] =	vst v63  }
0x8c: {  	s9 =	smov.u32 s8;
	s8 =	sadd.s32 $0x40, s11  }
0x8d: {  	[tilespmem:s22], [sflag:$0x1] =	stream.linear.gather [hbm4b:s8+s3], $0x200, $0x38;
	[tilespmem:$0x1C800] =	vst v63  }
0x8e: {  	_ =	swait.ge [sflag:s23], $0x4000  }
0x8f: {  	[sflag:s23] =	ssyncset.done $0x0  }
0x90: {  	s8 =	rddreg [dreg:$0x6];
	[sflag:s23] =	ssyncadd.s32 $0xFFFFC000  }
0x91: {  	[tilespmem:s18], [sflag:$0x2] =	stream.indirect.gather [hbm4b:s4+s17], $0x80, s8, s17, $0xb8;
	[tilespmem:$0x1C800] =	vst v63  }
0x92: {  	_ =	swait.ge [sflag:s24], $0x4000  }
0x93: {  	[sflag:s24] =	ssyncset.done $0x0  }
0x94: {  	s8 =	rddreg [dreg:$0x7];
	[sflag:s24] =	ssyncadd.s32 $0xFFFFC000  }
0x95: {  	[spmem:s1] =	stream.indirect.scatter.add.f32 [tilespmem:s19], [sflag:$0x5], $0x80, s8, s17, $0xb8;
	[tilespmem:$0x1C800] =	vst v63  }
0x96: {  	_ =	swait.ge [sflag:s25], $0x4000  }
0x97: {  	[sflag:s25] =	ssyncset.done $0x0  }
0x98: {  	s8 =	rddreg [dreg:$0x8];
	[sflag:s25] =	ssyncadd.s32 $0xFFFFC000  }
0x99: {  	[tilespmem:s19], [sflag:$0x3] =	stream.indirect.gather [hbm4b:s4+s17], $0x80, s8, s17, $0xb8;
	[tilespmem:$0x1C800] =	vst v63  }
0x9a: {  	_ =	swait.ge [sflag:s20], $0x4000  }
0x9b: {  	[sflag:s20] =	ssyncset.done $0x0  }
0x9c: {  	s8 =	rddreg [dreg:$0x9];
	[sflag:s20] =	ssyncadd.s32 $0xFFFFC000  }
0x9d: {  	[spmem:s1] =	stream.indirect.scatter.add.f32 [tilespmem:s18], [sflag:$0x4], $0x80, s8, s17, $0xb8;
	[tilespmem:$0x1C800] =	vst v63  }
0x9e: {  	_ =	swait.ge [sflag:s23], $0x4000  }
0x9f: {  	[sflag:s23] =	ssyncset.done $0x0  }
0xa0: {  	[sflag:s23] =	ssyncadd.s32 $0xFFFFC000  }
0xa1: {  	_ =	swait.ge [sflag:s26], $0x200  }
0xa2: {  	[sflag:s26] =	ssyncset.done $0x0  }
0xa3: {  	[sflag:s26] =	ssyncadd.s32 $0xFFFFFE00  }
0xa4: {  	_ =	swait.ge [sflag:s26], $0x200  }
0xa5: {  	[sflag:s26] =	ssyncset.done $0x0  }
0xa6: {  	[sflag:s26] =	ssyncadd.s32 $0xFFFFFE00  }
0xa7: {  	[tilespmem:s18], [sflag:$0x2] =	stream.indirect.gather [hbm4b:s4+s17], $0x80, s21, s17, $0xb8;
	[tilespmem:$0x1C800] =	vst v63  }
0xa8: {  	_ =	swait.ge [sflag:s24], $0x4000  }
0xa9: {  	[sflag:s24] =	ssyncset.done $0x0  }
0xaa: {  	s8 =	rddreg [dreg:$0xa];
	[sflag:s24] =	ssyncadd.s32 $0xFFFFC000  }
0xab: {  	[spmem:s1] =	stream.indirect.scatter.add.f32 [tilespmem:s19], [sflag:$0x5], $0x80, s8, s17, $0xb8;
	[tilespmem:$0x1C800] =	vst v63  }
0xac: {  	_ =	swait.ge [sflag:s25], $0x4000  }
0xad: {  	[sflag:s25] =	ssyncset.done $0x0  }
0xae: {  	s8 =	rddreg [dreg:$0xb];
	[sflag:s25] =	ssyncadd.s32 $0xFFFFC000  }
0xaf: {  	[tilespmem:s19], [sflag:$0x3] =	stream.indirect.gather [hbm4b:s4+s17], $0x80, s8, s17, $0xb8;
	[tilespmem:$0x1C800] =	vst v63  }
0xb0: {  	_ =	swait.ge [sflag:s20], $0x4000  }
0xb1: {  	[sflag:s20] =	ssyncset.done $0x0  }
0xb2: {  	s8 =	sshrl.u32 s6, $0x3;
	[sflag:s20] =	ssyncadd.s32 $0xFFFFC000  }
0xb3: {  	[spmem:s1] =	stream.indirect.scatter.add.f32 [tilespmem:s18], [sflag:$0x4], $0x80, s22, s17, $0xb8;
	[tilespmem:$0x1C800] =	vst v63  }
0xb4: {  	s7 =	sadd.s32 s5, s8  }
0xb5: {  	[tilespmem:s15], [sflag:$0x1] =	stream.linear.gather [hbm4b:s7+s3], $0x200, $0x38;
	[tilespmem:$0x1C800] =	vst v63  }
0xb6: {  	s11 =	sadd.s32 $0x80, s11  }
0xb7: {  	[tilespmem:s16], [sflag:$0x1] =	stream.linear.gather [hbm4b:s11+s3], $0x200, $0x38;
	[tilespmem:$0x1C800] =	vst v63  }
0xb8: {  	_ =	swait.ge [sflag:s23], $0x4000  }
0xb9: {  	[sflag:s23] =	ssyncset.done $0x0  }
0xba: {  	[sflag:s23] =	ssyncadd.s32 $0xFFFFC000  }
0xbb: {  	[tilespmem:s18], [sflag:$0x2] =	stream.indirect.gather [hbm4b:s4+s17], $0x80, s28, s17, $0xb8;
	[tilespmem:$0x1C800] =	vst v63  }
0xbc: {  	_ =	swait.ge [sflag:s24], $0x4000  }
0xbd: {  	[sflag:s24] =	ssyncset.done $0x0  }
0xbe: {  	[sflag:s24] =	ssyncadd.s32 $0xFFFFC000  }
0xbf: {  	[spmem:s1] =	stream.indirect.scatter.add.f32 [tilespmem:s19], [sflag:$0x5], $0x80, s29, s17, $0xb8;
	[tilespmem:$0x1C800] =	vst v63  }
0xc0: {  	_ =	swait.ge [sflag:s25], $0x4000  }
0xc1: {  	[sflag:s25] =	ssyncset.done $0x0  }
0xc2: {  	[sflag:s25] =	ssyncadd.s32 $0xFFFFC000  }
0xc3: {  	[tilespmem:s19], [sflag:$0x3] =	stream.indirect.gather [hbm4b:s4+s17], $0x80, s30, s17, $0xb8;
	[tilespmem:$0x1C800] =	vst v63  }
0xc4: {  	_ =	swait.ge [sflag:s20], $0x4000  }
0xc5: {  	[sflag:s20] =	ssyncset.done $0x0  }
0xc6: {  	[sflag:s20] =	ssyncadd.s32 $0xFFFFC000  }
0xc7: {  	[spmem:s1] =	stream.indirect.scatter.add.f32 [tilespmem:s18], [sflag:$0x4], $0x80, s31, s17, $0xb8;
	[tilespmem:$0x1C800] =	vst v63  }
0xc8: {  	_ =	swait.ge [sflag:s23], $0x4000  }
0xc9: {  	[sflag:s23] =	ssyncset.done $0x0  }
0xca: {  	[sflag:s23] =	ssyncadd.s32 $0xFFFFC000  }
0xcb: {  	_ =	swait.ge [sflag:s26], $0x200  }
0xcc: {  	[sflag:s26] =	ssyncset.done $0x0  }
0xcd: {  	p2 =	seq.s32 s10, $0x0;
	s10 =	sadd.s32 $0x80, s10;
	[sflag:s26] =	ssyncadd.s32 $0xFFFFFE00  }
0xce: {  	p1 =	sne.s32 s10, $0xA00;
	_ =	swait.ge [sflag:s26], $0x200  }
.Ltmp0:
0xcf: {  	[sflag:s26] =	ssyncset.done $0x0;
	(pc) =	sbr.rel @p1 .LBB2_2-.Ltmp0, $4  }
0xd0: {  	[sflag:s26] =	ssyncadd.s32 $0xFFFFFE00  }
0xd1: {  	[tilespmem:s18], [sflag:$0x2] =	stream.indirect.gather [hbm4b:s4+s17], $0x80, s15, s17, $0xb8;
	[tilespmem:$0x1C800] =	vst v63  }
0xd2: {  	_ =	swait.ge [sflag:s24], $0x4000  }
0xd3: {  	p0 =	por p2, p2;
	s6 =	sadd.s32 $0x400, s6;
	[sflag:s24] =	ssyncset.done $0x0  }
0xd4: {  	s7 =	simm.s32 @!p0 $0x5;
	[sflag:s24] =	ssyncadd.s32 $0xFFFFC000  }
0xd5: {  	[spmem:s1] =	stream.indirect.scatter.add.f32 [tilespmem:s19], [sflag:$0x5], $0x80, s0, s17, $0xb8;
	[tilespmem:$0x1C800] =	vst v63  }
0xd6: {  	_ =	swait.ge @!p0 [sflag:s7], $0x4000  }
0xd7: {  	[sflag:s7] =	ssyncset.done @!p0 $0x0  }
0xd8: {  	s8 =	rddreg [dreg:$0x5];
	[sflag:s7] =	ssyncadd.s32 @!p0 $0xFFFFC000  }
0xd9: {  	[tilespmem:s19], [sflag:$0x3] =	stream.indirect.gather [hbm4b:s4+s17], $0x80, s8, s17, $0xb8;
	[tilespmem:$0x1C800] =	vst v63  }
0xda: {  	_ =	swait.ge [sflag:s20], $0x4000  }
0xdb: {  	[sflag:s20] =	ssyncset.done $0x0  }
0xdc: {  	s10 =	rddreg [dreg:$0x4];
	[sflag:s20] =	ssyncadd.s32 $0xFFFFC000  }
0xdd: {  	[spmem:s1] =	stream.indirect.scatter.add.f32 [tilespmem:s18], [sflag:$0x4], $0x80, s16, s17, $0xb8;
	[tilespmem:$0x1C800] =	vst v63  }
0xde: {  	s11 =	rddreg [dreg:$0x3];
	s7 =	sadd.s32 s9, s10  }
0xdf: {  	[tilespmem:s21], [sflag:$0x1] =	stream.linear.gather [hbm4b:s7+s3], $0x200, $0x38;
	[tilespmem:$0x1C800] =	vst v63  }
0xe0: {  	s7 =	sadd.s32 s9, s11  }
0xe1: {  	s8 =	sadd.s32 $0x40, s7  }
0xe2: {  	[tilespmem:s22], [sflag:$0x1] =	stream.linear.gather [hbm4b:s8+s3], $0x200, $0x38;
	[tilespmem:$0x1C800] =	vst v63  }
0xe3: {  	_ =	swait.ge [sflag:s23], $0x4000  }
0xe4: {  	[sflag:s23] =	ssyncset.done $0x0  }
0xe5: {  	s10 =	rddreg [dreg:$0x6];
	[sflag:s23] =	ssyncadd.s32 $0xFFFFC000  }
0xe6: {  	[tilespmem:s18], [sflag:$0x2] =	stream.indirect.gather [hbm4b:s4+s17], $0x80, s10, s17, $0xb8;
	[tilespmem:$0x1C800] =	vst v63  }
0xe7: {  	_ =	swait.ge [sflag:s24], $0x4000  }
0xe8: {  	[sflag:s24] =	ssyncset.done $0x0  }
0xe9: {  	s11 =	rddreg [dreg:$0x7];
	[sflag:s24] =	ssyncadd.s32 $0xFFFFC000  }
0xea: {  	[spmem:s1] =	stream.indirect.scatter.add.f32 [tilespmem:s19], [sflag:$0x5], $0x80, s11, s17, $0xb8;
	[tilespmem:$0x1C800] =	vst v63  }
0xeb: {  	_ =	swait.ge [sflag:s25], $0x4000  }
0xec: {  	[sflag:s25] =	ssyncset.done $0x0  }
0xed: {  	s9 =	rddreg [dreg:$0x8];
	[sflag:s25] =	ssyncadd.s32 $0xFFFFC000  }
0xee: {  	[tilespmem:s19], [sflag:$0x3] =	stream.indirect.gather [hbm4b:s4+s17], $0x80, s9, s17, $0xb8;
	[tilespmem:$0x1C800] =	vst v63  }
0xef: {  	_ =	swait.ge [sflag:s20], $0x4000  }
0xf0: {  	[sflag:s20] =	ssyncset.done $0x0  }
0xf1: {  	s10 =	rddreg [dreg:$0x9];
	[sflag:s20] =	ssyncadd.s32 $0xFFFFC000  }
0xf2: {  	[spmem:s1] =	stream.indirect.scatter.add.f32 [tilespmem:s18], [sflag:$0x4], $0x80, s10, s17, $0xb8;
	[tilespmem:$0x1C800] =	vst v63  }
0xf3: {  	_ =	swait.ge [sflag:s23], $0x4000  }
0xf4: {  	[sflag:s23] =	ssyncset.done $0x0  }
0xf5: {  	[sflag:s23] =	ssyncadd.s32 $0xFFFFC000  }
0xf6: {  	_ =	swait.ge [sflag:s26], $0x200  }
0xf7: {  	[sflag:s26] =	ssyncset.done $0x0  }
0xf8: {  	[sflag:s26] =	ssyncadd.s32 $0xFFFFFE00  }
0xf9: {  	_ =	swait.ge [sflag:s26], $0x200  }
0xfa: {  	[sflag:s26] =	ssyncset.done $0x0  }
0xfb: {  	[sflag:s26] =	ssyncadd.s32 $0xFFFFFE00  }
0xfc: {  	[tilespmem:s18], [sflag:$0x2] =	stream.indirect.gather [hbm4b:s4+s17], $0x80, s21, s17, $0xb8;
	[tilespmem:$0x1C800] =	vst v63  }
0xfd: {  	_ =	swait.ge [sflag:s24], $0x4000  }
0xfe: {  	[sflag:s24] =	ssyncset.done $0x0  }
0xff: {  	s11 =	rddreg [dreg:$0xa];
	[sflag:s24] =	ssyncadd.s32 $0xFFFFC000  }
0x100: {  	[spmem:s1] =	stream.indirect.scatter.add.f32 [tilespmem:s19], [sflag:$0x5], $0x80, s11, s17, $0xb8;
	[tilespmem:$0x1C800] =	vst v63  }
0x101: {  	_ =	swait.ge [sflag:s25], $0x4000  }
0x102: {  	[sflag:s25] =	ssyncset.done $0x0  }
0x103: {  	s9 =	rddreg [dreg:$0xb];
	[sflag:s25] =	ssyncadd.s32 $0xFFFFC000  }
0x104: {  	[tilespmem:s19], [sflag:$0x3] =	stream.indirect.gather [hbm4b:s4+s17], $0x80, s9, s17, $0xb8;
	[tilespmem:$0x1C800] =	vst v63  }
0x105: {  	_ =	swait.ge [sflag:s20], $0x4000  }
0x106: {  	[sflag:s20] =	ssyncset.done $0x0  }
0x107: {  	s6 =	sshrl.u32 s6, $0x3;
	[sflag:s20] =	ssyncadd.s32 $0xFFFFC000  }
0x108: {  	[spmem:s1] =	stream.indirect.scatter.add.f32 [tilespmem:s18], [sflag:$0x4], $0x80, s22, s17, $0xb8;
	[tilespmem:$0x1C800] =	vst v63  }
0x109: {  	s6 =	sadd.s32 s5, s6  }
0x10a: {  	[tilespmem:s15], [sflag:$0x1] =	stream.linear.gather [hbm4b:s6+s3], $0x200, $0x38;
	[tilespmem:$0x1C800] =	vst v63  }
0x10b: {  	s10 =	sadd.s32 $0x80, s7  }
0x10c: {  	[tilespmem:s16], [sflag:$0x1] =	stream.linear.gather [hbm4b:s10+s3], $0x200, $0x38;
	[tilespmem:$0x1C800] =	vst v63  }
0x10d: {  	_ =	swait.ge [sflag:s23], $0x4000  }
0x10e: {  	[sflag:s23] =	ssyncset.done $0x0  }
0x10f: {  	[sflag:s23] =	ssyncadd.s32 $0xFFFFC000  }
0x110: {  	[tilespmem:s18], [sflag:$0x2] =	stream.indirect.gather [hbm4b:s4+s17], $0x80, s28, s17, $0xb8;
	[tilespmem:$0x1C800] =	vst v63  }
0x111: {  	_ =	swait.ge [sflag:s24], $0x4000  }
0x112: {  	[sflag:s24] =	ssyncset.done $0x0  }
0x113: {  	[sflag:s24] =	ssyncadd.s32 $0xFFFFC000  }
0x114: {  	[spmem:s1] =	stream.indirect.scatter.add.f32 [tilespmem:s19], [sflag:$0x5], $0x80, s29, s17, $0xb8;
	[tilespmem:$0x1C800] =	vst v63  }
0x115: {  	_ =	swait.ge [sflag:s25], $0x4000  }
0x116: {  	[sflag:s25] =	ssyncset.done $0x0  }
0x117: {  	[sflag:s25] =	ssyncadd.s32 $0xFFFFC000  }
0x118: {  	[tilespmem:s19], [sflag:$0x3] =	stream.indirect.gather [hbm4b:s4+s17], $0x80, s30, s17, $0xb8;
	[tilespmem:$0x1C800] =	vst v63  }
0x119: {  	_ =	swait.ge [sflag:s20], $0x4000  }
0x11a: {  	[sflag:s20] =	ssyncset.done $0x0  }
0x11b: {  	[sflag:s20] =	ssyncadd.s32 $0xFFFFC000  }
0x11c: {  	[spmem:s1] =	stream.indirect.scatter.add.f32 [tilespmem:s18], [sflag:$0x4], $0x80, s31, s17, $0xb8;
	[tilespmem:$0x1C800] =	vst v63  }
0x11d: {  	_ =	swait.ge [sflag:s23], $0x4000  }
0x11e: {  	[sflag:s23] =	ssyncset.done $0x0  }
0x11f: {  	[sflag:s23] =	ssyncadd.s32 $0xFFFFC000  }
0x120: {  	_ =	swait.ge [sflag:s26], $0x200  }
0x121: {  	[sflag:s26] =	ssyncset.done $0x0  }
0x122: {  	[sflag:s26] =	ssyncadd.s32 $0xFFFFFE00  }
0x123: {  	_ =	swait.ge [sflag:s26], $0x200  }
0x124: {  	[sflag:s26] =	ssyncset.done $0x0  }
0x125: {  	[sflag:s26] =	ssyncadd.s32 $0xFFFFFE00  }
0x126: {  	[tilespmem:s18], [sflag:$0x2] =	stream.indirect.gather [hbm4b:s4+s17], $0x80, s15, s17, $0xb8;
	[tilespmem:$0x1C800] =	vst v63  }
0x127: {  	_ =	swait.ge [sflag:s24], $0x4000  }
0x128: {  	[sflag:s24] =	ssyncset.done $0x0  }
0x129: {  	[sflag:s24] =	ssyncadd.s32 $0xFFFFC000  }
0x12a: {  	[spmem:s1] =	stream.indirect.scatter.add.f32 [tilespmem:s19], [sflag:$0x5], $0x80, s0, s17, $0xb8;
	[tilespmem:$0x1C800] =	vst v63  }
0x12b: {  	_ =	swait.ge [sflag:s25], $0x4000  }
0x12c: {  	[sflag:s25] =	ssyncset.done $0x0  }
0x12d: {  	[sflag:s25] =	ssyncadd.s32 $0xFFFFC000  }
0x12e: {  	_ =	swait.ge [sflag:s20], $0x4000  }
0x12f: {  	[sflag:s20] =	ssyncset.done $0x0  }
0x130: {  	[sflag:s20] =	ssyncadd.s32 $0xFFFFC000  }
0x131: {  	[bflag:$0x0] =	sbarrier.arrive $0xFFFF  }
0x132: {  	s11 =	rddreg [dreg:$0xf]  }
0x133: {  	[hbm:s11], [sflag:s12] =	dma.local [spmem:s13], $0x2800  }
0x134: {  	_ =	swait.ge [sflag:s14], $0x2800  }
0x135: {  	s2 =	sadd.s32 $0x1, s2;
	s7 =	smov.u32 s12;
	s12 =	rddreg [dreg:$0x10]  }
0x136: {  	p0 =	sne.s32 s2, s12  }
.Ltmp1:
0x137: {  	_ = 	snop;
	(pc) =	sbr.rel @p0 .LBB2_1-.Ltmp1, $3  }
0x138: {  	_ =	sdelay $0x1  }
0x139: {  	[sflag:s14] =	ssyncset.done $0x0  }
0x13a: {  	[sflag:s14] =	ssyncadd.s32 $0xFFFFD800  }
0x13b: {  	_ =	sfence.sel $0x180000  }
0x13c: {  	[bflag:$0x0] =	sbarrier.arrive $0xFFFF  }
0x13d: {  	_ =	strace $0x9000004A  }
0x13e: {  	s0 =	stileid.u32;
	[bflag:$0x2] =	sbarrier.arrive $0xFFFF  }
0x13f: {  	p0 =	sne.s32 s0, $0x0;
	s0 =	rddreg [dreg:$0x2]  }
0x140: {  	s0 =	sadd.s32 @!p0 $0x100000, s0  }
0x141: {  	[sflag:s0] =	ssyncadd.tile.s32 @!p0 $0x1;
	_ =	shalt  }
.Lfunc_end2:
_tile_overlayer_lowered:
.L_overlay_start_2:
0x142: {  	(tag) =	ssettag $0x2  }
0x143: {  	s0 =	rddreg [dreg:$0x0];
	s2 =	stileid.u32  }
0x144: {  	s1 =	rddreg [dreg:$0x1];
	p0 =	sne.s32 s2, $0x0  }
0x145: {  	s3 =	rddreg [dreg:$0x2];
	[bflag:$0x3] =	sbarrier.arrive $0xFFFF;
	s2 =	simm.s32 @!p0 $0x1C06  }
0x146: {  	[timem:s3], [sflag:s2] =	dma.local @!p0 [hbm:s0], s1  }
0x147: {  	s0 =	simm.s32 @!p0 $0x6  }
0x148: {  	_ =	swait.ge @!p0 [sflag:s0], s1  }
0x149: {  	s1 =	ssub.s32 @!p0 $0x0, s1;
	[sflag:s0] =	ssyncset.done @!p0 $0x0  }
0x14a: {  	[sflag:s0] =	ssyncadd.s32 @!p0 s1  }
0x14b: {  	[bflag:$0x3] =	sbarrier.arrive $0xFFFF  }
0x14c: {  	_ =	shalt  }

// kernel: sc_edge_aggregate.8.cloned.1.call-start
scs
__scs_entry_jumppad:
0x0: {  	(pc) =	sbr.rel $0x88, $3  }
0x1: {  	(tag) =	ssettag $0x0;
	lr =	simm.s32 $0x1  }
0x2: {  	[smem:$0x3F8D] =	sst lr;
	_ =	strace $0xD0000000  }
0x3: {  	_ = 	snop  }
0x4: {  	_ = 	snop  }
0x5: {  	_ = 	snop  }
0x6: {  	_ = 	snop  }
0x7: {  	_ = 	snop  }
__scs_overlays_trampoline_lowered:
0x8: {  	[smem:$0x3F9C] =	sst s0  }
0x9: {  	[smem:$0x3F9D] =	sst s1  }
0xa: {  	[smem:$0x3F9E] =	sst s2  }
0xb: {  	[smem:$0x3F9F] =	sst s3  }
0xc: {  	[smem:$0x3FA0] =	sst s4  }
0xd: {  	[smem:$0x3FA1] =	sst s5  }
0xe: {  	[smem:$0x3FA2] =	sst s6  }
0xf: {  	[smem:$0x3FA3] =	sst s7  }
0x10: {  	[smem:$0x3FA4] =	sst s8  }
0x11: {  	[smem:$0x3FA5] =	sst s9;
	s0 =	simm.s32 @!p0 $0x0  }
0x12: {  	s1 =	sld [smem:$0x3F8B];
	s0 =	simm.s32 @p0 $0x1  }
0x13: {  	[smem:$0x3FA6] =	sst s0;
	s0 =	simm.s32 @!p1 $0x0  }
0x14: {  	s2 =	sld [smem:$0x3F8A];
	s0 =	simm.s32 @p1 $0x1  }
0x15: {  	[smem:$0x3FA7] =	sst s0;
	s0 =	simm.s32 @!p2 $0x0  }
0x16: {  	s3 =	sld [smem:$0x3FDB];
	s0 =	simm.s32 @p2 $0x1  }
0x17: {  	s4 =	simm.s32 $0x1BF5;
	[smem:$0x3FA9] =	sst s0  }
0x18: {  	s0 =	sld [smem:$0x3F8C];
	_ =	swait.ge [sflag:s4], $0x0  }
0x19: {  	s7 =	sld [smem:$0x3F8D]  }
0x1a: {  	s8 =	sadd.s32 $0xFFFFE003, lr  }
0x1b: {  	s9 =	sadd.s32 $0xFFFFFEF7, lr;
	s5 =	simm.s32 $0xFFFFFFFF;
	p2 =	slt.u32 s8, $0xFFFFF086  }
0x1c: {  	p1 =	slt.u32 s9, $0xF7A;
	s5 =	simm.s32 @!p2 $0x0  }
0x1d: {  	s5 =	simm.s32 @p1 $0x1;
	p0 =	seq.s32 s7, s2  }
0x1e: {  	s7 =	smul.u32 @!p0 $0xF7A, s2;
	p2 =	seq.s32 @!p0 s5, $0x0  }
0x1f: {  	s9 =	smul.u32 $0xF7A, s1;
	s8 =	simm.s32 @!p0 $0x1BF5;
	p2 =	por !p2, p0  }
0x20: {  	[sflag:s8] =	ssyncset.s32 @!p0 $0xFFFFF086;
	s6 =	sadd.s32 @!p0 s3, s7;
	s7 =	simm.s32 @!p0 $0x108  }
0x21: {  	s3 =	sadd.s32 s3, s9;
	s6 =	sadd.s32 @!p0 $0x88, s6;
	s7 =	simm.s32 @p2 $0x1082  }
0x22: {  	[simem:s7], [sflag:s8] =	dma.local @!p0 [hbm:s6], $0xF7A  }
0x23: {  	s9 =	sor.u32 $0xD0000000, s2;
	s6 =	simm.s32 $0x108;
	_ =	swait.ge @!p0 [sflag:s8], $0x0  }
0x24: {  	s3 =	sadd.s32 $0x88, s3;
	s6 =	simm.s32 @!p1 $0x1082;
	[sflag:s4] =	ssyncset.s32 $0xFFFFF086  }
0x25: {  	[simem:s6], [sflag:s4] =	dma.local [hbm:s3], $0xF7A  }
0x26: {  	[smem:$0x3F8D] =	sst s1;
	(tag) =	ssettag s2;
	_ =	strace s9  }
0x27: {  	s1 =	sld [smem:$0x3F9D]  }
0x28: {  	s2 =	sld [smem:$0x3F9E]  }
0x29: {  	s4 =	sld [smem:$0x3FA0]  }
0x2a: {  	p0 =	seq.s32 s5, $0x0;
	s5 =	sld [smem:$0x3FA1]  }
0x2b: {  	s6 =	sld [smem:$0x3FA2]  }
0x2c: {  	s7 =	sld [smem:$0x3FA3]  }
0x2d: {  	s3 =	simm.s32 $0x108;
	s8 =	sld [smem:$0x3FA4]  }
0x2e: {  	s3 =	simm.s32 @!p0 $0x1082;
	s9 =	sld [smem:$0x3FA5]  }
0x2f: {  	lr =	sadd.s32 s0, s3;
	s0 =	sld [smem:$0x3F9C]  }
0x30: {  	s3 =	sld [smem:$0x3F9F]  }
0x31: {  	[smem:$0x3FA8] =	sst s10  }
0x32: {  	s10 =	sld [smem:$0x3FA6];
	_ =	sdelay $0x3  }
0x33: {  	p0 =	seq.s32 s10, $0x1;
	s10 =	sld [smem:$0x3FA8];
	_ =	sdelay $0x3  }
0x34: {  	[smem:$0x3FA8] =	sst s10  }
0x35: {  	s10 =	sld [smem:$0x3FA7];
	_ =	sdelay $0x3  }
0x36: {  	p1 =	seq.s32 s10, $0x1;
	s10 =	sld [smem:$0x3FA8];
	_ =	sdelay $0x3  }
0x37: {  	[smem:$0x3FA8] =	sst s10  }
0x38: {  	s10 =	sld [smem:$0x3FA9]  }
0x39: {  	_ = 	snop;
	(pc) =	sbr.ind lr, $3  }
0x3a: {  	_ = 	snop  }
0x3b: {  	_ = 	snop  }
0x3c: {  	p2 =	seq.s32 s10, $0x1;
	s10 =	sld [smem:$0x3FA8]  }
0x3d: {  	_ =	shalt  }
0x3e: {  	_ =	shalt  }
0x3f: {  	_ =	shalt  }
0x40: {  	_ =	shalt  }
0x41: {  	_ =	shalt  }
0x42: {  	_ =	shalt  }
0x43: {  	_ =	shalt  }
0x44: {  	_ =	shalt  }
0x45: {  	_ =	shalt  }
0x46: {  	_ =	shalt  }
0x47: {  	_ =	shalt  }
0x48: {  	_ =	shalt  }
0x49: {  	_ =	shalt  }
0x4a: {  	_ =	shalt  }
0x4b: {  	_ =	shalt  }
0x4c: {  	_ =	shalt  }
0x4d: {  	_ =	shalt  }
0x4e: {  	_ =	shalt  }
0x4f: {  	_ =	shalt  }
0x50: {  	_ =	shalt  }
0x51: {  	_ =	shalt  }
0x52: {  	_ =	shalt  }
0x53: {  	_ =	shalt  }
0x54: {  	_ =	shalt  }
0x55: {  	_ =	shalt  }
0x56: {  	_ =	shalt  }
0x57: {  	_ =	shalt  }
0x58: {  	_ =	shalt  }
0x59: {  	_ =	shalt  }
0x5a: {  	_ =	shalt  }
0x5b: {  	_ =	shalt  }
0x5c: {  	_ =	shalt  }
0x5d: {  	_ =	shalt  }
0x5e: {  	_ =	shalt  }
0x5f: {  	_ =	shalt  }
0x60: {  	_ =	shalt  }
0x61: {  	_ =	shalt  }
0x62: {  	_ =	shalt  }
0x63: {  	_ =	shalt  }
0x64: {  	_ =	shalt  }
0x65: {  	_ =	shalt  }
0x66: {  	_ =	shalt  }
0x67: {  	_ =	shalt  }
0x68: {  	_ =	shalt  }
0x69: {  	_ =	shalt  }
0x6a: {  	_ =	shalt  }
0x6b: {  	_ =	shalt  }
0x6c: {  	_ =	shalt  }
0x6d: {  	_ =	shalt  }
0x6e: {  	_ =	shalt  }
0x6f: {  	_ =	shalt  }
0x70: {  	_ =	shalt  }
0x71: {  	_ =	shalt  }
0x72: {  	_ =	shalt  }
0x73: {  	_ =	shalt  }
0x74: {  	_ =	shalt  }
0x75: {  	_ =	shalt  }
0x76: {  	_ =	shalt  }
0x77: {  	_ =	shalt  }
0x78: {  	_ =	shalt  }
0x79: {  	_ =	shalt  }
0x7a: {  	_ =	shalt  }
0x7b: {  	_ =	shalt  }
0x7c: {  	_ =	shalt  }
0x7d: {  	_ =	shalt  }
0x7e: {  	_ =	shalt  }
0x7f: {  	_ =	shalt  }
0x80: {  	_ =	shalt  }
0x81: {  	_ =	shalt  }
0x82: {  	_ =	shalt  }
0x83: {  	_ =	shalt  }
0x84: {  	_ =	shalt  }
0x85: {  	_ =	shalt  }
0x86: {  	_ =	shalt  }
0x87: {  	_ =	shalt  }
.Lfunc_end0:
.L_simem_size_0:
called_computation.2_lowered:
.L_overlay_start_0:
0x88: {  	s2 =	sld [smem:$0x3FD9]  }
0x89: {  	s3 =	sld [smem:$0x3FFE];
	_ =	sdelay $0x1  }
0x8a: {  	s1 =	srdreg.scid  }
0x8b: {  	s0 =	sand.u32 $0x1, s1  }
0x8c: {  	s16 =	sshll.u32 s0, $0xA;
	s2 =	sadd.s32 s3, s2  }
0x8d: {  	s2 =	sadd.s32 s2, s16  }
0x8e: {  	[smem:$0x3FB4] =	sst s2  }
0x8f: {  	_ = 	snop  }
0x90: {  	(tm) =	ssettm $0x1  }
0x91: {  	s17 =	sld [smem:$0x3FFB];
	_ =	sdelay $0x3  }
0x92: {  	_ =	strace s17  }
0x93: {  	s2 =	sld [smem:$0x3FFC];
	_ =	sdelay $0x3  }
0x94: {  	_ =	strace s2  }
0x95: {  	s2 =	sld [smem:$0x3FFD];
	_ =	sdelay $0x3  }
0x96: {  	_ =	strace s2  }
0x97: {  	_ =	strace $0x8FFFFFFF  }
0x98: {  	s18 =	sld [smem:$0x3FDB];
	_ =	sdelay $0x1  }
0x99: {  	s19 =	simm.s32 $_scs_section_size  }
0x9a: {  	s4 =	simm.s32 $_size__tile_overlayer_lowered;
	s5 =	simm.s32 $_tile_overlayer_lowered  }
0x9b: {  	s22 =	simm.s32 $0x1BFF;
	s21 =	sshll.u32 s5, $0x1;
	s2 =	sadd.s32 s19, s18  }
0x9c: {  	s6 =	simm.s32 $0x0;
	s20 =	sshll.u32 s4, $0x1;
	s4 =	sadd.s32 s21, s2  }
0x9d: {  	[timem:s6], [sflag:s22] =	dma.local [hbm:s4], s20  }
0x9e: {  	_ =	swait.ge [sflag:s22], s20  }
0x9f: {  	s3 =	ssub.s32 $0x0, s20;
	[sflag:s22] =	ssyncset.done $0x0  }
0xa0: {  	[sflag:s22] =	ssyncadd.s32 s3;
	_ =	sdelay $0x1  }
0xa1: {  	s23 =	simm.s32 $0x1B8B  }
0xa2: {  	_ =	swait.ge [sflag:s23], $0x1  }
0xa3: {  	[sflag:s23] =	ssyncset.done $0x0  }
0xa4: {  	s25 =	simm.s32 $0x1B8E;
	s24 =	sld [smem:$0x3FFE];
	[sflag:s23] =	ssyncadd.s32 $0xFFFFFFFF  }
0xa5: {  	s26 =	simm.s32 $execute0_lowered;
	[smem:$0x3FD2] =	sst s25  }
0xa6: {  	s4 =	sshll.u32 s26, $0x1;
	_ =	strace $0x8000004C;
	[dreg:$0x1] =	wrdreg $0xFFFFFFFF  }
0xa7: {  	s28 =	simm.s32 $_size_execute0_lowered;
	s2 =	sadd.s32 s2, s4;
	[dreg:$0x0] =	wrdreg $0x0  }
0xa8: {  	s4 =	sshll.u32 s28, $0x1;
	[dreg:$0x2] =	wrdreg s2  }
0xa9: {  	[dreg:$0x3] =	wrdreg s4  }
0xaa: {  	[dreg:$0x4] =	wrdreg $0xC0  }
0xab: {  	_ =	task [dreg:s6], $0x5FFFF  }
0xac: {  	[dreg:$0x1] =	wrdreg $0xFFFFFFFF  }
0xad: {  	[dreg:$0x0] =	wrdreg $0x60  }
0xae: {  	[dreg:$0x2] =	wrdreg s24  }
0xaf: {  	[dreg:$0x3] =	wrdreg $0x0  }
0xb0: {  	[dreg:$0x4] =	wrdreg $0x9  }
0xb1: {  	_ =	task.clear_ibuf [dreg:s6], $0x5FFFF;
	_ =	strace $0x9000004C  }
0xb2: {  	s29 =	simm.s32 $0x9;
	_ =	strace $0x8000004E  }
0xb3: {  	_ =	swait.ge [sflag:s29], $0x1  }
0xb4: {  	[sflag:s29] =	ssyncadd.s32 $0xFFFFFFFF  }
0xb5: {  	_ =	strace $0x9000004E  }
0xb6: {  	_ =	sfence  }
0xb7: {  	s30 =	sld [smem:$0x0];
	_ =	sdelay $0x2  }
0xb8: {  	s31 =	sshll.u32 s1, $0xD;
	s1 =	sshrl.u32 s1, $0x2  }
0xb9: {  	s3 =	sand.u32 $0x4000, s31;
	s1 =	sadd.s32 s1, s30  }
0xba: {  	s0 =	sor.u32 s3, s0;
	s1 =	sshll.u32 s1, $0x11  }
0xbb: {  	s0 =	sor.u32 s1, s0  }
0xbc: {  	s0 =	sadd.s32 $0x8F2B, s0  }
0xbd: {  	[sflag:s0] =	ssyncadd.remote.s32 $0x1  }
0xbe: {  	_ =	sfence.sel $0xFFFF  }
0xbf: {  	[dreg:$0x0] =	wrdreg $0xFFFFFFFF;
	(pc) =	sbr.abs _section_cstart, $3  }
0xc0: {  	[dreg:$0x1] =	wrdreg $0xFFFFFFFF  }
0xc1: {  	_ =	task.clear_ibuf [dreg:s6], $0x2FFFF;
	_ =	strace $0x9FFFFFFF  }
0xc2: {  	(tm) =	ssettm $0x7FFFFFFF  }
0xc3: {  	_ =	shalt  }
tec
execute0_lowered:
.L_overlay_start_1:
0x0: {  	(tag) =	ssettag $0x1  }
0x1: {  	s0 =	rddreg [dreg:$0x0]  }
0x2: {  	s1 =	rddreg [dreg:$0x1]  }
0x3: {  	s2 =	srdreg.scid;
	s3 =	simm.s32 $0x0;
	s13 =	stileid.u32  }
0x4: {  	s20 =	simm.s32 $0x1C080;
	s21 =	simm.s32 $0x1C100;
	s22 =	simm.s32 $0x1C280  }
0x5: {  	s23 =	simm.s32 $0x1C180;
	s24 =	simm.s32 $0x1C300;
	s7 =	smul.u32 $0x14000, s13  }
0x6: {  	s28 =	simm.s32 $0x1C500;
	s29 =	simm.s32 $0x1C680;
	s8 =	smul.u32 $0x50000, s13  }
0x7: {  	s30 =	simm.s32 $0x1C580;
	s31 =	simm.s32 $0x1C700;
	s25 =	smul.u32 $0x2800, s13  }
0x8: {  	s2 =	sand.u32 $0x1, s2;
	[smem:$0x7FF] =	sst s3;
	s12 =	smul.u32 $0x5400, s13  }
0x9: {  	s4 =	sadd.s32 $0xE600, s0;
	s5 =	sadd.s32 $0x86600, s0;
	s17 =	smul.u32 $0xA80, s13  }
0xa: {  	s10 =	sadd.s32 $0x3E00, s0;
	s15 =	sshll.u32 s13, $0x6;
	s6 =	smul.u32 $0x140000, s2  }
0xb: {  	_ =	strace $0x8000004D;
	s9 =	smul.u32 $0x28000, s2;
	[dreg:$0x5] =	wrdreg s20  }
0xc: {  	s11 =	ssub.s32 $0x2, s2;
	s2 =	smul.u32 $0x54000, s2;
	[dreg:$0x6] =	wrdreg s21  }
0xd: {  	s20 =	simm.s32 $0x2;
	s21 =	simm.s32 $0x1C400;
	[dreg:$0x7] =	wrdreg s22  }
0xe: {  	s22 =	simm.s32 $0x1C600;
	[dreg:$0x8] =	wrdreg s23;
	s23 =	simm.s32 $0x4  }
0xf: {  	[dreg:$0x9] =	wrdreg s24;
	s24 =	simm.s32 $0x3;
	s26 =	sshrl.u32 s11, $0x1  }
0x10: {  	s8 =	sshrl.u32 s8, $0x2;
	s18 =	sadd.s32 s17, s10;
	s17 =	simm.s32 $0x80  }
0x11: {  	s6 =	sadd.s32 s7, s6;
	s7 =	sadd.s32 s25, s9;
	s14 =	sadd.s32 s8, s1  }
0x12: {  	s2 =	sadd.s32 s12, s2;
	s12 =	sshrl.u32 s12, $0x3;
	[dreg:$0x3] =	wrdreg s18  }
0x13: {  	s18 =	simm.s32 $0x14000;
	s25 =	simm.s32 $0x1C380;
	s6 =	sshrl.u32 s6, $0x3  }
0x14: {  	s7 =	sadd.s32 s4, s7;
	s16 =	sshrl.u32 s2, $0x3;
	s12 =	sadd.s32 s10, s12  }
0x15: {  	s2 =	sadd.s32 $0x400, s2;
	s13 =	sshrl.u32 s14, $0x3;
	[dreg:$0xa] =	wrdreg s25  }
0x16: {  	s14 =	simm.s32 $0x6;
	s25 =	simm.s32 $0x5;
	[dreg:$0xc] =	wrdreg s7  }
0x17: {  	s0 =	sadd.s32 s6, s0;
	s6 =	ssub.s32 s11, s26;
	[dreg:$0xe] =	wrdreg s12  }
0x18: {  	s7 =	sor.u32 $0x1C06, s15;
	s8 =	sadd.s32 s5, s16;
	[dreg:$0x11] =	wrdreg s2  }
0x19: {  	s15 =	simm.s32 $0x1C000;
	s26 =	simm.s32 $0x1C480;
	[dreg:$0xd] =	wrdreg s8  }
0x1a: {  	s16 =	simm.s32 $0x1C200;
	s0 =	sadd.s32 $0x9B600, s0;
	[dreg:$0xb] =	wrdreg s26  }
0x1b: {  	s2 =	simm.s32 $0x0;
	s6 =	smax.u32 s6, $0x1;
	[dreg:$0xf] =	wrdreg s0  }
0x1c: {  	s19 =	sadd.s32 $0x40, s8;
	s26 =	simm.s32 $0x1;
	[dreg:$0x10] =	wrdreg s6  }
0x1d: {  	[dreg:$0x4] =	wrdreg s19;
	s19 =	simm.s32 $0x18000;
	s0 =	simm.s32 $0x1C780  }
.LBB2_1:
0x1e: {  	s6 =	rddreg [dreg:$0xc]  }
0x1f: {  	[spmem:s13], [sflag:s7] =	dma.local [hbm:s6], $0x2800  }
0x20: {  	_ =	swait.ge [sflag:s14], $0x2800  }
0x21: {  	[sflag:s14] =	ssyncset.done $0x0  }
0x22: {  	s12 =	smov.u32 s7;
	s7 =	rddreg [dreg:$0xd];
	[sflag:s14] =	ssyncadd.s32 $0xFFFFD800  }
0x23: {  	[tilespmem:s15], [sflag:$0x6] =	stream.linear.gather [hbm4b:s7+s3], $0x200, $0x38;
	[tilespmem:$0x1C800] =	vst v63  }
0x24: {  	_ =	swait.ge [sflag:s14], $0x200  }
0x25: {  	[sflag:s14] =	ssyncset.done $0x0  }
0x26: {  	s8 =	rddreg [dreg:$0xe];
	[sflag:s14] =	ssyncadd.s32 $0xFFFFFE00  }
0x27: {  	[tilespmem:s16], [sflag:$0x6] =	stream.linear.gather [hbm4b:s8+s3], $0x200, $0x38;
	[tilespmem:$0x1C800] =	vst v63  }
0x28: {  	_ =	swait.ge [sflag:s14], $0x200  }
0x29: {  	p0 =	por $0x1, $0x1;
	[sflag:s14] =	ssyncset.done $0x0  }
0x2a: {  	p0 =	por p0, p0;
	[sflag:s14] =	ssyncadd.s32 $0xFFFFFE00  }
0x2b: {  	[tilespmem:s18], [sflag:$0x2] =	stream.indirect.gather [hbm4b:s4+s17], $0x80, s15, s17, $0xb8;
	[tilespmem:$0x1C800] =	vst v63  }
0x2c: {  	s6 =	simm.s32 @!p0 $0x5;
	[bflag:$0x0] =	sbarrier.arrive $0xFFFF  }
0x2d: {  	_ =	swait.ge @!p0 [sflag:s6], $0x4000  }
0x2e: {  	[sflag:s6] =	ssyncset.done @!p0 $0x0  }
0x2f: {  	s9 =	rddreg [dreg:$0x5];
	[sflag:s6] =	ssyncadd.s32 @!p0 $0xFFFFC000  }
0x30: {  	[tilespmem:s19], [sflag:$0x3] =	stream.indirect.gather [hbm4b:s4+s17], $0x80, s9, s17, $0xb8;
	[tilespmem:$0x1C800] =	vst v63  }
0x31: {  	_ =	swait.ge [sflag:s20], $0x4000  }
0x32: {  	[sflag:s20] =	ssyncset.done $0x0  }
0x33: {  	s9 =	rddreg [dreg:$0x4];
	[sflag:s20] =	ssyncadd.s32 $0xFFFFC000  }
0x34: {  	[spmem:s1] =	stream.indirect.scatter.add.f32 [tilespmem:s18], [sflag:$0x4], $0x80, s16, s17, $0xb8;
	[tilespmem:$0x1C800] =	vst v63  }
0x35: {  	s10 =	rddreg [dreg:$0x3];
	s6 =	sadd.s32 $0x0, s9  }
0x36: {  	[tilespmem:s21], [sflag:$0x1] =	stream.linear.gather [hbm4b:s6+s3], $0x200, $0x38;
	[tilespmem:$0x1C800] =	vst v63  }
0x37: {  	s6 =	sadd.s32 $0x0, s10  }
0x38: {  	s9 =	sadd.s32 $0x40, s6  }
0x39: {  	[tilespmem:s22], [sflag:$0x1] =	stream.linear.gather [hbm4b:s9+s3], $0x200, $0x38;
	[tilespmem:$0x1C800] =	vst v63  }
0x3a: {  	_ =	swait.ge [sflag:s23], $0x4000  }
0x3b: {  	[sflag:s23] =	ssyncset.done $0x0  }
0x3c: {  	s11 =	rddreg [dreg:$0x6];
	[sflag:s23] =	ssyncadd.s32 $0xFFFFC000  }
0x3d: {  	[tilespmem:s18], [sflag:$0x2] =	stream.indirect.gather [hbm4b:s4+s17], $0x80, s11, s17, $0xb8;
	[tilespmem:$0x1C800] =	vst v63  }
0x3e: {  	_ =	swait.ge [sflag:s24], $0x4000  }
0x3f: {  	[sflag:s24] =	ssyncset.done $0x0  }
0x40: {  	s7 =	rddreg [dreg:$0x7];
	[sflag:s24] =	ssyncadd.s32 $0xFFFFC000  }
0x41: {  	[spmem:s1] =	stream.indirect.scatter.add.f32 [tilespmem:s19], [sflag:$0x5], $0x80, s7, s17, $0xb8;
	[tilespmem:$0x1C800] =	vst v63  }
0x42: {  	_ =	swait.ge [sflag:s25], $0x4000  }
0x43: {  	[sflag:s25] =	ssyncset.done $0x0  }
0x44: {  	s8 =	rddreg [dreg:$0x8];
	[sflag:s25] =	ssyncadd.s32 $0xFFFFC000  }
0x45: {  	[tilespmem:s19], [sflag:$0x3] =	stream.indirect.gather [hbm4b:s4+s17], $0x80, s8, s17, $0xb8;
	[tilespmem:$0x1C800] =	vst v63  }
0x46: {  	_ =	swait.ge [sflag:s20], $0x4000  }
0x47: {  	[sflag:s20] =	ssyncset.done $0x0  }
0x48: {  	s10 =	rddreg [dreg:$0x9];
	[sflag:s20] =	ssyncadd.s32 $0xFFFFC000  }
0x49: {  	[spmem:s1] =	stream.indirect.scatter.add.f32 [tilespmem:s18], [sflag:$0x4], $0x80, s10, s17, $0xb8;
	[tilespmem:$0x1C800] =	vst v63  }
0x4a: {  	_ =	swait.ge [sflag:s23], $0x4000  }
0x4b: {  	[sflag:s23] =	ssyncset.done $0x0  }
0x4c: {  	[sflag:s23] =	ssyncadd.s32 $0xFFFFC000  }
0x4d: {  	_ =	swait.ge [sflag:s26], $0x200  }
0x4e: {  	[sflag:s26] =	ssyncset.done $0x0  }
0x4f: {  	[sflag:s26] =	ssyncadd.s32 $0xFFFFFE00  }
0x50: {  	_ =	swait.ge [sflag:s26], $0x200  }
0x51: {  	[sflag:s26] =	ssyncset.done $0x0  }
0x52: {  	[sflag:s26] =	ssyncadd.s32 $0xFFFFFE00  }
0x53: {  	[tilespmem:s18], [sflag:$0x2] =	stream.indirect.gather [hbm4b:s4+s17], $0x80, s21, s17, $0xb8;
	[tilespmem:$0x1C800] =	vst v63  }
0x54: {  	_ =	swait.ge [sflag:s24], $0x4000  }
0x55: {  	[sflag:s24] =	ssyncset.done $0x0  }
0x56: {  	s11 =	rddreg [dreg:$0xa];
	[sflag:s24] =	ssyncadd.s32 $0xFFFFC000  }
0x57: {  	[spmem:s1] =	stream.indirect.scatter.add.f32 [tilespmem:s19], [sflag:$0x5], $0x80, s11, s17, $0xb8;
	[tilespmem:$0x1C800] =	vst v63  }
0x58: {  	_ =	swait.ge [sflag:s25], $0x4000  }
0x59: {  	[sflag:s25] =	ssyncset.done $0x0  }
0x5a: {  	s7 =	rddreg [dreg:$0xb];
	[sflag:s25] =	ssyncadd.s32 $0xFFFFC000  }
0x5b: {  	[tilespmem:s19], [sflag:$0x3] =	stream.indirect.gather [hbm4b:s4+s17], $0x80, s7, s17, $0xb8;
	[tilespmem:$0x1C800] =	vst v63  }
0x5c: {  	_ =	swait.ge [sflag:s20], $0x4000  }
0x5d: {  	[sflag:s20] =	ssyncset.done $0x0;
	s8 =	rddreg [dreg:$0x11]  }
0x5e: {  	[sflag:s20] =	ssyncadd.s32 $0xFFFFC000;
	s11 =	sshrl.u32 s8, $0x3  }
0x5f: {  	[spmem:s1] =	stream.indirect.scatter.add.f32 [tilespmem:s18], [sflag:$0x4], $0x80, s22, s17, $0xb8;
	[tilespmem:$0x1C800] =	vst v63  }
0x60: {  	s9 =	sadd.s32 s5, s11  }
0x61: {  	[tilespmem:s15], [sflag:$0x1] =	stream.linear.gather [hbm4b:s9+s3], $0x200, $0x38;
	[tilespmem:$0x1C800] =	vst v63  }
0x62: {  	s6 =	sadd.s32 $0x80, s6  }
0x63: {  	[tilespmem:s16], [sflag:$0x1] =	stream.linear.gather [hbm4b:s6+s3], $0x200, $0x38;
	[tilespmem:$0x1C800] =	vst v63  }
0x64: {  	_ =	swait.ge [sflag:s23], $0x4000  }
0x65: {  	[sflag:s23] =	ssyncset.done $0x0  }
0x66: {  	[sflag:s23] =	ssyncadd.s32 $0xFFFFC000  }
0x67: {  	[tilespmem:s18], [sflag:$0x2] =	stream.indirect.gather [hbm4b:s4+s17], $0x80, s28, s17, $0xb8;
	[tilespmem:$0x1C800] =	vst v63  }
0x68: {  	_ =	swait.ge [sflag:s24], $0x4000  }
0x69: {  	[sflag:s24] =	ssyncset.done $0x0  }
0x6a: {  	[sflag:s24] =	ssyncadd.s32 $0xFFFFC000  }
0x6b: {  	[spmem:s1] =	stream.indirect.scatter.add.f32 [tilespmem:s19], [sflag:$0x5], $0x80, s29, s17, $0xb8;
	[tilespmem:$0x1C800] =	vst v63  }
0x6c: {  	_ =	swait.ge [sflag:s25], $0x4000  }
0x6d: {  	[sflag:s25] =	ssyncset.done $0x0  }
0x6e: {  	[sflag:s25] =	ssyncadd.s32 $0xFFFFC000  }
0x6f: {  	[tilespmem:s19], [sflag:$0x3] =	stream.indirect.gather [hbm4b:s4+s17], $0x80, s30, s17, $0xb8;
	[tilespmem:$0x1C800] =	vst v63  }
0x70: {  	_ =	swait.ge [sflag:s20], $0x4000  }
0x71: {  	[sflag:s20] =	ssyncset.done $0x0  }
0x72: {  	[sflag:s20] =	ssyncadd.s32 $0xFFFFC000  }
0x73: {  	[spmem:s1] =	stream.indirect.scatter.add.f32 [tilespmem:s18], [sflag:$0x4], $0x80, s31, s17, $0xb8;
	[tilespmem:$0x1C800] =	vst v63  }
0x74: {  	_ =	swait.ge [sflag:s23], $0x4000  }
0x75: {  	[sflag:s23] =	ssyncset.done $0x0  }
0x76: {  	[sflag:s23] =	ssyncadd.s32 $0xFFFFC000  }
0x77: {  	_ =	swait.ge [sflag:s26], $0x200  }
0x78: {  	[sflag:s26] =	ssyncset.done $0x0  }
0x79: {  	[sflag:s26] =	ssyncadd.s32 $0xFFFFFE00  }
0x7a: {  	_ =	swait.ge [sflag:s26], $0x200  }
0x7b: {  	[sflag:s26] =	ssyncset.done $0x0  }
0x7c: {  	p6 =	por $0x0, $0x0;
	[sflag:s26] =	ssyncadd.s32 $0xFFFFFE00  }
0x7d: {  	[tilespmem:s18], [sflag:$0x2] =	stream.indirect.gather [hbm4b:s4+s17], $0x80, s15, s17, $0xb8;
	[tilespmem:$0x1C800] =	vst v63  }
0x7e: {  	p0 =	por p6, p6;
	s10 =	simm.s32 $0x100;
	_ =	swait.ge [sflag:s24], $0x4000  }
0x7f: {  	s9 =	simm.s32 $0x80;
	s6 =	sadd.s32 $0x400, s8;
	[sflag:s24] =	ssyncset.done $0x0  }
.LBB2_2:
0x80: {  	s11 =	simm.s32 @!p0 $0x5;
	[sflag:s24] =	ssyncadd.s32 $0xFFFFC000  }
0x81: {  	[spmem:s1] =	stream.indirect.scatter.add.f32 [tilespmem:s19], [sflag:$0x5], $0x80, s0, s17, $0xb8;
	[tilespmem:$0x1C800] =	vst v63  }
0x82: {  	_ =	swait.ge @!p0 [sflag:s11], $0x4000  }
0x83: {  	[sflag:s11] =	ssyncset.done @!p0 $0x0  }
0x84: {  	s7 =	rddreg [dreg:$0x5];
	[sflag:s11] =	ssyncadd.s32 @!p0 $0xFFFFC000  }
0x85: {  	[tilespmem:s19], [sflag:$0x3] =	stream.indirect.gather [hbm4b:s4+s17], $0x80, s7, s17, $0xb8;
	[tilespmem:$0x1C800] =	vst v63  }
0x86: {  	_ =	swait.ge [sflag:s20], $0x4000  }
0x87: {  	[sflag:s20] =	ssyncset.done $0x0;
	s7 =	rddreg [dreg:$0x4]  }
0x88: {  	s11 =	rddreg [dreg:$0x3];
	[sflag:s20] =	ssyncadd.s32 $0xFFFFC000  }
0x89: {  	[spmem:s1] =	stream.indirect.scatter.add.f32 [tilespmem:s18], [sflag:$0x4], $0x80, s16, s17, $0xb8;
	[tilespmem:$0x1C800] =	vst v63  }
0x8a: {  	s8 =	smov.u32 s10;
	s7 =	sadd.s32 s9, s7;
	s11 =	sadd.s32 s9, s11  }
0x8b: {  	[tilespmem:s21], [sflag:$0x1] =	stream.linear.gather [hbm4b:s7+s3], $0x200, $0x38;
	[tilespmem:$0x1C800] =	vst v63  }
0x8c: {  	s9 =	smov.u32 s8;
	s8 =	sadd.s32 $0x40, s11  }
0x8d: {  	[tilespmem:s22], [sflag:$0x1] =	stream.linear.gather [hbm4b:s8+s3], $0x200, $0x38;
	[tilespmem:$0x1C800] =	vst v63  }
0x8e: {  	_ =	swait.ge [sflag:s23], $0x4000  }
0x8f: {  	[sflag:s23] =	ssyncset.done $0x0  }
0x90: {  	s8 =	rddreg [dreg:$0x6];
	[sflag:s23] =	ssyncadd.s32 $0xFFFFC000  }
0x91: {  	[tilespmem:s18], [sflag:$0x2] =	stream.indirect.gather [hbm4b:s4+s17], $0x80, s8, s17, $0xb8;
	[tilespmem:$0x1C800] =	vst v63  }
0x92: {  	_ =	swait.ge [sflag:s24], $0x4000  }
0x93: {  	[sflag:s24] =	ssyncset.done $0x0  }
0x94: {  	s8 =	rddreg [dreg:$0x7];
	[sflag:s24] =	ssyncadd.s32 $0xFFFFC000  }
0x95: {  	[spmem:s1] =	stream.indirect.scatter.add.f32 [tilespmem:s19], [sflag:$0x5], $0x80, s8, s17, $0xb8;
	[tilespmem:$0x1C800] =	vst v63  }
0x96: {  	_ =	swait.ge [sflag:s25], $0x4000  }
0x97: {  	[sflag:s25] =	ssyncset.done $0x0  }
0x98: {  	s8 =	rddreg [dreg:$0x8];
	[sflag:s25] =	ssyncadd.s32 $0xFFFFC000  }
0x99: {  	[tilespmem:s19], [sflag:$0x3] =	stream.indirect.gather [hbm4b:s4+s17], $0x80, s8, s17, $0xb8;
	[tilespmem:$0x1C800] =	vst v63  }
0x9a: {  	_ =	swait.ge [sflag:s20], $0x4000  }
0x9b: {  	[sflag:s20] =	ssyncset.done $0x0  }
0x9c: {  	s8 =	rddreg [dreg:$0x9];
	[sflag:s20] =	ssyncadd.s32 $0xFFFFC000  }
0x9d: {  	[spmem:s1] =	stream.indirect.scatter.add.f32 [tilespmem:s18], [sflag:$0x4], $0x80, s8, s17, $0xb8;
	[tilespmem:$0x1C800] =	vst v63  }
0x9e: {  	_ =	swait.ge [sflag:s23], $0x4000  }
0x9f: {  	[sflag:s23] =	ssyncset.done $0x0  }
0xa0: {  	[sflag:s23] =	ssyncadd.s32 $0xFFFFC000  }
0xa1: {  	_ =	swait.ge [sflag:s26], $0x200  }
0xa2: {  	[sflag:s26] =	ssyncset.done $0x0  }
0xa3: {  	[sflag:s26] =	ssyncadd.s32 $0xFFFFFE00  }
0xa4: {  	_ =	swait.ge [sflag:s26], $0x200  }
0xa5: {  	[sflag:s26] =	ssyncset.done $0x0  }
0xa6: {  	[sflag:s26] =	ssyncadd.s32 $0xFFFFFE00  }
0xa7: {  	[tilespmem:s18], [sflag:$0x2] =	stream.indirect.gather [hbm4b:s4+s17], $0x80, s21, s17, $0xb8;
	[tilespmem:$0x1C800] =	vst v63  }
0xa8: {  	_ =	swait.ge [sflag:s24], $0x4000  }
0xa9: {  	[sflag:s24] =	ssyncset.done $0x0  }
0xaa: {  	s8 =	rddreg [dreg:$0xa];
	[sflag:s24] =	ssyncadd.s32 $0xFFFFC000  }
0xab: {  	[spmem:s1] =	stream.indirect.scatter.add.f32 [tilespmem:s19], [sflag:$0x5], $0x80, s8, s17, $0xb8;
	[tilespmem:$0x1C800] =	vst v63  }
0xac: {  	_ =	swait.ge [sflag:s25], $0x4000  }
0xad: {  	[sflag:s25] =	ssyncset.done $0x0  }
0xae: {  	s8 =	rddreg [dreg:$0xb];
	[sflag:s25] =	ssyncadd.s32 $0xFFFFC000  }
0xaf: {  	[tilespmem:s19], [sflag:$0x3] =	stream.indirect.gather [hbm4b:s4+s17], $0x80, s8, s17, $0xb8;
	[tilespmem:$0x1C800] =	vst v63  }
0xb0: {  	_ =	swait.ge [sflag:s20], $0x4000  }
0xb1: {  	[sflag:s20] =	ssyncset.done $0x0  }
0xb2: {  	s8 =	sshrl.u32 s6, $0x3;
	[sflag:s20] =	ssyncadd.s32 $0xFFFFC000  }
0xb3: {  	[spmem:s1] =	stream.indirect.scatter.add.f32 [tilespmem:s18], [sflag:$0x4], $0x80, s22, s17, $0xb8;
	[tilespmem:$0x1C800] =	vst v63  }
0xb4: {  	s7 =	sadd.s32 s5, s8  }
0xb5: {  	[tilespmem:s15], [sflag:$0x1] =	stream.linear.gather [hbm4b:s7+s3], $0x200, $0x38;
	[tilespmem:$0x1C800] =	vst v63  }
0xb6: {  	s11 =	sadd.s32 $0x80, s11  }
0xb7: {  	[tilespmem:s16], [sflag:$0x1] =	stream.linear.gather [hbm4b:s11+s3], $0x200, $0x38;
	[tilespmem:$0x1C800] =	vst v63  }
0xb8: {  	_ =	swait.ge [sflag:s23], $0x4000  }
0xb9: {  	[sflag:s23] =	ssyncset.done $0x0  }
0xba: {  	[sflag:s23] =	ssyncadd.s32 $0xFFFFC000  }
0xbb: {  	[tilespmem:s18], [sflag:$0x2] =	stream.indirect.gather [hbm4b:s4+s17], $0x80, s28, s17, $0xb8;
	[tilespmem:$0x1C800] =	vst v63  }
0xbc: {  	_ =	swait.ge [sflag:s24], $0x4000  }
0xbd: {  	[sflag:s24] =	ssyncset.done $0x0  }
0xbe: {  	[sflag:s24] =	ssyncadd.s32 $0xFFFFC000  }
0xbf: {  	[spmem:s1] =	stream.indirect.scatter.add.f32 [tilespmem:s19], [sflag:$0x5], $0x80, s29, s17, $0xb8;
	[tilespmem:$0x1C800] =	vst v63  }
0xc0: {  	_ =	swait.ge [sflag:s25], $0x4000  }
0xc1: {  	[sflag:s25] =	ssyncset.done $0x0  }
0xc2: {  	[sflag:s25] =	ssyncadd.s32 $0xFFFFC000  }
0xc3: {  	[tilespmem:s19], [sflag:$0x3] =	stream.indirect.gather [hbm4b:s4+s17], $0x80, s30, s17, $0xb8;
	[tilespmem:$0x1C800] =	vst v63  }
0xc4: {  	_ =	swait.ge [sflag:s20], $0x4000  }
0xc5: {  	[sflag:s20] =	ssyncset.done $0x0  }
0xc6: {  	[sflag:s20] =	ssyncadd.s32 $0xFFFFC000  }
0xc7: {  	[spmem:s1] =	stream.indirect.scatter.add.f32 [tilespmem:s18], [sflag:$0x4], $0x80, s31, s17, $0xb8;
	[tilespmem:$0x1C800] =	vst v63  }
0xc8: {  	_ =	swait.ge [sflag:s23], $0x4000  }
0xc9: {  	[sflag:s23] =	ssyncset.done $0x0  }
0xca: {  	[sflag:s23] =	ssyncadd.s32 $0xFFFFC000  }
0xcb: {  	_ =	swait.ge [sflag:s26], $0x200  }
0xcc: {  	[sflag:s26] =	ssyncset.done $0x0  }
0xcd: {  	p2 =	seq.s32 s10, $0x0;
	s10 =	sadd.s32 $0x80, s10;
	[sflag:s26] =	ssyncadd.s32 $0xFFFFFE00  }
0xce: {  	p1 =	sne.s32 s10, $0xA00;
	_ =	swait.ge [sflag:s26], $0x200  }
.Ltmp0:
0xcf: {  	[sflag:s26] =	ssyncset.done $0x0;
	(pc) =	sbr.rel @p1 .LBB2_2-.Ltmp0, $4  }
0xd0: {  	[sflag:s26] =	ssyncadd.s32 $0xFFFFFE00  }
0xd1: {  	[tilespmem:s18], [sflag:$0x2] =	stream.indirect.gather [hbm4b:s4+s17], $0x80, s15, s17, $0xb8;
	[tilespmem:$0x1C800] =	vst v63  }
0xd2: {  	_ =	swait.ge [sflag:s24], $0x4000  }
0xd3: {  	p0 =	por p2, p2;
	s6 =	sadd.s32 $0x400, s6;
	[sflag:s24] =	ssyncset.done $0x0  }
0xd4: {  	s7 =	simm.s32 @!p0 $0x5;
	[sflag:s24] =	ssyncadd.s32 $0xFFFFC000  }
0xd5: {  	[spmem:s1] =	stream.indirect.scatter.add.f32 [tilespmem:s19], [sflag:$0x5], $0x80, s0, s17, $0xb8;
	[tilespmem:$0x1C800] =	vst v63  }
0xd6: {  	_ =	swait.ge @!p0 [sflag:s7], $0x4000  }
0xd7: {  	[sflag:s7] =	ssyncset.done @!p0 $0x0  }
0xd8: {  	s8 =	rddreg [dreg:$0x5];
	[sflag:s7] =	ssyncadd.s32 @!p0 $0xFFFFC000  }
0xd9: {  	[tilespmem:s19], [sflag:$0x3] =	stream.indirect.gather [hbm4b:s4+s17], $0x80, s8, s17, $0xb8;
	[tilespmem:$0x1C800] =	vst v63  }
0xda: {  	_ =	swait.ge [sflag:s20], $0x4000  }
0xdb: {  	[sflag:s20] =	ssyncset.done $0x0  }
0xdc: {  	s10 =	rddreg [dreg:$0x4];
	[sflag:s20] =	ssyncadd.s32 $0xFFFFC000  }
0xdd: {  	[spmem:s1] =	stream.indirect.scatter.add.f32 [tilespmem:s18], [sflag:$0x4], $0x80, s16, s17, $0xb8;
	[tilespmem:$0x1C800] =	vst v63  }
0xde: {  	s11 =	rddreg [dreg:$0x3];
	s7 =	sadd.s32 s9, s10  }
0xdf: {  	[tilespmem:s21], [sflag:$0x1] =	stream.linear.gather [hbm4b:s7+s3], $0x200, $0x38;
	[tilespmem:$0x1C800] =	vst v63  }
0xe0: {  	s7 =	sadd.s32 s9, s11  }
0xe1: {  	s8 =	sadd.s32 $0x40, s7  }
0xe2: {  	[tilespmem:s22], [sflag:$0x1] =	stream.linear.gather [hbm4b:s8+s3], $0x200, $0x38;
	[tilespmem:$0x1C800] =	vst v63  }
0xe3: {  	_ =	swait.ge [sflag:s23], $0x4000  }
0xe4: {  	[sflag:s23] =	ssyncset.done $0x0  }
0xe5: {  	s10 =	rddreg [dreg:$0x6];
	[sflag:s23] =	ssyncadd.s32 $0xFFFFC000  }
0xe6: {  	[tilespmem:s18], [sflag:$0x2] =	stream.indirect.gather [hbm4b:s4+s17], $0x80, s10, s17, $0xb8;
	[tilespmem:$0x1C800] =	vst v63  }
0xe7: {  	_ =	swait.ge [sflag:s24], $0x4000  }
0xe8: {  	[sflag:s24] =	ssyncset.done $0x0  }
0xe9: {  	s11 =	rddreg [dreg:$0x7];
	[sflag:s24] =	ssyncadd.s32 $0xFFFFC000  }
0xea: {  	[spmem:s1] =	stream.indirect.scatter.add.f32 [tilespmem:s19], [sflag:$0x5], $0x80, s11, s17, $0xb8;
	[tilespmem:$0x1C800] =	vst v63  }
0xeb: {  	_ =	swait.ge [sflag:s25], $0x4000  }
0xec: {  	[sflag:s25] =	ssyncset.done $0x0  }
0xed: {  	s9 =	rddreg [dreg:$0x8];
	[sflag:s25] =	ssyncadd.s32 $0xFFFFC000  }
0xee: {  	[tilespmem:s19], [sflag:$0x3] =	stream.indirect.gather [hbm4b:s4+s17], $0x80, s9, s17, $0xb8;
	[tilespmem:$0x1C800] =	vst v63  }
0xef: {  	_ =	swait.ge [sflag:s20], $0x4000  }
0xf0: {  	[sflag:s20] =	ssyncset.done $0x0  }
0xf1: {  	s10 =	rddreg [dreg:$0x9];
	[sflag:s20] =	ssyncadd.s32 $0xFFFFC000  }
0xf2: {  	[spmem:s1] =	stream.indirect.scatter.add.f32 [tilespmem:s18], [sflag:$0x4], $0x80, s10, s17, $0xb8;
	[tilespmem:$0x1C800] =	vst v63  }
0xf3: {  	_ =	swait.ge [sflag:s23], $0x4000  }
0xf4: {  	[sflag:s23] =	ssyncset.done $0x0  }
0xf5: {  	[sflag:s23] =	ssyncadd.s32 $0xFFFFC000  }
0xf6: {  	_ =	swait.ge [sflag:s26], $0x200  }
0xf7: {  	[sflag:s26] =	ssyncset.done $0x0  }
0xf8: {  	[sflag:s26] =	ssyncadd.s32 $0xFFFFFE00  }
0xf9: {  	_ =	swait.ge [sflag:s26], $0x200  }
0xfa: {  	[sflag:s26] =	ssyncset.done $0x0  }
0xfb: {  	[sflag:s26] =	ssyncadd.s32 $0xFFFFFE00  }
0xfc: {  	[tilespmem:s18], [sflag:$0x2] =	stream.indirect.gather [hbm4b:s4+s17], $0x80, s21, s17, $0xb8;
	[tilespmem:$0x1C800] =	vst v63  }
0xfd: {  	_ =	swait.ge [sflag:s24], $0x4000  }
0xfe: {  	[sflag:s24] =	ssyncset.done $0x0  }
0xff: {  	s11 =	rddreg [dreg:$0xa];
	[sflag:s24] =	ssyncadd.s32 $0xFFFFC000  }
0x100: {  	[spmem:s1] =	stream.indirect.scatter.add.f32 [tilespmem:s19], [sflag:$0x5], $0x80, s11, s17, $0xb8;
	[tilespmem:$0x1C800] =	vst v63  }
0x101: {  	_ =	swait.ge [sflag:s25], $0x4000  }
0x102: {  	[sflag:s25] =	ssyncset.done $0x0  }
0x103: {  	s9 =	rddreg [dreg:$0xb];
	[sflag:s25] =	ssyncadd.s32 $0xFFFFC000  }
0x104: {  	[tilespmem:s19], [sflag:$0x3] =	stream.indirect.gather [hbm4b:s4+s17], $0x80, s9, s17, $0xb8;
	[tilespmem:$0x1C800] =	vst v63  }
0x105: {  	_ =	swait.ge [sflag:s20], $0x4000  }
0x106: {  	[sflag:s20] =	ssyncset.done $0x0  }
0x107: {  	s6 =	sshrl.u32 s6, $0x3;
	[sflag:s20] =	ssyncadd.s32 $0xFFFFC000  }
0x108: {  	[spmem:s1] =	stream.indirect.scatter.add.f32 [tilespmem:s18], [sflag:$0x4], $0x80, s22, s17, $0xb8;
	[tilespmem:$0x1C800] =	vst v63  }
0x109: {  	s6 =	sadd.s32 s5, s6  }
0x10a: {  	[tilespmem:s15], [sflag:$0x1] =	stream.linear.gather [hbm4b:s6+s3], $0x200, $0x38;
	[tilespmem:$0x1C800] =	vst v63  }
0x10b: {  	s10 =	sadd.s32 $0x80, s7  }
0x10c: {  	[tilespmem:s16], [sflag:$0x1] =	stream.linear.gather [hbm4b:s10+s3], $0x200, $0x38;
	[tilespmem:$0x1C800] =	vst v63  }
0x10d: {  	_ =	swait.ge [sflag:s23], $0x4000  }
0x10e: {  	[sflag:s23] =	ssyncset.done $0x0  }
0x10f: {  	[sflag:s23] =	ssyncadd.s32 $0xFFFFC000  }
0x110: {  	[tilespmem:s18], [sflag:$0x2] =	stream.indirect.gather [hbm4b:s4+s17], $0x80, s28, s17, $0xb8;
	[tilespmem:$0x1C800] =	vst v63  }
0x111: {  	_ =	swait.ge [sflag:s24], $0x4000  }
0x112: {  	[sflag:s24] =	ssyncset.done $0x0  }
0x113: {  	[sflag:s24] =	ssyncadd.s32 $0xFFFFC000  }
0x114: {  	[spmem:s1] =	stream.indirect.scatter.add.f32 [tilespmem:s19], [sflag:$0x5], $0x80, s29, s17, $0xb8;
	[tilespmem:$0x1C800] =	vst v63  }
0x115: {  	_ =	swait.ge [sflag:s25], $0x4000  }
0x116: {  	[sflag:s25] =	ssyncset.done $0x0  }
0x117: {  	[sflag:s25] =	ssyncadd.s32 $0xFFFFC000  }
0x118: {  	[tilespmem:s19], [sflag:$0x3] =	stream.indirect.gather [hbm4b:s4+s17], $0x80, s30, s17, $0xb8;
	[tilespmem:$0x1C800] =	vst v63  }
0x119: {  	_ =	swait.ge [sflag:s20], $0x4000  }
0x11a: {  	[sflag:s20] =	ssyncset.done $0x0  }
0x11b: {  	[sflag:s20] =	ssyncadd.s32 $0xFFFFC000  }
0x11c: {  	[spmem:s1] =	stream.indirect.scatter.add.f32 [tilespmem:s18], [sflag:$0x4], $0x80, s31, s17, $0xb8;
	[tilespmem:$0x1C800] =	vst v63  }
0x11d: {  	_ =	swait.ge [sflag:s23], $0x4000  }
0x11e: {  	[sflag:s23] =	ssyncset.done $0x0  }
0x11f: {  	[sflag:s23] =	ssyncadd.s32 $0xFFFFC000  }
0x120: {  	_ =	swait.ge [sflag:s26], $0x200  }
0x121: {  	[sflag:s26] =	ssyncset.done $0x0  }
0x122: {  	[sflag:s26] =	ssyncadd.s32 $0xFFFFFE00  }
0x123: {  	_ =	swait.ge [sflag:s26], $0x200  }
0x124: {  	[sflag:s26] =	ssyncset.done $0x0  }
0x125: {  	[sflag:s26] =	ssyncadd.s32 $0xFFFFFE00  }
0x126: {  	[tilespmem:s18], [sflag:$0x2] =	stream.indirect.gather [hbm4b:s4+s17], $0x80, s15, s17, $0xb8;
	[tilespmem:$0x1C800] =	vst v63  }
0x127: {  	_ =	swait.ge [sflag:s24], $0x4000  }
0x128: {  	[sflag:s24] =	ssyncset.done $0x0  }
0x129: {  	[sflag:s24] =	ssyncadd.s32 $0xFFFFC000  }
0x12a: {  	[spmem:s1] =	stream.indirect.scatter.add.f32 [tilespmem:s19], [sflag:$0x5], $0x80, s0, s17, $0xb8;
	[tilespmem:$0x1C800] =	vst v63  }
0x12b: {  	_ =	swait.ge [sflag:s25], $0x4000  }
0x12c: {  	[sflag:s25] =	ssyncset.done $0x0  }
0x12d: {  	[sflag:s25] =	ssyncadd.s32 $0xFFFFC000  }
0x12e: {  	_ =	swait.ge [sflag:s20], $0x4000  }
0x12f: {  	[sflag:s20] =	ssyncset.done $0x0  }
0x130: {  	[sflag:s20] =	ssyncadd.s32 $0xFFFFC000  }
0x131: {  	[bflag:$0x0] =	sbarrier.arrive $0xFFFF  }
0x132: {  	s11 =	rddreg [dreg:$0xf]  }
0x133: {  	[hbm:s11], [sflag:s12] =	dma.local [spmem:s13], $0x2800  }
0x134: {  	_ =	swait.ge [sflag:s14], $0x2800  }
0x135: {  	s2 =	sadd.s32 $0x1, s2;
	s7 =	smov.u32 s12;
	s12 =	rddreg [dreg:$0x10]  }
0x136: {  	p0 =	sne.s32 s2, s12  }
.Ltmp1:
0x137: {  	_ = 	snop;
	(pc) =	sbr.rel @p0 .LBB2_1-.Ltmp1, $3  }
0x138: {  	_ =	sdelay $0x1  }
0x139: {  	[sflag:s14] =	ssyncset.done $0x0  }
0x13a: {  	[sflag:s14] =	ssyncadd.s32 $0xFFFFD800  }
0x13b: {  	_ =	sfence.sel $0x180000  }
0x13c: {  	[bflag:$0x0] =	sbarrier.arrive $0xFFFF  }
0x13d: {  	_ =	strace $0x9000004D  }
0x13e: {  	s0 =	stileid.u32;
	[bflag:$0x2] =	sbarrier.arrive $0xFFFF  }
0x13f: {  	p0 =	sne.s32 s0, $0x0;
	s0 =	rddreg [dreg:$0x2]  }
0x140: {  	s0 =	sadd.s32 @!p0 $0x100000, s0  }
0x141: {  	[sflag:s0] =	ssyncadd.tile.s32 @!p0 $0x1;
	_ =	shalt  }
.Lfunc_end2:
_tile_overlayer_lowered:
.L_overlay_start_2:
0x142: {  	(tag) =	ssettag $0x2  }
0x143: {  	s0 =	rddreg [dreg:$0x0];
	s2 =	stileid.u32  }
0x144: {  	s1 =	rddreg [dreg:$0x1];
	p0 =	sne.s32 s2, $0x0  }
0x145: {  	s3 =	rddreg [dreg:$0x2];
	[bflag:$0x3] =	sbarrier.arrive $0xFFFF;
	s2 =	simm.s32 @!p0 $0x1C06  }
0x146: {  	[timem:s3], [sflag:s2] =	dma.local @!p0 [hbm:s0], s1  }
0x147: {  	s0 =	simm.s32 @!p0 $0x6  }
0x148: {  	_ =	swait.ge @!p0 [sflag:s0], s1  }
0x149: {  	s1 =	ssub.s32 @!p0 $0x0, s1;
	[sflag:s0] =	ssyncset.done @!p0 $0x0  }
0x14a: {  	[sflag:s0] =	ssyncadd.s32 @!p0 s1  }
0x14b: {  	[bflag:$0x3] =	sbarrier.arrive $0xFFFF  }
0x14c: {  	_ =	shalt  }

</sc_bundles>
